<compile_context>
chip_gen: v7x
topology: tpu7x:2x2x1
jax: 0.10.2.dev20260603
libtpu: 0.0.44.dev20260713+nightly
codegen_flags: <defaults>
</compile_context>

<pallas_src>
import functools

import jax
import jax.numpy as jnp
from jax import lax
from jax.experimental import pallas as pl
from jax.experimental.pallas import tpu as pltpu
from jax.experimental.pallas import tpu_sc as plsc

NC, NS, LANES = 2, 16, 16
CHUNK = 40
ZR = 32


def _mm_body(x_ref, w_ref, o_ref):
    o_ref[...] = jnp.dot(x_ref[...], w_ref[...],
                         preferred_element_type=jnp.float32)


def _precompute(x, wcat):
    n, d = x.shape
    dk = wcat.shape[1]
    rb = 1000
    return pl.pallas_call(
        _mm_body,
        grid=(n // rb,),
        in_specs=[pl.BlockSpec((rb, d), lambda i: (i, 0)),
                  pl.BlockSpec((d, dk), lambda i: (0, 0))],
        out_specs=pl.BlockSpec((rb, dk), lambda i: (i, 0)),
        out_shape=jax.ShapeDtypeStruct((n, dk), jnp.float32),
    )(x, wcat)


def _mesh():
    return plsc.VectorSubcoreMesh(core_axis_name="c", subcore_axis_name="s",
                                  num_cores=NC, num_subcores=NS)


def _npad(n):
    return ((n + NS * ZR - 1) // (NS * ZR)) * (NS * ZR)


def _count_pass(dst_c, npad):
    CH2 = dst_c.shape[1]
    nc2 = dst_c.shape[0] // (NC * NS)

    @functools.partial(
        pl.kernel,
        out_type=jax.ShapeDtypeStruct((NC * NS, npad), jnp.float32),
        mesh=_mesh(),
        compiler_params=pltpu.CompilerParams(needs_layout_passes=False),
        scratch_types=[
            pltpu.VMEM((4, CH2), jnp.int32),
            pltpu.VMEM((npad,), jnp.float32),
            pltpu.SemaphoreType.DMA,
            pltpu.SemaphoreType.DMA,
        ],
    )
    def k(dc_hbm, out_hbm, ix2_v, hist_v, isem0, isem1):
        c = lax.axis_index("c")
        s = lax.axis_index("s")
        w = c * NS + s
        jb2 = w * nc2

        @pl.loop(0, npad // LANES)
        def _(kk):
            hist_v[pl.ds(kk * LANES, LANES)] = jnp.full(
                (LANES,), 0.0, jnp.float32)

        def wait_cidx(t1):
            @pl.when(lax.rem(t1, 2) == 0)
            def _():
                pltpu.make_async_copy(dc_hbm.at[jb2 + t1],
                                      ix2_v.at[lax.rem(t1, 4)], isem0).wait()

            @pl.when(lax.rem(t1, 2) == 1)
            def _():
                pltpu.make_async_copy(dc_hbm.at[jb2 + t1],
                                      ix2_v.at[lax.rem(t1, 4)], isem1).wait()

        def issue_cidx(t2):
            @pl.when(lax.rem(t2, 2) == 0)
            def _():
                pltpu.async_copy(dc_hbm.at[jb2 + t2],
                                 ix2_v.at[lax.rem(t2, 4)], isem0)

            @pl.when(lax.rem(t2, 2) == 1)
            def _():
                pltpu.async_copy(dc_hbm.at[jb2 + t2],
                                 ix2_v.at[lax.rem(t2, 4)], isem1)

        pltpu.sync_copy(dc_hbm.at[jb2], ix2_v.at[0])
        pltpu.async_copy(dc_hbm.at[jb2 + 1], ix2_v.at[1], isem1)

        @pl.loop(0, nc2)
        def _(t):
            ib = lax.rem(t, 4)

            @pl.when(t + 1 < nc2)
            def _():
                wait_cidx(t + 1)

            @pl.when(t + 2 < nc2)
            def _():
                issue_cidx(t + 2)

            for g in range(CH2 // LANES):
                iv = ix2_v[ib, pl.ds(g * LANES, LANES)]
                plsc.addupdate_scatter(
                    hist_v, [iv], jnp.full((LANES,), 1.0, jnp.float32))

        pltpu.sync_copy(hist_v, out_hbm.at[w])

    return k(dst_c)


def _edge_pass(ab, xv, ei_c, cc16, npad):
    n = ab.shape[0]
    n_chunks_g = ei_c.shape[0]
    n_chunks = n_chunks_g // (NC * NS)
    stripe = npad // NS
    nz = stripe // ZR
    qoffs = [0, 16, 24]

    @functools.partial(
        pl.kernel,
        out_type=jax.ShapeDtypeStruct((NC, npad, 128), jnp.float32),
        mesh=_mesh(),
        compiler_params=pltpu.CompilerParams(needs_layout_passes=False),
        scratch_types=[
            pltpu.VMEM((n,), jnp.float32),
            pltpu.VMEM((LANES,), jnp.float32),
            pltpu.VMEM((4, 2, CHUNK), jnp.int32),
            pltpu.VMEM((2, CHUNK, 256), jnp.float32),
            pltpu.VMEM((2 * CHUNK, 128), jnp.float32),
            pltpu.VMEM((ZR, 128), jnp.float32),
            pltpu.VMEM((CHUNK,), jnp.float32),
            pltpu.VMEM_SHARED((npad, 128), jnp.float32),
            pltpu.SemaphoreType.DMA,
            pltpu.SemaphoreType.DMA,
            pltpu.SemaphoreType.DMA,
            pltpu.SemaphoreType.DMA,
        ],
    )
    def k(ab_hbm, xv_hbm, ei_hbm, cc_hbm, out_hbm,
          xv_v, cc_v, idx_v, rows_v, msg_v, zb_v, q_v,
          agg_sh, gsem, ssem, isem0, isem1):
        c = lax.axis_index("c")
        s = lax.axis_index("s")
        jbase = (c * NS + s) * n_chunks
        rbase = s * stripe

        pltpu.sync_copy(xv_hbm, xv_v)
        pltpu.sync_copy(cc_hbm, cc_v)

        @pl.loop(0, ZR)
        def _(kk):
            for j in range(8):
                zb_v[kk, pl.ds(j * LANES, LANES)] = jnp.full(
                    (LANES,), 0.0, jnp.float32)

        @pl.loop(0, nz)
        def _(i):
            r0 = pl.multiple_of(rbase + i * ZR, 8)
            pltpu.sync_copy(zb_v, agg_sh.at[pl.ds(r0, ZR)])
        plsc.subcore_barrier()

        ccv = cc_v[...]

        def wait_idx(t1):
            @pl.when(lax.rem(t1, 2) == 0)
            def _():
                pltpu.make_async_copy(ei_hbm.at[jbase + t1],
                                      idx_v.at[lax.rem(t1, 4)], isem0).wait()

            @pl.when(lax.rem(t1, 2) == 1)
            def _():
                pltpu.make_async_copy(ei_hbm.at[jbase + t1],
                                      idx_v.at[lax.rem(t1, 4)], isem1).wait()

        def issue_idx(t2):
            @pl.when(lax.rem(t2, 2) == 0)
            def _():
                pltpu.async_copy(ei_hbm.at[jbase + t2],
                                 idx_v.at[lax.rem(t2, 4)], isem0)

            @pl.when(lax.rem(t2, 2) == 1)
            def _():
                pltpu.async_copy(ei_hbm.at[jbase + t2],
                                 idx_v.at[lax.rem(t2, 4)], isem1)

        pltpu.sync_copy(ei_hbm.at[jbase], idx_v.at[0])
        pltpu.async_copy(ab_hbm.at[idx_v.at[0, 0]], rows_v.at[0], gsem)
        pltpu.async_copy(ei_hbm.at[jbase + 1], idx_v.at[1], isem1)

        @pl.loop(0, n_chunks)
        def _(t):
            p = lax.rem(t, 2)
            np_ = 1 - p
            ib = lax.rem(t, 4)
            ib1 = lax.rem(t + 1, 4)

            @pl.when(t + 1 < n_chunks)
            def _():
                wait_idx(t + 1)

            pltpu.make_async_copy(
                ab_hbm.at[idx_v.at[ib, 0]], rows_v.at[p], gsem).wait()

            @pl.when(t + 1 < n_chunks)
            def _():
                pltpu.async_copy(
                    ab_hbm.at[idx_v.at[ib1, 0]], rows_v.at[np_], gsem)

            @pl.when(t + 2 < n_chunks)
            def _():
                issue_idx(t + 2)

            for off in qoffs:
                sl = pl.ds(off, LANES)
                xs = plsc.load_gather(xv_v, [idx_v[ib, 0, sl]])
                xd = plsc.load_gather(xv_v, [idx_v[ib, 1, sl]])
                z = xs - xd + ccv
                q_v[sl] = 1.0 / (1.0 + jnp.exp(-z))

            mrow = pl.multiple_of(p * CHUNK, 8)
            mref = msg_v.at[pl.ds(mrow, CHUNK)]

            @pl.when(t >= 1)
            def _():
                pltpu.make_async_copy(
                    mref, agg_sh.at[idx_v.at[ib, 1]], ssem).wait()

            @plsc.parallel_loop(0, CHUNK, unroll=4)
            def _(kk):
                qs = plsc.load_gather(q_v, [jnp.full((LANES,), kk, jnp.int32)])
                kr = p * CHUNK + kk
                for j in range(8):
                    sl = pl.ds(j * LANES, LANES)
                    slb = pl.ds(128 + j * LANES, LANES)
                    msg_v[kr, sl] = rows_v[p, kk, slb] + qs * rows_v[p, kk, sl]

            pltpu.async_copy(mref, agg_sh.at[idx_v.at[ib, 1]], ssem,
                             add=True)

        lastp = pl.multiple_of(lax.rem(n_chunks - 1, 2) * CHUNK, 8)
        lastb = lax.rem(n_chunks - 1, 4)
        pltpu.make_async_copy(
            msg_v.at[pl.ds(lastp, CHUNK)], agg_sh.at[idx_v.at[lastb, 1]],
            ssem).wait()
        plsc.subcore_barrier()

        @pl.loop(0, nz)
        def _(i):
            r0 = pl.multiple_of(rbase + i * ZR, 8)
            pltpu.sync_copy(agg_sh.at[pl.ds(r0, ZR)],
                            out_hbm.at[c, pl.ds(r0, ZR)])

    return k(ab, xv, ei_c, cc16)


def _post_mm_body(p0_ref, p1_ref, cn_ref, ab_ref, w_ref, b_ref,
                  s_ref, o_ref):
    s0 = s_ref[0]
    agg = (p0_ref[...] + p1_ref[...]
           + ab_ref[:, 128:] + s0 * ab_ref[:, :128])
    cnt = jnp.sum(cn_ref[...], axis=1)[:, None] + 1.0
    h = jnp.maximum(agg / cnt + b_ref[...], 0.0)
    o_ref[...] = jnp.dot(h, w_ref[...], preferred_element_type=jnp.float32)


def _finish_mm(p0, p1, cn, ab, wcat2, b2d, s0arr):
    n = ab.shape[0]
    dk = wcat2.shape[1]
    rb = 1000
    return pl.pallas_call(
        _post_mm_body,
        grid=(n // rb,),
        in_specs=[
            pl.BlockSpec((rb, 128), lambda i: (i, 0)),
            pl.BlockSpec((rb, 128), lambda i: (i, 0)),
            pl.BlockSpec((rb, 32), lambda i: (i, 0)),
            pl.BlockSpec((rb, 256), lambda i: (i, 0)),
            pl.BlockSpec((128, dk), lambda i: (0, 0)),
            pl.BlockSpec((1, 128), lambda i: (0, 0)),
            pl.BlockSpec(memory_space=pltpu.SMEM),
        ],
        out_specs=pl.BlockSpec((rb, dk), lambda i: (i, 0)),
        out_shape=jax.ShapeDtypeStruct((n, dk), jnp.float32),
    )(p0, p1, cn, ab, wcat2, b2d, s0arr)


def _post_body(p0_ref, p1_ref, cn_ref, ab_ref, x_ref, b_ref, s_ref,
               o_ref, *, residual):
    s0 = s_ref[0]
    agg = (p0_ref[...] + p1_ref[...]
           + ab_ref[:, 128:] + s0 * ab_ref[:, :128])
    cnt = jnp.sum(cn_ref[...], axis=1)[:, None] + 1.0
    h = agg / cnt + b_ref[...]
    if residual:
        h = h + x_ref[...]
    o_ref[...] = jnp.maximum(h, 0.0)


def _finish(p0, p1, cn, ab, xres, b2d, s0arr, residual):
    n = ab.shape[0]
    rb = 1000
    return pl.pallas_call(
        functools.partial(_post_body, residual=residual),
        grid=(n // rb,),
        in_specs=[
            pl.BlockSpec((rb, 128), lambda i: (i, 0)),
            pl.BlockSpec((rb, 128), lambda i: (i, 0)),
            pl.BlockSpec((rb, 32), lambda i: (i, 0)),
            pl.BlockSpec((rb, 256), lambda i: (i, 0)),
            pl.BlockSpec((rb, 128), lambda i: (i, 0)),
            pl.BlockSpec((1, 128), lambda i: (0, 0)),
            pl.BlockSpec(memory_space=pltpu.SMEM),
        ],
        out_specs=pl.BlockSpec((rb, 128), lambda i: (i, 0)),
        out_shape=jax.ShapeDtypeStruct((n, 128), jnp.float32),
    )(p0, p1, cn, ab, xres, b2d, s0arr)


def kernel(x, edge_index, u1, c1, W1, b1, u2, c2, W2, b2):
    n, d = x.shape
    e = edge_index.shape[1]
    ei_c = edge_index.reshape(2, e // CHUNK, CHUNK).transpose(1, 0, 2)
    dst_c = edge_index[1].reshape(e // (2 * CHUNK), 2 * CHUNK)
    npad = _npad(n)

    cnt = _count_pass(dst_c, npad)[:, :n].T

    def wcat_of(u, W):
        wa = W[:, :d] - W[:, d:]
        wb = W[:, d:]
        uv = (u[:, 0] - u[:, 1])[:, None]
        return jnp.concatenate(
            [wa, wb, jnp.broadcast_to(uv, (d, 128))], axis=1)

    wcat1 = wcat_of(u1, W1)
    wcat2 = wcat_of(u2, W2)
    cc1 = c1[0] - c1[1]
    cc2 = c2[0] - c2[1]

    pre1 = _precompute(x, wcat1)
    ab1 = pre1[:, :256]
    xv1 = pre1[:, 256]
    agg1 = _edge_pass(ab1, xv1, ei_c, jnp.full((16,), cc1, jnp.float32), npad)
    pre2 = _finish_mm(agg1[0, :n], agg1[1, :n], cnt, ab1, wcat2,
                      b1.reshape(1, d), jax.nn.sigmoid(cc1)[None])
    ab2 = pre2[:, :256]
    xv2 = pre2[:, 256]
    agg2 = _edge_pass(ab2, xv2, ei_c, jnp.full((16,), cc2, jnp.float32), npad)
    out = _finish(agg2[0, :n], agg2[1, :n], cnt, ab2, x,
                  b2.reshape(1, d), jax.nn.sigmoid(cc2)[None], residual=True)
    return (out, edge_index)

# --- scband reference (transcript-rebuilt; emitter-appended) ---
"""Pipeline reference for scband-fea-st-encoder-block-5849745457495 (READ-ONLY COPY).

The authoritative reference and input builder live on the scoring server;
editing this copy changes nothing except your own understanding.
"""

import jax, jax.numpy as jnp
import numpy as np

N, E, D, H = 10000, 320000, 128, 2


def setup_inputs(seed: int = 0) -> dict:
    key = jax.random.key(seed)
    ks = jax.random.split(key, 8)
    x = jax.random.normal(ks[0], (N, D), dtype=jnp.float32)
    edge_index = jax.random.randint(ks[1], (2, E), 0, N, dtype=jnp.int32)
    s = 1.0 / np.sqrt(D)
    u1 = jax.random.normal(ks[2], (D, H), dtype=jnp.float32) * s
    c1 = jnp.zeros((H,), dtype=jnp.float32)
    W1 = jax.random.normal(ks[3], (D, H * D), dtype=jnp.float32) * s
    b1 = jnp.zeros((D,), dtype=jnp.float32)
    u2 = jax.random.normal(ks[4], (D, H), dtype=jnp.float32) * s
    c2 = jnp.zeros((H,), dtype=jnp.float32)
    W2 = jax.random.normal(ks[5], (D, H * D), dtype=jnp.float32) * s
    b2 = jnp.zeros((D,), dtype=jnp.float32)
    return {"x": x, "edge_index": edge_index, "u1": u1, "c1": c1, "W1": W1, "b1": b1,
            "u2": u2, "c2": c2, "W2": W2, "b2": b2}


def feast_conv(x, src, dst, u, c, W, b):
    # FeaStConv (PyG semantics): add self loops, per-edge head attention over
    # feature differences, per-edge linear transform, mean aggregation at dst.
    n = x.shape[0]
    loop = jnp.arange(n, dtype=src.dtype)
    src2 = jnp.concatenate([src, loop])
    dst2 = jnp.concatenate([dst, loop])
    x_j = x[src2]
    x_i = x[dst2]
    q = jax.nn.softmax((x_j - x_i) @ u + c, axis=1)            # [E2, H]
    xw = (x_j @ W).reshape(x_j.shape[0], H, -1)                 # [E2, H, out]
    msg = jnp.sum(xw * q[:, :, None], axis=1)                   # [E2, out]
    agg = jax.ops.segment_sum(msg, dst2, num_segments=n)
    cnt = jax.ops.segment_sum(jnp.ones((dst2.shape[0],), dtype=x.dtype), dst2, num_segments=n)
    return agg / jnp.maximum(cnt, 1.0)[:, None] + b


def reference(x, edge_index, u1, c1, W1, b1, u2, c2, W2, b2):
    # FeaStEncoderBlock with channels=[128,128] -> one FeaStResBlock:
    #   h = relu(conv1(x)); h = conv2(h); out = relu(h + x)  (identity shortcut, in==out)
    src, dst = edge_index[0], edge_index[1]
    h = jax.nn.relu(feast_conv(x, src, dst, u1, c1, W1, b1))
    h = feast_conv(h, src, dst, u2, c2, W2, b2)
    out = jax.nn.relu(h + x)
    return (out, edge_index)

if __name__ == "__main__":
    import jax
    _d = setup_inputs()
    print(jax.jit(kernel)(*tuple(_d.values())))

</pallas_src>

<mosaic_0001>
#map = affine_map<(d0, d1) -> (0, 0)>
#map1 = affine_map<(d0, d1) -> (0)>
#map2 = affine_map<(d0, d1) -> (0, 0, 0)>
module attributes {stable_mosaic.version = 14 : i64} {
  func.func @k(%arg0: i32, %arg1: i32, %arg2: memref<10000x256xf32, #tpu.memory_space<hbm>>, %arg3: memref<10000xf32, #tpu.memory_space<hbm>>, %arg4: memref<8000x2x40xi32, #tpu.memory_space<hbm>>, %arg5: memref<16xf32, #tpu.memory_space<hbm>>, %arg6: memref<2x10240x128xf32, #tpu.memory_space<hbm>>, %arg7: memref<10000xf32, #tpu.memory_space<vmem>>, %arg8: memref<16xf32, #tpu.memory_space<vmem>>, %arg9: memref<4x2x40xi32, #tpu.memory_space<vmem>>, %arg10: memref<2x40x256xf32, #tpu.memory_space<vmem>>, %arg11: memref<80x128xf32, #tpu.memory_space<vmem>>, %arg12: memref<32x128xf32, #tpu.memory_space<vmem>>, %arg13: memref<40xf32, #tpu.memory_space<vmem>>, %arg14: memref<10240x128xf32, #tpu.memory_space<vmem_shared>>, %arg15: memref<!tpu.dma_semaphore, #tpu.memory_space<semaphore_mem>>, %arg16: memref<!tpu.dma_semaphore, #tpu.memory_space<semaphore_mem>>, %arg17: memref<!tpu.dma_semaphore, #tpu.memory_space<semaphore_mem>>, %arg18: memref<!tpu.dma_semaphore, #tpu.memory_space<semaphore_mem>>) attributes {dimension_semantics = [#tpu.dimension_semantics<core_parallel>, #tpu.dimension_semantics<subcore_parallel>], iteration_bounds = array<i64: 2, 16>, scalar_prefetch = 0 : i64, scratch_operands = 12 : i64, tpu.core_type = #tpu.core_type<sc_vector_subcore>, window_params = [{transform_indices = #map}, {transform_indices = #map1}, {transform_indices = #map2}, {transform_indices = #map1}, {transform_indices = #map2}]} {
    %mul3A = arith.constant 16 : i32
    %mul3A_0 = arith.muli %arg0, %mul3A : i32
    %add3A = arith.addi %mul3A_0, %arg1 : i32
    %mul3A_1 = arith.constant 250 : i32
    %mul3A_2 = arith.muli %add3A, %mul3A_1 : i32
    %mul3A_3 = arith.constant 640 : i32
    %mul3A_4 = arith.muli %arg1, %mul3A_3 : i32
    "tpu.region"() ({
      %run_scoped3A_72 = tpu.sem_alloc : memref<!tpu.dma_semaphore, #tpu.memory_space<semaphore_mem>>
      tpu.enqueue_dma source(%arg3 : memref<10000xf32, #tpu.memory_space<hbm>>) target(%arg7 : memref<10000xf32, #tpu.memory_space<vmem>>) target_semaphore(%run_scoped3A_72 : memref<!tpu.dma_semaphore, #tpu.memory_space<semaphore_mem>>)
      tpu.wait_dma2 semaphore(%run_scoped3A_72 : memref<!tpu.dma_semaphore, #tpu.memory_space<semaphore_mem>>) src(%arg3 : memref<10000xf32, #tpu.memory_space<hbm>>) dst(%arg7 : memref<10000xf32, #tpu.memory_space<vmem>>)
      tpu.yield
    }) : () -> ()
    "tpu.region"() ({
      %run_scoped3A_72 = tpu.sem_alloc : memref<!tpu.dma_semaphore, #tpu.memory_space<semaphore_mem>>
      tpu.enqueue_dma source(%arg5 : memref<16xf32, #tpu.memory_space<hbm>>) target(%arg8 : memref<16xf32, #tpu.memory_space<vmem>>) target_semaphore(%run_scoped3A_72 : memref<!tpu.dma_semaphore, #tpu.memory_space<semaphore_mem>>)
      tpu.wait_dma2 semaphore(%run_scoped3A_72 : memref<!tpu.dma_semaphore, #tpu.memory_space<semaphore_mem>>) src(%arg5 : memref<16xf32, #tpu.memory_space<hbm>>) dst(%arg8 : memref<16xf32, #tpu.memory_space<vmem>>)
      tpu.yield
    }) : () -> ()
    %scan3A = arith.constant 0 : i32
    %scan3A_5 = arith.constant 32 : i32
    %scan3A_6 = arith.addi %scan3A, %scan3A_5 : i32
    %scan3A_7 = arith.constant 1 : i32
    scf.for %scan3A_72 = %scan3A to %scan3A_6 step %scan3A_7  : i32 {
      %mul3A_73 = arith.constant 1 : i32
      %mul3A_74 = arith.muli %scan3A_72, %mul3A_73 : i32
      %add3A_75 = arith.constant 0 : i32
      %add3A_76 = arith.addi %add3A_75, %mul3A_74 : i32
      %broadcast_in_dim3A = arith.constant 0.000000e+00 : f32
      %broadcast_in_dim3A_77 = vector.broadcast %broadcast_in_dim3A : f32 to vector<16xf32>
      %swap3A = arith.index_cast %add3A_76 : i32 to index
      %swap3A_78 = arith.constant 0 : index
      %swap3A_79 = tpu.vector_load %arg12[%swap3A, %swap3A_78] {strides = array<i32>} : memref<32x128xf32, #tpu.memory_space<vmem>>, vector<16xf32>,
      tpu.vector_store %arg12[%swap3A, %swap3A_78], %broadcast_in_dim3A_77 {strides = array<i32>} : memref<32x128xf32, #tpu.memory_space<vmem>>, vector<16xf32>,
      %broadcast_in_dim3A_80 = arith.constant 0.000000e+00 : f32
      %broadcast_in_dim3A_81 = vector.broadcast %broadcast_in_dim3A_80 : f32 to vector<16xf32>
      %swap3A_82 = arith.index_cast %add3A_76 : i32 to index
      %swap3A_83 = arith.constant 16 : index
      %swap3A_84 = tpu.vector_load %arg12[%swap3A_82, %swap3A_83] {strides = array<i32>} : memref<32x128xf32, #tpu.memory_space<vmem>>, vector<16xf32>,
      tpu.vector_store %arg12[%swap3A_82, %swap3A_83], %broadcast_in_dim3A_81 {strides = array<i32>} : memref<32x128xf32, #tpu.memory_space<vmem>>, vector<16xf32>,
      %broadcast_in_dim3A_85 = arith.constant 0.000000e+00 : f32
      %broadcast_in_dim3A_86 = vector.broadcast %broadcast_in_dim3A_85 : f32 to vector<16xf32>
      %swap3A_87 = arith.index_cast %add3A_76 : i32 to index
      %swap3A_88 = arith.constant 32 : index
      %swap3A_89 = tpu.vector_load %arg12[%swap3A_87, %swap3A_88] {strides = array<i32>} : memref<32x128xf32, #tpu.memory_space<vmem>>, vector<16xf32>,
      tpu.vector_store %arg12[%swap3A_87, %swap3A_88], %broadcast_in_dim3A_86 {strides = array<i32>} : memref<32x128xf32, #tpu.memory_space<vmem>>, vector<16xf32>,
      %broadcast_in_dim3A_90 = arith.constant 0.000000e+00 : f32
      %broadcast_in_dim3A_91 = vector.broadcast %broadcast_in_dim3A_90 : f32 to vector<16xf32>
      %swap3A_92 = arith.index_cast %add3A_76 : i32 to index
      %swap3A_93 = arith.constant 48 : index
      %swap3A_94 = tpu.vector_load %arg12[%swap3A_92, %swap3A_93] {strides = array<i32>} : memref<32x128xf32, #tpu.memory_space<vmem>>, vector<16xf32>,
      tpu.vector_store %arg12[%swap3A_92, %swap3A_93], %broadcast_in_dim3A_91 {strides = array<i32>} : memref<32x128xf32, #tpu.memory_space<vmem>>, vector<16xf32>,
      %broadcast_in_dim3A_95 = arith.constant 0.000000e+00 : f32
      %broadcast_in_dim3A_96 = vector.broadcast %broadcast_in_dim3A_95 : f32 to vector<16xf32>
      %swap3A_97 = arith.index_cast %add3A_76 : i32 to index
      %swap3A_98 = arith.constant 64 : index
      %swap3A_99 = tpu.vector_load %arg12[%swap3A_97, %swap3A_98] {strides = array<i32>} : memref<32x128xf32, #tpu.memory_space<vmem>>, vector<16xf32>,
      tpu.vector_store %arg12[%swap3A_97, %swap3A_98], %broadcast_in_dim3A_96 {strides = array<i32>} : memref<32x128xf32, #tpu.memory_space<vmem>>, vector<16xf32>,
      %broadcast_in_dim3A_100 = arith.constant 0.000000e+00 : f32
      %broadcast_in_dim3A_101 = vector.broadcast %broadcast_in_dim3A_100 : f32 to vector<16xf32>
      %swap3A_102 = arith.index_cast %add3A_76 : i32 to index
      %swap3A_103 = arith.constant 80 : index
      %swap3A_104 = tpu.vector_load %arg12[%swap3A_102, %swap3A_103] {strides = array<i32>} : memref<32x128xf32, #tpu.memory_space<vmem>>, vector<16xf32>,
      tpu.vector_store %arg12[%swap3A_102, %swap3A_103], %broadcast_in_dim3A_101 {strides = array<i32>} : memref<32x128xf32, #tpu.memory_space<vmem>>, vector<16xf32>,
      %broadcast_in_dim3A_105 = arith.constant 0.000000e+00 : f32
      %broadcast_in_dim3A_106 = vector.broadcast %broadcast_in_dim3A_105 : f32 to vector<16xf32>
      %swap3A_107 = arith.index_cast %add3A_76 : i32 to index
      %swap3A_108 = arith.constant 96 : index
      %swap3A_109 = tpu.vector_load %arg12[%swap3A_107, %swap3A_108] {strides = array<i32>} : memref<32x128xf32, #tpu.memory_space<vmem>>, vector<16xf32>,
      tpu.vector_store %arg12[%swap3A_107, %swap3A_108], %broadcast_in_dim3A_106 {strides = array<i32>} : memref<32x128xf32, #tpu.memory_space<vmem>>, vector<16xf32>,
      %broadcast_in_dim3A_110 = arith.constant 0.000000e+00 : f32
      %broadcast_in_dim3A_111 = vector.broadcast %broadcast_in_dim3A_110 : f32 to vector<16xf32>
      %swap3A_112 = arith.index_cast %add3A_76 : i32 to index
      %swap3A_113 = arith.constant 112 : index
      %swap3A_114 = tpu.vector_load %arg12[%swap3A_112, %swap3A_113] {strides = array<i32>} : memref<32x128xf32, #tpu.memory_space<vmem>>, vector<16xf32>,
      tpu.vector_store %arg12[%swap3A_112, %swap3A_113], %broadcast_in_dim3A_111 {strides = array<i32>} : memref<32x128xf32, #tpu.memory_space<vmem>>, vector<16xf32>,
    }
    %scan3A_8 = arith.constant 32 : i32
    %scan3A_9 = arith.constant 0 : i32
    %scan3A_10 = arith.constant 20 : i32
    %scan3A_11 = arith.addi %scan3A_9, %scan3A_10 : i32
    %scan3A_12 = arith.constant 1 : i32
    scf.for %scan3A_72 = %scan3A_9 to %scan3A_11 step %scan3A_12  : i32 {
      %mul3A_73 = arith.constant 1 : i32
      %mul3A_74 = arith.muli %scan3A_72, %mul3A_73 : i32
      %add3A_75 = arith.constant 0 : i32
      %add3A_76 = arith.addi %add3A_75, %mul3A_74 : i32
      %mul3A_77 = arith.constant 32 : i32
      %mul3A_78 = arith.muli %add3A_76, %mul3A_77 : i32
      %add3A_79 = arith.addi %mul3A_4, %mul3A_78 : i32
      %multiple_of3A_80 = tpu.assume_multiple %add3A_79, 8 : i32
      "tpu.region"() ({
        %run_scoped3A_81 = tpu.sem_alloc : memref<!tpu.dma_semaphore, #tpu.memory_space<semaphore_mem>>
        %dma_start3A_82 = arith.constant 0 : i32
        %dma_start3A_83 = tpu.memref_slice %arg14[%multiple_of3A_80, %dma_start3A_82] : memref<10240x128xf32, #tpu.memory_space<vmem_shared>> -> memref<32x128xf32, #tpu.memory_space<vmem_shared>>
        %dma_start3A_84 = arith.constant 0 : i32
        %dma_start3A_85 = tpu.memref_slice %arg14[%multiple_of3A_80, %dma_start3A_84] : memref<10240x128xf32, #tpu.memory_space<vmem_shared>> -> memref<32x128xf32, #tpu.memory_space<vmem_shared>>
        tpu.enqueue_dma source(%arg12 : memref<32x128xf32, #tpu.memory_space<vmem>>) target(%dma_start3A_85 : memref<32x128xf32, #tpu.memory_space<vmem_shared>>) target_semaphore(%run_scoped3A_81 : memref<!tpu.dma_semaphore, #tpu.memory_space<semaphore_mem>>)
        %dma_wait3A_86 = arith.constant 0 : i32
        %dma_wait3A_87 = tpu.memref_slice %arg14[%multiple_of3A_80, %dma_wait3A_86] : memref<10240x128xf32, #tpu.memory_space<vmem_shared>> -> memref<32x128xf32, #tpu.memory_space<vmem_shared>>
        %dma_wait3A_88 = arith.constant 0 : i32
        %dma_wait3A_89 = tpu.memref_slice %arg14[%multiple_of3A_80, %dma_wait3A_88] : memref<10240x128xf32, #tpu.memory_space<vmem_shared>> -> memref<32x128xf32, #tpu.memory_space<vmem_shared>>
        tpu.wait_dma2 semaphore(%run_scoped3A_81 : memref<!tpu.dma_semaphore, #tpu.memory_space<semaphore_mem>>) src(%arg12 : memref<32x128xf32, #tpu.memory_space<vmem>>) dst(%dma_wait3A_89 : memref<32x128xf32, #tpu.memory_space<vmem_shared>>)
        tpu.yield
      }) : () -> ()
    }
    %scan3A_13 = arith.constant 20 : i32
    %barrier3A = arith.constant 0 : index
    tpu.barrier barrier_id(%barrier3A)
    %get3A = arith.constant 0 : index
    %get3A_14 = tpu.vector_load %arg8[%get3A] {strides = array<i32>} : memref<16xf32, #tpu.memory_space<vmem>>, vector<16xf32>,
    %run_scoped3A = arith.constant 0 : i32
    "tpu.region"() ({
      %run_scoped3A_72 = tpu.sem_alloc : memref<!tpu.dma_semaphore, #tpu.memory_space<semaphore_mem>>
      %dma_start3A_73 = arith.constant 0 : i32
      %dma_start3A_74 = arith.constant 0 : i32
      %dma_start3A_75 = tpu.memref_slice %arg9[%run_scoped3A, %dma_start3A_73, %dma_start3A_74] : memref<4x2x40xi32, #tpu.memory_space<vmem>> -> memref<1x2x40xi32, #tpu.memory_space<vmem>>
      %dma_start3A_76 = tpu.memref_squeeze %dma_start3A_75 : memref<1x2x40xi32, #tpu.memory_space<vmem>> -> memref<2x40xi32, #tpu.memory_space<vmem>>
      %dma_start3A_77 = arith.constant 0 : i32
      %dma_start3A_78 = arith.constant 0 : i32
      %dma_start3A_79 = tpu.memref_slice %arg4[%mul3A_2, %dma_start3A_77, %dma_start3A_78] : memref<8000x2x40xi32, #tpu.memory_space<hbm>> -> memref<1x2x40xi32, #tpu.memory_space<hbm>>
      %dma_start3A_80 = tpu.memref_squeeze %dma_start3A_79 : memref<1x2x40xi32, #tpu.memory_space<hbm>> -> memref<2x40xi32, #tpu.memory_space<hbm>>
      %dma_start3A_81 = arith.constant 0 : i32
      %dma_start3A_82 = arith.constant 0 : i32
      %dma_start3A_83 = tpu.memref_slice %arg9[%run_scoped3A, %dma_start3A_81, %dma_start3A_82] : memref<4x2x40xi32, #tpu.memory_space<vmem>> -> memref<1x2x40xi32, #tpu.memory_space<vmem>>
      %dma_start3A_84 = tpu.memref_squeeze %dma_start3A_83 : memref<1x2x40xi32, #tpu.memory_space<vmem>> -> memref<2x40xi32, #tpu.memory_space<vmem>>
      %dma_start3A_85 = arith.constant 0 : i32
      %dma_start3A_86 = arith.constant 0 : i32
      %dma_start3A_87 = tpu.memref_slice %arg4[%mul3A_2, %dma_start3A_85, %dma_start3A_86] : memref<8000x2x40xi32, #tpu.memory_space<hbm>> -> memref<1x2x40xi32, #tpu.memory_space<hbm>>
      %dma_start3A_88 = tpu.memref_squeeze %dma_start3A_87 : memref<1x2x40xi32, #tpu.memory_space<hbm>> -> memref<2x40xi32, #tpu.memory_space<hbm>>
      tpu.enqueue_dma source(%dma_start3A_88 : memref<2x40xi32, #tpu.memory_space<hbm>>) target(%dma_start3A_84 : memref<2x40xi32, #tpu.memory_space<vmem>>) target_semaphore(%run_scoped3A_72 : memref<!tpu.dma_semaphore, #tpu.memory_space<semaphore_mem>>)
      %dma_wait3A_89 = arith.constant 0 : i32
      %dma_wait3A_90 = arith.constant 0 : i32
      %dma_wait3A_91 = tpu.memref_slice %arg9[%run_scoped3A, %dma_wait3A_89, %dma_wait3A_90] : memref<4x2x40xi32, #tpu.memory_space<vmem>> -> memref<1x2x40xi32, #tpu.memory_space<vmem>>
      %dma_wait3A_92 = tpu.memref_squeeze %dma_wait3A_91 : memref<1x2x40xi32, #tpu.memory_space<vmem>> -> memref<2x40xi32, #tpu.memory_space<vmem>>
      %dma_wait3A_93 = arith.constant 0 : i32
      %dma_wait3A_94 = arith.constant 0 : i32
      %dma_wait3A_95 = tpu.memref_slice %arg4[%mul3A_2, %dma_wait3A_93, %dma_wait3A_94] : memref<8000x2x40xi32, #tpu.memory_space<hbm>> -> memref<1x2x40xi32, #tpu.memory_space<hbm>>
      %dma_wait3A_96 = tpu.memref_squeeze %dma_wait3A_95 : memref<1x2x40xi32, #tpu.memory_space<hbm>> -> memref<2x40xi32, #tpu.memory_space<hbm>>
      %dma_wait3A_97 = arith.constant 0 : i32
      %dma_wait3A_98 = arith.constant 0 : i32
      %dma_wait3A_99 = tpu.memref_slice %arg9[%run_scoped3A, %dma_wait3A_97, %dma_wait3A_98] : memref<4x2x40xi32, #tpu.memory_space<vmem>> -> memref<1x2x40xi32, #tpu.memory_space<vmem>>
      %dma_wait3A_100 = tpu.memref_squeeze %dma_wait3A_99 : memref<1x2x40xi32, #tpu.memory_space<vmem>> -> memref<2x40xi32, #tpu.memory_space<vmem>>
      %dma_wait3A_101 = arith.constant 0 : i32
      %dma_wait3A_102 = arith.constant 0 : i32
      %dma_wait3A_103 = tpu.memref_slice %arg4[%mul3A_2, %dma_wait3A_101, %dma_wait3A_102] : memref<8000x2x40xi32, #tpu.memory_space<hbm>> -> memref<1x2x40xi32, #tpu.memory_space<hbm>>
      %dma_wait3A_104 = tpu.memref_squeeze %dma_wait3A_103 : memref<1x2x40xi32, #tpu.memory_space<hbm>> -> memref<2x40xi32, #tpu.memory_space<hbm>>
      tpu.wait_dma2 semaphore(%run_scoped3A_72 : memref<!tpu.dma_semaphore, #tpu.memory_space<semaphore_mem>>) src(%dma_wait3A_104 : memref<2x40xi32, #tpu.memory_space<hbm>>) dst(%dma_wait3A_100 : memref<2x40xi32, #tpu.memory_space<vmem>>)
      tpu.yield
    }) : () -> ()
    %dma_start3A = arith.constant 0 : i32
    %dma_start3A_15 = arith.constant 0 : i32
    %dma_start3A_16 = arith.constant 0 : i32
    %dma_start3A_17 = arith.constant 0 : i32
    %dma_start3A_18 = arith.constant 0 : i32
    %dma_start3A_19 = tpu.memref_slice %arg10[%dma_start3A_16, %dma_start3A_17, %dma_start3A_18] : memref<2x40x256xf32, #tpu.memory_space<vmem>> -> memref<1x40x256xf32, #tpu.memory_space<vmem>>
    %dma_start3A_20 = tpu.memref_squeeze %dma_start3A_19 : memref<1x40x256xf32, #tpu.memory_space<vmem>> -> memref<40x256xf32, #tpu.memory_space<vmem>>
    %dma_start3A_21 = arith.constant 0 : i32
    %dma_start3A_22 = tpu.memref_slice %arg9[%dma_start3A, %dma_start3A_15, %dma_start3A_21] : memref<4x2x40xi32, #tpu.memory_space<vmem>> -> memref<1x1x40xi32, #tpu.memory_space<vmem>>
    %dma_start3A_23 = tpu.memref_squeeze %dma_start3A_22 : memref<1x1x40xi32, #tpu.memory_space<vmem>> -> memref<40xi32, #tpu.memory_space<vmem>>
    %dma_start3A_24 = arith.constant 0 : i32
    %dma_start3A_25 = arith.constant 0 : i32
    %dma_start3A_26 = tpu.memref_slice %arg2[%dma_start3A_24, %dma_start3A_25] : memref<10000x256xf32, #tpu.memory_space<hbm>> -> memref<10000x256xf32, #tpu.memory_space<hbm>>
    tpu.enqueue_indirect_dma source(%dma_start3A_26 : memref<10000x256xf32, #tpu.memory_space<hbm>>) target(%dma_start3A_20 : memref<40x256xf32, #tpu.memory_space<vmem>>) offsets(%dma_start3A_23 : memref<40xi32, #tpu.memory_space<vmem>>) semaphore(%arg15 : memref<!tpu.dma_semaphore, #tpu.memory_space<semaphore_mem>>)
    %add3A_27 = arith.constant 1 : i32
    %add3A_28 = arith.addi %mul3A_2, %add3A_27 : i32
    %dma_start3A_29 = arith.constant 1 : i32
    %dma_start3A_30 = arith.constant 0 : i32
    %dma_start3A_31 = arith.constant 0 : i32
    %dma_start3A_32 = tpu.memref_slice %arg9[%dma_start3A_29, %dma_start3A_30, %dma_start3A_31] : memref<4x2x40xi32, #tpu.memory_space<vmem>> -> memref<1x2x40xi32, #tpu.memory_space<vmem>>
    %dma_start3A_33 = tpu.memref_squeeze %dma_start3A_32 : memref<1x2x40xi32, #tpu.memory_space<vmem>> -> memref<2x40xi32, #tpu.memory_space<vmem>>
    %dma_start3A_34 = arith.constant 0 : i32
    %dma_start3A_35 = arith.constant 0 : i32
    %dma_start3A_36 = tpu.memref_slice %arg4[%add3A_28, %dma_start3A_34, %dma_start3A_35] : memref<8000x2x40xi32, #tpu.memory_space<hbm>> -> memref<1x2x40xi32, #tpu.memory_space<hbm>>
    %dma_start3A_37 = tpu.memref_squeeze %dma_start3A_36 : memref<1x2x40xi32, #tpu.memory_space<hbm>> -> memref<2x40xi32, #tpu.memory_space<hbm>>
    %dma_start3A_38 = arith.constant 0 : i32
    %dma_start3A_39 = arith.constant 0 : i32
    %dma_start3A_40 = tpu.memref_slice %arg9[%dma_start3A_29, %dma_start3A_38, %dma_start3A_39] : memref<4x2x40xi32, #tpu.memory_space<vmem>> -> memref<1x2x40xi32, #tpu.memory_space<vmem>>
    %dma_start3A_41 = tpu.memref_squeeze %dma_start3A_40 : memref<1x2x40xi32, #tpu.memory_space<vmem>> -> memref<2x40xi32, #tpu.memory_space<vmem>>
    %dma_start3A_42 = arith.constant 0 : i32
    %dma_start3A_43 = arith.constant 0 : i32
    %dma_start3A_44 = tpu.memref_slice %arg4[%add3A_28, %dma_start3A_42, %dma_start3A_43] : memref<8000x2x40xi32, #tpu.memory_space<hbm>> -> memref<1x2x40xi32, #tpu.memory_space<hbm>>
    %dma_start3A_45 = tpu.memref_squeeze %dma_start3A_44 : memref<1x2x40xi32, #tpu.memory_space<hbm>> -> memref<2x40xi32, #tpu.memory_space<hbm>>
    tpu.enqueue_dma source(%dma_start3A_45 : memref<2x40xi32, #tpu.memory_space<hbm>>) target(%dma_start3A_41 : memref<2x40xi32, #tpu.memory_space<vmem>>) target_semaphore(%arg18 : memref<!tpu.dma_semaphore, #tpu.memory_space<semaphore_mem>>)
    %scan3A_46 = arith.constant 0 : i32
    %scan3A_47 = arith.constant 250 : i32
    %scan3A_48 = arith.addi %scan3A_46, %scan3A_47 : i32
    %scan3A_49 = arith.constant 1 : i32
    scf.for %scan3A_72 = %scan3A_46 to %scan3A_48 step %scan3A_49  : i32 {
      %mul3A_73 = arith.constant 1 : i32
      %mul3A_74 = arith.muli %scan3A_72, %mul3A_73 : i32
      %add3A_75 = arith.constant 0 : i32
      %add3A_76 = arith.addi %add3A_75, %mul3A_74 : i32
      %rem3A_77 = arith.constant 2 : i32
      %rem3A_78 = arith.remsi %add3A_76, %rem3A_77 : i32
      %sub3A = arith.constant 1 : i32
      %sub3A_79 = arith.subi %sub3A, %rem3A_78 : i32
      %rem3A_80 = arith.constant 4 : i32
      %rem3A_81 = arith.remsi %add3A_76, %rem3A_80 : i32
      %add3A_82 = arith.constant 1 : i32
      %add3A_83 = arith.addi %add3A_76, %add3A_82 : i32
      %rem3A_84 = arith.constant 4 : i32
      %rem3A_85 = arith.remsi %add3A_83, %rem3A_84 : i32
      %add3A_86 = arith.constant 1 : i32
      %add3A_87 = arith.addi %add3A_76, %add3A_86 : i32
      %lt3A = arith.constant 250 : i32
      %lt3A_88 = arith.cmpi slt, %add3A_87, %lt3A : i32
      %convert_element_type3A = arith.extui %lt3A_88 : i1 to i32
      %cond3A = arith.constant 0 : i32
      %cond3A_89 = arith.cmpi ne, %convert_element_type3A, %cond3A : i32
      scf.if %cond3A_89 {
        %add3A_206 = arith.constant 1 : i32
        %add3A_207 = arith.addi %add3A_76, %add3A_206 : i32
        %rem3A_208 = arith.constant 2 : i32
        %rem3A_209 = arith.remsi %add3A_207, %rem3A_208 : i32
        %eq3A = arith.constant 0 : i32
        %eq3A_210 = arith.cmpi eq, %rem3A_209, %eq3A : i32
        %convert_element_type3A_211 = arith.extui %eq3A_210 : i1 to i32
        %cond3A_212 = arith.constant 0 : i32
        %cond3A_213 = arith.cmpi ne, %convert_element_type3A_211, %cond3A_212 : i32
        scf.if %cond3A_213 {
          %add3A_221 = arith.addi %mul3A_2, %add3A_207 : i32
          %rem3A_222 = arith.constant 4 : i32
          %rem3A_223 = arith.remsi %add3A_207, %rem3A_222 : i32
          %dma_wait3A_224 = arith.constant 0 : i32
          %dma_wait3A_225 = arith.constant 0 : i32
          %dma_wait3A_226 = tpu.memref_slice %arg9[%rem3A_223, %dma_wait3A_224, %dma_wait3A_225] : memref<4x2x40xi32, #tpu.memory_space<vmem>> -> memref<1x2x40xi32, #tpu.memory_space<vmem>>
          %dma_wait3A_227 = tpu.memref_squeeze %dma_wait3A_226 : memref<1x2x40xi32, #tpu.memory_space<vmem>> -> memref<2x40xi32, #tpu.memory_space<vmem>>
          %dma_wait3A_228 = arith.constant 0 : i32
          %dma_wait3A_229 = arith.constant 0 : i32
          %dma_wait3A_230 = tpu.memref_slice %arg4[%add3A_221, %dma_wait3A_228, %dma_wait3A_229] : memref<8000x2x40xi32, #tpu.memory_space<hbm>> -> memref<1x2x40xi32, #tpu.memory_space<hbm>>
          %dma_wait3A_231 = tpu.memref_squeeze %dma_wait3A_230 : memref<1x2x40xi32, #tpu.memory_space<hbm>> -> memref<2x40xi32, #tpu.memory_space<hbm>>
          %dma_wait3A_232 = arith.constant 0 : i32
          %dma_wait3A_233 = arith.constant 0 : i32
          %dma_wait3A_234 = tpu.memref_slice %arg9[%rem3A_223, %dma_wait3A_232, %dma_wait3A_233] : memref<4x2x40xi32, #tpu.memory_space<vmem>> -> memref<1x2x40xi32, #tpu.memory_space<vmem>>
          %dma_wait3A_235 = tpu.memref_squeeze %dma_wait3A_234 : memref<1x2x40xi32, #tpu.memory_space<vmem>> -> memref<2x40xi32, #tpu.memory_space<vmem>>
          %dma_wait3A_236 = arith.constant 0 : i32
          %dma_wait3A_237 = arith.constant 0 : i32
          %dma_wait3A_238 = tpu.memref_slice %arg4[%add3A_221, %dma_wait3A_236, %dma_wait3A_237] : memref<8000x2x40xi32, #tpu.memory_space<hbm>> -> memref<1x2x40xi32, #tpu.memory_space<hbm>>
          %dma_wait3A_239 = tpu.memref_squeeze %dma_wait3A_238 : memref<1x2x40xi32, #tpu.memory_space<hbm>> -> memref<2x40xi32, #tpu.memory_space<hbm>>
          tpu.wait_dma2 semaphore(%arg17 : memref<!tpu.dma_semaphore, #tpu.memory_space<semaphore_mem>>) src(%dma_wait3A_239 : memref<2x40xi32, #tpu.memory_space<hbm>>) dst(%dma_wait3A_235 : memref<2x40xi32, #tpu.memory_space<vmem>>)
        } else {
        }
        %rem3A_214 = arith.constant 2 : i32
        %rem3A_215 = arith.remsi %add3A_207, %rem3A_214 : i32
        %eq3A_216 = arith.constant 1 : i32
        %eq3A_217 = arith.cmpi eq, %rem3A_215, %eq3A_216 : i32
        %convert_element_type3A_218 = arith.extui %eq3A_217 : i1 to i32
        %cond3A_219 = arith.constant 0 : i32
        %cond3A_220 = arith.cmpi ne, %convert_element_type3A_218, %cond3A_219 : i32
        scf.if %cond3A_220 {
          %add3A_221 = arith.addi %mul3A_2, %add3A_207 : i32
          %rem3A_222 = arith.constant 4 : i32
          %rem3A_223 = arith.remsi %add3A_207, %rem3A_222 : i32
          %dma_wait3A_224 = arith.constant 0 : i32
          %dma_wait3A_225 = arith.constant 0 : i32
          %dma_wait3A_226 = tpu.memref_slice %arg9[%rem3A_223, %dma_wait3A_224, %dma_wait3A_225] : memref<4x2x40xi32, #tpu.memory_space<vmem>> -> memref<1x2x40xi32, #tpu.memory_space<vmem>>
          %dma_wait3A_227 = tpu.memref_squeeze %dma_wait3A_226 : memref<1x2x40xi32, #tpu.memory_space<vmem>> -> memref<2x40xi32, #tpu.memory_space<vmem>>
          %dma_wait3A_228 = arith.constant 0 : i32
          %dma_wait3A_229 = arith.constant 0 : i32
          %dma_wait3A_230 = tpu.memref_slice %arg4[%add3A_221, %dma_wait3A_228, %dma_wait3A_229] : memref<8000x2x40xi32, #tpu.memory_space<hbm>> -> memref<1x2x40xi32, #tpu.memory_space<hbm>>
          %dma_wait3A_231 = tpu.memref_squeeze %dma_wait3A_230 : memref<1x2x40xi32, #tpu.memory_space<hbm>> -> memref<2x40xi32, #tpu.memory_space<hbm>>
          %dma_wait3A_232 = arith.constant 0 : i32
          %dma_wait3A_233 = arith.constant 0 : i32
          %dma_wait3A_234 = tpu.memref_slice %arg9[%rem3A_223, %dma_wait3A_232, %dma_wait3A_233] : memref<4x2x40xi32, #tpu.memory_space<vmem>> -> memref<1x2x40xi32, #tpu.memory_space<vmem>>
          %dma_wait3A_235 = tpu.memref_squeeze %dma_wait3A_234 : memref<1x2x40xi32, #tpu.memory_space<vmem>> -> memref<2x40xi32, #tpu.memory_space<vmem>>
          %dma_wait3A_236 = arith.constant 0 : i32
          %dma_wait3A_237 = arith.constant 0 : i32
          %dma_wait3A_238 = tpu.memref_slice %arg4[%add3A_221, %dma_wait3A_236, %dma_wait3A_237] : memref<8000x2x40xi32, #tpu.memory_space<hbm>> -> memref<1x2x40xi32, #tpu.memory_space<hbm>>
          %dma_wait3A_239 = tpu.memref_squeeze %dma_wait3A_238 : memref<1x2x40xi32, #tpu.memory_space<hbm>> -> memref<2x40xi32, #tpu.memory_space<hbm>>
          tpu.wait_dma2 semaphore(%arg18 : memref<!tpu.dma_semaphore, #tpu.memory_space<semaphore_mem>>) src(%dma_wait3A_239 : memref<2x40xi32, #tpu.memory_space<hbm>>) dst(%dma_wait3A_235 : memref<2x40xi32, #tpu.memory_space<vmem>>)
        } else {
        }
      } else {
      }
      %dma_wait3A_90 = arith.constant 0 : i32
      %dma_wait3A_91 = arith.constant 0 : i32
      %dma_wait3A_92 = arith.constant 0 : i32
      %dma_wait3A_93 = tpu.memref_slice %arg10[%rem3A_78, %dma_wait3A_91, %dma_wait3A_92] : memref<2x40x256xf32, #tpu.memory_space<vmem>> -> memref<1x40x256xf32, #tpu.memory_space<vmem>>
      %dma_wait3A_94 = tpu.memref_squeeze %dma_wait3A_93 : memref<1x40x256xf32, #tpu.memory_space<vmem>> -> memref<40x256xf32, #tpu.memory_space<vmem>>
      %dma_wait3A_95 = arith.constant 0 : i32
      %dma_wait3A_96 = tpu.memref_slice %arg9[%rem3A_81, %dma_wait3A_90, %dma_wait3A_95] : memref<4x2x40xi32, #tpu.memory_space<vmem>> -> memref<1x1x40xi32, #tpu.memory_space<vmem>>
      %dma_wait3A_97 = tpu.memref_squeeze %dma_wait3A_96 : memref<1x1x40xi32, #tpu.memory_space<vmem>> -> memref<40xi32, #tpu.memory_space<vmem>>
      %dma_wait3A_98 = arith.constant 0 : i32
      %dma_wait3A_99 = arith.constant 0 : i32
      %dma_wait3A_100 = tpu.memref_slice %arg2[%dma_wait3A_98, %dma_wait3A_99] : memref<10000x256xf32, #tpu.memory_space<hbm>> -> memref<10000x256xf32, #tpu.memory_space<hbm>>
      tpu.wait_indirect_dma semaphore(%arg15 : memref<!tpu.dma_semaphore, #tpu.memory_space<semaphore_mem>>) src(%dma_wait3A_100 : memref<10000x256xf32, #tpu.memory_space<hbm>>) dst(%dma_wait3A_94 : memref<40x256xf32, #tpu.memory_space<vmem>>)
      %add3A_101 = arith.constant 1 : i32
      %add3A_102 = arith.addi %add3A_76, %add3A_101 : i32
      %lt3A_103 = arith.constant 250 : i32
      %lt3A_104 = arith.cmpi slt, %add3A_102, %lt3A_103 : i32
      %convert_element_type3A_105 = arith.extui %lt3A_104 : i1 to i32
      %cond3A_106 = arith.constant 0 : i32
      %cond3A_107 = arith.cmpi ne, %convert_element_type3A_105, %cond3A_106 : i32
      scf.if %cond3A_107 {
        %dma_start3A_206 = arith.constant 0 : i32
        %dma_start3A_207 = arith.constant 0 : i32
        %dma_start3A_208 = arith.constant 0 : i32
        %dma_start3A_209 = tpu.memref_slice %arg10[%sub3A_79, %dma_start3A_207, %dma_start3A_208] : memref<2x40x256xf32, #tpu.memory_space<vmem>> -> memref<1x40x256xf32, #tpu.memory_space<vmem>>
        %dma_start3A_210 = tpu.memref_squeeze %dma_start3A_209 : memref<1x40x256xf32, #tpu.memory_space<vmem>> -> memref<40x256xf32, #tpu.memory_space<vmem>>
        %dma_start3A_211 = arith.constant 0 : i32
        %dma_start3A_212 = tpu.memref_slice %arg9[%rem3A_85, %dma_start3A_206, %dma_start3A_211] : memref<4x2x40xi32, #tpu.memory_space<vmem>> -> memref<1x1x40xi32, #tpu.memory_space<vmem>>
        %dma_start3A_213 = tpu.memref_squeeze %dma_start3A_212 : memref<1x1x40xi32, #tpu.memory_space<vmem>> -> memref<40xi32, #tpu.memory_space<vmem>>
        %dma_start3A_214 = arith.constant 0 : i32
        %dma_start3A_215 = arith.constant 0 : i32
        %dma_start3A_216 = tpu.memref_slice %arg2[%dma_start3A_214, %dma_start3A_215] : memref<10000x256xf32, #tpu.memory_space<hbm>> -> memref<10000x256xf32, #tpu.memory_space<hbm>>
        tpu.enqueue_indirect_dma source(%dma_start3A_216 : memref<10000x256xf32, #tpu.memory_space<hbm>>) target(%dma_start3A_210 : memref<40x256xf32, #tpu.memory_space<vmem>>) offsets(%dma_start3A_213 : memref<40xi32, #tpu.memory_space<vmem>>) semaphore(%arg15 : memref<!tpu.dma_semaphore, #tpu.memory_space<semaphore_mem>>)
      } else {
      }
      %add3A_108 = arith.constant 2 : i32
      %add3A_109 = arith.addi %add3A_76, %add3A_108 : i32
      %lt3A_110 = arith.constant 250 : i32
      %lt3A_111 = arith.cmpi slt, %add3A_109, %lt3A_110 : i32
      %convert_element_type3A_112 = arith.extui %lt3A_111 : i1 to i32
      %cond3A_113 = arith.constant 0 : i32
      %cond3A_114 = arith.cmpi ne, %convert_element_type3A_112, %cond3A_113 : i32
      scf.if %cond3A_114 {
        %add3A_206 = arith.constant 2 : i32
        %add3A_207 = arith.addi %add3A_76, %add3A_206 : i32
        %rem3A_208 = arith.constant 2 : i32
        %rem3A_209 = arith.remsi %add3A_207, %rem3A_208 : i32
        %eq3A = arith.constant 0 : i32
        %eq3A_210 = arith.cmpi eq, %rem3A_209, %eq3A : i32
        %convert_element_type3A_211 = arith.extui %eq3A_210 : i1 to i32
        %cond3A_212 = arith.constant 0 : i32
        %cond3A_213 = arith.cmpi ne, %convert_element_type3A_211, %cond3A_212 : i32
        scf.if %cond3A_213 {
          %add3A_221 = arith.addi %mul3A_2, %add3A_207 : i32
          %rem3A_222 = arith.constant 4 : i32
          %rem3A_223 = arith.remsi %add3A_207, %rem3A_222 : i32
          %dma_start3A_224 = arith.constant 0 : i32
          %dma_start3A_225 = arith.constant 0 : i32
          %dma_start3A_226 = tpu.memref_slice %arg9[%rem3A_223, %dma_start3A_224, %dma_start3A_225] : memref<4x2x40xi32, #tpu.memory_space<vmem>> -> memref<1x2x40xi32, #tpu.memory_space<vmem>>
          %dma_start3A_227 = tpu.memref_squeeze %dma_start3A_226 : memref<1x2x40xi32, #tpu.memory_space<vmem>> -> memref<2x40xi32, #tpu.memory_space<vmem>>
          %dma_start3A_228 = arith.constant 0 : i32
          %dma_start3A_229 = arith.constant 0 : i32
          %dma_start3A_230 = tpu.memref_slice %arg4[%add3A_221, %dma_start3A_228, %dma_start3A_229] : memref<8000x2x40xi32, #tpu.memory_space<hbm>> -> memref<1x2x40xi32, #tpu.memory_space<hbm>>
          %dma_start3A_231 = tpu.memref_squeeze %dma_start3A_230 : memref<1x2x40xi32, #tpu.memory_space<hbm>> -> memref<2x40xi32, #tpu.memory_space<hbm>>
          %dma_start3A_232 = arith.constant 0 : i32
          %dma_start3A_233 = arith.constant 0 : i32
          %dma_start3A_234 = tpu.memref_slice %arg9[%rem3A_223, %dma_start3A_232, %dma_start3A_233] : memref<4x2x40xi32, #tpu.memory_space<vmem>> -> memref<1x2x40xi32, #tpu.memory_space<vmem>>
          %dma_start3A_235 = tpu.memref_squeeze %dma_start3A_234 : memref<1x2x40xi32, #tpu.memory_space<vmem>> -> memref<2x40xi32, #tpu.memory_space<vmem>>
          %dma_start3A_236 = arith.constant 0 : i32
          %dma_start3A_237 = arith.constant 0 : i32
          %dma_start3A_238 = tpu.memref_slice %arg4[%add3A_221, %dma_start3A_236, %dma_start3A_237] : memref<8000x2x40xi32, #tpu.memory_space<hbm>> -> memref<1x2x40xi32, #tpu.memory_space<hbm>>
          %dma_start3A_239 = tpu.memref_squeeze %dma_start3A_238 : memref<1x2x40xi32, #tpu.memory_space<hbm>> -> memref<2x40xi32, #tpu.memory_space<hbm>>
          tpu.enqueue_dma source(%dma_start3A_239 : memref<2x40xi32, #tpu.memory_space<hbm>>) target(%dma_start3A_235 : memref<2x40xi32, #tpu.memory_space<vmem>>) target_semaphore(%arg17 : memref<!tpu.dma_semaphore, #tpu.memory_space<semaphore_mem>>)
        } else {
        }
        %rem3A_214 = arith.constant 2 : i32
        %rem3A_215 = arith.remsi %add3A_207, %rem3A_214 : i32
        %eq3A_216 = arith.constant 1 : i32
        %eq3A_217 = arith.cmpi eq, %rem3A_215, %eq3A_216 : i32
        %convert_element_type3A_218 = arith.extui %eq3A_217 : i1 to i32
        %cond3A_219 = arith.constant 0 : i32
        %cond3A_220 = arith.cmpi ne, %convert_element_type3A_218, %cond3A_219 : i32
        scf.if %cond3A_220 {
          %add3A_221 = arith.addi %mul3A_2, %add3A_207 : i32
          %rem3A_222 = arith.constant 4 : i32
          %rem3A_223 = arith.remsi %add3A_207, %rem3A_222 : i32
          %dma_start3A_224 = arith.constant 0 : i32
          %dma_start3A_225 = arith.constant 0 : i32
          %dma_start3A_226 = tpu.memref_slice %arg9[%rem3A_223, %dma_start3A_224, %dma_start3A_225] : memref<4x2x40xi32, #tpu.memory_space<vmem>> -> memref<1x2x40xi32, #tpu.memory_space<vmem>>
          %dma_start3A_227 = tpu.memref_squeeze %dma_start3A_226 : memref<1x2x40xi32, #tpu.memory_space<vmem>> -> memref<2x40xi32, #tpu.memory_space<vmem>>
          %dma_start3A_228 = arith.constant 0 : i32
          %dma_start3A_229 = arith.constant 0 : i32
          %dma_start3A_230 = tpu.memref_slice %arg4[%add3A_221, %dma_start3A_228, %dma_start3A_229] : memref<8000x2x40xi32, #tpu.memory_space<hbm>> -> memref<1x2x40xi32, #tpu.memory_space<hbm>>
          %dma_start3A_231 = tpu.memref_squeeze %dma_start3A_230 : memref<1x2x40xi32, #tpu.memory_space<hbm>> -> memref<2x40xi32, #tpu.memory_space<hbm>>
          %dma_start3A_232 = arith.constant 0 : i32
          %dma_start3A_233 = arith.constant 0 : i32
          %dma_start3A_234 = tpu.memref_slice %arg9[%rem3A_223, %dma_start3A_232, %dma_start3A_233] : memref<4x2x40xi32, #tpu.memory_space<vmem>> -> memref<1x2x40xi32, #tpu.memory_space<vmem>>
          %dma_start3A_235 = tpu.memref_squeeze %dma_start3A_234 : memref<1x2x40xi32, #tpu.memory_space<vmem>> -> memref<2x40xi32, #tpu.memory_space<vmem>>
          %dma_start3A_236 = arith.constant 0 : i32
          %dma_start3A_237 = arith.constant 0 : i32
          %dma_start3A_238 = tpu.memref_slice %arg4[%add3A_221, %dma_start3A_236, %dma_start3A_237] : memref<8000x2x40xi32, #tpu.memory_space<hbm>> -> memref<1x2x40xi32, #tpu.memory_space<hbm>>
          %dma_start3A_239 = tpu.memref_squeeze %dma_start3A_238 : memref<1x2x40xi32, #tpu.memory_space<hbm>> -> memref<2x40xi32, #tpu.memory_space<hbm>>
          tpu.enqueue_dma source(%dma_start3A_239 : memref<2x40xi32, #tpu.memory_space<hbm>>) target(%dma_start3A_235 : memref<2x40xi32, #tpu.memory_space<vmem>>) target_semaphore(%arg18 : memref<!tpu.dma_semaphore, #tpu.memory_space<semaphore_mem>>)
        } else {
        }
      } else {
      }
      %get3A_115 = arith.constant 0 : i32
      %get3A_116 = arith.index_cast %rem3A_81 : i32 to index
      %get3A_117 = arith.index_cast %get3A_115 : i32 to index
      %get3A_118 = arith.constant 0 : index
      %get3A_119 = tpu.vector_load %arg9[%get3A_116, %get3A_117, %get3A_118] {strides = array<i32>} : memref<4x2x40xi32, #tpu.memory_space<vmem>>, vector<16xi32>,
      %gather3A = tpu.vector_load_idx %arg7[%get3A_119] : memref<10000xf32, #tpu.memory_space<vmem>>[vector<16xi32>], vector<16xf32>,
      %get3A_120 = arith.constant 1 : i32
      %get3A_121 = arith.index_cast %rem3A_81 : i32 to index
      %get3A_122 = arith.index_cast %get3A_120 : i32 to index
      %get3A_123 = arith.constant 0 : index
      %get3A_124 = tpu.vector_load %arg9[%get3A_121, %get3A_122, %get3A_123] {strides = array<i32>} : memref<4x2x40xi32, #tpu.memory_space<vmem>>, vector<16xi32>,
      %gather3A_125 = tpu.vector_load_idx %arg7[%get3A_124] : memref<10000xf32, #tpu.memory_space<vmem>>[vector<16xi32>], vector<16xf32>,
      %sub3A_126 = arith.subf %gather3A, %gather3A_125 : vector<16xf32>
      %add3A_127 = arith.addf %sub3A_126, %get3A_14 : vector<16xf32>
      %neg3A = arith.constant 0.000000e+00 : f32
      %neg3A_128 = vector.broadcast %neg3A : f32 to vector<16xf32>
      %neg3A_129 = arith.subf %neg3A_128, %add3A_127 : vector<16xf32>
      %exp3A = math.exp %neg3A_129 : vector<16xf32>
      %add3A_130 = arith.constant 1.000000e+00 : f32
      %add3A_131 = vector.broadcast %add3A_130 : f32 to vector<16xf32>
      %add3A_132 = arith.addf %add3A_131, %exp3A : vector<16xf32>
      %div3A = arith.constant 1.000000e+00 : f32
      %div3A_133 = vector.broadcast %div3A : f32 to vector<16xf32>
      %div3A_134 = arith.divf %div3A_133, %add3A_132 : vector<16xf32>
      %swap3A = arith.constant 0 : index
      %swap3A_135 = tpu.vector_load %arg13[%swap3A] {strides = array<i32>} : memref<40xf32, #tpu.memory_space<vmem>>, vector<16xf32>,
      tpu.vector_store %arg13[%swap3A], %div3A_134 {strides = array<i32>} : memref<40xf32, #tpu.memory_space<vmem>>, vector<16xf32>,
      %get3A_136 = arith.constant 0 : i32
      %get3A_137 = arith.index_cast %rem3A_81 : i32 to index
      %get3A_138 = arith.index_cast %get3A_136 : i32 to index
      %get3A_139 = arith.constant 16 : index
      %get3A_140 = tpu.vector_load %arg9[%get3A_137, %get3A_138, %get3A_139] {strides = array<i32>} : memref<4x2x40xi32, #tpu.memory_space<vmem>>, vector<16xi32>,
      %gather3A_141 = tpu.vector_load_idx %arg7[%get3A_140] : memref<10000xf32, #tpu.memory_space<vmem>>[vector<16xi32>], vector<16xf32>,
      %get3A_142 = arith.constant 1 : i32
      %get3A_143 = arith.index_cast %rem3A_81 : i32 to index
      %get3A_144 = arith.index_cast %get3A_142 : i32 to index
      %get3A_145 = arith.constant 16 : index
      %get3A_146 = tpu.vector_load %arg9[%get3A_143, %get3A_144, %get3A_145] {strides = array<i32>} : memref<4x2x40xi32, #tpu.memory_space<vmem>>, vector<16xi32>,
      %gather3A_147 = tpu.vector_load_idx %arg7[%get3A_146] : memref<10000xf32, #tpu.memory_space<vmem>>[vector<16xi32>], vector<16xf32>,
      %sub3A_148 = arith.subf %gather3A_141, %gather3A_147 : vector<16xf32>
      %add3A_149 = arith.addf %sub3A_148, %get3A_14 : vector<16xf32>
      %neg3A_150 = arith.constant 0.000000e+00 : f32
      %neg3A_151 = vector.broadcast %neg3A_150 : f32 to vector<16xf32>
      %neg3A_152 = arith.subf %neg3A_151, %add3A_149 : vector<16xf32>
      %exp3A_153 = math.exp %neg3A_152 : vector<16xf32>
      %add3A_154 = arith.constant 1.000000e+00 : f32
      %add3A_155 = vector.broadcast %add3A_154 : f32 to vector<16xf32>
      %add3A_156 = arith.addf %add3A_155, %exp3A_153 : vector<16xf32>
      %div3A_157 = arith.constant 1.000000e+00 : f32
      %div3A_158 = vector.broadcast %div3A_157 : f32 to vector<16xf32>
      %div3A_159 = arith.divf %div3A_158, %add3A_156 : vector<16xf32>
      %swap3A_160 = arith.constant 16 : index
      %swap3A_161 = tpu.vector_load %arg13[%swap3A_160] {strides = array<i32>} : memref<40xf32, #tpu.memory_space<vmem>>, vector<16xf32>,
      tpu.vector_store %arg13[%swap3A_160], %div3A_159 {strides = array<i32>} : memref<40xf32, #tpu.memory_space<vmem>>, vector<16xf32>,
      %get3A_162 = arith.constant 0 : i32
      %get3A_163 = arith.index_cast %rem3A_81 : i32 to index
      %get3A_164 = arith.index_cast %get3A_162 : i32 to index
      %get3A_165 = arith.constant 24 : index
      %get3A_166 = tpu.vector_load %arg9[%get3A_163, %get3A_164, %get3A_165] {strides = array<i32>} : memref<4x2x40xi32, #tpu.memory_space<vmem>>, vector<16xi32>,
      %gather3A_167 = tpu.vector_load_idx %arg7[%get3A_166] : memref<10000xf32, #tpu.memory_space<vmem>>[vector<16xi32>], vector<16xf32>,
      %get3A_168 = arith.constant 1 : i32
      %get3A_169 = arith.index_cast %rem3A_81 : i32 to index
      %get3A_170 = arith.index_cast %get3A_168 : i32 to index
      %get3A_171 = arith.constant 24 : index
      %get3A_172 = tpu.vector_load %arg9[%get3A_169, %get3A_170, %get3A_171] {strides = array<i32>} : memref<4x2x40xi32, #tpu.memory_space<vmem>>, vector<16xi32>,
      %gather3A_173 = tpu.vector_load_idx %arg7[%get3A_172] : memref<10000xf32, #tpu.memory_space<vmem>>[vector<16xi32>], vector<16xf32>,
      %sub3A_174 = arith.subf %gather3A_167, %gather3A_173 : vector<16xf32>
      %add3A_175 = arith.addf %sub3A_174, %get3A_14 : vector<16xf32>
      %neg3A_176 = arith.constant 0.000000e+00 : f32
      %neg3A_177 = vector.broadcast %neg3A_176 : f32 to vector<16xf32>
      %neg3A_178 = arith.subf %neg3A_177, %add3A_175 : vector<16xf32>
      %exp3A_179 = math.exp %neg3A_178 : vector<16xf32>
      %add3A_180 = arith.constant 1.000000e+00 : f32
      %add3A_181 = vector.broadcast %add3A_180 : f32 to vector<16xf32>
      %add3A_182 = arith.addf %add3A_181, %exp3A_179 : vector<16xf32>
      %div3A_183 = arith.constant 1.000000e+00 : f32
      %div3A_184 = vector.broadcast %div3A_183 : f32 to vector<16xf32>
      %div3A_185 = arith.divf %div3A_184, %add3A_182 : vector<16xf32>
      %swap3A_186 = arith.constant 24 : index
      %swap3A_187 = tpu.vector_load %arg13[%swap3A_186] {strides = array<i32>} : memref<40xf32, #tpu.memory_space<vmem>>, vector<16xf32>,
      tpu.vector_store %arg13[%swap3A_186], %div3A_185 {strides = array<i32>} : memref<40xf32, #tpu.memory_space<vmem>>, vector<16xf32>,
      %mul3A_188 = arith.constant 40 : i32
      %mul3A_189 = arith.muli %rem3A_78, %mul3A_188 : i32
      %multiple_of3A_190 = tpu.assume_multiple %mul3A_189, 8 : i32
      %ge3A = arith.constant 1 : i32
      %ge3A_191 = arith.cmpi sge, %add3A_76, %ge3A : i32
      %convert_element_type3A_192 = arith.extui %ge3A_191 : i1 to i32
      %cond3A_193 = arith.constant 0 : i32
      %cond3A_194 = arith.cmpi ne, %convert_element_type3A_192, %cond3A_193 : i32
      scf.if %cond3A_194 {
        %dma_wait3A_206 = arith.constant 1 : i32
        %dma_wait3A_207 = arith.constant 0 : i32
        %dma_wait3A_208 = tpu.memref_slice %arg11[%multiple_of3A_190, %dma_wait3A_207] : memref<80x128xf32, #tpu.memory_space<vmem>> -> memref<40x128xf32, #tpu.memory_space<vmem>>
        %dma_wait3A_209 = arith.constant 0 : i32
        %dma_wait3A_210 = tpu.memref_slice %arg9[%rem3A_81, %dma_wait3A_206, %dma_wait3A_209] : memref<4x2x40xi32, #tpu.memory_space<vmem>> -> memref<1x1x40xi32, #tpu.memory_space<vmem>>
        %dma_wait3A_211 = tpu.memref_squeeze %dma_wait3A_210 : memref<1x1x40xi32, #tpu.memory_space<vmem>> -> memref<40xi32, #tpu.memory_space<vmem>>
        %dma_wait3A_212 = arith.constant 0 : i32
        %dma_wait3A_213 = arith.constant 0 : i32
        %dma_wait3A_214 = tpu.memref_slice %arg14[%dma_wait3A_212, %dma_wait3A_213] : memref<10240x128xf32, #tpu.memory_space<vmem_shared>> -> memref<10240x128xf32, #tpu.memory_space<vmem_shared>>
        tpu.wait_indirect_dma semaphore(%arg16 : memref<!tpu.dma_semaphore, #tpu.memory_space<semaphore_mem>>) src(%dma_wait3A_208 : memref<40x128xf32, #tpu.memory_space<vmem>>) dst(%dma_wait3A_214 : memref<10240x128xf32, #tpu.memory_space<vmem_shared>>)
      } else {
      }
      %parallel_loop3A = arith.constant 0 : i32
      %parallel_loop3A_195 = arith.constant 40 : i32
      %parallel_loop3A_196 = arith.constant 1 : i32
      scf.for %parallel_loop3A_206 = %parallel_loop3A to %parallel_loop3A_195 step %parallel_loop3A_196  : i32 {
        %parallel_loop3A_207 = vector.broadcast %parallel_loop3A_206 : i32 to vector<16xi32>
        %parallel_loop3A_208 = tpu.vector_load_idx %arg13[%parallel_loop3A_207] : memref<40xf32, #tpu.memory_space<vmem>>[vector<16xi32>], vector<16xf32>,
        %parallel_loop3A_209 = arith.constant 40 : i32
        %parallel_loop3A_210 = arith.muli %rem3A_78, %parallel_loop3A_209 : i32
        %parallel_loop3A_211 = arith.addi %parallel_loop3A_210, %parallel_loop3A_206 : i32
        %parallel_loop3A_212 = arith.index_cast %rem3A_78 : i32 to index
        %parallel_loop3A_213 = arith.index_cast %parallel_loop3A_206 : i32 to index
        %parallel_loop3A_214 = arith.constant 128 : index
        %parallel_loop3A_215 = tpu.vector_load %arg10[%parallel_loop3A_212, %parallel_loop3A_213, %parallel_loop3A_214] {strides = array<i32>} : memref<2x40x256xf32, #tpu.memory_space<vmem>>, vector<16xf32>,
        %parallel_loop3A_216 = arith.index_cast %rem3A_78 : i32 to index
        %parallel_loop3A_217 = arith.index_cast %parallel_loop3A_206 : i32 to index
        %parallel_loop3A_218 = arith.constant 0 : index
        %parallel_loop3A_219 = tpu.vector_load %arg10[%parallel_loop3A_216, %parallel_loop3A_217, %parallel_loop3A_218] {strides = array<i32>} : memref<2x40x256xf32, #tpu.memory_space<vmem>>, vector<16xf32>,
        %parallel_loop3A_220 = arith.mulf %parallel_loop3A_208, %parallel_loop3A_219 : vector<16xf32>
        %parallel_loop3A_221 = arith.addf %parallel_loop3A_215, %parallel_loop3A_220 : vector<16xf32>
        %parallel_loop3A_222 = arith.index_cast %parallel_loop3A_211 : i32 to index
        %parallel_loop3A_223 = arith.constant 0 : index
        %parallel_loop3A_224 = tpu.vector_load %arg11[%parallel_loop3A_222, %parallel_loop3A_223] {strides = array<i32>} : memref<80x128xf32, #tpu.memory_space<vmem>>, vector<16xf32>,
        tpu.vector_store %arg11[%parallel_loop3A_222, %parallel_loop3A_223], %parallel_loop3A_221 {strides = array<i32>} : memref<80x128xf32, #tpu.memory_space<vmem>>, vector<16xf32>,
        %parallel_loop3A_225 = arith.index_cast %rem3A_78 : i32 to index
        %parallel_loop3A_226 = arith.index_cast %parallel_loop3A_206 : i32 to index
        %parallel_loop3A_227 = arith.constant 144 : index
        %parallel_loop3A_228 = tpu.vector_load %arg10[%parallel_loop3A_225, %parallel_loop3A_226, %parallel_loop3A_227] {strides = array<i32>} : memref<2x40x256xf32, #tpu.memory_space<vmem>>, vector<16xf32>,
        %parallel_loop3A_229 = arith.index_cast %rem3A_78 : i32 to index
        %parallel_loop3A_230 = arith.index_cast %parallel_loop3A_206 : i32 to index
        %parallel_loop3A_231 = arith.constant 16 : index
        %parallel_loop3A_232 = tpu.vector_load %arg10[%parallel_loop3A_229, %parallel_loop3A_230, %parallel_loop3A_231] {strides = array<i32>} : memref<2x40x256xf32, #tpu.memory_space<vmem>>, vector<16xf32>,
        %parallel_loop3A_233 = arith.mulf %parallel_loop3A_208, %parallel_loop3A_232 : vector<16xf32>
        %parallel_loop3A_234 = arith.addf %parallel_loop3A_228, %parallel_loop3A_233 : vector<16xf32>
        %parallel_loop3A_235 = arith.index_cast %parallel_loop3A_211 : i32 to index
        %parallel_loop3A_236 = arith.constant 16 : index
        %parallel_loop3A_237 = tpu.vector_load %arg11[%parallel_loop3A_235, %parallel_loop3A_236] {strides = array<i32>} : memref<80x128xf32, #tpu.memory_space<vmem>>, vector<16xf32>,
        tpu.vector_store %arg11[%parallel_loop3A_235, %parallel_loop3A_236], %parallel_loop3A_234 {strides = array<i32>} : memref<80x128xf32, #tpu.memory_space<vmem>>, vector<16xf32>,
        %parallel_loop3A_238 = arith.index_cast %rem3A_78 : i32 to index
        %parallel_loop3A_239 = arith.index_cast %parallel_loop3A_206 : i32 to index
        %parallel_loop3A_240 = arith.constant 160 : index
        %parallel_loop3A_241 = tpu.vector_load %arg10[%parallel_loop3A_238, %parallel_loop3A_239, %parallel_loop3A_240] {strides = array<i32>} : memref<2x40x256xf32, #tpu.memory_space<vmem>>, vector<16xf32>,
        %parallel_loop3A_242 = arith.index_cast %rem3A_78 : i32 to index
        %parallel_loop3A_243 = arith.index_cast %parallel_loop3A_206 : i32 to index
        %parallel_loop3A_244 = arith.constant 32 : index
        %parallel_loop3A_245 = tpu.vector_load %arg10[%parallel_loop3A_242, %parallel_loop3A_243, %parallel_loop3A_244] {strides = array<i32>} : memref<2x40x256xf32, #tpu.memory_space<vmem>>, vector<16xf32>,
        %parallel_loop3A_246 = arith.mulf %parallel_loop3A_208, %parallel_loop3A_245 : vector<16xf32>
        %parallel_loop3A_247 = arith.addf %parallel_loop3A_241, %parallel_loop3A_246 : vector<16xf32>
        %parallel_loop3A_248 = arith.index_cast %parallel_loop3A_211 : i32 to index
        %parallel_loop3A_249 = arith.constant 32 : index
        %parallel_loop3A_250 = tpu.vector_load %arg11[%parallel_loop3A_248, %parallel_loop3A_249] {strides = array<i32>} : memref<80x128xf32, #tpu.memory_space<vmem>>, vector<16xf32>,
        tpu.vector_store %arg11[%parallel_loop3A_248, %parallel_loop3A_249], %parallel_loop3A_247 {strides = array<i32>} : memref<80x128xf32, #tpu.memory_space<vmem>>, vector<16xf32>,
        %parallel_loop3A_251 = arith.index_cast %rem3A_78 : i32 to index
        %parallel_loop3A_252 = arith.index_cast %parallel_loop3A_206 : i32 to index
        %parallel_loop3A_253 = arith.constant 176 : index
        %parallel_loop3A_254 = tpu.vector_load %arg10[%parallel_loop3A_251, %parallel_loop3A_252, %parallel_loop3A_253] {strides = array<i32>} : memref<2x40x256xf32, #tpu.memory_space<vmem>>, vector<16xf32>,
        %parallel_loop3A_255 = arith.index_cast %rem3A_78 : i32 to index
        %parallel_loop3A_256 = arith.index_cast %parallel_loop3A_206 : i32 to index
        %parallel_loop3A_257 = arith.constant 48 : index
        %parallel_loop3A_258 = tpu.vector_load %arg10[%parallel_loop3A_255, %parallel_loop3A_256, %parallel_loop3A_257] {strides = array<i32>} : memref<2x40x256xf32, #tpu.memory_space<vmem>>, vector<16xf32>,
        %parallel_loop3A_259 = arith.mulf %parallel_loop3A_208, %parallel_loop3A_258 : vector<16xf32>
        %parallel_loop3A_260 = arith.addf %parallel_loop3A_254, %parallel_loop3A_259 : vector<16xf32>
        %parallel_loop3A_261 = arith.index_cast %parallel_loop3A_211 : i32 to index
        %parallel_loop3A_262 = arith.constant 48 : index
        %parallel_loop3A_263 = tpu.vector_load %arg11[%parallel_loop3A_261, %parallel_loop3A_262] {strides = array<i32>} : memref<80x128xf32, #tpu.memory_space<vmem>>, vector<16xf32>,
        tpu.vector_store %arg11[%parallel_loop3A_261, %parallel_loop3A_262], %parallel_loop3A_260 {strides = array<i32>} : memref<80x128xf32, #tpu.memory_space<vmem>>, vector<16xf32>,
        %parallel_loop3A_264 = arith.index_cast %rem3A_78 : i32 to index
        %parallel_loop3A_265 = arith.index_cast %parallel_loop3A_206 : i32 to index
        %parallel_loop3A_266 = arith.constant 192 : index
        %parallel_loop3A_267 = tpu.vector_load %arg10[%parallel_loop3A_264, %parallel_loop3A_265, %parallel_loop3A_266] {strides = array<i32>} : memref<2x40x256xf32, #tpu.memory_space<vmem>>, vector<16xf32>,
        %parallel_loop3A_268 = arith.index_cast %rem3A_78 : i32 to index
        %parallel_loop3A_269 = arith.index_cast %parallel_loop3A_206 : i32 to index
        %parallel_loop3A_270 = arith.constant 64 : index
        %parallel_loop3A_271 = tpu.vector_load %arg10[%parallel_loop3A_268, %parallel_loop3A_269, %parallel_loop3A_270] {strides = array<i32>} : memref<2x40x256xf32, #tpu.memory_space<vmem>>, vector<16xf32>,
        %parallel_loop3A_272 = arith.mulf %parallel_loop3A_208, %parallel_loop3A_271 : vector<16xf32>
        %parallel_loop3A_273 = arith.addf %parallel_loop3A_267, %parallel_loop3A_272 : vector<16xf32>
        %parallel_loop3A_274 = arith.index_cast %parallel_loop3A_211 : i32 to index
        %parallel_loop3A_275 = arith.constant 64 : index
        %parallel_loop3A_276 = tpu.vector_load %arg11[%parallel_loop3A_274, %parallel_loop3A_275] {strides = array<i32>} : memref<80x128xf32, #tpu.memory_space<vmem>>, vector<16xf32>,
        tpu.vector_store %arg11[%parallel_loop3A_274, %parallel_loop3A_275], %parallel_loop3A_273 {strides = array<i32>} : memref<80x128xf32, #tpu.memory_space<vmem>>, vector<16xf32>,
        %parallel_loop3A_277 = arith.index_cast %rem3A_78 : i32 to index
        %parallel_loop3A_278 = arith.index_cast %parallel_loop3A_206 : i32 to index
        %parallel_loop3A_279 = arith.constant 208 : index
        %parallel_loop3A_280 = tpu.vector_load %arg10[%parallel_loop3A_277, %parallel_loop3A_278, %parallel_loop3A_279] {strides = array<i32>} : memref<2x40x256xf32, #tpu.memory_space<vmem>>, vector<16xf32>,
        %parallel_loop3A_281 = arith.index_cast %rem3A_78 : i32 to index
        %parallel_loop3A_282 = arith.index_cast %parallel_loop3A_206 : i32 to index
        %parallel_loop3A_283 = arith.constant 80 : index
        %parallel_loop3A_284 = tpu.vector_load %arg10[%parallel_loop3A_281, %parallel_loop3A_282, %parallel_loop3A_283] {strides = array<i32>} : memref<2x40x256xf32, #tpu.memory_space<vmem>>, vector<16xf32>,
        %parallel_loop3A_285 = arith.mulf %parallel_loop3A_208, %parallel_loop3A_284 : vector<16xf32>
        %parallel_loop3A_286 = arith.addf %parallel_loop3A_280, %parallel_loop3A_285 : vector<16xf32>
        %parallel_loop3A_287 = arith.index_cast %parallel_loop3A_211 : i32 to index
        %parallel_loop3A_288 = arith.constant 80 : index
        %parallel_loop3A_289 = tpu.vector_load %arg11[%parallel_loop3A_287, %parallel_loop3A_288] {strides = array<i32>} : memref<80x128xf32, #tpu.memory_space<vmem>>, vector<16xf32>,
        tpu.vector_store %arg11[%parallel_loop3A_287, %parallel_loop3A_288], %parallel_loop3A_286 {strides = array<i32>} : memref<80x128xf32, #tpu.memory_space<vmem>>, vector<16xf32>,
        %parallel_loop3A_290 = arith.index_cast %rem3A_78 : i32 to index
        %parallel_loop3A_291 = arith.index_cast %parallel_loop3A_206 : i32 to index
        %parallel_loop3A_292 = arith.constant 224 : index
        %parallel_loop3A_293 = tpu.vector_load %arg10[%parallel_loop3A_290, %parallel_loop3A_291, %parallel_loop3A_292] {strides = array<i32>} : memref<2x40x256xf32, #tpu.memory_space<vmem>>, vector<16xf32>,
        %parallel_loop3A_294 = arith.index_cast %rem3A_78 : i32 to index
        %parallel_loop3A_295 = arith.index_cast %parallel_loop3A_206 : i32 to index
        %parallel_loop3A_296 = arith.constant 96 : index
        %parallel_loop3A_297 = tpu.vector_load %arg10[%parallel_loop3A_294, %parallel_loop3A_295, %parallel_loop3A_296] {strides = array<i32>} : memref<2x40x256xf32, #tpu.memory_space<vmem>>, vector<16xf32>,
        %parallel_loop3A_298 = arith.mulf %parallel_loop3A_208, %parallel_loop3A_297 : vector<16xf32>
        %parallel_loop3A_299 = arith.addf %parallel_loop3A_293, %parallel_loop3A_298 : vector<16xf32>
        %parallel_loop3A_300 = arith.index_cast %parallel_loop3A_211 : i32 to index
        %parallel_loop3A_301 = arith.constant 96 : index
        %parallel_loop3A_302 = tpu.vector_load %arg11[%parallel_loop3A_300, %parallel_loop3A_301] {strides = array<i32>} : memref<80x128xf32, #tpu.memory_space<vmem>>, vector<16xf32>,
        tpu.vector_store %arg11[%parallel_loop3A_300, %parallel_loop3A_301], %parallel_loop3A_299 {strides = array<i32>} : memref<80x128xf32, #tpu.memory_space<vmem>>, vector<16xf32>,
        %parallel_loop3A_303 = arith.index_cast %rem3A_78 : i32 to index
        %parallel_loop3A_304 = arith.index_cast %parallel_loop3A_206 : i32 to index
        %parallel_loop3A_305 = arith.constant 240 : index
        %parallel_loop3A_306 = tpu.vector_load %arg10[%parallel_loop3A_303, %parallel_loop3A_304, %parallel_loop3A_305] {strides = array<i32>} : memref<2x40x256xf32, #tpu.memory_space<vmem>>, vector<16xf32>,
        %parallel_loop3A_307 = arith.index_cast %rem3A_78 : i32 to index
        %parallel_loop3A_308 = arith.index_cast %parallel_loop3A_206 : i32 to index
        %parallel_loop3A_309 = arith.constant 112 : index
        %parallel_loop3A_310 = tpu.vector_load %arg10[%parallel_loop3A_307, %parallel_loop3A_308, %parallel_loop3A_309] {strides = array<i32>} : memref<2x40x256xf32, #tpu.memory_space<vmem>>, vector<16xf32>,
        %parallel_loop3A_311 = arith.mulf %parallel_loop3A_208, %parallel_loop3A_310 : vector<16xf32>
        %parallel_loop3A_312 = arith.addf %parallel_loop3A_306, %parallel_loop3A_311 : vector<16xf32>
        %parallel_loop3A_313 = arith.index_cast %parallel_loop3A_211 : i32 to index
        %parallel_loop3A_314 = arith.constant 112 : index
        %parallel_loop3A_315 = tpu.vector_load %arg11[%parallel_loop3A_313, %parallel_loop3A_314] {strides = array<i32>} : memref<80x128xf32, #tpu.memory_space<vmem>>, vector<16xf32>,
        tpu.vector_store %arg11[%parallel_loop3A_313, %parallel_loop3A_314], %parallel_loop3A_312 {strides = array<i32>} : memref<80x128xf32, #tpu.memory_space<vmem>>, vector<16xf32>,
      } {sc.loop_unroll_factor = 4 : i64, sc.parallel_access}
      %dma_start3A_197 = arith.constant 1 : i32
      %dma_start3A_198 = arith.constant 0 : i32
      %dma_start3A_199 = tpu.memref_slice %arg11[%multiple_of3A_190, %dma_start3A_198] : memref<80x128xf32, #tpu.memory_space<vmem>> -> memref<40x128xf32, #tpu.memory_space<vmem>>
      %dma_start3A_200 = arith.constant 0 : i32
      %dma_start3A_201 = tpu.memref_slice %arg9[%rem3A_81, %dma_start3A_197, %dma_start3A_200] : memref<4x2x40xi32, #tpu.memory_space<vmem>> -> memref<1x1x40xi32, #tpu.memory_space<vmem>>
      %dma_start3A_202 = tpu.memref_squeeze %dma_start3A_201 : memref<1x1x40xi32, #tpu.memory_space<vmem>> -> memref<40xi32, #tpu.memory_space<vmem>>
      %dma_start3A_203 = arith.constant 0 : i32
      %dma_start3A_204 = arith.constant 0 : i32
      %dma_start3A_205 = tpu.memref_slice %arg14[%dma_start3A_203, %dma_start3A_204] : memref<10240x128xf32, #tpu.memory_space<vmem_shared>> -> memref<10240x128xf32, #tpu.memory_space<vmem_shared>>
      tpu.enqueue_indirect_dma source(%dma_start3A_199 : memref<40x128xf32, #tpu.memory_space<vmem>>) target(%dma_start3A_205 : memref<10240x128xf32, #tpu.memory_space<vmem_shared>>) offsets(%dma_start3A_202 : memref<40xi32, #tpu.memory_space<vmem>>) semaphore(%arg16 : memref<!tpu.dma_semaphore, #tpu.memory_space<semaphore_mem>>) {add = true}
    }
    %scan3A_50 = arith.constant 250 : i32
    %rem3A = arith.constant 249 : i32
    %rem3A_51 = arith.constant 2 : i32
    %rem3A_52 = arith.remsi %rem3A, %rem3A_51 : i32
    %mul3A_53 = arith.constant 40 : i32
    %mul3A_54 = arith.muli %rem3A_52, %mul3A_53 : i32
    %multiple_of3A = tpu.assume_multiple %mul3A_54, 8 : i32
    %rem3A_55 = arith.constant 249 : i32
    %rem3A_56 = arith.constant 4 : i32
    %rem3A_57 = arith.remsi %rem3A_55, %rem3A_56 : i32
    %dma_wait3A = arith.constant 1 : i32
    %dma_wait3A_58 = arith.constant 0 : i32
    %dma_wait3A_59 = tpu.memref_slice %arg11[%multiple_of3A, %dma_wait3A_58] : memref<80x128xf32, #tpu.memory_space<vmem>> -> memref<40x128xf32, #tpu.memory_space<vmem>>
    %dma_wait3A_60 = arith.constant 0 : i32
    %dma_wait3A_61 = tpu.memref_slice %arg9[%rem3A_57, %dma_wait3A, %dma_wait3A_60] : memref<4x2x40xi32, #tpu.memory_space<vmem>> -> memref<1x1x40xi32, #tpu.memory_space<vmem>>
    %dma_wait3A_62 = tpu.memref_squeeze %dma_wait3A_61 : memref<1x1x40xi32, #tpu.memory_space<vmem>> -> memref<40xi32, #tpu.memory_space<vmem>>
    %dma_wait3A_63 = arith.constant 0 : i32
    %dma_wait3A_64 = arith.constant 0 : i32
    %dma_wait3A_65 = tpu.memref_slice %arg14[%dma_wait3A_63, %dma_wait3A_64] : memref<10240x128xf32, #tpu.memory_space<vmem_shared>> -> memref<10240x128xf32, #tpu.memory_space<vmem_shared>>
    tpu.wait_indirect_dma semaphore(%arg16 : memref<!tpu.dma_semaphore, #tpu.memory_space<semaphore_mem>>) src(%dma_wait3A_59 : memref<40x128xf32, #tpu.memory_space<vmem>>) dst(%dma_wait3A_65 : memref<10240x128xf32, #tpu.memory_space<vmem_shared>>)
    %barrier3A_66 = arith.constant 0 : index
    tpu.barrier barrier_id(%barrier3A_66)
    %scan3A_67 = arith.constant 0 : i32
    %scan3A_68 = arith.constant 20 : i32
    %scan3A_69 = arith.addi %scan3A_67, %scan3A_68 : i32
    %scan3A_70 = arith.constant 1 : i32
    scf.for %scan3A_72 = %scan3A_67 to %scan3A_69 step %scan3A_70  : i32 {
      %mul3A_73 = arith.constant 1 : i32
      %mul3A_74 = arith.muli %scan3A_72, %mul3A_73 : i32
      %add3A_75 = arith.constant 0 : i32
      %add3A_76 = arith.addi %add3A_75, %mul3A_74 : i32
      %mul3A_77 = arith.constant 32 : i32
      %mul3A_78 = arith.muli %add3A_76, %mul3A_77 : i32
      %add3A_79 = arith.addi %mul3A_4, %mul3A_78 : i32
      %multiple_of3A_80 = tpu.assume_multiple %add3A_79, 8 : i32
      "tpu.region"() ({
        %run_scoped3A_81 = tpu.sem_alloc : memref<!tpu.dma_semaphore, #tpu.memory_space<semaphore_mem>>
        %dma_start3A_82 = arith.constant 0 : i32
        %dma_start3A_83 = tpu.memref_slice %arg6[%arg0, %multiple_of3A_80, %dma_start3A_82] : memref<2x10240x128xf32, #tpu.memory_space<hbm>> -> memref<1x32x128xf32, #tpu.memory_space<hbm>>
        %dma_start3A_84 = tpu.memref_squeeze %dma_start3A_83 : memref<1x32x128xf32, #tpu.memory_space<hbm>> -> memref<32x128xf32, #tpu.memory_space<hbm>>
        %dma_start3A_85 = arith.constant 0 : i32
        %dma_start3A_86 = tpu.memref_slice %arg14[%multiple_of3A_80, %dma_start3A_85] : memref<10240x128xf32, #tpu.memory_space<vmem_shared>> -> memref<32x128xf32, #tpu.memory_space<vmem_shared>>
        tpu.enqueue_dma source(%dma_start3A_86 : memref<32x128xf32, #tpu.memory_space<vmem_shared>>) target(%dma_start3A_84 : memref<32x128xf32, #tpu.memory_space<hbm>>) target_semaphore(%run_scoped3A_81 : memref<!tpu.dma_semaphore, #tpu.memory_space<semaphore_mem>>)
        %dma_wait3A_87 = arith.constant 0 : i32
        %dma_wait3A_88 = tpu.memref_slice %arg6[%arg0, %multiple_of3A_80, %dma_wait3A_87] : memref<2x10240x128xf32, #tpu.memory_space<hbm>> -> memref<1x32x128xf32, #tpu.memory_space<hbm>>
        %dma_wait3A_89 = tpu.memref_squeeze %dma_wait3A_88 : memref<1x32x128xf32, #tpu.memory_space<hbm>> -> memref<32x128xf32, #tpu.memory_space<hbm>>
        %dma_wait3A_90 = arith.constant 0 : i32
        %dma_wait3A_91 = tpu.memref_slice %arg14[%multiple_of3A_80, %dma_wait3A_90] : memref<10240x128xf32, #tpu.memory_space<vmem_shared>> -> memref<32x128xf32, #tpu.memory_space<vmem_shared>>
        tpu.wait_dma2 semaphore(%run_scoped3A_81 : memref<!tpu.dma_semaphore, #tpu.memory_space<semaphore_mem>>) src(%dma_wait3A_91 : memref<32x128xf32, #tpu.memory_space<vmem_shared>>) dst(%dma_wait3A_89 : memref<32x128xf32, #tpu.memory_space<hbm>>)
        tpu.yield
      }) : () -> ()
    }
    %scan3A_71 = arith.constant 20 : i32
    return
  }
}

#map = affine_map<(d0, d1) -> (0, 0)>
module attributes {stable_mosaic.version = 14 : i64} {
  func.func @k(%arg0: i32, %arg1: i32, %arg2: memref<4000x80xi32, #tpu.memory_space<hbm>>, %arg3: memref<32x10240xf32, #tpu.memory_space<hbm>>, %arg4: memref<4x80xi32, #tpu.memory_space<vmem>>, %arg5: memref<10240xf32, #tpu.memory_space<vmem>>, %arg6: memref<!tpu.dma_semaphore, #tpu.memory_space<semaphore_mem>>, %arg7: memref<!tpu.dma_semaphore, #tpu.memory_space<semaphore_mem>>) attributes {dimension_semantics = [#tpu.dimension_semantics<core_parallel>, #tpu.dimension_semantics<subcore_parallel>], iteration_bounds = array<i64: 2, 16>, scalar_prefetch = 0 : i64, scratch_operands = 4 : i64, tpu.core_type = #tpu.core_type<sc_vector_subcore>, window_params = [{transform_indices = #map}, {transform_indices = #map}]} {
    %mul3A = arith.constant 16 : i32
    %mul3A_0 = arith.muli %arg0, %mul3A : i32
    %add3A = arith.addi %mul3A_0, %arg1 : i32
    %mul3A_1 = arith.constant 125 : i32
    %mul3A_2 = arith.muli %add3A, %mul3A_1 : i32
    %scan3A = arith.constant 0 : i32
    %scan3A_3 = arith.constant 640 : i32
    %scan3A_4 = arith.addi %scan3A, %scan3A_3 : i32
    %scan3A_5 = arith.constant 1 : i32
    scf.for %scan3A_26 = %scan3A to %scan3A_4 step %scan3A_5  : i32 {
      %mul3A_27 = arith.constant 1 : i32
      %mul3A_28 = arith.muli %scan3A_26, %mul3A_27 : i32
      %add3A_29 = arith.constant 0 : i32
      %add3A_30 = arith.addi %add3A_29, %mul3A_28 : i32
      %broadcast_in_dim3A = arith.constant 0.000000e+00 : f32
      %broadcast_in_dim3A_31 = vector.broadcast %broadcast_in_dim3A : f32 to vector<16xf32>
      %mul3A_32 = arith.constant 16 : i32
      %mul3A_33 = arith.muli %add3A_30, %mul3A_32 : i32
      %swap3A = arith.index_cast %mul3A_33 : i32 to index
      %swap3A_34 = tpu.vector_load %arg5[%swap3A] {strides = array<i32>} : memref<10240xf32, #tpu.memory_space<vmem>>, vector<16xf32>,
      tpu.vector_store %arg5[%swap3A], %broadcast_in_dim3A_31 {strides = array<i32>} : memref<10240xf32, #tpu.memory_space<vmem>>, vector<16xf32>,
    }
    %scan3A_6 = arith.constant 640 : i32
    %run_scoped3A = arith.constant 0 : i32
    "tpu.region"() ({
      %run_scoped3A_26 = tpu.sem_alloc : memref<!tpu.dma_semaphore, #tpu.memory_space<semaphore_mem>>
      %dma_start3A_27 = arith.constant 0 : i32
      %dma_start3A_28 = tpu.memref_slice %arg4[%run_scoped3A, %dma_start3A_27] : memref<4x80xi32, #tpu.memory_space<vmem>> -> memref<1x80xi32, #tpu.memory_space<vmem>>
      %dma_start3A_29 = tpu.memref_squeeze %dma_start3A_28 : memref<1x80xi32, #tpu.memory_space<vmem>> -> memref<80xi32, #tpu.memory_space<vmem>>
      %dma_start3A_30 = arith.constant 0 : i32
      %dma_start3A_31 = tpu.memref_slice %arg2[%mul3A_2, %dma_start3A_30] : memref<4000x80xi32, #tpu.memory_space<hbm>> -> memref<1x80xi32, #tpu.memory_space<hbm>>
      %dma_start3A_32 = tpu.memref_squeeze %dma_start3A_31 : memref<1x80xi32, #tpu.memory_space<hbm>> -> memref<80xi32, #tpu.memory_space<hbm>>
      %dma_start3A_33 = arith.constant 0 : i32
      %dma_start3A_34 = tpu.memref_slice %arg4[%run_scoped3A, %dma_start3A_33] : memref<4x80xi32, #tpu.memory_space<vmem>> -> memref<1x80xi32, #tpu.memory_space<vmem>>
      %dma_start3A_35 = tpu.memref_squeeze %dma_start3A_34 : memref<1x80xi32, #tpu.memory_space<vmem>> -> memref<80xi32, #tpu.memory_space<vmem>>
      %dma_start3A_36 = arith.constant 0 : i32
      %dma_start3A_37 = tpu.memref_slice %arg2[%mul3A_2, %dma_start3A_36] : memref<4000x80xi32, #tpu.memory_space<hbm>> -> memref<1x80xi32, #tpu.memory_space<hbm>>
      %dma_start3A_38 = tpu.memref_squeeze %dma_start3A_37 : memref<1x80xi32, #tpu.memory_space<hbm>> -> memref<80xi32, #tpu.memory_space<hbm>>
      tpu.enqueue_dma source(%dma_start3A_38 : memref<80xi32, #tpu.memory_space<hbm>>) target(%dma_start3A_35 : memref<80xi32, #tpu.memory_space<vmem>>) target_semaphore(%run_scoped3A_26 : memref<!tpu.dma_semaphore, #tpu.memory_space<semaphore_mem>>)
      %dma_wait3A = arith.constant 0 : i32
      %dma_wait3A_39 = tpu.memref_slice %arg4[%run_scoped3A, %dma_wait3A] : memref<4x80xi32, #tpu.memory_space<vmem>> -> memref<1x80xi32, #tpu.memory_space<vmem>>
      %dma_wait3A_40 = tpu.memref_squeeze %dma_wait3A_39 : memref<1x80xi32, #tpu.memory_space<vmem>> -> memref<80xi32, #tpu.memory_space<vmem>>
      %dma_wait3A_41 = arith.constant 0 : i32
      %dma_wait3A_42 = tpu.memref_slice %arg2[%mul3A_2, %dma_wait3A_41] : memref<4000x80xi32, #tpu.memory_space<hbm>> -> memref<1x80xi32, #tpu.memory_space<hbm>>
      %dma_wait3A_43 = tpu.memref_squeeze %dma_wait3A_42 : memref<1x80xi32, #tpu.memory_space<hbm>> -> memref<80xi32, #tpu.memory_space<hbm>>
      %dma_wait3A_44 = arith.constant 0 : i32
      %dma_wait3A_45 = tpu.memref_slice %arg4[%run_scoped3A, %dma_wait3A_44] : memref<4x80xi32, #tpu.memory_space<vmem>> -> memref<1x80xi32, #tpu.memory_space<vmem>>
      %dma_wait3A_46 = tpu.memref_squeeze %dma_wait3A_45 : memref<1x80xi32, #tpu.memory_space<vmem>> -> memref<80xi32, #tpu.memory_space<vmem>>
      %dma_wait3A_47 = arith.constant 0 : i32
      %dma_wait3A_48 = tpu.memref_slice %arg2[%mul3A_2, %dma_wait3A_47] : memref<4000x80xi32, #tpu.memory_space<hbm>> -> memref<1x80xi32, #tpu.memory_space<hbm>>
      %dma_wait3A_49 = tpu.memref_squeeze %dma_wait3A_48 : memref<1x80xi32, #tpu.memory_space<hbm>> -> memref<80xi32, #tpu.memory_space<hbm>>
      tpu.wait_dma2 semaphore(%run_scoped3A_26 : memref<!tpu.dma_semaphore, #tpu.memory_space<semaphore_mem>>) src(%dma_wait3A_49 : memref<80xi32, #tpu.memory_space<hbm>>) dst(%dma_wait3A_46 : memref<80xi32, #tpu.memory_space<vmem>>)
      tpu.yield
    }) : () -> ()
    %add3A_7 = arith.constant 1 : i32
    %add3A_8 = arith.addi %mul3A_2, %add3A_7 : i32
    %dma_start3A = arith.constant 1 : i32
    %dma_start3A_9 = arith.constant 0 : i32
    %dma_start3A_10 = tpu.memref_slice %arg4[%dma_start3A, %dma_start3A_9] : memref<4x80xi32, #tpu.memory_space<vmem>> -> memref<1x80xi32, #tpu.memory_space<vmem>>
    %dma_start3A_11 = tpu.memref_squeeze %dma_start3A_10 : memref<1x80xi32, #tpu.memory_space<vmem>> -> memref<80xi32, #tpu.memory_space<vmem>>
    %dma_start3A_12 = arith.constant 0 : i32
    %dma_start3A_13 = tpu.memref_slice %arg2[%add3A_8, %dma_start3A_12] : memref<4000x80xi32, #tpu.memory_space<hbm>> -> memref<1x80xi32, #tpu.memory_space<hbm>>
    %dma_start3A_14 = tpu.memref_squeeze %dma_start3A_13 : memref<1x80xi32, #tpu.memory_space<hbm>> -> memref<80xi32, #tpu.memory_space<hbm>>
    %dma_start3A_15 = arith.constant 0 : i32
    %dma_start3A_16 = tpu.memref_slice %arg4[%dma_start3A, %dma_start3A_15] : memref<4x80xi32, #tpu.memory_space<vmem>> -> memref<1x80xi32, #tpu.memory_space<vmem>>
    %dma_start3A_17 = tpu.memref_squeeze %dma_start3A_16 : memref<1x80xi32, #tpu.memory_space<vmem>> -> memref<80xi32, #tpu.memory_space<vmem>>
    %dma_start3A_18 = arith.constant 0 : i32
    %dma_start3A_19 = tpu.memref_slice %arg2[%add3A_8, %dma_start3A_18] : memref<4000x80xi32, #tpu.memory_space<hbm>> -> memref<1x80xi32, #tpu.memory_space<hbm>>
    %dma_start3A_20 = tpu.memref_squeeze %dma_start3A_19 : memref<1x80xi32, #tpu.memory_space<hbm>> -> memref<80xi32, #tpu.memory_space<hbm>>
    tpu.enqueue_dma source(%dma_start3A_20 : memref<80xi32, #tpu.memory_space<hbm>>) target(%dma_start3A_17 : memref<80xi32, #tpu.memory_space<vmem>>) target_semaphore(%arg7 : memref<!tpu.dma_semaphore, #tpu.memory_space<semaphore_mem>>)
    %scan3A_21 = arith.constant 0 : i32
    %scan3A_22 = arith.constant 125 : i32
    %scan3A_23 = arith.addi %scan3A_21, %scan3A_22 : i32
    %scan3A_24 = arith.constant 1 : i32
    scf.for %scan3A_26 = %scan3A_21 to %scan3A_23 step %scan3A_24  : i32 {
      %mul3A_27 = arith.constant 1 : i32
      %mul3A_28 = arith.muli %scan3A_26, %mul3A_27 : i32
      %add3A_29 = arith.constant 0 : i32
      %add3A_30 = arith.addi %add3A_29, %mul3A_28 : i32
      %rem3A = arith.constant 4 : i32
      %rem3A_31 = arith.remsi %add3A_30, %rem3A : i32
      %add3A_32 = arith.constant 1 : i32
      %add3A_33 = arith.addi %add3A_30, %add3A_32 : i32
      %lt3A = arith.constant 125 : i32
      %lt3A_34 = arith.cmpi slt, %add3A_33, %lt3A : i32
      %convert_element_type3A = arith.extui %lt3A_34 : i1 to i32
      %cond3A = arith.constant 0 : i32
      %cond3A_35 = arith.cmpi ne, %convert_element_type3A, %cond3A : i32
      scf.if %cond3A_35 {
        %add3A_66 = arith.constant 1 : i32
        %add3A_67 = arith.addi %add3A_30, %add3A_66 : i32
        %rem3A_68 = arith.constant 2 : i32
        %rem3A_69 = arith.remsi %add3A_67, %rem3A_68 : i32
        %eq3A = arith.constant 0 : i32
        %eq3A_70 = arith.cmpi eq, %rem3A_69, %eq3A : i32
        %convert_element_type3A_71 = arith.extui %eq3A_70 : i1 to i32
        %cond3A_72 = arith.constant 0 : i32
        %cond3A_73 = arith.cmpi ne, %convert_element_type3A_71, %cond3A_72 : i32
        scf.if %cond3A_73 {
          %add3A_81 = arith.addi %mul3A_2, %add3A_67 : i32
          %rem3A_82 = arith.constant 4 : i32
          %rem3A_83 = arith.remsi %add3A_67, %rem3A_82 : i32
          %dma_wait3A = arith.constant 0 : i32
          %dma_wait3A_84 = tpu.memref_slice %arg4[%rem3A_83, %dma_wait3A] : memref<4x80xi32, #tpu.memory_space<vmem>> -> memref<1x80xi32, #tpu.memory_space<vmem>>
          %dma_wait3A_85 = tpu.memref_squeeze %dma_wait3A_84 : memref<1x80xi32, #tpu.memory_space<vmem>> -> memref<80xi32, #tpu.memory_space<vmem>>
          %dma_wait3A_86 = arith.constant 0 : i32
          %dma_wait3A_87 = tpu.memref_slice %arg2[%add3A_81, %dma_wait3A_86] : memref<4000x80xi32, #tpu.memory_space<hbm>> -> memref<1x80xi32, #tpu.memory_space<hbm>>
          %dma_wait3A_88 = tpu.memref_squeeze %dma_wait3A_87 : memref<1x80xi32, #tpu.memory_space<hbm>> -> memref<80xi32, #tpu.memory_space<hbm>>
          %dma_wait3A_89 = arith.constant 0 : i32
          %dma_wait3A_90 = tpu.memref_slice %arg4[%rem3A_83, %dma_wait3A_89] : memref<4x80xi32, #tpu.memory_space<vmem>> -> memref<1x80xi32, #tpu.memory_space<vmem>>
          %dma_wait3A_91 = tpu.memref_squeeze %dma_wait3A_90 : memref<1x80xi32, #tpu.memory_space<vmem>> -> memref<80xi32, #tpu.memory_space<vmem>>
          %dma_wait3A_92 = arith.constant 0 : i32
          %dma_wait3A_93 = tpu.memref_slice %arg2[%add3A_81, %dma_wait3A_92] : memref<4000x80xi32, #tpu.memory_space<hbm>> -> memref<1x80xi32, #tpu.memory_space<hbm>>
          %dma_wait3A_94 = tpu.memref_squeeze %dma_wait3A_93 : memref<1x80xi32, #tpu.memory_space<hbm>> -> memref<80xi32, #tpu.memory_space<hbm>>
          tpu.wait_dma2 semaphore(%arg6 : memref<!tpu.dma_semaphore, #tpu.memory_space<semaphore_mem>>) src(%dma_wait3A_94 : memref<80xi32, #tpu.memory_space<hbm>>) dst(%dma_wait3A_91 : memref<80xi32, #tpu.memory_space<vmem>>)
        } else {
        }
        %rem3A_74 = arith.constant 2 : i32
        %rem3A_75 = arith.remsi %add3A_67, %rem3A_74 : i32
        %eq3A_76 = arith.constant 1 : i32
        %eq3A_77 = arith.cmpi eq, %rem3A_75, %eq3A_76 : i32
        %convert_element_type3A_78 = arith.extui %eq3A_77 : i1 to i32
        %cond3A_79 = arith.constant 0 : i32
        %cond3A_80 = arith.cmpi ne, %convert_element_type3A_78, %cond3A_79 : i32
        scf.if %cond3A_80 {
          %add3A_81 = arith.addi %mul3A_2, %add3A_67 : i32
          %rem3A_82 = arith.constant 4 : i32
          %rem3A_83 = arith.remsi %add3A_67, %rem3A_82 : i32
          %dma_wait3A = arith.constant 0 : i32
          %dma_wait3A_84 = tpu.memref_slice %arg4[%rem3A_83, %dma_wait3A] : memref<4x80xi32, #tpu.memory_space<vmem>> -> memref<1x80xi32, #tpu.memory_space<vmem>>
          %dma_wait3A_85 = tpu.memref_squeeze %dma_wait3A_84 : memref<1x80xi32, #tpu.memory_space<vmem>> -> memref<80xi32, #tpu.memory_space<vmem>>
          %dma_wait3A_86 = arith.constant 0 : i32
          %dma_wait3A_87 = tpu.memref_slice %arg2[%add3A_81, %dma_wait3A_86] : memref<4000x80xi32, #tpu.memory_space<hbm>> -> memref<1x80xi32, #tpu.memory_space<hbm>>
          %dma_wait3A_88 = tpu.memref_squeeze %dma_wait3A_87 : memref<1x80xi32, #tpu.memory_space<hbm>> -> memref<80xi32, #tpu.memory_space<hbm>>
          %dma_wait3A_89 = arith.constant 0 : i32
          %dma_wait3A_90 = tpu.memref_slice %arg4[%rem3A_83, %dma_wait3A_89] : memref<4x80xi32, #tpu.memory_space<vmem>> -> memref<1x80xi32, #tpu.memory_space<vmem>>
          %dma_wait3A_91 = tpu.memref_squeeze %dma_wait3A_90 : memref<1x80xi32, #tpu.memory_space<vmem>> -> memref<80xi32, #tpu.memory_space<vmem>>
          %dma_wait3A_92 = arith.constant 0 : i32
          %dma_wait3A_93 = tpu.memref_slice %arg2[%add3A_81, %dma_wait3A_92] : memref<4000x80xi32, #tpu.memory_space<hbm>> -> memref<1x80xi32, #tpu.memory_space<hbm>>
          %dma_wait3A_94 = tpu.memref_squeeze %dma_wait3A_93 : memref<1x80xi32, #tpu.memory_space<hbm>> -> memref<80xi32, #tpu.memory_space<hbm>>
          tpu.wait_dma2 semaphore(%arg7 : memref<!tpu.dma_semaphore, #tpu.memory_space<semaphore_mem>>) src(%dma_wait3A_94 : memref<80xi32, #tpu.memory_space<hbm>>) dst(%dma_wait3A_91 : memref<80xi32, #tpu.memory_space<vmem>>)
        } else {
        }
      } else {
      }
      %add3A_36 = arith.constant 2 : i32
      %add3A_37 = arith.addi %add3A_30, %add3A_36 : i32
      %lt3A_38 = arith.constant 125 : i32
      %lt3A_39 = arith.cmpi slt, %add3A_37, %lt3A_38 : i32
      %convert_element_type3A_40 = arith.extui %lt3A_39 : i1 to i32
      %cond3A_41 = arith.constant 0 : i32
      %cond3A_42 = arith.cmpi ne, %convert_element_type3A_40, %cond3A_41 : i32
      scf.if %cond3A_42 {
        %add3A_66 = arith.constant 2 : i32
        %add3A_67 = arith.addi %add3A_30, %add3A_66 : i32
        %rem3A_68 = arith.constant 2 : i32
        %rem3A_69 = arith.remsi %add3A_67, %rem3A_68 : i32
        %eq3A = arith.constant 0 : i32
        %eq3A_70 = arith.cmpi eq, %rem3A_69, %eq3A : i32
        %convert_element_type3A_71 = arith.extui %eq3A_70 : i1 to i32
        %cond3A_72 = arith.constant 0 : i32
        %cond3A_73 = arith.cmpi ne, %convert_element_type3A_71, %cond3A_72 : i32
        scf.if %cond3A_73 {
          %add3A_81 = arith.addi %mul3A_2, %add3A_67 : i32
          %rem3A_82 = arith.constant 4 : i32
          %rem3A_83 = arith.remsi %add3A_67, %rem3A_82 : i32
          %dma_start3A_84 = arith.constant 0 : i32
          %dma_start3A_85 = tpu.memref_slice %arg4[%rem3A_83, %dma_start3A_84] : memref<4x80xi32, #tpu.memory_space<vmem>> -> memref<1x80xi32, #tpu.memory_space<vmem>>
          %dma_start3A_86 = tpu.memref_squeeze %dma_start3A_85 : memref<1x80xi32, #tpu.memory_space<vmem>> -> memref<80xi32, #tpu.memory_space<vmem>>
          %dma_start3A_87 = arith.constant 0 : i32
          %dma_start3A_88 = tpu.memref_slice %arg2[%add3A_81, %dma_start3A_87] : memref<4000x80xi32, #tpu.memory_space<hbm>> -> memref<1x80xi32, #tpu.memory_space<hbm>>
          %dma_start3A_89 = tpu.memref_squeeze %dma_start3A_88 : memref<1x80xi32, #tpu.memory_space<hbm>> -> memref<80xi32, #tpu.memory_space<hbm>>
          %dma_start3A_90 = arith.constant 0 : i32
          %dma_start3A_91 = tpu.memref_slice %arg4[%rem3A_83, %dma_start3A_90] : memref<4x80xi32, #tpu.memory_space<vmem>> -> memref<1x80xi32, #tpu.memory_space<vmem>>
          %dma_start3A_92 = tpu.memref_squeeze %dma_start3A_91 : memref<1x80xi32, #tpu.memory_space<vmem>> -> memref<80xi32, #tpu.memory_space<vmem>>
          %dma_start3A_93 = arith.constant 0 : i32
          %dma_start3A_94 = tpu.memref_slice %arg2[%add3A_81, %dma_start3A_93] : memref<4000x80xi32, #tpu.memory_space<hbm>> -> memref<1x80xi32, #tpu.memory_space<hbm>>
          %dma_start3A_95 = tpu.memref_squeeze %dma_start3A_94 : memref<1x80xi32, #tpu.memory_space<hbm>> -> memref<80xi32, #tpu.memory_space<hbm>>
          tpu.enqueue_dma source(%dma_start3A_95 : memref<80xi32, #tpu.memory_space<hbm>>) target(%dma_start3A_92 : memref<80xi32, #tpu.memory_space<vmem>>) target_semaphore(%arg6 : memref<!tpu.dma_semaphore, #tpu.memory_space<semaphore_mem>>)
        } else {
        }
        %rem3A_74 = arith.constant 2 : i32
        %rem3A_75 = arith.remsi %add3A_67, %rem3A_74 : i32
        %eq3A_76 = arith.constant 1 : i32
        %eq3A_77 = arith.cmpi eq, %rem3A_75, %eq3A_76 : i32
        %convert_element_type3A_78 = arith.extui %eq3A_77 : i1 to i32
        %cond3A_79 = arith.constant 0 : i32
        %cond3A_80 = arith.cmpi ne, %convert_element_type3A_78, %cond3A_79 : i32
        scf.if %cond3A_80 {
          %add3A_81 = arith.addi %mul3A_2, %add3A_67 : i32
          %rem3A_82 = arith.constant 4 : i32
          %rem3A_83 = arith.remsi %add3A_67, %rem3A_82 : i32
          %dma_start3A_84 = arith.constant 0 : i32
          %dma_start3A_85 = tpu.memref_slice %arg4[%rem3A_83, %dma_start3A_84] : memref<4x80xi32, #tpu.memory_space<vmem>> -> memref<1x80xi32, #tpu.memory_space<vmem>>
          %dma_start3A_86 = tpu.memref_squeeze %dma_start3A_85 : memref<1x80xi32, #tpu.memory_space<vmem>> -> memref<80xi32, #tpu.memory_space<vmem>>
          %dma_start3A_87 = arith.constant 0 : i32
          %dma_start3A_88 = tpu.memref_slice %arg2[%add3A_81, %dma_start3A_87] : memref<4000x80xi32, #tpu.memory_space<hbm>> -> memref<1x80xi32, #tpu.memory_space<hbm>>
          %dma_start3A_89 = tpu.memref_squeeze %dma_start3A_88 : memref<1x80xi32, #tpu.memory_space<hbm>> -> memref<80xi32, #tpu.memory_space<hbm>>
          %dma_start3A_90 = arith.constant 0 : i32
          %dma_start3A_91 = tpu.memref_slice %arg4[%rem3A_83, %dma_start3A_90] : memref<4x80xi32, #tpu.memory_space<vmem>> -> memref<1x80xi32, #tpu.memory_space<vmem>>
          %dma_start3A_92 = tpu.memref_squeeze %dma_start3A_91 : memref<1x80xi32, #tpu.memory_space<vmem>> -> memref<80xi32, #tpu.memory_space<vmem>>
          %dma_start3A_93 = arith.constant 0 : i32
          %dma_start3A_94 = tpu.memref_slice %arg2[%add3A_81, %dma_start3A_93] : memref<4000x80xi32, #tpu.memory_space<hbm>> -> memref<1x80xi32, #tpu.memory_space<hbm>>
          %dma_start3A_95 = tpu.memref_squeeze %dma_start3A_94 : memref<1x80xi32, #tpu.memory_space<hbm>> -> memref<80xi32, #tpu.memory_space<hbm>>
          tpu.enqueue_dma source(%dma_start3A_95 : memref<80xi32, #tpu.memory_space<hbm>>) target(%dma_start3A_92 : memref<80xi32, #tpu.memory_space<vmem>>) target_semaphore(%arg7 : memref<!tpu.dma_semaphore, #tpu.memory_space<semaphore_mem>>)
        } else {
        }
      } else {
      }
      %get3A = arith.index_cast %rem3A_31 : i32 to index
      %get3A_43 = arith.constant 0 : index
      %get3A_44 = tpu.vector_load %arg4[%get3A, %get3A_43] {strides = array<i32>} : memref<4x80xi32, #tpu.memory_space<vmem>>, vector<16xi32>,
      %broadcast_in_dim3A = arith.constant 1.000000e+00 : f32
      %broadcast_in_dim3A_45 = vector.broadcast %broadcast_in_dim3A : f32 to vector<16xf32>
      tpu.vector_store_idx %arg5[%get3A_44], %broadcast_in_dim3A_45 {add = true} : memref<10240xf32, #tpu.memory_space<vmem>>[vector<16xi32>], vector<16xf32>,
      %get3A_46 = arith.index_cast %rem3A_31 : i32 to index
      %get3A_47 = arith.constant 16 : index
      %get3A_48 = tpu.vector_load %arg4[%get3A_46, %get3A_47] {strides = array<i32>} : memref<4x80xi32, #tpu.memory_space<vmem>>, vector<16xi32>,
      %broadcast_in_dim3A_49 = arith.constant 1.000000e+00 : f32
      %broadcast_in_dim3A_50 = vector.broadcast %broadcast_in_dim3A_49 : f32 to vector<16xf32>
      tpu.vector_store_idx %arg5[%get3A_48], %broadcast_in_dim3A_50 {add = true} : memref<10240xf32, #tpu.memory_space<vmem>>[vector<16xi32>], vector<16xf32>,
      %get3A_51 = arith.index_cast %rem3A_31 : i32 to index
      %get3A_52 = arith.constant 32 : index
      %get3A_53 = tpu.vector_load %arg4[%get3A_51, %get3A_52] {strides = array<i32>} : memref<4x80xi32, #tpu.memory_space<vmem>>, vector<16xi32>,
      %broadcast_in_dim3A_54 = arith.constant 1.000000e+00 : f32
      %broadcast_in_dim3A_55 = vector.broadcast %broadcast_in_dim3A_54 : f32 to vector<16xf32>
      tpu.vector_store_idx %arg5[%get3A_53], %broadcast_in_dim3A_55 {add = true} : memref<10240xf32, #tpu.memory_space<vmem>>[vector<16xi32>], vector<16xf32>,
      %get3A_56 = arith.index_cast %rem3A_31 : i32 to index
      %get3A_57 = arith.constant 48 : index
      %get3A_58 = tpu.vector_load %arg4[%get3A_56, %get3A_57] {strides = array<i32>} : memref<4x80xi32, #tpu.memory_space<vmem>>, vector<16xi32>,
      %broadcast_in_dim3A_59 = arith.constant 1.000000e+00 : f32
      %broadcast_in_dim3A_60 = vector.broadcast %broadcast_in_dim3A_59 : f32 to vector<16xf32>
      tpu.vector_store_idx %arg5[%get3A_58], %broadcast_in_dim3A_60 {add = true} : memref<10240xf32, #tpu.memory_space<vmem>>[vector<16xi32>], vector<16xf32>,
      %get3A_61 = arith.index_cast %rem3A_31 : i32 to index
      %get3A_62 = arith.constant 64 : index
      %get3A_63 = tpu.vector_load %arg4[%get3A_61, %get3A_62] {strides = array<i32>} : memref<4x80xi32, #tpu.memory_space<vmem>>, vector<16xi32>,
      %broadcast_in_dim3A_64 = arith.constant 1.000000e+00 : f32
      %broadcast_in_dim3A_65 = vector.broadcast %broadcast_in_dim3A_64 : f32 to vector<16xf32>
      tpu.vector_store_idx %arg5[%get3A_63], %broadcast_in_dim3A_65 {add = true} : memref<10240xf32, #tpu.memory_space<vmem>>[vector<16xi32>], vector<16xf32>,
    }
    %scan3A_25 = arith.constant 125 : i32
    "tpu.region"() ({
      %run_scoped3A_26 = tpu.sem_alloc : memref<!tpu.dma_semaphore, #tpu.memory_space<semaphore_mem>>
      %dma_start3A_27 = arith.constant 0 : i32
      %dma_start3A_28 = tpu.memref_slice %arg3[%add3A, %dma_start3A_27] : memref<32x10240xf32, #tpu.memory_space<hbm>> -> memref<1x10240xf32, #tpu.memory_space<hbm>>
      %dma_start3A_29 = tpu.memref_squeeze %dma_start3A_28 : memref<1x10240xf32, #tpu.memory_space<hbm>> -> memref<10240xf32, #tpu.memory_space<hbm>>
      %dma_start3A_30 = arith.constant 0 : i32
      %dma_start3A_31 = tpu.memref_slice %arg3[%add3A, %dma_start3A_30] : memref<32x10240xf32, #tpu.memory_space<hbm>> -> memref<1x10240xf32, #tpu.memory_space<hbm>>
      %dma_start3A_32 = tpu.memref_squeeze %dma_start3A_31 : memref<1x10240xf32, #tpu.memory_space<hbm>> -> memref<10240xf32, #tpu.memory_space<hbm>>
      tpu.enqueue_dma source(%arg5 : memref<10240xf32, #tpu.memory_space<vmem>>) target(%dma_start3A_32 : memref<10240xf32, #tpu.memory_space<hbm>>) target_semaphore(%run_scoped3A_26 : memref<!tpu.dma_semaphore, #tpu.memory_space<semaphore_mem>>)
      %dma_wait3A = arith.constant 0 : i32
      %dma_wait3A_33 = tpu.memref_slice %arg3[%add3A, %dma_wait3A] : memref<32x10240xf32, #tpu.memory_space<hbm>> -> memref<1x10240xf32, #tpu.memory_space<hbm>>
      %dma_wait3A_34 = tpu.memref_squeeze %dma_wait3A_33 : memref<1x10240xf32, #tpu.memory_space<hbm>> -> memref<10240xf32, #tpu.memory_space<hbm>>
      %dma_wait3A_35 = arith.constant 0 : i32
      %dma_wait3A_36 = tpu.memref_slice %arg3[%add3A, %dma_wait3A_35] : memref<32x10240xf32, #tpu.memory_space<hbm>> -> memref<1x10240xf32, #tpu.memory_space<hbm>>
      %dma_wait3A_37 = tpu.memref_squeeze %dma_wait3A_36 : memref<1x10240xf32, #tpu.memory_space<hbm>> -> memref<10240xf32, #tpu.memory_space<hbm>>
      tpu.wait_dma2 semaphore(%run_scoped3A_26 : memref<!tpu.dma_semaphore, #tpu.memory_space<semaphore_mem>>) src(%arg5 : memref<10240xf32, #tpu.memory_space<vmem>>) dst(%dma_wait3A_37 : memref<10240xf32, #tpu.memory_space<hbm>>)
      tpu.yield
    }) : () -> ()
    return
  }
}

#map = affine_map<(d0, d1) -> (0, 0)>
#map1 = affine_map<(d0, d1) -> (0)>
#map2 = affine_map<(d0, d1) -> (0, 0, 0)>
module attributes {stable_mosaic.version = 14 : i64} {
  func.func @k(%arg0: i32, %arg1: i32, %arg2: memref<10000x256xf32, #tpu.memory_space<hbm>>, %arg3: memref<10000xf32, #tpu.memory_space<hbm>>, %arg4: memref<8000x2x40xi32, #tpu.memory_space<hbm>>, %arg5: memref<16xf32, #tpu.memory_space<hbm>>, %arg6: memref<2x10240x128xf32, #tpu.memory_space<hbm>>, %arg7: memref<10000xf32, #tpu.memory_space<vmem>>, %arg8: memref<16xf32, #tpu.memory_space<vmem>>, %arg9: memref<4x2x40xi32, #tpu.memory_space<vmem>>, %arg10: memref<2x40x256xf32, #tpu.memory_space<vmem>>, %arg11: memref<80x128xf32, #tpu.memory_space<vmem>>, %arg12: memref<32x128xf32, #tpu.memory_space<vmem>>, %arg13: memref<40xf32, #tpu.memory_space<vmem>>, %arg14: memref<10240x128xf32, #tpu.memory_space<vmem_shared>>, %arg15: memref<!tpu.dma_semaphore, #tpu.memory_space<semaphore_mem>>, %arg16: memref<!tpu.dma_semaphore, #tpu.memory_space<semaphore_mem>>, %arg17: memref<!tpu.dma_semaphore, #tpu.memory_space<semaphore_mem>>, %arg18: memref<!tpu.dma_semaphore, #tpu.memory_space<semaphore_mem>>) attributes {dimension_semantics = [#tpu.dimension_semantics<core_parallel>, #tpu.dimension_semantics<subcore_parallel>], iteration_bounds = array<i64: 2, 16>, scalar_prefetch = 0 : i64, scratch_operands = 12 : i64, tpu.core_type = #tpu.core_type<sc_vector_subcore>, window_params = [{transform_indices = #map}, {transform_indices = #map1}, {transform_indices = #map2}, {transform_indices = #map1}, {transform_indices = #map2}]} {
    %mul3A = arith.constant 16 : i32
    %mul3A_0 = arith.muli %arg0, %mul3A : i32
    %add3A = arith.addi %mul3A_0, %arg1 : i32
    %mul3A_1 = arith.constant 250 : i32
    %mul3A_2 = arith.muli %add3A, %mul3A_1 : i32
    %mul3A_3 = arith.constant 640 : i32
    %mul3A_4 = arith.muli %arg1, %mul3A_3 : i32
    "tpu.region"() ({
      %run_scoped3A_72 = tpu.sem_alloc : memref<!tpu.dma_semaphore, #tpu.memory_space<semaphore_mem>>
      tpu.enqueue_dma source(%arg3 : memref<10000xf32, #tpu.memory_space<hbm>>) target(%arg7 : memref<10000xf32, #tpu.memory_space<vmem>>) target_semaphore(%run_scoped3A_72 : memref<!tpu.dma_semaphore, #tpu.memory_space<semaphore_mem>>)
      tpu.wait_dma2 semaphore(%run_scoped3A_72 : memref<!tpu.dma_semaphore, #tpu.memory_space<semaphore_mem>>) src(%arg3 : memref<10000xf32, #tpu.memory_space<hbm>>) dst(%arg7 : memref<10000xf32, #tpu.memory_space<vmem>>)
      tpu.yield
    }) : () -> ()
    "tpu.region"() ({
      %run_scoped3A_72 = tpu.sem_alloc : memref<!tpu.dma_semaphore, #tpu.memory_space<semaphore_mem>>
      tpu.enqueue_dma source(%arg5 : memref<16xf32, #tpu.memory_space<hbm>>) target(%arg8 : memref<16xf32, #tpu.memory_space<vmem>>) target_semaphore(%run_scoped3A_72 : memref<!tpu.dma_semaphore, #tpu.memory_space<semaphore_mem>>)
      tpu.wait_dma2 semaphore(%run_scoped3A_72 : memref<!tpu.dma_semaphore, #tpu.memory_space<semaphore_mem>>) src(%arg5 : memref<16xf32, #tpu.memory_space<hbm>>) dst(%arg8 : memref<16xf32, #tpu.memory_space<vmem>>)
      tpu.yield
    }) : () -> ()
    %scan3A = arith.constant 0 : i32
    %scan3A_5 = arith.constant 32 : i32
    %scan3A_6 = arith.addi %scan3A, %scan3A_5 : i32
    %scan3A_7 = arith.constant 1 : i32
    scf.for %scan3A_72 = %scan3A to %scan3A_6 step %scan3A_7  : i32 {
      %mul3A_73 = arith.constant 1 : i32
      %mul3A_74 = arith.muli %scan3A_72, %mul3A_73 : i32
      %add3A_75 = arith.constant 0 : i32
      %add3A_76 = arith.addi %add3A_75, %mul3A_74 : i32
      %broadcast_in_dim3A = arith.constant 0.000000e+00 : f32
      %broadcast_in_dim3A_77 = vector.broadcast %broadcast_in_dim3A : f32 to vector<16xf32>
      %swap3A = arith.index_cast %add3A_76 : i32 to index
      %swap3A_78 = arith.constant 0 : index
      %swap3A_79 = tpu.vector_load %arg12[%swap3A, %swap3A_78] {strides = array<i32>} : memref<32x128xf32, #tpu.memory_space<vmem>>, vector<16xf32>,
      tpu.vector_store %arg12[%swap3A, %swap3A_78], %broadcast_in_dim3A_77 {strides = array<i32>} : memref<32x128xf32, #tpu.memory_space<vmem>>, vector<16xf32>,
      %broadcast_in_dim3A_80 = arith.constant 0.000000e+00 : f32
      %broadcast_in_dim3A_81 = vector.broadcast %broadcast_in_dim3A_80 : f32 to vector<16xf32>
      %swap3A_82 = arith.index_cast %add3A_76 : i32 to index
      %swap3A_83 = arith.constant 16 : index
      %swap3A_84 = tpu.vector_load %arg12[%swap3A_82, %swap3A_83] {strides = array<i32>} : memref<32x128xf32, #tpu.memory_space<vmem>>, vector<16xf32>,
      tpu.vector_store %arg12[%swap3A_82, %swap3A_83], %broadcast_in_dim3A_81 {strides = array<i32>} : memref<32x128xf32, #tpu.memory_space<vmem>>, vector<16xf32>,
      %broadcast_in_dim3A_85 = arith.constant 0.000000e+00 : f32
      %broadcast_in_dim3A_86 = vector.broadcast %broadcast_in_dim3A_85 : f32 to vector<16xf32>
      %swap3A_87 = arith.index_cast %add3A_76 : i32 to index
      %swap3A_88 = arith.constant 32 : index
      %swap3A_89 = tpu.vector_load %arg12[%swap3A_87, %swap3A_88] {strides = array<i32>} : memref<32x128xf32, #tpu.memory_space<vmem>>, vector<16xf32>,
      tpu.vector_store %arg12[%swap3A_87, %swap3A_88], %broadcast_in_dim3A_86 {strides = array<i32>} : memref<32x128xf32, #tpu.memory_space<vmem>>, vector<16xf32>,
      %broadcast_in_dim3A_90 = arith.constant 0.000000e+00 : f32
      %broadcast_in_dim3A_91 = vector.broadcast %broadcast_in_dim3A_90 : f32 to vector<16xf32>
      %swap3A_92 = arith.index_cast %add3A_76 : i32 to index
      %swap3A_93 = arith.constant 48 : index
      %swap3A_94 = tpu.vector_load %arg12[%swap3A_92, %swap3A_93] {strides = array<i32>} : memref<32x128xf32, #tpu.memory_space<vmem>>, vector<16xf32>,
      tpu.vector_store %arg12[%swap3A_92, %swap3A_93], %broadcast_in_dim3A_91 {strides = array<i32>} : memref<32x128xf32, #tpu.memory_space<vmem>>, vector<16xf32>,
      %broadcast_in_dim3A_95 = arith.constant 0.000000e+00 : f32
      %broadcast_in_dim3A_96 = vector.broadcast %broadcast_in_dim3A_95 : f32 to vector<16xf32>
      %swap3A_97 = arith.index_cast %add3A_76 : i32 to index
      %swap3A_98 = arith.constant 64 : index
      %swap3A_99 = tpu.vector_load %arg12[%swap3A_97, %swap3A_98] {strides = array<i32>} : memref<32x128xf32, #tpu.memory_space<vmem>>, vector<16xf32>,
      tpu.vector_store %arg12[%swap3A_97, %swap3A_98], %broadcast_in_dim3A_96 {strides = array<i32>} : memref<32x128xf32, #tpu.memory_space<vmem>>, vector<16xf32>,
      %broadcast_in_dim3A_100 = arith.constant 0.000000e+00 : f32
      %broadcast_in_dim3A_101 = vector.broadcast %broadcast_in_dim3A_100 : f32 to vector<16xf32>
      %swap3A_102 = arith.index_cast %add3A_76 : i32 to index
      %swap3A_103 = arith.constant 80 : index
      %swap3A_104 = tpu.vector_load %arg12[%swap3A_102, %swap3A_103] {strides = array<i32>} : memref<32x128xf32, #tpu.memory_space<vmem>>, vector<16xf32>,
      tpu.vector_store %arg12[%swap3A_102, %swap3A_103], %broadcast_in_dim3A_101 {strides = array<i32>} : memref<32x128xf32, #tpu.memory_space<vmem>>, vector<16xf32>,
      %broadcast_in_dim3A_105 = arith.constant 0.000000e+00 : f32
      %broadcast_in_dim3A_106 = vector.broadcast %broadcast_in_dim3A_105 : f32 to vector<16xf32>
      %swap3A_107 = arith.index_cast %add3A_76 : i32 to index
      %swap3A_108 = arith.constant 96 : index
      %swap3A_109 = tpu.vector_load %arg12[%swap3A_107, %swap3A_108] {strides = array<i32>} : memref<32x128xf32, #tpu.memory_space<vmem>>, vector<16xf32>,
      tpu.vector_store %arg12[%swap3A_107, %swap3A_108], %broadcast_in_dim3A_106 {strides = array<i32>} : memref<32x128xf32, #tpu.memory_space<vmem>>, vector<16xf32>,
      %broadcast_in_dim3A_110 = arith.constant 0.000000e+00 : f32
      %broadcast_in_dim3A_111 = vector.broadcast %broadcast_in_dim3A_110 : f32 to vector<16xf32>
      %swap3A_112 = arith.index_cast %add3A_76 : i32 to index
      %swap3A_113 = arith.constant 112 : index
      %swap3A_114 = tpu.vector_load %arg12[%swap3A_112, %swap3A_113] {strides = array<i32>} : memref<32x128xf32, #tpu.memory_space<vmem>>, vector<16xf32>,
      tpu.vector_store %arg12[%swap3A_112, %swap3A_113], %broadcast_in_dim3A_111 {strides = array<i32>} : memref<32x128xf32, #tpu.memory_space<vmem>>, vector<16xf32>,
    }
    %scan3A_8 = arith.constant 32 : i32
    %scan3A_9 = arith.constant 0 : i32
    %scan3A_10 = arith.constant 20 : i32
    %scan3A_11 = arith.addi %scan3A_9, %scan3A_10 : i32
    %scan3A_12 = arith.constant 1 : i32
    scf.for %scan3A_72 = %scan3A_9 to %scan3A_11 step %scan3A_12  : i32 {
      %mul3A_73 = arith.constant 1 : i32
      %mul3A_74 = arith.muli %scan3A_72, %mul3A_73 : i32
      %add3A_75 = arith.constant 0 : i32
      %add3A_76 = arith.addi %add3A_75, %mul3A_74 : i32
      %mul3A_77 = arith.constant 32 : i32
      %mul3A_78 = arith.muli %add3A_76, %mul3A_77 : i32
      %add3A_79 = arith.addi %mul3A_4, %mul3A_78 : i32
      %multiple_of3A_80 = tpu.assume_multiple %add3A_79, 8 : i32
      "tpu.region"() ({
        %run_scoped3A_81 = tpu.sem_alloc : memref<!tpu.dma_semaphore, #tpu.memory_space<semaphore_mem>>
        %dma_start3A_82 = arith.constant 0 : i32
        %dma_start3A_83 = tpu.memref_slice %arg14[%multiple_of3A_80, %dma_start3A_82] : memref<10240x128xf32, #tpu.memory_space<vmem_shared>> -> memref<32x128xf32, #tpu.memory_space<vmem_shared>>
        %dma_start3A_84 = arith.constant 0 : i32
        %dma_start3A_85 = tpu.memref_slice %arg14[%multiple_of3A_80, %dma_start3A_84] : memref<10240x128xf32, #tpu.memory_space<vmem_shared>> -> memref<32x128xf32, #tpu.memory_space<vmem_shared>>
        tpu.enqueue_dma source(%arg12 : memref<32x128xf32, #tpu.memory_space<vmem>>) target(%dma_start3A_85 : memref<32x128xf32, #tpu.memory_space<vmem_shared>>) target_semaphore(%run_scoped3A_81 : memref<!tpu.dma_semaphore, #tpu.memory_space<semaphore_mem>>)
        %dma_wait3A_86 = arith.constant 0 : i32
        %dma_wait3A_87 = tpu.memref_slice %arg14[%multiple_of3A_80, %dma_wait3A_86] : memref<10240x128xf32, #tpu.memory_space<vmem_shared>> -> memref<32x128xf32, #tpu.memory_space<vmem_shared>>
        %dma_wait3A_88 = arith.constant 0 : i32
        %dma_wait3A_89 = tpu.memref_slice %arg14[%multiple_of3A_80, %dma_wait3A_88] : memref<10240x128xf32, #tpu.memory_space<vmem_shared>> -> memref<32x128xf32, #tpu.memory_space<vmem_shared>>
        tpu.wait_dma2 semaphore(%run_scoped3A_81 : memref<!tpu.dma_semaphore, #tpu.memory_space<semaphore_mem>>) src(%arg12 : memref<32x128xf32, #tpu.memory_space<vmem>>) dst(%dma_wait3A_89 : memref<32x128xf32, #tpu.memory_space<vmem_shared>>)
        tpu.yield
      }) : () -> ()
    }
    %scan3A_13 = arith.constant 20 : i32
    %barrier3A = arith.constant 0 : index
    tpu.barrier barrier_id(%barrier3A)
    %get3A = arith.constant 0 : index
    %get3A_14 = tpu.vector_load %arg8[%get3A] {strides = array<i32>} : memref<16xf32, #tpu.memory_space<vmem>>, vector<16xf32>,
    %run_scoped3A = arith.constant 0 : i32
    "tpu.region"() ({
      %run_scoped3A_72 = tpu.sem_alloc : memref<!tpu.dma_semaphore, #tpu.memory_space<semaphore_mem>>
      %dma_start3A_73 = arith.constant 0 : i32
      %dma_start3A_74 = arith.constant 0 : i32
      %dma_start3A_75 = tpu.memref_slice %arg9[%run_scoped3A, %dma_start3A_73, %dma_start3A_74] : memref<4x2x40xi32, #tpu.memory_space<vmem>> -> memref<1x2x40xi32, #tpu.memory_space<vmem>>
      %dma_start3A_76 = tpu.memref_squeeze %dma_start3A_75 : memref<1x2x40xi32, #tpu.memory_space<vmem>> -> memref<2x40xi32, #tpu.memory_space<vmem>>
      %dma_start3A_77 = arith.constant 0 : i32
      %dma_start3A_78 = arith.constant 0 : i32
      %dma_start3A_79 = tpu.memref_slice %arg4[%mul3A_2, %dma_start3A_77, %dma_start3A_78] : memref<8000x2x40xi32, #tpu.memory_space<hbm>> -> memref<1x2x40xi32, #tpu.memory_space<hbm>>
      %dma_start3A_80 = tpu.memref_squeeze %dma_start3A_79 : memref<1x2x40xi32, #tpu.memory_space<hbm>> -> memref<2x40xi32, #tpu.memory_space<hbm>>
      %dma_start3A_81 = arith.constant 0 : i32
      %dma_start3A_82 = arith.constant 0 : i32
      %dma_start3A_83 = tpu.memref_slice %arg9[%run_scoped3A, %dma_start3A_81, %dma_start3A_82] : memref<4x2x40xi32, #tpu.memory_space<vmem>> -> memref<1x2x40xi32, #tpu.memory_space<vmem>>
      %dma_start3A_84 = tpu.memref_squeeze %dma_start3A_83 : memref<1x2x40xi32, #tpu.memory_space<vmem>> -> memref<2x40xi32, #tpu.memory_space<vmem>>
      %dma_start3A_85 = arith.constant 0 : i32
      %dma_start3A_86 = arith.constant 0 : i32
      %dma_start3A_87 = tpu.memref_slice %arg4[%mul3A_2, %dma_start3A_85, %dma_start3A_86] : memref<8000x2x40xi32, #tpu.memory_space<hbm>> -> memref<1x2x40xi32, #tpu.memory_space<hbm>>
      %dma_start3A_88 = tpu.memref_squeeze %dma_start3A_87 : memref<1x2x40xi32, #tpu.memory_space<hbm>> -> memref<2x40xi32, #tpu.memory_space<hbm>>
      tpu.enqueue_dma source(%dma_start3A_88 : memref<2x40xi32, #tpu.memory_space<hbm>>) target(%dma_start3A_84 : memref<2x40xi32, #tpu.memory_space<vmem>>) target_semaphore(%run_scoped3A_72 : memref<!tpu.dma_semaphore, #tpu.memory_space<semaphore_mem>>)
      %dma_wait3A_89 = arith.constant 0 : i32
      %dma_wait3A_90 = arith.constant 0 : i32
      %dma_wait3A_91 = tpu.memref_slice %arg9[%run_scoped3A, %dma_wait3A_89, %dma_wait3A_90] : memref<4x2x40xi32, #tpu.memory_space<vmem>> -> memref<1x2x40xi32, #tpu.memory_space<vmem>>
      %dma_wait3A_92 = tpu.memref_squeeze %dma_wait3A_91 : memref<1x2x40xi32, #tpu.memory_space<vmem>> -> memref<2x40xi32, #tpu.memory_space<vmem>>
      %dma_wait3A_93 = arith.constant 0 : i32
      %dma_wait3A_94 = arith.constant 0 : i32
      %dma_wait3A_95 = tpu.memref_slice %arg4[%mul3A_2, %dma_wait3A_93, %dma_wait3A_94] : memref<8000x2x40xi32, #tpu.memory_space<hbm>> -> memref<1x2x40xi32, #tpu.memory_space<hbm>>
      %dma_wait3A_96 = tpu.memref_squeeze %dma_wait3A_95 : memref<1x2x40xi32, #tpu.memory_space<hbm>> -> memref<2x40xi32, #tpu.memory_space<hbm>>
      %dma_wait3A_97 = arith.constant 0 : i32
      %dma_wait3A_98 = arith.constant 0 : i32
      %dma_wait3A_99 = tpu.memref_slice %arg9[%run_scoped3A, %dma_wait3A_97, %dma_wait3A_98] : memref<4x2x40xi32, #tpu.memory_space<vmem>> -> memref<1x2x40xi32, #tpu.memory_space<vmem>>
      %dma_wait3A_100 = tpu.memref_squeeze %dma_wait3A_99 : memref<1x2x40xi32, #tpu.memory_space<vmem>> -> memref<2x40xi32, #tpu.memory_space<vmem>>
      %dma_wait3A_101 = arith.constant 0 : i32
      %dma_wait3A_102 = arith.constant 0 : i32
      %dma_wait3A_103 = tpu.memref_slice %arg4[%mul3A_2, %dma_wait3A_101, %dma_wait3A_102] : memref<8000x2x40xi32, #tpu.memory_space<hbm>> -> memref<1x2x40xi32, #tpu.memory_space<hbm>>
      %dma_wait3A_104 = tpu.memref_squeeze %dma_wait3A_103 : memref<1x2x40xi32, #tpu.memory_space<hbm>> -> memref<2x40xi32, #tpu.memory_space<hbm>>
      tpu.wait_dma2 semaphore(%run_scoped3A_72 : memref<!tpu.dma_semaphore, #tpu.memory_space<semaphore_mem>>) src(%dma_wait3A_104 : memref<2x40xi32, #tpu.memory_space<hbm>>) dst(%dma_wait3A_100 : memref<2x40xi32, #tpu.memory_space<vmem>>)
      tpu.yield
    }) : () -> ()
    %dma_start3A = arith.constant 0 : i32
    %dma_start3A_15 = arith.constant 0 : i32
    %dma_start3A_16 = arith.constant 0 : i32
    %dma_start3A_17 = arith.constant 0 : i32
    %dma_start3A_18 = arith.constant 0 : i32
    %dma_start3A_19 = tpu.memref_slice %arg10[%dma_start3A_16, %dma_start3A_17, %dma_start3A_18] : memref<2x40x256xf32, #tpu.memory_space<vmem>> -> memref<1x40x256xf32, #tpu.memory_space<vmem>>
    %dma_start3A_20 = tpu.memref_squeeze %dma_start3A_19 : memref<1x40x256xf32, #tpu.memory_space<vmem>> -> memref<40x256xf32, #tpu.memory_space<vmem>>
    %dma_start3A_21 = arith.constant 0 : i32
    %dma_start3A_22 = tpu.memref_slice %arg9[%dma_start3A, %dma_start3A_15, %dma_start3A_21] : memref<4x2x40xi32, #tpu.memory_space<vmem>> -> memref<1x1x40xi32, #tpu.memory_space<vmem>>
    %dma_start3A_23 = tpu.memref_squeeze %dma_start3A_22 : memref<1x1x40xi32, #tpu.memory_space<vmem>> -> memref<40xi32, #tpu.memory_space<vmem>>
    %dma_start3A_24 = arith.constant 0 : i32
    %dma_start3A_25 = arith.constant 0 : i32
    %dma_start3A_26 = tpu.memref_slice %arg2[%dma_start3A_24, %dma_start3A_25] : memref<10000x256xf32, #tpu.memory_space<hbm>> -> memref<10000x256xf32, #tpu.memory_space<hbm>>
    tpu.enqueue_indirect_dma source(%dma_start3A_26 : memref<10000x256xf32, #tpu.memory_space<hbm>>) target(%dma_start3A_20 : memref<40x256xf32, #tpu.memory_space<vmem>>) offsets(%dma_start3A_23 : memref<40xi32, #tpu.memory_space<vmem>>) semaphore(%arg15 : memref<!tpu.dma_semaphore, #tpu.memory_space<semaphore_mem>>)
    %add3A_27 = arith.constant 1 : i32
    %add3A_28 = arith.addi %mul3A_2, %add3A_27 : i32
    %dma_start3A_29 = arith.constant 1 : i32
    %dma_start3A_30 = arith.constant 0 : i32
    %dma_start3A_31 = arith.constant 0 : i32
    %dma_start3A_32 = tpu.memref_slice %arg9[%dma_start3A_29, %dma_start3A_30, %dma_start3A_31] : memref<4x2x40xi32, #tpu.memory_space<vmem>> -> memref<1x2x40xi32, #tpu.memory_space<vmem>>
    %dma_start3A_33 = tpu.memref_squeeze %dma_start3A_32 : memref<1x2x40xi32, #tpu.memory_space<vmem>> -> memref<2x40xi32, #tpu.memory_space<vmem>>
    %dma_start3A_34 = arith.constant 0 : i32
    %dma_start3A_35 = arith.constant 0 : i32
    %dma_start3A_36 = tpu.memref_slice %arg4[%add3A_28, %dma_start3A_34, %dma_start3A_35] : memref<8000x2x40xi32, #tpu.memory_space<hbm>> -> memref<1x2x40xi32, #tpu.memory_space<hbm>>
    %dma_start3A_37 = tpu.memref_squeeze %dma_start3A_36 : memref<1x2x40xi32, #tpu.memory_space<hbm>> -> memref<2x40xi32, #tpu.memory_space<hbm>>
    %dma_start3A_38 = arith.constant 0 : i32
    %dma_start3A_39 = arith.constant 0 : i32
    %dma_start3A_40 = tpu.memref_slice %arg9[%dma_start3A_29, %dma_start3A_38, %dma_start3A_39] : memref<4x2x40xi32, #tpu.memory_space<vmem>> -> memref<1x2x40xi32, #tpu.memory_space<vmem>>
    %dma_start3A_41 = tpu.memref_squeeze %dma_start3A_40 : memref<1x2x40xi32, #tpu.memory_space<vmem>> -> memref<2x40xi32, #tpu.memory_space<vmem>>
    %dma_start3A_42 = arith.constant 0 : i32
    %dma_start3A_43 = arith.constant 0 : i32
    %dma_start3A_44 = tpu.memref_slice %arg4[%add3A_28, %dma_start3A_42, %dma_start3A_43] : memref<8000x2x40xi32, #tpu.memory_space<hbm>> -> memref<1x2x40xi32, #tpu.memory_space<hbm>>
    %dma_start3A_45 = tpu.memref_squeeze %dma_start3A_44 : memref<1x2x40xi32, #tpu.memory_space<hbm>> -> memref<2x40xi32, #tpu.memory_space<hbm>>
    tpu.enqueue_dma source(%dma_start3A_45 : memref<2x40xi32, #tpu.memory_space<hbm>>) target(%dma_start3A_41 : memref<2x40xi32, #tpu.memory_space<vmem>>) target_semaphore(%arg18 : memref<!tpu.dma_semaphore, #tpu.memory_space<semaphore_mem>>)
    %scan3A_46 = arith.constant 0 : i32
    %scan3A_47 = arith.constant 250 : i32
    %scan3A_48 = arith.addi %scan3A_46, %scan3A_47 : i32
    %scan3A_49 = arith.constant 1 : i32
    scf.for %scan3A_72 = %scan3A_46 to %scan3A_48 step %scan3A_49  : i32 {
      %mul3A_73 = arith.constant 1 : i32
      %mul3A_74 = arith.muli %scan3A_72, %mul3A_73 : i32
      %add3A_75 = arith.constant 0 : i32
      %add3A_76 = arith.addi %add3A_75, %mul3A_74 : i32
      %rem3A_77 = arith.constant 2 : i32
      %rem3A_78 = arith.remsi %add3A_76, %rem3A_77 : i32
      %sub3A = arith.constant 1 : i32
      %sub3A_79 = arith.subi %sub3A, %rem3A_78 : i32
      %rem3A_80 = arith.constant 4 : i32
      %rem3A_81 = arith.remsi %add3A_76, %rem3A_80 : i32
      %add3A_82 = arith.constant 1 : i32
      %add3A_83 = arith.addi %add3A_76, %add3A_82 : i32
      %rem3A_84 = arith.constant 4 : i32
      %rem3A_85 = arith.remsi %add3A_83, %rem3A_84 : i32
      %add3A_86 = arith.constant 1 : i32
      %add3A_87 = arith.addi %add3A_76, %add3A_86 : i32
      %lt3A = arith.constant 250 : i32
      %lt3A_88 = arith.cmpi slt, %add3A_87, %lt3A : i32
      %convert_element_type3A = arith.extui %lt3A_88 : i1 to i32
      %cond3A = arith.constant 0 : i32
      %cond3A_89 = arith.cmpi ne, %convert_element_type3A, %cond3A : i32
      scf.if %cond3A_89 {
        %add3A_206 = arith.constant 1 : i32
        %add3A_207 = arith.addi %add3A_76, %add3A_206 : i32
        %rem3A_208 = arith.constant 2 : i32
        %rem3A_209 = arith.remsi %add3A_207, %rem3A_208 : i32
        %eq3A = arith.constant 0 : i32
        %eq3A_210 = arith.cmpi eq, %rem3A_209, %eq3A : i32
        %convert_element_type3A_211 = arith.extui %eq3A_210 : i1 to i32
        %cond3A_212 = arith.constant 0 : i32
        %cond3A_213 = arith.cmpi ne, %convert_element_type3A_211, %cond3A_212 : i32
        scf.if %cond3A_213 {
          %add3A_221 = arith.addi %mul3A_2, %add3A_207 : i32
          %rem3A_222 = arith.constant 4 : i32
          %rem3A_223 = arith.remsi %add3A_207, %rem3A_222 : i32
          %dma_wait3A_224 = arith.constant 0 : i32
          %dma_wait3A_225 = arith.constant 0 : i32
          %dma_wait3A_226 = tpu.memref_slice %arg9[%rem3A_223, %dma_wait3A_224, %dma_wait3A_225] : memref<4x2x40xi32, #tpu.memory_space<vmem>> -> memref<1x2x40xi32, #tpu.memory_space<vmem>>
          %dma_wait3A_227 = tpu.memref_squeeze %dma_wait3A_226 : memref<1x2x40xi32, #tpu.memory_space<vmem>> -> memref<2x40xi32, #tpu.memory_space<vmem>>
          %dma_wait3A_228 = arith.constant 0 : i32
          %dma_wait3A_229 = arith.constant 0 : i32
          %dma_wait3A_230 = tpu.memref_slice %arg4[%add3A_221, %dma_wait3A_228, %dma_wait3A_229] : memref<8000x2x40xi32, #tpu.memory_space<hbm>> -> memref<1x2x40xi32, #tpu.memory_space<hbm>>
          %dma_wait3A_231 = tpu.memref_squeeze %dma_wait3A_230 : memref<1x2x40xi32, #tpu.memory_space<hbm>> -> memref<2x40xi32, #tpu.memory_space<hbm>>
          %dma_wait3A_232 = arith.constant 0 : i32
          %dma_wait3A_233 = arith.constant 0 : i32
          %dma_wait3A_234 = tpu.memref_slice %arg9[%rem3A_223, %dma_wait3A_232, %dma_wait3A_233] : memref<4x2x40xi32, #tpu.memory_space<vmem>> -> memref<1x2x40xi32, #tpu.memory_space<vmem>>
          %dma_wait3A_235 = tpu.memref_squeeze %dma_wait3A_234 : memref<1x2x40xi32, #tpu.memory_space<vmem>> -> memref<2x40xi32, #tpu.memory_space<vmem>>
          %dma_wait3A_236 = arith.constant 0 : i32
          %dma_wait3A_237 = arith.constant 0 : i32
          %dma_wait3A_238 = tpu.memref_slice %arg4[%add3A_221, %dma_wait3A_236, %dma_wait3A_237] : memref<8000x2x40xi32, #tpu.memory_space<hbm>> -> memref<1x2x40xi32, #tpu.memory_space<hbm>>
          %dma_wait3A_239 = tpu.memref_squeeze %dma_wait3A_238 : memref<1x2x40xi32, #tpu.memory_space<hbm>> -> memref<2x40xi32, #tpu.memory_space<hbm>>
          tpu.wait_dma2 semaphore(%arg17 : memref<!tpu.dma_semaphore, #tpu.memory_space<semaphore_mem>>) src(%dma_wait3A_239 : memref<2x40xi32, #tpu.memory_space<hbm>>) dst(%dma_wait3A_235 : memref<2x40xi32, #tpu.memory_space<vmem>>)
        } else {
        }
        %rem3A_214 = arith.constant 2 : i32
        %rem3A_215 = arith.remsi %add3A_207, %rem3A_214 : i32
        %eq3A_216 = arith.constant 1 : i32
        %eq3A_217 = arith.cmpi eq, %rem3A_215, %eq3A_216 : i32
        %convert_element_type3A_218 = arith.extui %eq3A_217 : i1 to i32
        %cond3A_219 = arith.constant 0 : i32
        %cond3A_220 = arith.cmpi ne, %convert_element_type3A_218, %cond3A_219 : i32
        scf.if %cond3A_220 {
          %add3A_221 = arith.addi %mul3A_2, %add3A_207 : i32
          %rem3A_222 = arith.constant 4 : i32
          %rem3A_223 = arith.remsi %add3A_207, %rem3A_222 : i32
          %dma_wait3A_224 = arith.constant 0 : i32
          %dma_wait3A_225 = arith.constant 0 : i32
          %dma_wait3A_226 = tpu.memref_slice %arg9[%rem3A_223, %dma_wait3A_224, %dma_wait3A_225] : memref<4x2x40xi32, #tpu.memory_space<vmem>> -> memref<1x2x40xi32, #tpu.memory_space<vmem>>
          %dma_wait3A_227 = tpu.memref_squeeze %dma_wait3A_226 : memref<1x2x40xi32, #tpu.memory_space<vmem>> -> memref<2x40xi32, #tpu.memory_space<vmem>>
          %dma_wait3A_228 = arith.constant 0 : i32
          %dma_wait3A_229 = arith.constant 0 : i32
          %dma_wait3A_230 = tpu.memref_slice %arg4[%add3A_221, %dma_wait3A_228, %dma_wait3A_229] : memref<8000x2x40xi32, #tpu.memory_space<hbm>> -> memref<1x2x40xi32, #tpu.memory_space<hbm>>
          %dma_wait3A_231 = tpu.memref_squeeze %dma_wait3A_230 : memref<1x2x40xi32, #tpu.memory_space<hbm>> -> memref<2x40xi32, #tpu.memory_space<hbm>>
          %dma_wait3A_232 = arith.constant 0 : i32
          %dma_wait3A_233 = arith.constant 0 : i32
          %dma_wait3A_234 = tpu.memref_slice %arg9[%rem3A_223, %dma_wait3A_232, %dma_wait3A_233] : memref<4x2x40xi32, #tpu.memory_space<vmem>> -> memref<1x2x40xi32, #tpu.memory_space<vmem>>
          %dma_wait3A_235 = tpu.memref_squeeze %dma_wait3A_234 : memref<1x2x40xi32, #tpu.memory_space<vmem>> -> memref<2x40xi32, #tpu.memory_space<vmem>>
          %dma_wait3A_236 = arith.constant 0 : i32
          %dma_wait3A_237 = arith.constant 0 : i32
          %dma_wait3A_238 = tpu.memref_slice %arg4[%add3A_221, %dma_wait3A_236, %dma_wait3A_237] : memref<8000x2x40xi32, #tpu.memory_space<hbm>> -> memref<1x2x40xi32, #tpu.memory_space<hbm>>
          %dma_wait3A_239 = tpu.memref_squeeze %dma_wait3A_238 : memref<1x2x40xi32, #tpu.memory_space<hbm>> -> memref<2x40xi32, #tpu.memory_space<hbm>>
          tpu.wait_dma2 semaphore(%arg18 : memref<!tpu.dma_semaphore, #tpu.memory_space<semaphore_mem>>) src(%dma_wait3A_239 : memref<2x40xi32, #tpu.memory_space<hbm>>) dst(%dma_wait3A_235 : memref<2x40xi32, #tpu.memory_space<vmem>>)
        } else {
        }
      } else {
      }
      %dma_wait3A_90 = arith.constant 0 : i32
      %dma_wait3A_91 = arith.constant 0 : i32
      %dma_wait3A_92 = arith.constant 0 : i32
      %dma_wait3A_93 = tpu.memref_slice %arg10[%rem3A_78, %dma_wait3A_91, %dma_wait3A_92] : memref<2x40x256xf32, #tpu.memory_space<vmem>> -> memref<1x40x256xf32, #tpu.memory_space<vmem>>
      %dma_wait3A_94 = tpu.memref_squeeze %dma_wait3A_93 : memref<1x40x256xf32, #tpu.memory_space<vmem>> -> memref<40x256xf32, #tpu.memory_space<vmem>>
      %dma_wait3A_95 = arith.constant 0 : i32
      %dma_wait3A_96 = tpu.memref_slice %arg9[%rem3A_81, %dma_wait3A_90, %dma_wait3A_95] : memref<4x2x40xi32, #tpu.memory_space<vmem>> -> memref<1x1x40xi32, #tpu.memory_space<vmem>>
      %dma_wait3A_97 = tpu.memref_squeeze %dma_wait3A_96 : memref<1x1x40xi32, #tpu.memory_space<vmem>> -> memref<40xi32, #tpu.memory_space<vmem>>
      %dma_wait3A_98 = arith.constant 0 : i32
      %dma_wait3A_99 = arith.constant 0 : i32
      %dma_wait3A_100 = tpu.memref_slice %arg2[%dma_wait3A_98, %dma_wait3A_99] : memref<10000x256xf32, #tpu.memory_space<hbm>> -> memref<10000x256xf32, #tpu.memory_space<hbm>>
      tpu.wait_indirect_dma semaphore(%arg15 : memref<!tpu.dma_semaphore, #tpu.memory_space<semaphore_mem>>) src(%dma_wait3A_100 : memref<10000x256xf32, #tpu.memory_space<hbm>>) dst(%dma_wait3A_94 : memref<40x256xf32, #tpu.memory_space<vmem>>)
      %add3A_101 = arith.constant 1 : i32
      %add3A_102 = arith.addi %add3A_76, %add3A_101 : i32
      %lt3A_103 = arith.constant 250 : i32
      %lt3A_104 = arith.cmpi slt, %add3A_102, %lt3A_103 : i32
      %convert_element_type3A_105 = arith.extui %lt3A_104 : i1 to i32
      %cond3A_106 = arith.constant 0 : i32
      %cond3A_107 = arith.cmpi ne, %convert_element_type3A_105, %cond3A_106 : i32
      scf.if %cond3A_107 {
        %dma_start3A_206 = arith.constant 0 : i32
        %dma_start3A_207 = arith.constant 0 : i32
        %dma_start3A_208 = arith.constant 0 : i32
        %dma_start3A_209 = tpu.memref_slice %arg10[%sub3A_79, %dma_start3A_207, %dma_start3A_208] : memref<2x40x256xf32, #tpu.memory_space<vmem>> -> memref<1x40x256xf32, #tpu.memory_space<vmem>>
        %dma_start3A_210 = tpu.memref_squeeze %dma_start3A_209 : memref<1x40x256xf32, #tpu.memory_space<vmem>> -> memref<40x256xf32, #tpu.memory_space<vmem>>
        %dma_start3A_211 = arith.constant 0 : i32
        %dma_start3A_212 = tpu.memref_slice %arg9[%rem3A_85, %dma_start3A_206, %dma_start3A_211] : memref<4x2x40xi32, #tpu.memory_space<vmem>> -> memref<1x1x40xi32, #tpu.memory_space<vmem>>
        %dma_start3A_213 = tpu.memref_squeeze %dma_start3A_212 : memref<1x1x40xi32, #tpu.memory_space<vmem>> -> memref<40xi32, #tpu.memory_space<vmem>>
        %dma_start3A_214 = arith.constant 0 : i32
        %dma_start3A_215 = arith.constant 0 : i32
        %dma_start3A_216 = tpu.memref_slice %arg2[%dma_start3A_214, %dma_start3A_215] : memref<10000x256xf32, #tpu.memory_space<hbm>> -> memref<10000x256xf32, #tpu.memory_space<hbm>>
        tpu.enqueue_indirect_dma source(%dma_start3A_216 : memref<10000x256xf32, #tpu.memory_space<hbm>>) target(%dma_start3A_210 : memref<40x256xf32, #tpu.memory_space<vmem>>) offsets(%dma_start3A_213 : memref<40xi32, #tpu.memory_space<vmem>>) semaphore(%arg15 : memref<!tpu.dma_semaphore, #tpu.memory_space<semaphore_mem>>)
      } else {
      }
      %add3A_108 = arith.constant 2 : i32
      %add3A_109 = arith.addi %add3A_76, %add3A_108 : i32
      %lt3A_110 = arith.constant 250 : i32
      %lt3A_111 = arith.cmpi slt, %add3A_109, %lt3A_110 : i32
      %convert_element_type3A_112 = arith.extui %lt3A_111 : i1 to i32
      %cond3A_113 = arith.constant 0 : i32
      %cond3A_114 = arith.cmpi ne, %convert_element_type3A_112, %cond3A_113 : i32
      scf.if %cond3A_114 {
        %add3A_206 = arith.constant 2 : i32
        %add3A_207 = arith.addi %add3A_76, %add3A_206 : i32
        %rem3A_208 = arith.constant 2 : i32
        %rem3A_209 = arith.remsi %add3A_207, %rem3A_208 : i32
        %eq3A = arith.constant 0 : i32
        %eq3A_210 = arith.cmpi eq, %rem3A_209, %eq3A : i32
        %convert_element_type3A_211 = arith.extui %eq3A_210 : i1 to i32
        %cond3A_212 = arith.constant 0 : i32
        %cond3A_213 = arith.cmpi ne, %convert_element_type3A_211, %cond3A_212 : i32
        scf.if %cond3A_213 {
          %add3A_221 = arith.addi %mul3A_2, %add3A_207 : i32
          %rem3A_222 = arith.constant 4 : i32
          %rem3A_223 = arith.remsi %add3A_207, %rem3A_222 : i32
          %dma_start3A_224 = arith.constant 0 : i32
          %dma_start3A_225 = arith.constant 0 : i32
          %dma_start3A_226 = tpu.memref_slice %arg9[%rem3A_223, %dma_start3A_224, %dma_start3A_225] : memref<4x2x40xi32, #tpu.memory_space<vmem>> -> memref<1x2x40xi32, #tpu.memory_space<vmem>>
          %dma_start3A_227 = tpu.memref_squeeze %dma_start3A_226 : memref<1x2x40xi32, #tpu.memory_space<vmem>> -> memref<2x40xi32, #tpu.memory_space<vmem>>
          %dma_start3A_228 = arith.constant 0 : i32
          %dma_start3A_229 = arith.constant 0 : i32
          %dma_start3A_230 = tpu.memref_slice %arg4[%add3A_221, %dma_start3A_228, %dma_start3A_229] : memref<8000x2x40xi32, #tpu.memory_space<hbm>> -> memref<1x2x40xi32, #tpu.memory_space<hbm>>
          %dma_start3A_231 = tpu.memref_squeeze %dma_start3A_230 : memref<1x2x40xi32, #tpu.memory_space<hbm>> -> memref<2x40xi32, #tpu.memory_space<hbm>>
          %dma_start3A_232 = arith.constant 0 : i32
          %dma_start3A_233 = arith.constant 0 : i32
          %dma_start3A_234 = tpu.memref_slice %arg9[%rem3A_223, %dma_start3A_232, %dma_start3A_233] : memref<4x2x40xi32, #tpu.memory_space<vmem>> -> memref<1x2x40xi32, #tpu.memory_space<vmem>>
          %dma_start3A_235 = tpu.memref_squeeze %dma_start3A_234 : memref<1x2x40xi32, #tpu.memory_space<vmem>> -> memref<2x40xi32, #tpu.memory_space<vmem>>
          %dma_start3A_236 = arith.constant 0 : i32
          %dma_start3A_237 = arith.constant 0 : i32
          %dma_start3A_238 = tpu.memref_slice %arg4[%add3A_221, %dma_start3A_236, %dma_start3A_237] : memref<8000x2x40xi32, #tpu.memory_space<hbm>> -> memref<1x2x40xi32, #tpu.memory_space<hbm>>
          %dma_start3A_239 = tpu.memref_squeeze %dma_start3A_238 : memref<1x2x40xi32, #tpu.memory_space<hbm>> -> memref<2x40xi32, #tpu.memory_space<hbm>>
          tpu.enqueue_dma source(%dma_start3A_239 : memref<2x40xi32, #tpu.memory_space<hbm>>) target(%dma_start3A_235 : memref<2x40xi32, #tpu.memory_space<vmem>>) target_semaphore(%arg17 : memref<!tpu.dma_semaphore, #tpu.memory_space<semaphore_mem>>)
        } else {
        }
        %rem3A_214 = arith.constant 2 : i32
        %rem3A_215 = arith.remsi %add3A_207, %rem3A_214 : i32
        %eq3A_216 = arith.constant 1 : i32
        %eq3A_217 = arith.cmpi eq, %rem3A_215, %eq3A_216 : i32
        %convert_element_type3A_218 = arith.extui %eq3A_217 : i1 to i32
        %cond3A_219 = arith.constant 0 : i32
        %cond3A_220 = arith.cmpi ne, %convert_element_type3A_218, %cond3A_219 : i32
        scf.if %cond3A_220 {
          %add3A_221 = arith.addi %mul3A_2, %add3A_207 : i32
          %rem3A_222 = arith.constant 4 : i32
          %rem3A_223 = arith.remsi %add3A_207, %rem3A_222 : i32
          %dma_start3A_224 = arith.constant 0 : i32
          %dma_start3A_225 = arith.constant 0 : i32
          %dma_start3A_226 = tpu.memref_slice %arg9[%rem3A_223, %dma_start3A_224, %dma_start3A_225] : memref<4x2x40xi32, #tpu.memory_space<vmem>> -> memref<1x2x40xi32, #tpu.memory_space<vmem>>
          %dma_start3A_227 = tpu.memref_squeeze %dma_start3A_226 : memref<1x2x40xi32, #tpu.memory_space<vmem>> -> memref<2x40xi32, #tpu.memory_space<vmem>>
          %dma_start3A_228 = arith.constant 0 : i32
          %dma_start3A_229 = arith.constant 0 : i32
          %dma_start3A_230 = tpu.memref_slice %arg4[%add3A_221, %dma_start3A_228, %dma_start3A_229] : memref<8000x2x40xi32, #tpu.memory_space<hbm>> -> memref<1x2x40xi32, #tpu.memory_space<hbm>>
          %dma_start3A_231 = tpu.memref_squeeze %dma_start3A_230 : memref<1x2x40xi32, #tpu.memory_space<hbm>> -> memref<2x40xi32, #tpu.memory_space<hbm>>
          %dma_start3A_232 = arith.constant 0 : i32
          %dma_start3A_233 = arith.constant 0 : i32
          %dma_start3A_234 = tpu.memref_slice %arg9[%rem3A_223, %dma_start3A_232, %dma_start3A_233] : memref<4x2x40xi32, #tpu.memory_space<vmem>> -> memref<1x2x40xi32, #tpu.memory_space<vmem>>
          %dma_start3A_235 = tpu.memref_squeeze %dma_start3A_234 : memref<1x2x40xi32, #tpu.memory_space<vmem>> -> memref<2x40xi32, #tpu.memory_space<vmem>>
          %dma_start3A_236 = arith.constant 0 : i32
          %dma_start3A_237 = arith.constant 0 : i32
          %dma_start3A_238 = tpu.memref_slice %arg4[%add3A_221, %dma_start3A_236, %dma_start3A_237] : memref<8000x2x40xi32, #tpu.memory_space<hbm>> -> memref<1x2x40xi32, #tpu.memory_space<hbm>>
          %dma_start3A_239 = tpu.memref_squeeze %dma_start3A_238 : memref<1x2x40xi32, #tpu.memory_space<hbm>> -> memref<2x40xi32, #tpu.memory_space<hbm>>
          tpu.enqueue_dma source(%dma_start3A_239 : memref<2x40xi32, #tpu.memory_space<hbm>>) target(%dma_start3A_235 : memref<2x40xi32, #tpu.memory_space<vmem>>) target_semaphore(%arg18 : memref<!tpu.dma_semaphore, #tpu.memory_space<semaphore_mem>>)
        } else {
        }
      } else {
      }
      %get3A_115 = arith.constant 0 : i32
      %get3A_116 = arith.index_cast %rem3A_81 : i32 to index
      %get3A_117 = arith.index_cast %get3A_115 : i32 to index
      %get3A_118 = arith.constant 0 : index
      %get3A_119 = tpu.vector_load %arg9[%get3A_116, %get3A_117, %get3A_118] {strides = array<i32>} : memref<4x2x40xi32, #tpu.memory_space<vmem>>, vector<16xi32>,
      %gather3A = tpu.vector_load_idx %arg7[%get3A_119] : memref<10000xf32, #tpu.memory_space<vmem>>[vector<16xi32>], vector<16xf32>,
      %get3A_120 = arith.constant 1 : i32
      %get3A_121 = arith.index_cast %rem3A_81 : i32 to index
      %get3A_122 = arith.index_cast %get3A_120 : i32 to index
      %get3A_123 = arith.constant 0 : index
      %get3A_124 = tpu.vector_load %arg9[%get3A_121, %get3A_122, %get3A_123] {strides = array<i32>} : memref<4x2x40xi32, #tpu.memory_space<vmem>>, vector<16xi32>,
      %gather3A_125 = tpu.vector_load_idx %arg7[%get3A_124] : memref<10000xf32, #tpu.memory_space<vmem>>[vector<16xi32>], vector<16xf32>,
      %sub3A_126 = arith.subf %gather3A, %gather3A_125 : vector<16xf32>
      %add3A_127 = arith.addf %sub3A_126, %get3A_14 : vector<16xf32>
      %neg3A = arith.constant 0.000000e+00 : f32
      %neg3A_128 = vector.broadcast %neg3A : f32 to vector<16xf32>
      %neg3A_129 = arith.subf %neg3A_128, %add3A_127 : vector<16xf32>
      %exp3A = math.exp %neg3A_129 : vector<16xf32>
      %add3A_130 = arith.constant 1.000000e+00 : f32
      %add3A_131 = vector.broadcast %add3A_130 : f32 to vector<16xf32>
      %add3A_132 = arith.addf %add3A_131, %exp3A : vector<16xf32>
      %div3A = arith.constant 1.000000e+00 : f32
      %div3A_133 = vector.broadcast %div3A : f32 to vector<16xf32>
      %div3A_134 = arith.divf %div3A_133, %add3A_132 : vector<16xf32>
      %swap3A = arith.constant 0 : index
      %swap3A_135 = tpu.vector_load %arg13[%swap3A] {strides = array<i32>} : memref<40xf32, #tpu.memory_space<vmem>>, vector<16xf32>,
      tpu.vector_store %arg13[%swap3A], %div3A_134 {strides = array<i32>} : memref<40xf32, #tpu.memory_space<vmem>>, vector<16xf32>,
      %get3A_136 = arith.constant 0 : i32
      %get3A_137 = arith.index_cast %rem3A_81 : i32 to index
      %get3A_138 = arith.index_cast %get3A_136 : i32 to index
      %get3A_139 = arith.constant 16 : index
      %get3A_140 = tpu.vector_load %arg9[%get3A_137, %get3A_138, %get3A_139] {strides = array<i32>} : memref<4x2x40xi32, #tpu.memory_space<vmem>>, vector<16xi32>,
      %gather3A_141 = tpu.vector_load_idx %arg7[%get3A_140] : memref<10000xf32, #tpu.memory_space<vmem>>[vector<16xi32>], vector<16xf32>,
      %get3A_142 = arith.constant 1 : i32
      %get3A_143 = arith.index_cast %rem3A_81 : i32 to index
      %get3A_144 = arith.index_cast %get3A_142 : i32 to index
      %get3A_145 = arith.constant 16 : index
      %get3A_146 = tpu.vector_load %arg9[%get3A_143, %get3A_144, %get3A_145] {strides = array<i32>} : memref<4x2x40xi32, #tpu.memory_space<vmem>>, vector<16xi32>,
      %gather3A_147 = tpu.vector_load_idx %arg7[%get3A_146] : memref<10000xf32, #tpu.memory_space<vmem>>[vector<16xi32>], vector<16xf32>,
      %sub3A_148 = arith.subf %gather3A_141, %gather3A_147 : vector<16xf32>
      %add3A_149 = arith.addf %sub3A_148, %get3A_14 : vector<16xf32>
      %neg3A_150 = arith.constant 0.000000e+00 : f32
      %neg3A_151 = vector.broadcast %neg3A_150 : f32 to vector<16xf32>
      %neg3A_152 = arith.subf %neg3A_151, %add3A_149 : vector<16xf32>
      %exp3A_153 = math.exp %neg3A_152 : vector<16xf32>
      %add3A_154 = arith.constant 1.000000e+00 : f32
      %add3A_155 = vector.broadcast %add3A_154 : f32 to vector<16xf32>
      %add3A_156 = arith.addf %add3A_155, %exp3A_153 : vector<16xf32>
      %div3A_157 = arith.constant 1.000000e+00 : f32
      %div3A_158 = vector.broadcast %div3A_157 : f32 to vector<16xf32>
      %div3A_159 = arith.divf %div3A_158, %add3A_156 : vector<16xf32>
      %swap3A_160 = arith.constant 16 : index
      %swap3A_161 = tpu.vector_load %arg13[%swap3A_160] {strides = array<i32>} : memref<40xf32, #tpu.memory_space<vmem>>, vector<16xf32>,
      tpu.vector_store %arg13[%swap3A_160], %div3A_159 {strides = array<i32>} : memref<40xf32, #tpu.memory_space<vmem>>, vector<16xf32>,
      %get3A_162 = arith.constant 0 : i32
      %get3A_163 = arith.index_cast %rem3A_81 : i32 to index
      %get3A_164 = arith.index_cast %get3A_162 : i32 to index
      %get3A_165 = arith.constant 24 : index
      %get3A_166 = tpu.vector_load %arg9[%get3A_163, %get3A_164, %get3A_165] {strides = array<i32>} : memref<4x2x40xi32, #tpu.memory_space<vmem>>, vector<16xi32>,
      %gather3A_167 = tpu.vector_load_idx %arg7[%get3A_166] : memref<10000xf32, #tpu.memory_space<vmem>>[vector<16xi32>], vector<16xf32>,
      %get3A_168 = arith.constant 1 : i32
      %get3A_169 = arith.index_cast %rem3A_81 : i32 to index
      %get3A_170 = arith.index_cast %get3A_168 : i32 to index
      %get3A_171 = arith.constant 24 : index
      %get3A_172 = tpu.vector_load %arg9[%get3A_169, %get3A_170, %get3A_171] {strides = array<i32>} : memref<4x2x40xi32, #tpu.memory_space<vmem>>, vector<16xi32>,
      %gather3A_173 = tpu.vector_load_idx %arg7[%get3A_172] : memref<10000xf32, #tpu.memory_space<vmem>>[vector<16xi32>], vector<16xf32>,
      %sub3A_174 = arith.subf %gather3A_167, %gather3A_173 : vector<16xf32>
      %add3A_175 = arith.addf %sub3A_174, %get3A_14 : vector<16xf32>
      %neg3A_176 = arith.constant 0.000000e+00 : f32
      %neg3A_177 = vector.broadcast %neg3A_176 : f32 to vector<16xf32>
      %neg3A_178 = arith.subf %neg3A_177, %add3A_175 : vector<16xf32>
      %exp3A_179 = math.exp %neg3A_178 : vector<16xf32>
      %add3A_180 = arith.constant 1.000000e+00 : f32
      %add3A_181 = vector.broadcast %add3A_180 : f32 to vector<16xf32>
      %add3A_182 = arith.addf %add3A_181, %exp3A_179 : vector<16xf32>
      %div3A_183 = arith.constant 1.000000e+00 : f32
      %div3A_184 = vector.broadcast %div3A_183 : f32 to vector<16xf32>
      %div3A_185 = arith.divf %div3A_184, %add3A_182 : vector<16xf32>
      %swap3A_186 = arith.constant 24 : index
      %swap3A_187 = tpu.vector_load %arg13[%swap3A_186] {strides = array<i32>} : memref<40xf32, #tpu.memory_space<vmem>>, vector<16xf32>,
      tpu.vector_store %arg13[%swap3A_186], %div3A_185 {strides = array<i32>} : memref<40xf32, #tpu.memory_space<vmem>>, vector<16xf32>,
      %mul3A_188 = arith.constant 40 : i32
      %mul3A_189 = arith.muli %rem3A_78, %mul3A_188 : i32
      %multiple_of3A_190 = tpu.assume_multiple %mul3A_189, 8 : i32
      %ge3A = arith.constant 1 : i32
      %ge3A_191 = arith.cmpi sge, %add3A_76, %ge3A : i32
      %convert_element_type3A_192 = arith.extui %ge3A_191 : i1 to i32
      %cond3A_193 = arith.constant 0 : i32
      %cond3A_194 = arith.cmpi ne, %convert_element_type3A_192, %cond3A_193 : i32
      scf.if %cond3A_194 {
        %dma_wait3A_206 = arith.constant 1 : i32
        %dma_wait3A_207 = arith.constant 0 : i32
        %dma_wait3A_208 = tpu.memref_slice %arg11[%multiple_of3A_190, %dma_wait3A_207] : memref<80x128xf32, #tpu.memory_space<vmem>> -> memref<40x128xf32, #tpu.memory_space<vmem>>
        %dma_wait3A_209 = arith.constant 0 : i32
        %dma_wait3A_210 = tpu.memref_slice %arg9[%rem3A_81, %dma_wait3A_206, %dma_wait3A_209] : memref<4x2x40xi32, #tpu.memory_space<vmem>> -> memref<1x1x40xi32, #tpu.memory_space<vmem>>
        %dma_wait3A_211 = tpu.memref_squeeze %dma_wait3A_210 : memref<1x1x40xi32, #tpu.memory_space<vmem>> -> memref<40xi32, #tpu.memory_space<vmem>>
        %dma_wait3A_212 = arith.constant 0 : i32
        %dma_wait3A_213 = arith.constant 0 : i32
        %dma_wait3A_214 = tpu.memref_slice %arg14[%dma_wait3A_212, %dma_wait3A_213] : memref<10240x128xf32, #tpu.memory_space<vmem_shared>> -> memref<10240x128xf32, #tpu.memory_space<vmem_shared>>
        tpu.wait_indirect_dma semaphore(%arg16 : memref<!tpu.dma_semaphore, #tpu.memory_space<semaphore_mem>>) src(%dma_wait3A_208 : memref<40x128xf32, #tpu.memory_space<vmem>>) dst(%dma_wait3A_214 : memref<10240x128xf32, #tpu.memory_space<vmem_shared>>)
      } else {
      }
      %parallel_loop3A = arith.constant 0 : i32
      %parallel_loop3A_195 = arith.constant 40 : i32
      %parallel_loop3A_196 = arith.constant 1 : i32
      scf.for %parallel_loop3A_206 = %parallel_loop3A to %parallel_loop3A_195 step %parallel_loop3A_196  : i32 {
        %parallel_loop3A_207 = vector.broadcast %parallel_loop3A_206 : i32 to vector<16xi32>
        %parallel_loop3A_208 = tpu.vector_load_idx %arg13[%parallel_loop3A_207] : memref<40xf32, #tpu.memory_space<vmem>>[vector<16xi32>], vector<16xf32>,
        %parallel_loop3A_209 = arith.constant 40 : i32
        %parallel_loop3A_210 = arith.muli %rem3A_78, %parallel_loop3A_209 : i32
        %parallel_loop3A_211 = arith.addi %parallel_loop3A_210, %parallel_loop3A_206 : i32
        %parallel_loop3A_212 = arith.index_cast %rem3A_78 : i32 to index
        %parallel_loop3A_213 = arith.index_cast %parallel_loop3A_206 : i32 to index
        %parallel_loop3A_214 = arith.constant 128 : index
        %parallel_loop3A_215 = tpu.vector_load %arg10[%parallel_loop3A_212, %parallel_loop3A_213, %parallel_loop3A_214] {strides = array<i32>} : memref<2x40x256xf32, #tpu.memory_space<vmem>>, vector<16xf32>,
        %parallel_loop3A_216 = arith.index_cast %rem3A_78 : i32 to index
        %parallel_loop3A_217 = arith.index_cast %parallel_loop3A_206 : i32 to index
        %parallel_loop3A_218 = arith.constant 0 : index
        %parallel_loop3A_219 = tpu.vector_load %arg10[%parallel_loop3A_216, %parallel_loop3A_217, %parallel_loop3A_218] {strides = array<i32>} : memref<2x40x256xf32, #tpu.memory_space<vmem>>, vector<16xf32>,
        %parallel_loop3A_220 = arith.mulf %parallel_loop3A_208, %parallel_loop3A_219 : vector<16xf32>
        %parallel_loop3A_221 = arith.addf %parallel_loop3A_215, %parallel_loop3A_220 : vector<16xf32>
        %parallel_loop3A_222 = arith.index_cast %parallel_loop3A_211 : i32 to index
        %parallel_loop3A_223 = arith.constant 0 : index
        %parallel_loop3A_224 = tpu.vector_load %arg11[%parallel_loop3A_222, %parallel_loop3A_223] {strides = array<i32>} : memref<80x128xf32, #tpu.memory_space<vmem>>, vector<16xf32>,
        tpu.vector_store %arg11[%parallel_loop3A_222, %parallel_loop3A_223], %parallel_loop3A_221 {strides = array<i32>} : memref<80x128xf32, #tpu.memory_space<vmem>>, vector<16xf32>,
        %parallel_loop3A_225 = arith.index_cast %rem3A_78 : i32 to index
        %parallel_loop3A_226 = arith.index_cast %parallel_loop3A_206 : i32 to index
        %parallel_loop3A_227 = arith.constant 144 : index
        %parallel_loop3A_228 = tpu.vector_load %arg10[%parallel_loop3A_225, %parallel_loop3A_226, %parallel_loop3A_227] {strides = array<i32>} : memref<2x40x256xf32, #tpu.memory_space<vmem>>, vector<16xf32>,
        %parallel_loop3A_229 = arith.index_cast %rem3A_78 : i32 to index
        %parallel_loop3A_230 = arith.index_cast %parallel_loop3A_206 : i32 to index
        %parallel_loop3A_231 = arith.constant 16 : index
        %parallel_loop3A_232 = tpu.vector_load %arg10[%parallel_loop3A_229, %parallel_loop3A_230, %parallel_loop3A_231] {strides = array<i32>} : memref<2x40x256xf32, #tpu.memory_space<vmem>>, vector<16xf32>,
        %parallel_loop3A_233 = arith.mulf %parallel_loop3A_208, %parallel_loop3A_232 : vector<16xf32>
        %parallel_loop3A_234 = arith.addf %parallel_loop3A_228, %parallel_loop3A_233 : vector<16xf32>
        %parallel_loop3A_235 = arith.index_cast %parallel_loop3A_211 : i32 to index
        %parallel_loop3A_236 = arith.constant 16 : index
        %parallel_loop3A_237 = tpu.vector_load %arg11[%parallel_loop3A_235, %parallel_loop3A_236] {strides = array<i32>} : memref<80x128xf32, #tpu.memory_space<vmem>>, vector<16xf32>,
        tpu.vector_store %arg11[%parallel_loop3A_235, %parallel_loop3A_236], %parallel_loop3A_234 {strides = array<i32>} : memref<80x128xf32, #tpu.memory_space<vmem>>, vector<16xf32>,
        %parallel_loop3A_238 = arith.index_cast %rem3A_78 : i32 to index
        %parallel_loop3A_239 = arith.index_cast %parallel_loop3A_206 : i32 to index
        %parallel_loop3A_240 = arith.constant 160 : index
        %parallel_loop3A_241 = tpu.vector_load %arg10[%parallel_loop3A_238, %parallel_loop3A_239, %parallel_loop3A_240] {strides = array<i32>} : memref<2x40x256xf32, #tpu.memory_space<vmem>>, vector<16xf32>,
        %parallel_loop3A_242 = arith.index_cast %rem3A_78 : i32 to index
        %parallel_loop3A_243 = arith.index_cast %parallel_loop3A_206 : i32 to index
        %parallel_loop3A_244 = arith.constant 32 : index
        %parallel_loop3A_245 = tpu.vector_load %arg10[%parallel_loop3A_242, %parallel_loop3A_243, %parallel_loop3A_244] {strides = array<i32>} : memref<2x40x256xf32, #tpu.memory_space<vmem>>, vector<16xf32>,
        %parallel_loop3A_246 = arith.mulf %parallel_loop3A_208, %parallel_loop3A_245 : vector<16xf32>
        %parallel_loop3A_247 = arith.addf %parallel_loop3A_241, %parallel_loop3A_246 : vector<16xf32>
        %parallel_loop3A_248 = arith.index_cast %parallel_loop3A_211 : i32 to index
        %parallel_loop3A_249 = arith.constant 32 : index
        %parallel_loop3A_250 = tpu.vector_load %arg11[%parallel_loop3A_248, %parallel_loop3A_249] {strides = array<i32>} : memref<80x128xf32, #tpu.memory_space<vmem>>, vector<16xf32>,
        tpu.vector_store %arg11[%parallel_loop3A_248, %parallel_loop3A_249], %parallel_loop3A_247 {strides = array<i32>} : memref<80x128xf32, #tpu.memory_space<vmem>>, vector<16xf32>,
        %parallel_loop3A_251 = arith.index_cast %rem3A_78 : i32 to index
        %parallel_loop3A_252 = arith.index_cast %parallel_loop3A_206 : i32 to index
        %parallel_loop3A_253 = arith.constant 176 : index
        %parallel_loop3A_254 = tpu.vector_load %arg10[%parallel_loop3A_251, %parallel_loop3A_252, %parallel_loop3A_253] {strides = array<i32>} : memref<2x40x256xf32, #tpu.memory_space<vmem>>, vector<16xf32>,
        %parallel_loop3A_255 = arith.index_cast %rem3A_78 : i32 to index
        %parallel_loop3A_256 = arith.index_cast %parallel_loop3A_206 : i32 to index
        %parallel_loop3A_257 = arith.constant 48 : index
        %parallel_loop3A_258 = tpu.vector_load %arg10[%parallel_loop3A_255, %parallel_loop3A_256, %parallel_loop3A_257] {strides = array<i32>} : memref<2x40x256xf32, #tpu.memory_space<vmem>>, vector<16xf32>,
        %parallel_loop3A_259 = arith.mulf %parallel_loop3A_208, %parallel_loop3A_258 : vector<16xf32>
        %parallel_loop3A_260 = arith.addf %parallel_loop3A_254, %parallel_loop3A_259 : vector<16xf32>
        %parallel_loop3A_261 = arith.index_cast %parallel_loop3A_211 : i32 to index
        %parallel_loop3A_262 = arith.constant 48 : index
        %parallel_loop3A_263 = tpu.vector_load %arg11[%parallel_loop3A_261, %parallel_loop3A_262] {strides = array<i32>} : memref<80x128xf32, #tpu.memory_space<vmem>>, vector<16xf32>,
        tpu.vector_store %arg11[%parallel_loop3A_261, %parallel_loop3A_262], %parallel_loop3A_260 {strides = array<i32>} : memref<80x128xf32, #tpu.memory_space<vmem>>, vector<16xf32>,
        %parallel_loop3A_264 = arith.index_cast %rem3A_78 : i32 to index
        %parallel_loop3A_265 = arith.index_cast %parallel_loop3A_206 : i32 to index
        %parallel_loop3A_266 = arith.constant 192 : index
        %parallel_loop3A_267 = tpu.vector_load %arg10[%parallel_loop3A_264, %parallel_loop3A_265, %parallel_loop3A_266] {strides = array<i32>} : memref<2x40x256xf32, #tpu.memory_space<vmem>>, vector<16xf32>,
        %parallel_loop3A_268 = arith.index_cast %rem3A_78 : i32 to index
        %parallel_loop3A_269 = arith.index_cast %parallel_loop3A_206 : i32 to index
        %parallel_loop3A_270 = arith.constant 64 : index
        %parallel_loop3A_271 = tpu.vector_load %arg10[%parallel_loop3A_268, %parallel_loop3A_269, %parallel_loop3A_270] {strides = array<i32>} : memref<2x40x256xf32, #tpu.memory_space<vmem>>, vector<16xf32>,
        %parallel_loop3A_272 = arith.mulf %parallel_loop3A_208, %parallel_loop3A_271 : vector<16xf32>
        %parallel_loop3A_273 = arith.addf %parallel_loop3A_267, %parallel_loop3A_272 : vector<16xf32>
        %parallel_loop3A_274 = arith.index_cast %parallel_loop3A_211 : i32 to index
        %parallel_loop3A_275 = arith.constant 64 : index
        %parallel_loop3A_276 = tpu.vector_load %arg11[%parallel_loop3A_274, %parallel_loop3A_275] {strides = array<i32>} : memref<80x128xf32, #tpu.memory_space<vmem>>, vector<16xf32>,
        tpu.vector_store %arg11[%parallel_loop3A_274, %parallel_loop3A_275], %parallel_loop3A_273 {strides = array<i32>} : memref<80x128xf32, #tpu.memory_space<vmem>>, vector<16xf32>,
        %parallel_loop3A_277 = arith.index_cast %rem3A_78 : i32 to index
        %parallel_loop3A_278 = arith.index_cast %parallel_loop3A_206 : i32 to index
        %parallel_loop3A_279 = arith.constant 208 : index
        %parallel_loop3A_280 = tpu.vector_load %arg10[%parallel_loop3A_277, %parallel_loop3A_278, %parallel_loop3A_279] {strides = array<i32>} : memref<2x40x256xf32, #tpu.memory_space<vmem>>, vector<16xf32>,
        %parallel_loop3A_281 = arith.index_cast %rem3A_78 : i32 to index
        %parallel_loop3A_282 = arith.index_cast %parallel_loop3A_206 : i32 to index
        %parallel_loop3A_283 = arith.constant 80 : index
        %parallel_loop3A_284 = tpu.vector_load %arg10[%parallel_loop3A_281, %parallel_loop3A_282, %parallel_loop3A_283] {strides = array<i32>} : memref<2x40x256xf32, #tpu.memory_space<vmem>>, vector<16xf32>,
        %parallel_loop3A_285 = arith.mulf %parallel_loop3A_208, %parallel_loop3A_284 : vector<16xf32>
        %parallel_loop3A_286 = arith.addf %parallel_loop3A_280, %parallel_loop3A_285 : vector<16xf32>
        %parallel_loop3A_287 = arith.index_cast %parallel_loop3A_211 : i32 to index
        %parallel_loop3A_288 = arith.constant 80 : index
        %parallel_loop3A_289 = tpu.vector_load %arg11[%parallel_loop3A_287, %parallel_loop3A_288] {strides = array<i32>} : memref<80x128xf32, #tpu.memory_space<vmem>>, vector<16xf32>,
        tpu.vector_store %arg11[%parallel_loop3A_287, %parallel_loop3A_288], %parallel_loop3A_286 {strides = array<i32>} : memref<80x128xf32, #tpu.memory_space<vmem>>, vector<16xf32>,
        %parallel_loop3A_290 = arith.index_cast %rem3A_78 : i32 to index
        %parallel_loop3A_291 = arith.index_cast %parallel_loop3A_206 : i32 to index
        %parallel_loop3A_292 = arith.constant 224 : index
        %parallel_loop3A_293 = tpu.vector_load %arg10[%parallel_loop3A_290, %parallel_loop3A_291, %parallel_loop3A_292] {strides = array<i32>} : memref<2x40x256xf32, #tpu.memory_space<vmem>>, vector<16xf32>,
        %parallel_loop3A_294 = arith.index_cast %rem3A_78 : i32 to index
        %parallel_loop3A_295 = arith.index_cast %parallel_loop3A_206 : i32 to index
        %parallel_loop3A_296 = arith.constant 96 : index
        %parallel_loop3A_297 = tpu.vector_load %arg10[%parallel_loop3A_294, %parallel_loop3A_295, %parallel_loop3A_296] {strides = array<i32>} : memref<2x40x256xf32, #tpu.memory_space<vmem>>, vector<16xf32>,
        %parallel_loop3A_298 = arith.mulf %parallel_loop3A_208, %parallel_loop3A_297 : vector<16xf32>
        %parallel_loop3A_299 = arith.addf %parallel_loop3A_293, %parallel_loop3A_298 : vector<16xf32>
        %parallel_loop3A_300 = arith.index_cast %parallel_loop3A_211 : i32 to index
        %parallel_loop3A_301 = arith.constant 96 : index
        %parallel_loop3A_302 = tpu.vector_load %arg11[%parallel_loop3A_300, %parallel_loop3A_301] {strides = array<i32>} : memref<80x128xf32, #tpu.memory_space<vmem>>, vector<16xf32>,
        tpu.vector_store %arg11[%parallel_loop3A_300, %parallel_loop3A_301], %parallel_loop3A_299 {strides = array<i32>} : memref<80x128xf32, #tpu.memory_space<vmem>>, vector<16xf32>,
        %parallel_loop3A_303 = arith.index_cast %rem3A_78 : i32 to index
        %parallel_loop3A_304 = arith.index_cast %parallel_loop3A_206 : i32 to index
        %parallel_loop3A_305 = arith.constant 240 : index
        %parallel_loop3A_306 = tpu.vector_load %arg10[%parallel_loop3A_303, %parallel_loop3A_304, %parallel_loop3A_305] {strides = array<i32>} : memref<2x40x256xf32, #tpu.memory_space<vmem>>, vector<16xf32>,
        %parallel_loop3A_307 = arith.index_cast %rem3A_78 : i32 to index
        %parallel_loop3A_308 = arith.index_cast %parallel_loop3A_206 : i32 to index
        %parallel_loop3A_309 = arith.constant 112 : index
        %parallel_loop3A_310 = tpu.vector_load %arg10[%parallel_loop3A_307, %parallel_loop3A_308, %parallel_loop3A_309] {strides = array<i32>} : memref<2x40x256xf32, #tpu.memory_space<vmem>>, vector<16xf32>,
        %parallel_loop3A_311 = arith.mulf %parallel_loop3A_208, %parallel_loop3A_310 : vector<16xf32>
        %parallel_loop3A_312 = arith.addf %parallel_loop3A_306, %parallel_loop3A_311 : vector<16xf32>
        %parallel_loop3A_313 = arith.index_cast %parallel_loop3A_211 : i32 to index
        %parallel_loop3A_314 = arith.constant 112 : index
        %parallel_loop3A_315 = tpu.vector_load %arg11[%parallel_loop3A_313, %parallel_loop3A_314] {strides = array<i32>} : memref<80x128xf32, #tpu.memory_space<vmem>>, vector<16xf32>,
        tpu.vector_store %arg11[%parallel_loop3A_313, %parallel_loop3A_314], %parallel_loop3A_312 {strides = array<i32>} : memref<80x128xf32, #tpu.memory_space<vmem>>, vector<16xf32>,
      } {sc.loop_unroll_factor = 4 : i64, sc.parallel_access}
      %dma_start3A_197 = arith.constant 1 : i32
      %dma_start3A_198 = arith.constant 0 : i32
      %dma_start3A_199 = tpu.memref_slice %arg11[%multiple_of3A_190, %dma_start3A_198] : memref<80x128xf32, #tpu.memory_space<vmem>> -> memref<40x128xf32, #tpu.memory_space<vmem>>
      %dma_start3A_200 = arith.constant 0 : i32
      %dma_start3A_201 = tpu.memref_slice %arg9[%rem3A_81, %dma_start3A_197, %dma_start3A_200] : memref<4x2x40xi32, #tpu.memory_space<vmem>> -> memref<1x1x40xi32, #tpu.memory_space<vmem>>
      %dma_start3A_202 = tpu.memref_squeeze %dma_start3A_201 : memref<1x1x40xi32, #tpu.memory_space<vmem>> -> memref<40xi32, #tpu.memory_space<vmem>>
      %dma_start3A_203 = arith.constant 0 : i32
      %dma_start3A_204 = arith.constant 0 : i32
      %dma_start3A_205 = tpu.memref_slice %arg14[%dma_start3A_203, %dma_start3A_204] : memref<10240x128xf32, #tpu.memory_space<vmem_shared>> -> memref<10240x128xf32, #tpu.memory_space<vmem_shared>>
      tpu.enqueue_indirect_dma source(%dma_start3A_199 : memref<40x128xf32, #tpu.memory_space<vmem>>) target(%dma_start3A_205 : memref<10240x128xf32, #tpu.memory_space<vmem_shared>>) offsets(%dma_start3A_202 : memref<40xi32, #tpu.memory_space<vmem>>) semaphore(%arg16 : memref<!tpu.dma_semaphore, #tpu.memory_space<semaphore_mem>>) {add = true}
    }
    %scan3A_50 = arith.constant 250 : i32
    %rem3A = arith.constant 249 : i32
    %rem3A_51 = arith.constant 2 : i32
    %rem3A_52 = arith.remsi %rem3A, %rem3A_51 : i32
    %mul3A_53 = arith.constant 40 : i32
    %mul3A_54 = arith.muli %rem3A_52, %mul3A_53 : i32
    %multiple_of3A = tpu.assume_multiple %mul3A_54, 8 : i32
    %rem3A_55 = arith.constant 249 : i32
    %rem3A_56 = arith.constant 4 : i32
    %rem3A_57 = arith.remsi %rem3A_55, %rem3A_56 : i32
    %dma_wait3A = arith.constant 1 : i32
    %dma_wait3A_58 = arith.constant 0 : i32
    %dma_wait3A_59 = tpu.memref_slice %arg11[%multiple_of3A, %dma_wait3A_58] : memref<80x128xf32, #tpu.memory_space<vmem>> -> memref<40x128xf32, #tpu.memory_space<vmem>>
    %dma_wait3A_60 = arith.constant 0 : i32
    %dma_wait3A_61 = tpu.memref_slice %arg9[%rem3A_57, %dma_wait3A, %dma_wait3A_60] : memref<4x2x40xi32, #tpu.memory_space<vmem>> -> memref<1x1x40xi32, #tpu.memory_space<vmem>>
    %dma_wait3A_62 = tpu.memref_squeeze %dma_wait3A_61 : memref<1x1x40xi32, #tpu.memory_space<vmem>> -> memref<40xi32, #tpu.memory_space<vmem>>
    %dma_wait3A_63 = arith.constant 0 : i32
    %dma_wait3A_64 = arith.constant 0 : i32
    %dma_wait3A_65 = tpu.memref_slice %arg14[%dma_wait3A_63, %dma_wait3A_64] : memref<10240x128xf32, #tpu.memory_space<vmem_shared>> -> memref<10240x128xf32, #tpu.memory_space<vmem_shared>>
    tpu.wait_indirect_dma semaphore(%arg16 : memref<!tpu.dma_semaphore, #tpu.memory_space<semaphore_mem>>) src(%dma_wait3A_59 : memref<40x128xf32, #tpu.memory_space<vmem>>) dst(%dma_wait3A_65 : memref<10240x128xf32, #tpu.memory_space<vmem_shared>>)
    %barrier3A_66 = arith.constant 0 : index
    tpu.barrier barrier_id(%barrier3A_66)
    %scan3A_67 = arith.constant 0 : i32
    %scan3A_68 = arith.constant 20 : i32
    %scan3A_69 = arith.addi %scan3A_67, %scan3A_68 : i32
    %scan3A_70 = arith.constant 1 : i32
    scf.for %scan3A_72 = %scan3A_67 to %scan3A_69 step %scan3A_70  : i32 {
      %mul3A_73 = arith.constant 1 : i32
      %mul3A_74 = arith.muli %scan3A_72, %mul3A_73 : i32
      %add3A_75 = arith.constant 0 : i32
      %add3A_76 = arith.addi %add3A_75, %mul3A_74 : i32
      %mul3A_77 = arith.constant 32 : i32
      %mul3A_78 = arith.muli %add3A_76, %mul3A_77 : i32
      %add3A_79 = arith.addi %mul3A_4, %mul3A_78 : i32
      %multiple_of3A_80 = tpu.assume_multiple %add3A_79, 8 : i32
      "tpu.region"() ({
        %run_scoped3A_81 = tpu.sem_alloc : memref<!tpu.dma_semaphore, #tpu.memory_space<semaphore_mem>>
        %dma_start3A_82 = arith.constant 0 : i32
        %dma_start3A_83 = tpu.memref_slice %arg6[%arg0, %multiple_of3A_80, %dma_start3A_82] : memref<2x10240x128xf32, #tpu.memory_space<hbm>> -> memref<1x32x128xf32, #tpu.memory_space<hbm>>
        %dma_start3A_84 = tpu.memref_squeeze %dma_start3A_83 : memref<1x32x128xf32, #tpu.memory_space<hbm>> -> memref<32x128xf32, #tpu.memory_space<hbm>>
        %dma_start3A_85 = arith.constant 0 : i32
        %dma_start3A_86 = tpu.memref_slice %arg14[%multiple_of3A_80, %dma_start3A_85] : memref<10240x128xf32, #tpu.memory_space<vmem_shared>> -> memref<32x128xf32, #tpu.memory_space<vmem_shared>>
        tpu.enqueue_dma source(%dma_start3A_86 : memref<32x128xf32, #tpu.memory_space<vmem_shared>>) target(%dma_start3A_84 : memref<32x128xf32, #tpu.memory_space<hbm>>) target_semaphore(%run_scoped3A_81 : memref<!tpu.dma_semaphore, #tpu.memory_space<semaphore_mem>>)
        %dma_wait3A_87 = arith.constant 0 : i32
        %dma_wait3A_88 = tpu.memref_slice %arg6[%arg0, %multiple_of3A_80, %dma_wait3A_87] : memref<2x10240x128xf32, #tpu.memory_space<hbm>> -> memref<1x32x128xf32, #tpu.memory_space<hbm>>
        %dma_wait3A_89 = tpu.memref_squeeze %dma_wait3A_88 : memref<1x32x128xf32, #tpu.memory_space<hbm>> -> memref<32x128xf32, #tpu.memory_space<hbm>>
        %dma_wait3A_90 = arith.constant 0 : i32
        %dma_wait3A_91 = tpu.memref_slice %arg14[%multiple_of3A_80, %dma_wait3A_90] : memref<10240x128xf32, #tpu.memory_space<vmem_shared>> -> memref<32x128xf32, #tpu.memory_space<vmem_shared>>
        tpu.wait_dma2 semaphore(%run_scoped3A_81 : memref<!tpu.dma_semaphore, #tpu.memory_space<semaphore_mem>>) src(%dma_wait3A_91 : memref<32x128xf32, #tpu.memory_space<vmem_shared>>) dst(%dma_wait3A_89 : memref<32x128xf32, #tpu.memory_space<hbm>>)
        tpu.yield
      }) : () -> ()
    }
    %scan3A_71 = arith.constant 20 : i32
    return
  }
}

module attributes {stable_mosaic.version = 14 : i64} {
  func.func @_mm_body(%arg0: i32, %arg1: memref<1000x128xf32, #tpu.memory_space<vmem>>, %arg2: memref<128x384xf32, #tpu.memory_space<vmem>>, %arg3: memref<1000x384xf32, #tpu.memory_space<vmem>>) attributes {dimension_semantics = [#tpu.dimension_semantics<arbitrary>], iteration_bounds = array<i64: 10>, scalar_prefetch = 0 : i64, scratch_operands = 0 : i64, tpu.core_type = #tpu.core_type<tc>, window_params = [{transform_indices = @transform_0, window_bounds = array<i64: 1000, 128>}, {pipeline_mode = #tpu.pipeline_mode<synchronous>, transform_indices = @transform_1, window_bounds = array<i64: 128, 384>}, {transform_indices = @transform_2, window_bounds = array<i64: 1000, 384>}]} {
    %get3A = arith.constant 0 : index
    %get3A_0 = arith.constant 0 : index
    %get3A_1 = vector.load %arg1[%get3A, %get3A_0] : memref<1000x128xf32, #tpu.memory_space<vmem>>, vector<1000x128xf32>
    %get3A_2 = arith.constant 0 : index
    %get3A_3 = arith.constant 0 : index
    %get3A_4 = vector.load %arg2[%get3A_2, %get3A_3] : memref<128x384xf32, #tpu.memory_space<vmem>>, vector<128x384xf32>
    %dot_general3A = arith.constant dense<0.000000e+00> : vector<1000x384xf32>
    %dot_general3A_5 = tpu.matmul %get3A_1, %get3A_4, %dot_general3A {dimension_numbers = #tpu.dot_dimension_numbers<[1], [0], [0], [1], [0, 0, 1, 1], [], []>, transpose_lhs_hint = false} : vector<1000x128xf32>, vector<128x384xf32>, vector<1000x384xf32> -> vector<1000x384xf32>
    %swap3A = arith.constant 0 : index
    %swap3A_6 = arith.constant 0 : index
    %swap3A_7 = vector.load %arg3[%swap3A, %swap3A_6] : memref<1000x384xf32, #tpu.memory_space<vmem>>, vector<1000x384xf32>
    tpu.vector_store %arg3[%swap3A, %swap3A_6], %dot_general3A_5 {strides = array<i32>} : memref<1000x384xf32, #tpu.memory_space<vmem>>, vector<1000x384xf32>,
    return
  }
  func.func @transform_0(%arg0: i32) -> (i32, i32) {
    %c0_i32 = arith.constant 0 : i32
    %c0_i32_0 = arith.constant 0 : i32
    return %arg0, %c0_i32 : i32, i32
  }
  func.func @transform_1(%arg0: i32) -> (i32, i32) {
    %c0_i32 = arith.constant 0 : i32
    %c0_i32_0 = arith.constant 0 : i32
    %c0_i32_1 = arith.constant 0 : i32
    return %c0_i32, %c0_i32_0 : i32, i32
  }
  func.func @transform_2(%arg0: i32) -> (i32, i32) {
    %c0_i32 = arith.constant 0 : i32
    %c0_i32_0 = arith.constant 0 : i32
    return %arg0, %c0_i32 : i32, i32
  }
}

module attributes {stable_mosaic.version = 14 : i64} {
  func.func @_post_mm_body(%arg0: i32, %arg1: memref<1000x128xf32, #tpu.memory_space<vmem>>, %arg2: memref<1000x128xf32, #tpu.memory_space<vmem>>, %arg3: memref<1000x32xf32, #tpu.memory_space<vmem>>, %arg4: memref<1000x256xf32, #tpu.memory_space<vmem>>, %arg5: memref<128x384xf32, #tpu.memory_space<vmem>>, %arg6: memref<1x128xf32, #tpu.memory_space<vmem>>, %arg7: memref<1xf32, #tpu.memory_space<smem>>, %arg8: memref<1000x384xf32, #tpu.memory_space<vmem>>) attributes {dimension_semantics = [#tpu.dimension_semantics<arbitrary>], iteration_bounds = array<i64: 10>, scalar_prefetch = 0 : i64, scratch_operands = 0 : i64, tpu.core_type = #tpu.core_type<tc>, window_params = [{transform_indices = @transform_0, window_bounds = array<i64: 1000, 128>}, {transform_indices = @transform_1, window_bounds = array<i64: 1000, 128>}, {transform_indices = @transform_2, window_bounds = array<i64: 1000, 32>}, {transform_indices = @transform_3, window_bounds = array<i64: 1000, 256>}, {pipeline_mode = #tpu.pipeline_mode<synchronous>, transform_indices = @transform_4, window_bounds = array<i64: 128, 384>}, {pipeline_mode = #tpu.pipeline_mode<synchronous>, transform_indices = @transform_5, window_bounds = array<i64: 1, 128>}, {transform_indices = @transform_6, window_bounds = array<i64: 1>}, {transform_indices = @transform_7, window_bounds = array<i64: 1000, 384>}]} {
    %get3A = arith.constant 0 : index
    %get3A_0 = memref.load %arg7[%get3A] : memref<1xf32, #tpu.memory_space<smem>>
    %get3A_1 = arith.constant 0 : index
    %get3A_2 = arith.constant 0 : index
    %get3A_3 = vector.load %arg1[%get3A_1, %get3A_2] : memref<1000x128xf32, #tpu.memory_space<vmem>>, vector<1000x128xf32>
    %get3A_4 = arith.constant 0 : index
    %get3A_5 = arith.constant 0 : index
    %get3A_6 = vector.load %arg2[%get3A_4, %get3A_5] : memref<1000x128xf32, #tpu.memory_space<vmem>>, vector<1000x128xf32>
    %add3A = arith.addf %get3A_3, %get3A_6 : vector<1000x128xf32>
    %get3A_7 = arith.constant 0 : index
    %get3A_8 = arith.constant 128 : index
    %get3A_9 = vector.load %arg4[%get3A_7, %get3A_8] : memref<1000x256xf32, #tpu.memory_space<vmem>>, vector<1000x128xf32>
    %add3A_10 = arith.addf %add3A, %get3A_9 : vector<1000x128xf32>
    %get3A_11 = arith.constant 0 : index
    %get3A_12 = arith.constant 0 : index
    %get3A_13 = vector.load %arg4[%get3A_11, %get3A_12] : memref<1000x256xf32, #tpu.memory_space<vmem>>, vector<1000x128xf32>
    %mul3A = vector.broadcast %get3A_0 : f32 to vector<1000x128xf32>
    %mul3A_14 = arith.mulf %mul3A, %get3A_13 : vector<1000x128xf32>
    %add3A_15 = arith.addf %add3A_10, %mul3A_14 : vector<1000x128xf32>
    %get3A_16 = arith.constant 0 : index
    %get3A_17 = arith.constant 0 : index
    %get3A_18 = vector.load %arg3[%get3A_16, %get3A_17] : memref<1000x32xf32, #tpu.memory_space<vmem>>, vector<1000x32xf32>
    %reduce_sum3A = arith.constant dense<0.000000e+00> : vector<1000xf32>
    %reduce_sum3A_19 = vector.multi_reduction <add>, %get3A_18, %reduce_sum3A [1] : vector<1000x32xf32> to vector<1000xf32>
    %broadcast_in_dim3A = vector.shape_cast %reduce_sum3A_19 : vector<1000xf32> to vector<1000x1xf32>
    %add3A_20 = arith.constant 1.000000e+00 : f32
    %add3A_21 = vector.broadcast %add3A_20 : f32 to vector<1000x1xf32>
    %add3A_22 = arith.addf %broadcast_in_dim3A, %add3A_21 : vector<1000x1xf32>
    %div3A = vector.broadcast %add3A_22 : vector<1000x1xf32> to vector<1000x128xf32>
    %div3A_23 = arith.divf %add3A_15, %div3A : vector<1000x128xf32>
    %get3A_24 = arith.constant 0 : index
    %get3A_25 = arith.constant 0 : index
    %get3A_26 = vector.load %arg6[%get3A_24, %get3A_25] : memref<1x128xf32, #tpu.memory_space<vmem>>, vector<1x128xf32>
    %add3A_27 = vector.broadcast %get3A_26 : vector<1x128xf32> to vector<1000x128xf32>
    %add3A_28 = arith.addf %div3A_23, %add3A_27 : vector<1000x128xf32>
    %max3A = arith.constant 0.000000e+00 : f32
    %max3A_29 = vector.broadcast %max3A : f32 to vector<1000x128xf32>
    %max3A_30 = arith.maximumf %add3A_28, %max3A_29 : vector<1000x128xf32>
    %get3A_31 = arith.constant 0 : index
    %get3A_32 = arith.constant 0 : index
    %get3A_33 = vector.load %arg5[%get3A_31, %get3A_32] : memref<128x384xf32, #tpu.memory_space<vmem>>, vector<128x384xf32>
    %dot_general3A = arith.constant dense<0.000000e+00> : vector<1000x384xf32>
    %dot_general3A_34 = tpu.matmul %max3A_30, %get3A_33, %dot_general3A {dimension_numbers = #tpu.dot_dimension_numbers<[1], [0], [0], [1], [0, 0, 1, 1], [], []>, transpose_lhs_hint = false} : vector<1000x128xf32>, vector<128x384xf32>, vector<1000x384xf32> -> vector<1000x384xf32>
    %swap3A = arith.constant 0 : index
    %swap3A_35 = arith.constant 0 : index
    %swap3A_36 = vector.load %arg8[%swap3A, %swap3A_35] : memref<1000x384xf32, #tpu.memory_space<vmem>>, vector<1000x384xf32>
    tpu.vector_store %arg8[%swap3A, %swap3A_35], %dot_general3A_34 {strides = array<i32>} : memref<1000x384xf32, #tpu.memory_space<vmem>>, vector<1000x384xf32>,
    return
  }
  func.func @transform_0(%arg0: i32) -> (i32, i32) {
    %c0_i32 = arith.constant 0 : i32
    %c0_i32_0 = arith.constant 0 : i32
    return %arg0, %c0_i32 : i32, i32
  }
  func.func @transform_1(%arg0: i32) -> (i32, i32) {
    %c0_i32 = arith.constant 0 : i32
    %c0_i32_0 = arith.constant 0 : i32
    return %arg0, %c0_i32 : i32, i32
  }
  func.func @transform_2(%arg0: i32) -> (i32, i32) {
    %c0_i32 = arith.constant 0 : i32
    %c0_i32_0 = arith.constant 0 : i32
    return %arg0, %c0_i32 : i32, i32
  }
  func.func @transform_3(%arg0: i32) -> (i32, i32) {
    %c0_i32 = arith.constant 0 : i32
    %c0_i32_0 = arith.constant 0 : i32
    return %arg0, %c0_i32 : i32, i32
  }
  func.func @transform_4(%arg0: i32) -> (i32, i32) {
    %c0_i32 = arith.constant 0 : i32
    %c0_i32_0 = arith.constant 0 : i32
    %c0_i32_1 = arith.constant 0 : i32
    return %c0_i32, %c0_i32_0 : i32, i32
  }
  func.func @transform_5(%arg0: i32) -> (i32, i32) {
    %c0_i32 = arith.constant 0 : i32
    %c0_i32_0 = arith.constant 0 : i32
    %c0_i32_1 = arith.constant 0 : i32
    return %c0_i32, %c0_i32_0 : i32, i32
  }
  func.func @transform_6(%arg0: i32) -> i32 {
    %c0_i32 = arith.constant 0 : i32
    %c0_i32_0 = arith.constant 0 : i32
    return %c0_i32 : i32
  }
  func.func @transform_7(%arg0: i32) -> (i32, i32) {
    %c0_i32 = arith.constant 0 : i32
    %c0_i32_0 = arith.constant 0 : i32
    return %arg0, %c0_i32 : i32, i32
  }
}

module attributes {stable_mosaic.version = 14 : i64} {
  func.func @_post_body(%arg0: i32, %arg1: memref<1000x128xf32, #tpu.memory_space<vmem>>, %arg2: memref<1000x128xf32, #tpu.memory_space<vmem>>, %arg3: memref<1000x32xf32, #tpu.memory_space<vmem>>, %arg4: memref<1000x256xf32, #tpu.memory_space<vmem>>, %arg5: memref<1000x128xf32, #tpu.memory_space<vmem>>, %arg6: memref<1x128xf32, #tpu.memory_space<vmem>>, %arg7: memref<1xf32, #tpu.memory_space<smem>>, %arg8: memref<1000x128xf32, #tpu.memory_space<vmem>>) attributes {dimension_semantics = [#tpu.dimension_semantics<arbitrary>], iteration_bounds = array<i64: 10>, scalar_prefetch = 0 : i64, scratch_operands = 0 : i64, tpu.core_type = #tpu.core_type<tc>, window_params = [{transform_indices = @transform_0, window_bounds = array<i64: 1000, 128>}, {transform_indices = @transform_1, window_bounds = array<i64: 1000, 128>}, {transform_indices = @transform_2, window_bounds = array<i64: 1000, 32>}, {transform_indices = @transform_3, window_bounds = array<i64: 1000, 256>}, {transform_indices = @transform_4, window_bounds = array<i64: 1000, 128>}, {pipeline_mode = #tpu.pipeline_mode<synchronous>, transform_indices = @transform_5, window_bounds = array<i64: 1, 128>}, {transform_indices = @transform_6, window_bounds = array<i64: 1>}, {transform_indices = @transform_7, window_bounds = array<i64: 1000, 128>}]} {
    %get3A = arith.constant 0 : index
    %get3A_0 = memref.load %arg7[%get3A] : memref<1xf32, #tpu.memory_space<smem>>
    %get3A_1 = arith.constant 0 : index
    %get3A_2 = arith.constant 0 : index
    %get3A_3 = vector.load %arg1[%get3A_1, %get3A_2] : memref<1000x128xf32, #tpu.memory_space<vmem>>, vector<1000x128xf32>
    %get3A_4 = arith.constant 0 : index
    %get3A_5 = arith.constant 0 : index
    %get3A_6 = vector.load %arg2[%get3A_4, %get3A_5] : memref<1000x128xf32, #tpu.memory_space<vmem>>, vector<1000x128xf32>
    %add3A = arith.addf %get3A_3, %get3A_6 : vector<1000x128xf32>
    %get3A_7 = arith.constant 0 : index
    %get3A_8 = arith.constant 128 : index
    %get3A_9 = vector.load %arg4[%get3A_7, %get3A_8] : memref<1000x256xf32, #tpu.memory_space<vmem>>, vector<1000x128xf32>
    %add3A_10 = arith.addf %add3A, %get3A_9 : vector<1000x128xf32>
    %get3A_11 = arith.constant 0 : index
    %get3A_12 = arith.constant 0 : index
    %get3A_13 = vector.load %arg4[%get3A_11, %get3A_12] : memref<1000x256xf32, #tpu.memory_space<vmem>>, vector<1000x128xf32>
    %mul3A = vector.broadcast %get3A_0 : f32 to vector<1000x128xf32>
    %mul3A_14 = arith.mulf %mul3A, %get3A_13 : vector<1000x128xf32>
    %add3A_15 = arith.addf %add3A_10, %mul3A_14 : vector<1000x128xf32>
    %get3A_16 = arith.constant 0 : index
    %get3A_17 = arith.constant 0 : index
    %get3A_18 = vector.load %arg3[%get3A_16, %get3A_17] : memref<1000x32xf32, #tpu.memory_space<vmem>>, vector<1000x32xf32>
    %reduce_sum3A = arith.constant dense<0.000000e+00> : vector<1000xf32>
    %reduce_sum3A_19 = vector.multi_reduction <add>, %get3A_18, %reduce_sum3A [1] : vector<1000x32xf32> to vector<1000xf32>
    %broadcast_in_dim3A = vector.shape_cast %reduce_sum3A_19 : vector<1000xf32> to vector<1000x1xf32>
    %add3A_20 = arith.constant 1.000000e+00 : f32
    %add3A_21 = vector.broadcast %add3A_20 : f32 to vector<1000x1xf32>
    %add3A_22 = arith.addf %broadcast_in_dim3A, %add3A_21 : vector<1000x1xf32>
    %div3A = vector.broadcast %add3A_22 : vector<1000x1xf32> to vector<1000x128xf32>
    %div3A_23 = arith.divf %add3A_15, %div3A : vector<1000x128xf32>
    %get3A_24 = arith.constant 0 : index
    %get3A_25 = arith.constant 0 : index
    %get3A_26 = vector.load %arg6[%get3A_24, %get3A_25] : memref<1x128xf32, #tpu.memory_space<vmem>>, vector<1x128xf32>
    %add3A_27 = vector.broadcast %get3A_26 : vector<1x128xf32> to vector<1000x128xf32>
    %add3A_28 = arith.addf %div3A_23, %add3A_27 : vector<1000x128xf32>
    %get3A_29 = arith.constant 0 : index
    %get3A_30 = arith.constant 0 : index
    %get3A_31 = vector.load %arg5[%get3A_29, %get3A_30] : memref<1000x128xf32, #tpu.memory_space<vmem>>, vector<1000x128xf32>
    %add3A_32 = arith.addf %add3A_28, %get3A_31 : vector<1000x128xf32>
    %max3A = arith.constant 0.000000e+00 : f32
    %max3A_33 = vector.broadcast %max3A : f32 to vector<1000x128xf32>
    %max3A_34 = arith.maximumf %add3A_32, %max3A_33 : vector<1000x128xf32>
    %swap3A = arith.constant 0 : index
    %swap3A_35 = arith.constant 0 : index
    %swap3A_36 = vector.load %arg8[%swap3A, %swap3A_35] : memref<1000x128xf32, #tpu.memory_space<vmem>>, vector<1000x128xf32>
    tpu.vector_store %arg8[%swap3A, %swap3A_35], %max3A_34 {strides = array<i32>} : memref<1000x128xf32, #tpu.memory_space<vmem>>, vector<1000x128xf32>,
    return
  }
  func.func @transform_0(%arg0: i32) -> (i32, i32) {
    %c0_i32 = arith.constant 0 : i32
    %c0_i32_0 = arith.constant 0 : i32
    return %arg0, %c0_i32 : i32, i32
  }
  func.func @transform_1(%arg0: i32) -> (i32, i32) {
    %c0_i32 = arith.constant 0 : i32
    %c0_i32_0 = arith.constant 0 : i32
    return %arg0, %c0_i32 : i32, i32
  }
  func.func @transform_2(%arg0: i32) -> (i32, i32) {
    %c0_i32 = arith.constant 0 : i32
    %c0_i32_0 = arith.constant 0 : i32
    return %arg0, %c0_i32 : i32, i32
  }
  func.func @transform_3(%arg0: i32) -> (i32, i32) {
    %c0_i32 = arith.constant 0 : i32
    %c0_i32_0 = arith.constant 0 : i32
    return %arg0, %c0_i32 : i32, i32
  }
  func.func @transform_4(%arg0: i32) -> (i32, i32) {
    %c0_i32 = arith.constant 0 : i32
    %c0_i32_0 = arith.constant 0 : i32
    return %arg0, %c0_i32 : i32, i32
  }
  func.func @transform_5(%arg0: i32) -> (i32, i32) {
    %c0_i32 = arith.constant 0 : i32
    %c0_i32_0 = arith.constant 0 : i32
    %c0_i32_1 = arith.constant 0 : i32
    return %c0_i32, %c0_i32_0 : i32, i32
  }
  func.func @transform_6(%arg0: i32) -> i32 {
    %c0_i32 = arith.constant 0 : i32
    %c0_i32_0 = arith.constant 0 : i32
    return %c0_i32 : i32
  }
  func.func @transform_7(%arg0: i32) -> (i32, i32) {
    %c0_i32 = arith.constant 0 : i32
    %c0_i32_0 = arith.constant 0 : i32
    return %arg0, %c0_i32 : i32, i32
  }
}

</mosaic_0001>

<sc_bundles>
// kernel: kernel.11.cloned.1.call-start
scs
__scs_entry_jumppad:
0x0: {  	(pc) =	sbr.rel $0x88, $3  }
0x1: {  	(tag) =	ssettag $0x0;
	lr =	simm.s32 $0x1  }
0x2: {  	[smem:$0x3F97] =	sst lr;
	_ =	strace $0xD0000000  }
0x3: {  	_ = 	snop  }
0x4: {  	_ = 	snop  }
0x5: {  	_ = 	snop  }
0x6: {  	_ = 	snop  }
0x7: {  	_ = 	snop  }
__scs_overlays_trampoline_lowered:
0x8: {  	[smem:$0x3FA6] =	sst s0  }
0x9: {  	[smem:$0x3FA7] =	sst s1  }
0xa: {  	[smem:$0x3FA8] =	sst s2  }
0xb: {  	[smem:$0x3FA9] =	sst s3  }
0xc: {  	[smem:$0x3FAA] =	sst s4  }
0xd: {  	[smem:$0x3FAB] =	sst s5  }
0xe: {  	[smem:$0x3FAC] =	sst s6  }
0xf: {  	[smem:$0x3FAD] =	sst s7  }
0x10: {  	[smem:$0x3FAE] =	sst s8  }
0x11: {  	[smem:$0x3FAF] =	sst s9;
	s0 =	simm.s32 @!p0 $0x0  }
0x12: {  	s1 =	sld [smem:$0x3F95];
	s0 =	simm.s32 @p0 $0x1  }
0x13: {  	[smem:$0x3FB0] =	sst s0;
	s0 =	simm.s32 @!p1 $0x0  }
0x14: {  	s2 =	sld [smem:$0x3F94];
	s0 =	simm.s32 @p1 $0x1  }
0x15: {  	[smem:$0x3FB1] =	sst s0;
	s0 =	simm.s32 @!p2 $0x0  }
0x16: {  	s3 =	sld [smem:$0x3FDB];
	s0 =	simm.s32 @p2 $0x1  }
0x17: {  	s4 =	simm.s32 $0x1BF5;
	[smem:$0x3FB3] =	sst s0  }
0x18: {  	s0 =	sld [smem:$0x3F96];
	_ =	swait.ge [sflag:s4], $0x0  }
0x19: {  	s7 =	sld [smem:$0x3F97]  }
0x1a: {  	s8 =	sadd.s32 $0xFFFFE003, lr  }
0x1b: {  	s9 =	sadd.s32 $0xFFFFFEF7, lr;
	s5 =	simm.s32 $0xFFFFFFFF;
	p2 =	slt.u32 s8, $0xFFFFF086  }
0x1c: {  	p1 =	slt.u32 s9, $0xF7A;
	s5 =	simm.s32 @!p2 $0x0  }
0x1d: {  	s5 =	simm.s32 @p1 $0x1;
	p0 =	seq.s32 s7, s2  }
0x1e: {  	s7 =	smul.u32 @!p0 $0xF7A, s2;
	p2 =	seq.s32 @!p0 s5, $0x0  }
0x1f: {  	s9 =	smul.u32 $0xF7A, s1;
	s8 =	simm.s32 @!p0 $0x1BF5;
	p2 =	por !p2, p0  }
0x20: {  	[sflag:s8] =	ssyncset.s32 @!p0 $0xFFFFF086;
	s6 =	sadd.s32 @!p0 s3, s7;
	s7 =	simm.s32 @!p0 $0x108  }
0x21: {  	s3 =	sadd.s32 s3, s9;
	s6 =	sadd.s32 @!p0 $0x88, s6;
	s7 =	simm.s32 @p2 $0x1082  }
0x22: {  	[simem:s7], [sflag:s8] =	dma.local @!p0 [hbm:s6], $0xF7A  }
0x23: {  	s9 =	sor.u32 $0xD0000000, s2;
	s6 =	simm.s32 $0x108;
	_ =	swait.ge @!p0 [sflag:s8], $0x0  }
0x24: {  	s3 =	sadd.s32 $0x88, s3;
	s6 =	simm.s32 @!p1 $0x1082;
	[sflag:s4] =	ssyncset.s32 $0xFFFFF086  }
0x25: {  	[simem:s6], [sflag:s4] =	dma.local [hbm:s3], $0xF7A  }
0x26: {  	[smem:$0x3F97] =	sst s1;
	(tag) =	ssettag s2;
	_ =	strace s9  }
0x27: {  	s1 =	sld [smem:$0x3FA7]  }
0x28: {  	s2 =	sld [smem:$0x3FA8]  }
0x29: {  	s4 =	sld [smem:$0x3FAA]  }
0x2a: {  	p0 =	seq.s32 s5, $0x0;
	s5 =	sld [smem:$0x3FAB]  }
0x2b: {  	s6 =	sld [smem:$0x3FAC]  }
0x2c: {  	s7 =	sld [smem:$0x3FAD]  }
0x2d: {  	s3 =	simm.s32 $0x108;
	s8 =	sld [smem:$0x3FAE]  }
0x2e: {  	s3 =	simm.s32 @!p0 $0x1082;
	s9 =	sld [smem:$0x3FAF]  }
0x2f: {  	lr =	sadd.s32 s0, s3;
	s0 =	sld [smem:$0x3FA6]  }
0x30: {  	s3 =	sld [smem:$0x3FA9]  }
0x31: {  	[smem:$0x3FB2] =	sst s10  }
0x32: {  	s10 =	sld [smem:$0x3FB0];
	_ =	sdelay $0x3  }
0x33: {  	p0 =	seq.s32 s10, $0x1;
	s10 =	sld [smem:$0x3FB2];
	_ =	sdelay $0x3  }
0x34: {  	[smem:$0x3FB2] =	sst s10  }
0x35: {  	s10 =	sld [smem:$0x3FB1];
	_ =	sdelay $0x3  }
0x36: {  	p1 =	seq.s32 s10, $0x1;
	s10 =	sld [smem:$0x3FB2];
	_ =	sdelay $0x3  }
0x37: {  	[smem:$0x3FB2] =	sst s10  }
0x38: {  	s10 =	sld [smem:$0x3FB3]  }
0x39: {  	_ = 	snop;
	(pc) =	sbr.ind lr, $3  }
0x3a: {  	_ = 	snop  }
0x3b: {  	_ = 	snop  }
0x3c: {  	p2 =	seq.s32 s10, $0x1;
	s10 =	sld [smem:$0x3FB2]  }
0x3d: {  	_ =	shalt  }
0x3e: {  	_ =	shalt  }
0x3f: {  	_ =	shalt  }
0x40: {  	_ =	shalt  }
0x41: {  	_ =	shalt  }
0x42: {  	_ =	shalt  }
0x43: {  	_ =	shalt  }
0x44: {  	_ =	shalt  }
0x45: {  	_ =	shalt  }
0x46: {  	_ =	shalt  }
0x47: {  	_ =	shalt  }
0x48: {  	_ =	shalt  }
0x49: {  	_ =	shalt  }
0x4a: {  	_ =	shalt  }
0x4b: {  	_ =	shalt  }
0x4c: {  	_ =	shalt  }
0x4d: {  	_ =	shalt  }
0x4e: {  	_ =	shalt  }
0x4f: {  	_ =	shalt  }
0x50: {  	_ =	shalt  }
0x51: {  	_ =	shalt  }
0x52: {  	_ =	shalt  }
0x53: {  	_ =	shalt  }
0x54: {  	_ =	shalt  }
0x55: {  	_ =	shalt  }
0x56: {  	_ =	shalt  }
0x57: {  	_ =	shalt  }
0x58: {  	_ =	shalt  }
0x59: {  	_ =	shalt  }
0x5a: {  	_ =	shalt  }
0x5b: {  	_ =	shalt  }
0x5c: {  	_ =	shalt  }
0x5d: {  	_ =	shalt  }
0x5e: {  	_ =	shalt  }
0x5f: {  	_ =	shalt  }
0x60: {  	_ =	shalt  }
0x61: {  	_ =	shalt  }
0x62: {  	_ =	shalt  }
0x63: {  	_ =	shalt  }
0x64: {  	_ =	shalt  }
0x65: {  	_ =	shalt  }
0x66: {  	_ =	shalt  }
0x67: {  	_ =	shalt  }
0x68: {  	_ =	shalt  }
0x69: {  	_ =	shalt  }
0x6a: {  	_ =	shalt  }
0x6b: {  	_ =	shalt  }
0x6c: {  	_ =	shalt  }
0x6d: {  	_ =	shalt  }
0x6e: {  	_ =	shalt  }
0x6f: {  	_ =	shalt  }
0x70: {  	_ =	shalt  }
0x71: {  	_ =	shalt  }
0x72: {  	_ =	shalt  }
0x73: {  	_ =	shalt  }
0x74: {  	_ =	shalt  }
0x75: {  	_ =	shalt  }
0x76: {  	_ =	shalt  }
0x77: {  	_ =	shalt  }
0x78: {  	_ =	shalt  }
0x79: {  	_ =	shalt  }
0x7a: {  	_ =	shalt  }
0x7b: {  	_ =	shalt  }
0x7c: {  	_ =	shalt  }
0x7d: {  	_ =	shalt  }
0x7e: {  	_ =	shalt  }
0x7f: {  	_ =	shalt  }
0x80: {  	_ =	shalt  }
0x81: {  	_ =	shalt  }
0x82: {  	_ =	shalt  }
0x83: {  	_ =	shalt  }
0x84: {  	_ =	shalt  }
0x85: {  	_ =	shalt  }
0x86: {  	_ =	shalt  }
0x87: {  	_ =	shalt  }
.Lfunc_end0:
.L_simem_size_0:
called_computation.1_lowered:
.L_overlay_start_0:
0x88: {  	s2 =	sld [smem:$0x3FD9]  }
0x89: {  	s3 =	sld [smem:$0x3FFE];
	_ =	sdelay $0x1  }
0x8a: {  	s1 =	srdreg.scid  }
0x8b: {  	s0 =	sand.u32 $0x1, s1  }
0x8c: {  	s17 =	sshll.u32 s0, $0xA;
	s2 =	sadd.s32 s3, s2  }
0x8d: {  	s2 =	sadd.s32 s2, s17  }
0x8e: {  	[smem:$0x3FBE] =	sst s2  }
0x8f: {  	_ = 	snop  }
0x90: {  	(tm) =	ssettm $0x1  }
0x91: {  	s18 =	sld [smem:$0x3FFB];
	_ =	sdelay $0x3  }
0x92: {  	_ =	strace s18  }
0x93: {  	s2 =	sld [smem:$0x3FFC];
	_ =	sdelay $0x3  }
0x94: {  	_ =	strace s2  }
0x95: {  	s2 =	sld [smem:$0x3FFD];
	_ =	sdelay $0x3  }
0x96: {  	_ =	strace s2  }
0x97: {  	_ =	strace $0x8FFFFFFF  }
0x98: {  	s19 =	sld [smem:$0x3FDB];
	_ =	sdelay $0x1  }
0x99: {  	s20 =	simm.s32 $_scs_section_size  }
0x9a: {  	s4 =	simm.s32 $_size__tile_overlayer_lowered;
	s5 =	simm.s32 $_tile_overlayer_lowered  }
0x9b: {  	s6 =	simm.s32 $0x1BFF;
	s21 =	sshll.u32 s5, $0x1;
	s3 =	sadd.s32 s20, s19  }
0x9c: {  	s22 =	simm.s32 $0x0;
	s4 =	sshll.u32 s4, $0x1;
	s5 =	sadd.s32 s21, s3  }
0x9d: {  	[timem:s22], [sflag:s6] =	dma.local [hbm:s5], s4  }
0x9e: {  	_ =	swait.ge [sflag:s6], s4  }
0x9f: {  	s4 =	ssub.s32 $0x0, s4;
	[sflag:s6] =	ssyncset.done $0x0  }
0xa0: {  	[sflag:s6] =	ssyncadd.s32 s4;
	_ =	sdelay $0x1  }
0xa1: {  	s23 =	simm.s32 $0x1B8B  }
0xa2: {  	_ =	swait.ge [sflag:s23], $0x1  }
0xa3: {  	[sflag:s23] =	ssyncset.done $0x0  }
0xa4: {  	[sflag:s23] =	ssyncadd.s32 $0xFFFFFFFF  }
0xa5: {  	s4 =	sld [smem:$0x0]  }
0xa6: {  	s5 =	sand.u32 $0xFFFFFFFE, s1  }
0xa7: {  	p0 =	sne.s32 s1, s5  }
0xa8: {  	s5 =	sshll.u32 @p0 s5, $0xE  }
0xa9: {  	s5 =	sadd.s32 @p0 $0x11B8D, s5;
	s6 =	sshll.u32 @p0 s4, $0x11  }
0xaa: {  	s5 =	sor.u32 @p0 s6, s5  }
0xab: {  	[sflag:s5] =	ssyncadd.remote.s32 @p0 $0x1;
	_ =	sdelay $0x1  }
0xac: {  	s5 =	simm.s32 @p0 $0x1B8D  }
0xad: {  	_ =	swait.eq @p0 [sflag:s5], $0x1  }
0xae: {  	[sflag:s5] =	ssyncadd.s32 @p0 $0xFFFFFFFF  }
0xaf: {  	s6 =	sshll.u32 @!p0 s1, $0xE  }
0xb0: {  	s6 =	sor.u32 @!p0 $0x4000, s6;
	s5 =	simm.s32 @!p0 $0x1B8D  }
0xb1: {  	s4 =	sshll.u32 @!p0 s4, $0x11;
	s6 =	sadd.s32 @!p0 $0x11B8D, s6;
	_ =	swait.eq @!p0 [sflag:s5], $0x1  }
0xb2: {  	s4 =	sor.u32 @!p0 s4, s6;
	[sflag:s5] =	ssyncadd.s32 @!p0 $0xFFFFFFFF  }
0xb3: {  	s25 =	simm.s32 $0x1B8E;
	s24 =	sld [smem:$0x3FFE];
	[sflag:s4] =	ssyncadd.remote.s32 @!p0 $0x1  }
0xb4: {  	s26 =	simm.s32 $execute0_lowered;
	[smem:$0x3FD2] =	sst s25  }
0xb5: {  	s5 =	sshll.u32 s26, $0x1;
	_ =	strace $0x80000049;
	[dreg:$0x1] =	wrdreg $0xFFFFFFFF  }
0xb6: {  	s28 =	simm.s32 $_size_execute0_lowered;
	s3 =	sadd.s32 s3, s5;
	[dreg:$0x0] =	wrdreg $0x0  }
0xb7: {  	s5 =	sshll.u32 s28, $0x1;
	[dreg:$0x2] =	wrdreg s3  }
0xb8: {  	[dreg:$0x3] =	wrdreg s5  }
0xb9: {  	[dreg:$0x4] =	wrdreg $0xC0  }
0xba: {  	_ =	task [dreg:s22], $0x5FFFF  }
0xbb: {  	[dreg:$0x1] =	wrdreg $0xFFFFFFFF  }
0xbc: {  	[dreg:$0x0] =	wrdreg $0x60  }
0xbd: {  	[dreg:$0x2] =	wrdreg s24  }
0xbe: {  	[dreg:$0x3] =	wrdreg $0xB4800  }
0xbf: {  	[dreg:$0x4] =	wrdreg $0xA  }
0xc0: {  	_ =	task.clear_ibuf [dreg:s22], $0x5FFFF;
	_ =	strace $0x90000049  }
0xc1: {  	s29 =	simm.s32 $0xA;
	_ =	strace $0x8000004B  }
0xc2: {  	_ =	swait.ge [sflag:s29], $0x1  }
0xc3: {  	[sflag:s29] =	ssyncadd.s32 $0xFFFFFFFF  }
0xc4: {  	_ =	strace $0x9000004B  }
0xc5: {  	_ =	sfence  }
0xc6: {  	s30 =	sld [smem:$0x0];
	_ =	sdelay $0x2  }
0xc7: {  	s31 =	sshll.u32 s1, $0xD;
	s1 =	sshrl.u32 s1, $0x2  }
0xc8: {  	s4 =	sand.u32 $0x4000, s31;
	s1 =	sadd.s32 s1, s30  }
0xc9: {  	s0 =	sor.u32 s4, s0;
	s1 =	sshll.u32 s1, $0x11  }
0xca: {  	s0 =	sor.u32 s1, s0  }
0xcb: {  	s0 =	sadd.s32 $0x8F2B, s0  }
0xcc: {  	[sflag:s0] =	ssyncadd.remote.s32 $0x1  }
0xcd: {  	_ =	sfence.sel $0xFFFF  }
0xce: {  	[dreg:$0x0] =	wrdreg $0xFFFFFFFF;
	(pc) =	sbr.abs _section_cstart, $3  }
0xcf: {  	[dreg:$0x1] =	wrdreg $0xFFFFFFFF  }
0xd0: {  	_ =	task.clear_ibuf [dreg:s22], $0x2FFFF;
	_ =	strace $0x9FFFFFFF  }
0xd1: {  	(tm) =	ssettm $0x7FFFFFFF  }
tec
execute0_lowered:
.L_overlay_start_1:
0x0: {  	(tag) =	ssettag $0x1  }
0x1: {  	s0 =	rddreg [dreg:$0x0]  }
0x2: {  	s1 =	rddreg [dreg:$0x1]  }
0x3: {  	s3 =	simm.s32 $0x0;
	s2 =	srdreg.scid;
	s9 =	stileid.u32  }
0x4: {  	[smem:$0x7FF] =	sst s3;
	s2 =	sand.u32 $0x1, s2;
	s26 =	smul.u32 $0x50000, s9  }
0x5: {  	s6 =	sadd.s32 $0x8F200, s0;
	s10 =	sadd.s32 $0x8EC00, s0;
	s5 =	smul.u32 $0x140000, s2  }
0x6: {  	_ =	strace $0x8000004A;
	s8 =	sshll.u32 s2, $0x4;
	s2 =	ssub.s32 $0x2, s2  }
0x7: {  	[dreg:$0x3] =	wrdreg s6;
	s29 =	sshrl.u32 s2, $0x1;
	s30 =	sshrl.u32 s26, $0x2  }
0x8: {  	[dreg:$0x4] =	wrdreg s10;
	s2 =	ssub.s32 s2, s29;
	s15 =	sadd.s32 s30, s1  }
0x9: {  	s2 =	smax.u32 s2, $0x1;
	[dreg:$0x6] =	wrdreg s15  }
0xa: {  	s10 =	sadd.s32 $0x2000, s15;
	[dreg:$0x8] =	wrdreg s2  }
0xb: {  	s11 =	sadd.s32 $0x3000, s15;
	[dreg:$0xa] =	wrdreg s10  }
0xc: {  	s12 =	sadd.s32 $0x4000, s15;
	[dreg:$0xb] =	wrdreg s11  }
0xd: {  	s13 =	sadd.s32 $0x5000, s15;
	[dreg:$0xc] =	wrdreg s12  }
0xe: {  	s14 =	sadd.s32 $0x6000, s15;
	[dreg:$0xd] =	wrdreg s13  }
0xf: {  	s16 =	sadd.s32 $0x7000, s15;
	[dreg:$0xe] =	wrdreg s14  }
0x10: {  	s18 =	sadd.s32 $0x8000, s15;
	[dreg:$0xf] =	wrdreg s16  }
0x11: {  	s4 =	sadd.s32 $0x2200, s0;
	s19 =	sadd.s32 $0x9000, s15;
	[dreg:$0x10] =	wrdreg s18  }
0x12: {  	s7 =	smul.u32 $0x14000, s9;
	s20 =	sadd.s32 $0xA000, s15;
	[dreg:$0x11] =	wrdreg s19  }
0x13: {  	s6 =	sadd.s32 $0x50400, s0;
	s21 =	sadd.s32 $0xB000, s15;
	[dreg:$0x12] =	wrdreg s20  }
0x14: {  	s25 =	sor.u32 s9, s8;
	s22 =	sadd.s32 $0xC000, s15;
	[dreg:$0x13] =	wrdreg s21  }
0x15: {  	s5 =	sadd.s32 s7, s5;
	s23 =	sadd.s32 $0xD000, s15;
	[dreg:$0x14] =	wrdreg s22  }
0x16: {  	s28 =	smul.u32 $0x1F40, s25;
	s24 =	sadd.s32 $0xE000, s15;
	[dreg:$0x15] =	wrdreg s23  }
0x17: {  	s9 =	smul.u32 $0xFA, s25;
	s26 =	sadd.s32 $0xF000, s15;
	[dreg:$0x16] =	wrdreg s24  }
0x18: {  	s7 =	simm.s32 $0xA400;
	s29 =	sadd.s32 $0x11000, s15;
	[dreg:$0x17] =	wrdreg s26  }
0x19: {  	s5 =	sshrl.u32 s5, $0x3;
	s30 =	sadd.s32 $0x12000, s15;
	[dreg:$0x19] =	wrdreg s29  }
0x1a: {  	s17 =	sadd.s32 $0x1000, s15;
	s0 =	sadd.s32 s5, s0;
	[dreg:$0x1a] =	wrdreg s30  }
0x1b: {  	s31 =	sadd.s32 s6, s28;
	s28 =	sadd.s32 $0x10000, s15;
	[dreg:$0x9] =	wrdreg s17  }
0x1c: {  	s5 =	simm.s32 $0x5;
	s11 =	simm.s32 $0x1;
	[dreg:$0x5] =	wrdreg s31  }
0x1d: {  	v3 =	vlaneseq.u32;
	s12 =	simm.s32 $0xB400;
	s8 =	sadd.s32 $0x20, s31;
	[dreg:$0x18] =	wrdreg s28  }
0x1e: {  	v0 =	vimm.f32 $0.0e+00;
	vm0 =	vmmov $0xffff;
	v2 =	vshrl.u32 v3, $0x3;
	s14 =	simm.s32 $0x28;
	s31 =	sadd.s32 $0x13000, s15;
	[dreg:$0x7] =	wrdreg s8  }
0x1f: {  	v1 =	vand.u32 $0x7, v3;
	v3 =	vor.u32 $0x8, v3;
	v2 =	vmul.u32 $0x8, v2;
	s16 =	simm.s32 $0x0;
	s25 =	sadd.s32 $0x8F800, s0;
	[dreg:$0x1b] =	wrdreg s31  }
.LBB2_1:
0x20: {  	s0 =	rddreg [dreg:$0x3]  }
0x21: {  	[tilespmem:s3], [sflag:$0x5] =	stream.linear.gather [hbm4b:s0+s3], $0x2780, $0x38;
	[tilespmem:$0x1F480] =	vst v63  }
0x22: {  	_ =	swait.ge [sflag:s5], $0x2780  }
0x23: {  	[sflag:s5] =	ssyncset.done $0x0  }
0x24: {  	s2 =	simm.s32 $0x2780;
	s31 =	rddreg [dreg:$0x4];
	[sflag:s5] =	ssyncadd.s32 $0xFFFFD880  }
0x25: {  	[tilespmem:s2], [sflag:$0x5] =	stream.linear.gather [hbm4b:s31+s3], $0x80, $0x38;
	[tilespmem:$0x1F480] =	vst v63  }
0x26: {  	_ =	swait.ge [sflag:s5], $0x80  }
0x27: {  	[sflag:s5] =	ssyncset.done $0x0  }
0x28: {  	s0 =	simm.s32 $0x0;
	s2 =	simm.s32 $0x200;
	[sflag:s5] =	ssyncadd.s32 $0xFFFFFF80  }
.LBB2_2:
0x29: {  	p0 =	sne.s32 s2, $0x3E00;
	[tilespmem:s0+$0xA470] =	vst v0  }
0x2a: {  	[tilespmem:s0+$0xA400] =	vst v0  }
0x2b: {  	[tilespmem:s0+$0xA410] =	vst v0  }
.Ltmp0:
0x2c: {  	[tilespmem:s0+$0xA420] =	vst v0;
	(pc) =	sbr.rel @p0 .LBB2_2-.Ltmp0, $4  }
0x2d: {  	[tilespmem:s0+$0xA430] =	vst v0  }
0x2e: {  	[tilespmem:s0+$0xA440] =	vst v0  }
0x2f: {  	[tilespmem:s0+$0xA450] =	vst v0  }
0x30: {  	[tilespmem:s0+$0xA460] =	vst v0;
	s0 =	sshra.s32 s2, $0x2;
	s2 =	sadd.s32 $0x200, s2  }
0x31: {  	[tilespmem:s0+$0xA470] =	vst v0  }
0x32: {  	[tilespmem:s0+$0xA400] =	vst v0  }
0x33: {  	[tilespmem:s0+$0xA410] =	vst v0  }
0x34: {  	[tilespmem:s0+$0xA420] =	vst v0  }
0x35: {  	[tilespmem:s0+$0xA430] =	vst v0  }
0x36: {  	[tilespmem:s0+$0xA440] =	vst v0  }
0x37: {  	[tilespmem:s0+$0xA450] =	vst v0  }
0x38: {  	[tilespmem:s0+$0xA460] =	vst v0  }
0x39: {  	[spmem:s15] =	stream.linear.scatter [tilespmem:s7], [sflag:$0x5], $0x1000, $0x38;
	[tilespmem:$0x1F480] =	vst v63  }
0x3a: {  	_ =	swait.ge [sflag:s5], $0x1000  }
0x3b: {  	[sflag:s5] =	ssyncset.done $0x0  }
0x3c: {  	[sflag:s5] =	ssyncadd.s32 $0xFFFFF000  }
0x3d: {  	[spmem:s17] =	stream.linear.scatter [tilespmem:s7], [sflag:$0x5], $0x1000, $0x38;
	[tilespmem:$0x1F480] =	vst v63  }
0x3e: {  	_ =	swait.ge [sflag:s5], $0x1000  }
0x3f: {  	[sflag:s5] =	ssyncset.done $0x0  }
0x40: {  	s23 =	rddreg [dreg:$0xa];
	[sflag:s5] =	ssyncadd.s32 $0xFFFFF000  }
0x41: {  	[spmem:s23] =	stream.linear.scatter [tilespmem:s7], [sflag:$0x5], $0x1000, $0x38;
	[tilespmem:$0x1F480] =	vst v63  }
0x42: {  	_ =	swait.ge [sflag:s5], $0x1000  }
0x43: {  	[sflag:s5] =	ssyncset.done $0x0  }
0x44: {  	s24 =	rddreg [dreg:$0xb];
	[sflag:s5] =	ssyncadd.s32 $0xFFFFF000  }
0x45: {  	[spmem:s24] =	stream.linear.scatter [tilespmem:s7], [sflag:$0x5], $0x1000, $0x38;
	[tilespmem:$0x1F480] =	vst v63  }
0x46: {  	_ =	swait.ge [sflag:s5], $0x1000  }
0x47: {  	[sflag:s5] =	ssyncset.done $0x0  }
0x48: {  	s26 =	rddreg [dreg:$0xc];
	[sflag:s5] =	ssyncadd.s32 $0xFFFFF000  }
0x49: {  	[spmem:s26] =	stream.linear.scatter [tilespmem:s7], [sflag:$0x5], $0x1000, $0x38;
	[tilespmem:$0x1F480] =	vst v63  }
0x4a: {  	_ =	swait.ge [sflag:s5], $0x1000  }
0x4b: {  	[sflag:s5] =	ssyncset.done $0x0  }
0x4c: {  	s28 =	rddreg [dreg:$0xd];
	[sflag:s5] =	ssyncadd.s32 $0xFFFFF000  }
0x4d: {  	[spmem:s28] =	stream.linear.scatter [tilespmem:s7], [sflag:$0x5], $0x1000, $0x38;
	[tilespmem:$0x1F480] =	vst v63  }
0x4e: {  	_ =	swait.ge [sflag:s5], $0x1000  }
0x4f: {  	[sflag:s5] =	ssyncset.done $0x0  }
0x50: {  	s29 =	rddreg [dreg:$0xe];
	[sflag:s5] =	ssyncadd.s32 $0xFFFFF000  }
0x51: {  	[spmem:s29] =	stream.linear.scatter [tilespmem:s7], [sflag:$0x5], $0x1000, $0x38;
	[tilespmem:$0x1F480] =	vst v63  }
0x52: {  	_ =	swait.ge [sflag:s5], $0x1000  }
0x53: {  	[sflag:s5] =	ssyncset.done $0x0  }
0x54: {  	s30 =	rddreg [dreg:$0xf];
	[sflag:s5] =	ssyncadd.s32 $0xFFFFF000  }
0x55: {  	[spmem:s30] =	stream.linear.scatter [tilespmem:s7], [sflag:$0x5], $0x1000, $0x38;
	[tilespmem:$0x1F480] =	vst v63  }
0x56: {  	_ =	swait.ge [sflag:s5], $0x1000  }
0x57: {  	[sflag:s5] =	ssyncset.done $0x0  }
0x58: {  	s31 =	rddreg [dreg:$0x10];
	[sflag:s5] =	ssyncadd.s32 $0xFFFFF000  }
0x59: {  	[spmem:s31] =	stream.linear.scatter [tilespmem:s7], [sflag:$0x5], $0x1000, $0x38;
	[tilespmem:$0x1F480] =	vst v63  }
0x5a: {  	_ =	swait.ge [sflag:s5], $0x1000  }
0x5b: {  	[sflag:s5] =	ssyncset.done $0x0  }
0x5c: {  	s2 =	rddreg [dreg:$0x11];
	[sflag:s5] =	ssyncadd.s32 $0xFFFFF000  }
0x5d: {  	[spmem:s2] =	stream.linear.scatter [tilespmem:s7], [sflag:$0x5], $0x1000, $0x38;
	[tilespmem:$0x1F480] =	vst v63  }
0x5e: {  	_ =	swait.ge [sflag:s5], $0x1000  }
0x5f: {  	[sflag:s5] =	ssyncset.done $0x0  }
0x60: {  	s8 =	rddreg [dreg:$0x12];
	[sflag:s5] =	ssyncadd.s32 $0xFFFFF000  }
0x61: {  	[spmem:s8] =	stream.linear.scatter [tilespmem:s7], [sflag:$0x5], $0x1000, $0x38;
	[tilespmem:$0x1F480] =	vst v63  }
0x62: {  	_ =	swait.ge [sflag:s5], $0x1000  }
0x63: {  	[sflag:s5] =	ssyncset.done $0x0  }
0x64: {  	s10 =	rddreg [dreg:$0x13];
	[sflag:s5] =	ssyncadd.s32 $0xFFFFF000  }
0x65: {  	[spmem:s10] =	stream.linear.scatter [tilespmem:s7], [sflag:$0x5], $0x1000, $0x38;
	[tilespmem:$0x1F480] =	vst v63  }
0x66: {  	_ =	swait.ge [sflag:s5], $0x1000  }
0x67: {  	[sflag:s5] =	ssyncset.done $0x0  }
0x68: {  	s13 =	rddreg [dreg:$0x14];
	[sflag:s5] =	ssyncadd.s32 $0xFFFFF000  }
0x69: {  	[spmem:s13] =	stream.linear.scatter [tilespmem:s7], [sflag:$0x5], $0x1000, $0x38;
	[tilespmem:$0x1F480] =	vst v63  }
0x6a: {  	_ =	swait.ge [sflag:s5], $0x1000  }
0x6b: {  	[sflag:s5] =	ssyncset.done $0x0  }
0x6c: {  	s15 =	rddreg [dreg:$0x15];
	[sflag:s5] =	ssyncadd.s32 $0xFFFFF000  }
0x6d: {  	[spmem:s15] =	stream.linear.scatter [tilespmem:s7], [sflag:$0x5], $0x1000, $0x38;
	[tilespmem:$0x1F480] =	vst v63  }
0x6e: {  	_ =	swait.ge [sflag:s5], $0x1000  }
0x6f: {  	[sflag:s5] =	ssyncset.done $0x0  }
0x70: {  	s17 =	rddreg [dreg:$0x16];
	[sflag:s5] =	ssyncadd.s32 $0xFFFFF000  }
0x71: {  	[spmem:s17] =	stream.linear.scatter [tilespmem:s7], [sflag:$0x5], $0x1000, $0x38;
	[tilespmem:$0x1F480] =	vst v63  }
0x72: {  	_ =	swait.ge [sflag:s5], $0x1000  }
0x73: {  	[sflag:s5] =	ssyncset.done $0x0  }
0x74: {  	s18 =	rddreg [dreg:$0x17];
	[sflag:s5] =	ssyncadd.s32 $0xFFFFF000  }
0x75: {  	[spmem:s18] =	stream.linear.scatter [tilespmem:s7], [sflag:$0x5], $0x1000, $0x38;
	[tilespmem:$0x1F480] =	vst v63  }
0x76: {  	_ =	swait.ge [sflag:s5], $0x1000  }
0x77: {  	[sflag:s5] =	ssyncset.done $0x0  }
0x78: {  	s19 =	rddreg [dreg:$0x18];
	[sflag:s5] =	ssyncadd.s32 $0xFFFFF000  }
0x79: {  	[spmem:s19] =	stream.linear.scatter [tilespmem:s7], [sflag:$0x5], $0x1000, $0x38;
	[tilespmem:$0x1F480] =	vst v63  }
0x7a: {  	_ =	swait.ge [sflag:s5], $0x1000  }
0x7b: {  	[sflag:s5] =	ssyncset.done $0x0  }
0x7c: {  	s20 =	rddreg [dreg:$0x19];
	[sflag:s5] =	ssyncadd.s32 $0xFFFFF000  }
0x7d: {  	[spmem:s20] =	stream.linear.scatter [tilespmem:s7], [sflag:$0x5], $0x1000, $0x38;
	[tilespmem:$0x1F480] =	vst v63  }
0x7e: {  	_ =	swait.ge [sflag:s5], $0x1000  }
0x7f: {  	[sflag:s5] =	ssyncset.done $0x0  }
0x80: {  	s21 =	rddreg [dreg:$0x1a];
	[sflag:s5] =	ssyncadd.s32 $0xFFFFF000  }
0x81: {  	[spmem:s21] =	stream.linear.scatter [tilespmem:s7], [sflag:$0x5], $0x1000, $0x38;
	[tilespmem:$0x1F480] =	vst v63  }
0x82: {  	_ =	swait.ge [sflag:s5], $0x1000  }
0x83: {  	[sflag:s5] =	ssyncset.done $0x0  }
0x84: {  	s22 =	rddreg [dreg:$0x1b];
	[sflag:s5] =	ssyncadd.s32 $0xFFFFF000  }
0x85: {  	[spmem:s22] =	stream.linear.scatter [tilespmem:s7], [sflag:$0x5], $0x1000, $0x38;
	[tilespmem:$0x1F480] =	vst v63  }
0x86: {  	_ =	swait.ge [sflag:s5], $0x1000  }
0x87: {  	[sflag:s5] =	ssyncset.done $0x0  }
0x88: {  	[sflag:s5] =	ssyncadd.s32 $0xFFFFF000  }
0x89: {  	[bflag:$0x0] =	sbarrier.arrive $0xFFFF  }
0x8a: {  	s0 =	simm.s32 $0x0;
	s8 =	simm.s32 $0x2800;
	s2 =	rddreg [dreg:$0x5]  }
0x8b: {  	v4 =	vld [tilespmem:$0x2780];
	[tilespmem:s8], [sflag:$0x5] =	stream.linear.gather [hbm4b:s2+s0], $0x100, $0x38  }
0x8c: {  	_ =	swait.ge [sflag:s5], $0x100  }
0x8d: {  	[sflag:s5] =	ssyncset.done $0x0  }
0x8e: {  	[sflag:s5] =	ssyncadd.s32 $0xFFFFFF00  }
0x8f: {  	v5 =	vld [tilespmem:$0x2800];
	_ =	sdelay $0x4  }
0x90: {  	v6 =	vshll.u32 v5, $0x1  }
0x91: {  	v5 =	vand.u32 $0x7, v5;
	v6 =	vand.u32 $0xFFFFFFF0, v6  }
0x92: {  	v5 =	vor.u32 v5, v6  }
0x93: {  	v6 =	vperm.xlane v5, v1;
	_ =	sdelay $0x1  }
0x94: {  	v5 =	vperm.xlane v5, v3;
	v6 =	vadd.s32 v2, v6;
	_ =	sdelay $0x1  }
0x95: {  	v5 =	vadd.s32 v2, v5;
	_ =	sdelay $0x1  }
0x96: {  	s23 =	simm.s32 $0x2C00  }
0x97: {  	[tilespmem:s23], [sflag:$0x1] =	stream.indirect_vreg.gather [hbm4b:s4+s0], $0x80, v6, vm0, $0xb8;
	[tilespmem:$0x1F480] =	vst v63  }
0x98: {  	s24 =	simm.s32 $0x3400  }
0x99: {  	[tilespmem:s24], [sflag:$0x1] =	stream.indirect_vreg.gather [hbm4b:s4+s0], $0x80, v5, vm0, $0xb8;
	[tilespmem:$0x1F480] =	vst v63  }
0x9a: {  	v5 =	vld [tilespmem:$0x2810];
	_ =	sdelay $0x4  }
0x9b: {  	v6 =	vshll.u32 v5, $0x1  }
0x9c: {  	v5 =	vand.u32 $0x7, v5;
	v6 =	vand.u32 $0xFFFFFFF0, v6  }
0x9d: {  	v5 =	vor.u32 v5, v6  }
0x9e: {  	v6 =	vperm.xlane v5, v1;
	_ =	sdelay $0x1  }
0x9f: {  	v5 =	vperm.xlane v5, v3;
	v6 =	vadd.s32 v2, v6;
	_ =	sdelay $0x1  }
0xa0: {  	v5 =	vadd.s32 v2, v5;
	_ =	sdelay $0x1  }
0xa1: {  	s26 =	simm.s32 $0x3C00  }
0xa2: {  	[tilespmem:s26], [sflag:$0x1] =	stream.indirect_vreg.gather [hbm4b:s4+s0], $0x80, v6, vm0, $0xb8;
	[tilespmem:$0x1F480] =	vst v63  }
0xa3: {  	s28 =	simm.s32 $0x4400  }
0xa4: {  	[tilespmem:s28], [sflag:$0x1] =	stream.indirect_vreg.gather [hbm4b:s4+s0], $0x80, v5, vm0, $0xb8;
	[tilespmem:$0x1F480] =	vst v63  }
0xa5: {  	v5 =	vld.msk [tilespmem:$0x2820], $0xff;
	_ =	sdelay $0x4  }
0xa6: {  	v6 =	vshll.u32 v5, $0x1  }
0xa7: {  	v5 =	vand.u32 $0x7, v5;
	v6 =	vand.u32 $0xFFFFFFF0, v6  }
0xa8: {  	v5 =	vor.u32 v5, v6  }
0xa9: {  	v5 =	vperm.xlane v5, v1;
	_ =	sdelay $0x1  }
0xaa: {  	v5 =	vadd.s32 v2, v5;
	_ =	sdelay $0x3  }
0xab: {  	s29 =	simm.s32 $0x4C00  }
0xac: {  	[tilespmem:s29], [sflag:$0x1] =	stream.indirect_vreg.gather [hbm4b:s4+s0], $0x80, v5, vm0, $0xb8;
	[tilespmem:$0x1F480] =	vst v63  }
0xad: {  	p0 =	por $0x0, $0x0;
	s31 =	simm.s32 $0x2900;
	s30 =	rddreg [dreg:$0x7]  }
0xae: {  	[tilespmem:s31], [sflag:$0x4] =	stream.linear.gather [hbm4b:s30+s0], $0x100, $0x38;
	[tilespmem:$0x1F480] =	vst v63  }
.LBB2_4:
0xaf: {  	p1 =	seq.s32 s0, $0xF9  }
.Ltmp1:
0xb0: {  	_ = 	snop;
	(pc) =	sbr.rel @!p1 .LBB2_5-.Ltmp1, $2  }
0xb1: {  	_ =	sdelay $0x2  }
0xb2: {  	s18 =	sand.u32 $0x1, s0;
	s17 =	sadd.s32 $0x1, s0  }
.Ltmp2:
0xb3: {  	(pc) =	sbr.rel .LBB2_7-.Ltmp2, $4  }
0xb4: {  	_ = 	snop  }
0xb5: {  	_ =	swait.ge [sflag:s11], $0x2800  }
0xb6: {  	[sflag:s11] =	ssyncset.done $0x0  }
0xb7: {  	[sflag:s11] =	ssyncadd.s32 $0xFFFFD800  }
.LBB2_5:
0xb8: {  	s2 =	sand.u32 $0x1, s17  }
0xb9: {  	p1 =	seq.s32 s2, $0x1;
	s2 =	simm.s32 $0x4  }
0xba: {  	s2 =	simm.s32 @!p1 $0x3  }
0xbb: {  	_ =	swait.ge [sflag:s2], $0x100  }
0xbc: {  	[sflag:s2] =	ssyncset.done $0x0  }
0xbd: {  	[sflag:s2] =	ssyncadd.s32 $0xFFFFFF00  }
0xbe: {  	_ =	swait.ge [sflag:s11], $0x2800  }
0xbf: {  	s26 =	sshll.u32 s17, $0x8;
	[sflag:s11] =	ssyncset.done $0x0  }
0xc0: {  	s2 =	sand.u32 $0x300, s26;
	[sflag:s11] =	ssyncadd.s32 $0xFFFFD800  }
0xc1: {  	v5 =	vld [tilespmem:s2+$0x2800];
	_ =	sdelay $0x4  }
0xc2: {  	v6 =	vshll.u32 v5, $0x1  }
0xc3: {  	v5 =	vand.u32 $0x7, v5;
	v6 =	vand.u32 $0xFFFFFFF0, v6  }
0xc4: {  	v5 =	vor.u32 v5, v6  }
0xc5: {  	v6 =	vperm.xlane v5, v1;
	_ =	sdelay $0x1  }
0xc6: {  	s8 =	sxor.u32 $0x1, s18;
	v5 =	vperm.xlane v5, v3;
	v6 =	vadd.s32 v2, v6  }
0xc7: {  	s8 =	smul.u32 $0xA000, s8  }
0xc8: {  	v5 =	vadd.s32 v2, v5  }
0xc9: {  	s8 =	sshrl.u32 s8, $0x2  }
0xca: {  	s19 =	sadd.s32 $0x2C00, s8  }
0xcb: {  	[tilespmem:s19], [sflag:$0x1] =	stream.indirect_vreg.gather [hbm4b:s4+s3], $0x80, v6, vm0, $0xb8;
	[tilespmem:$0x1F480] =	vst v63  }
0xcc: {  	s28 =	sadd.s32 $0x3400, s8  }
0xcd: {  	[tilespmem:s28], [sflag:$0x1] =	stream.indirect_vreg.gather [hbm4b:s4+s3], $0x80, v5, vm0, $0xb8;
	[tilespmem:$0x1F480] =	vst v63  }
0xce: {  	v5 =	vld [tilespmem:s2+$0x2810];
	_ =	sdelay $0x4  }
0xcf: {  	v6 =	vshll.u32 v5, $0x1  }
0xd0: {  	v5 =	vand.u32 $0x7, v5;
	v6 =	vand.u32 $0xFFFFFFF0, v6  }
0xd1: {  	v5 =	vor.u32 v5, v6  }
0xd2: {  	v6 =	vperm.xlane v5, v1;
	_ =	sdelay $0x1  }
0xd3: {  	v5 =	vperm.xlane v5, v3;
	v6 =	vadd.s32 v2, v6;
	_ =	sdelay $0x1  }
0xd4: {  	v5 =	vadd.s32 v2, v5;
	_ =	sdelay $0x1  }
0xd5: {  	s29 =	sadd.s32 $0x3C00, s8  }
0xd6: {  	[tilespmem:s29], [sflag:$0x1] =	stream.indirect_vreg.gather [hbm4b:s4+s3], $0x80, v6, vm0, $0xb8;
	[tilespmem:$0x1F480] =	vst v63  }
0xd7: {  	s30 =	sor.u32 $0x4400, s8;
	s2 =	sor.u32 $0x2820, s2  }
0xd8: {  	[tilespmem:s30], [sflag:$0x1] =	stream.indirect_vreg.gather [hbm4b:s4+s3], $0x80, v5, vm0, $0xb8;
	[tilespmem:$0x1F480] =	vst v63  }
0xd9: {  	v5 =	vld.msk [tilespmem:s2+$0x0], $0xff;
	_ =	sdelay $0x4  }
0xda: {  	v6 =	vshll.u32 v5, $0x1  }
0xdb: {  	v5 =	vand.u32 $0x7, v5;
	v6 =	vand.u32 $0xFFFFFFF0, v6  }
0xdc: {  	v5 =	vor.u32 v5, v6  }
0xdd: {  	v5 =	vperm.xlane v5, v1  }
0xde: {  	p1 =	slt.u32 s0, $0xF8  }
0xdf: {  	s31 =	sadd.s32 $0x4C00, s8;
	s8 =	sadd.s32 @p1 $0x2, s0;
	s2 =	sand.u32 @p1 $0x1, s0;
	v5 =	vadd.s32 v2, v5  }
0xe0: {  	p2 =	seq.s32 @p1 s2, $0x1;
	s2 =	sshll.u32 @p1 s8, $0xA;
	s8 =	sadd.s32 @p1 s9, s8  }
0xe1: {  	p3 =	por !p2, !p1;
	s8 =	sshll.u32 @p1 s8, $0x5;
	p1 =	por p2, !p1  }
0xe2: {  	s19 =	sand.u32 @!p3 $0xC00, s2;
	s20 =	sand.u32 @!p3 $0x1FFFFFE0, s8;
	s21 =	simm.s32 @!p3 $0x0  }
0xe3: {  	s2 =	sand.u32 @!p1 $0x800, s2;
	s8 =	sand.u32 @!p1 $0x1FFFFFC0, s8;
	s19 =	sshrl.u32 @!p3 s19, $0x2  }
0xe4: {  	[tilespmem:s31], [sflag:$0x1] =	stream.indirect_vreg.gather [hbm4b:s4+s3], $0x80, v5, vm0, $0xb8;
	[tilespmem:$0x1F480] =	vst v63  }
0xe5: {  	s20 =	sadd.s32 @!p3 s6, s20;
	s2 =	sshrl.u32 @!p1 s2, $0x2;
	s19 =	sor.u32 @!p3 $0x2800, s19  }
0xe6: {  	[tilespmem:s19], [sflag:$0x4] =	stream.linear.gather @!p3 [hbm4b:s20+s21], $0x100, $0x38;
	[tilespmem:$0x1F480] =	vst v63  }
0xe7: {  	s8 =	sadd.s32 @!p1 s6, s8;
	s2 =	sor.u32 @!p1 $0x2800, s2;
	s19 =	simm.s32 @!p1 $0x0  }
0xe8: {  	[tilespmem:s2], [sflag:$0x3] =	stream.linear.gather @!p1 [hbm4b:s8+s19], $0x100, $0x38;
	[tilespmem:$0x1F480] =	vst v63  }
.LBB2_7:
0xe9: {  	s2 =	sshll.u32 s0, $0x8  }
0xea: {  	s22 =	sand.u32 $0x300, s2  }
0xeb: {  	v5 =	vld [tilespmem:s22+$0x2800]  }
0xec: {  	v6 =	vld [tilespmem:s22+$0x2880];
	_ =	sdelay $0x6  }
0xed: {  	v5 =	vld.idx.msk [tilespmem:v5+s3+$0x0], $0xffff  }
0xee: {  	v6 =	vld.idx.msk [tilespmem:v6+s3+$0x0], $0xffff;
	_ =	sdelay $0x4  }
0xef: {  	v5 =	vsub.f32 v5, v6;
	_ =	sdelay $0x1  }
0xf0: {  	v5 =	vadd.f32 v5, v4;
	_ =	sdelay $0x1  }
0xf1: {  	v5 =	vsub.f32 $0.0e+00, v5;
	_ =	sdelay $0x1  }
0xf2: {  	v5 =	vmul.f32 $1.442695020e+00, v5;
	_ =	sdelay $0x1  }
0xf3: {  	(erf) = vpow2.f32 v5;
	_ =	sdelay $0x8  }
0xf4: {  	v5 =	vpop (erf)  }
0xf5: {  	v5 =	vadd.f32 $1.000000000e+00, v5;
	_ =	sdelay $0x1  }
0xf6: {  	(erf) = vrcp.f32 v5;
	_ =	sdelay $0x8  }
0xf7: {  	v5 =	vpop (erf)  }
0xf8: {  	[tilespmem:$0xB400] =	vst v5  }
0xf9: {  	v5 =	vld [tilespmem:s22+$0x2810]  }
0xfa: {  	v6 =	vld [tilespmem:s22+$0x2890];
	_ =	sdelay $0x6  }
0xfb: {  	v5 =	vld.idx.msk [tilespmem:v5+s3+$0x0], $0xffff  }
0xfc: {  	v6 =	vld.idx.msk [tilespmem:v6+s3+$0x0], $0xffff;
	_ =	sdelay $0x4  }
0xfd: {  	v5 =	vsub.f32 v5, v6;
	_ =	sdelay $0x1  }
0xfe: {  	v5 =	vadd.f32 v5, v4;
	_ =	sdelay $0x1  }
0xff: {  	v5 =	vsub.f32 $0.0e+00, v5;
	_ =	sdelay $0x1  }
0x100: {  	v5 =	vmul.f32 $1.442695020e+00, v5;
	_ =	sdelay $0x1  }
0x101: {  	(erf) = vpow2.f32 v5;
	_ =	sdelay $0x8  }
0x102: {  	v5 =	vpop (erf)  }
0x103: {  	v5 =	vadd.f32 $1.000000000e+00, v5;
	_ =	sdelay $0x1  }
0x104: {  	(erf) = vrcp.f32 v5;
	_ =	sdelay $0x8  }
0x105: {  	v5 =	vpop (erf)  }
0x106: {  	[tilespmem:$0xB410] =	vst v5  }
0x107: {  	v5 =	vld [tilespmem:s22+$0x2818]  }
0x108: {  	v6 =	vld [tilespmem:s22+$0x2898];
	_ =	sdelay $0x6  }
0x109: {  	v5 =	vld.idx.msk [tilespmem:v5+s3+$0x0], $0xffff  }
0x10a: {  	v6 =	vld.idx.msk [tilespmem:v6+s3+$0x0], $0xffff;
	_ =	sdelay $0x4  }
0x10b: {  	v5 =	vsub.f32 v5, v6;
	_ =	sdelay $0x1  }
0x10c: {  	v5 =	vadd.f32 v5, v4;
	_ =	sdelay $0x1  }
0x10d: {  	v5 =	vsub.f32 $0.0e+00, v5;
	_ =	sdelay $0x1  }
0x10e: {  	v5 =	vmul.f32 $1.442695020e+00, v5;
	_ =	sdelay $0x1  }
0x10f: {  	(erf) = vpow2.f32 v5;
	_ =	sdelay $0x8  }
0x110: {  	v5 =	vpop (erf)  }
0x111: {  	v5 =	vadd.f32 $1.000000000e+00, v5;
	_ =	sdelay $0x1  }
0x112: {  	(erf) = vrcp.f32 v5;
	_ =	sdelay $0x6  }
0x113: {  	s13 =	simm.s32 $0x2  }
0x114: {  	v5 =	vmov s13  }
0x115: {  	s28 =	simm.s32 $0x0;
	s15 =	simm.s32 $0x3;
	v5 =	vand.u32 $0xFFFFFFFE, v5;
	v6 =	vpop (erf)  }
0x116: {  	p1 =	seq.s32 s0, $0x0;
	v7 =	vmov s15;
	v8 =	vbroadcast v5, $0x0;
	[tilespmem:$0xB418] =	vst v6;
	v6 =	vmov s28  }
0x117: {  	s19 =	smul.u32 $0xA000, s18;
	s2 =	simm.s32 @!p1 $0x2;
	v5 =	vand.u32 $0xFFFFFFFC, v6  }
0x118: {  	s8 =	simm.s32 $0x1;
	_ =	swait.ge @!p1 [sflag:s2], $0x1400;
	v9 =	vbroadcast v5, $0x0  }
0x119: {  	s21 =	simm.s32 $0x100;
	s0 =	sshrl.u32 s19, $0x2;
	v6 =	vmov s8;
	[sflag:s2] =	ssyncset.done @!p1 $0x0  }
0x11a: {  	s20 =	sand.u32 $0x3800, s28;
	s29 =	sadd.s32 $0x2C00, s0;
	v5 =	vand.u32 $0xFFFFFFFD, v6;
	[sflag:s2] =	ssyncadd.s32 @!p1 $0xFFFFEC00  }
0x11b: {  	s0 =	sadd.s32 s20, s29;
	v10 =	vbroadcast v5, $0x0;
	s2 =	sand.u32 $0x300, s21;
	v5 =	vld.idx.msk [tilespmem:v7+s12+$0x0], $0xffff  }
0x11c: {  	v7 =	vld.idx.msk [tilespmem:v8+s12+$0x0], $0xffff;
	s26 =	sadd.s32 s2, s0  }
0x11d: {  	s19 =	simm.s32 $0x80;
	v11 =	vld [tilespmem:s26+$0x0]  }
0x11e: {  	s20 =	sand.u32 $0x280, s19;
	v6 =	vld.idx.msk [tilespmem:v9+s12+$0x0], $0xffff  }
0x11f: {  	s23 =	simm.s32 $0x0;
	s21 =	sadd.s32 s20, s0;
	v9 =	vld [tilespmem:s26+$0x400]  }
0x120: {  	s8 =	simm.s32 $0x1;
	s2 =	sand.u32 $0x200, s23;
	v12 =	vld [tilespmem:s21+$0x0]  }
0x121: {  	s8 =	simm.s32 @!p0 $0x0;
	s19 =	sadd.s32 s2, s0;
	v8 =	vld.idx.msk [tilespmem:v10+s12+$0x0], $0xffff  }
0x122: {  	s30 =	simm.s32 $0x180;
	s8 =	smul.u32 $0x5000, s8;
	v10 =	vld [tilespmem:s19+$0x0];
	v11 =	vmul.f32 v11, v7  }
0x123: {  	s24 =	sand.u32 $0x380, s30;
	v14 =	vld [tilespmem:s19+$0x400]  }
0x124: {  	s20 =	sadd.s32 s24, s0;
	s10 =	sshrl.u32 s8, $0x2;
	v9 =	vadd.f32 v11, v9;
	v11 =	vld [tilespmem:s21+$0x400]  }
0x125: {  	v13 =	vld [tilespmem:s20+$0x0];
	s23 =	sadd.s32 $0x7D00, s10  }
0x126: {  	[tilespmem:s23+$0x0] =	vst v9;
	v9 =	vld [tilespmem:s20+$0x400]  }
0x127: {  	v10 =	vmul.f32 v10, v6;
	v12 =	vmul.f32 v12, v8;
	v15 =	vld [tilespmem:s26+$0x10];
	_ =	sdelay $0x1  }
0x128: {  	v10 =	vadd.f32 v10, v14;
	v14 =	vld [tilespmem:s26+$0x410];
	v11 =	vadd.f32 v12, v11  }
0x129: {  	v13 =	vmul.f32 v13, v5  }
0x12a: {  	[tilespmem:s23+$0xFFFFFF80] =	vst v11  }
0x12b: {  	[tilespmem:s23+$0xFFFFFF00] =	vst v10;
	v9 =	vadd.f32 v13, v9;
	v11 =	vmul.f32 v15, v7;
	v12 =	vld [tilespmem:s21+$0x10]  }
0x12c: {  	v10 =	vld [tilespmem:s19+$0x10]  }
0x12d: {  	v13 =	vld [tilespmem:s21+$0x410];
	[tilespmem:s23+$0x80] =	vst v9;
	v9 =	vadd.f32 v11, v14  }
0x12e: {  	v14 =	vld [tilespmem:s19+$0x410]  }
0x12f: {  	[tilespmem:s23+$0x10] =	vst v9  }
0x130: {  	v9 =	vld [tilespmem:s26+$0x20];
	v12 =	vmul.f32 v12, v8  }
0x131: {  	v11 =	vld [tilespmem:s20+$0x10];
	v10 =	vmul.f32 v10, v6  }
0x132: {  	v16 =	vld [tilespmem:s26+$0x420];
	v12 =	vadd.f32 v12, v13  }
0x133: {  	v15 =	vld [tilespmem:s20+$0x410];
	v10 =	vadd.f32 v10, v14  }
0x134: {  	[tilespmem:s23+$0xFFFFFF90] =	vst v12  }
0x135: {  	[tilespmem:s23+$0xFFFFFF10] =	vst v10;
	v9 =	vmul.f32 v9, v7;
	v10 =	vld [tilespmem:s21+$0x20]  }
0x136: {  	v11 =	vmul.f32 v11, v5  }
0x137: {  	v13 =	vld [tilespmem:s21+$0x420];
	v9 =	vadd.f32 v9, v16  }
0x138: {  	v11 =	vadd.f32 v11, v15;
	v12 =	vld [tilespmem:s19+$0x20]  }
0x139: {  	v14 =	vld [tilespmem:s19+$0x420];
	[tilespmem:s23+$0x20] =	vst v9  }
0x13a: {  	[tilespmem:s23+$0x90] =	vst v11;
	v11 =	vld [tilespmem:s26+$0x30];
	v10 =	vmul.f32 v10, v8  }
0x13b: {  	v9 =	vld [tilespmem:s20+$0x20]  }
0x13c: {  	v15 =	vld [tilespmem:s26+$0x430];
	v10 =	vadd.f32 v10, v13  }
0x13d: {  	v12 =	vmul.f32 v12, v6;
	v13 =	vld [tilespmem:s20+$0x420]  }
0x13e: {  	[tilespmem:s23+$0xFFFFFFA0] =	vst v10  }
0x13f: {  	v10 =	vmul.f32 v11, v7;
	v11 =	vadd.f32 v12, v14;
	v12 =	vld [tilespmem:s21+$0x30]  }
0x140: {  	v9 =	vmul.f32 v9, v5  }
0x141: {  	v14 =	vld [tilespmem:s21+$0x430];
	v10 =	vadd.f32 v10, v15  }
0x142: {  	[tilespmem:s23+$0xFFFFFF20] =	vst v11;
	v9 =	vadd.f32 v9, v13  }
0x143: {  	v11 =	vld [tilespmem:s19+$0x30];
	[tilespmem:s23+$0x30] =	vst v10  }
0x144: {  	[tilespmem:s23+$0xA0] =	vst v9;
	v10 =	vld [tilespmem:s26+$0x40];
	v9 =	vmul.f32 v12, v8;
	_ =	sdelay $0x1  }
0x145: {  	v13 =	vld [tilespmem:s26+$0x440];
	v9 =	vadd.f32 v9, v14  }
0x146: {  	v15 =	vld [tilespmem:s19+$0x430]  }
0x147: {  	v12 =	vld [tilespmem:s20+$0x30];
	[tilespmem:s23+$0xFFFFFFB0] =	vst v9  }
0x148: {  	v9 =	vmul.f32 v10, v7;
	v10 =	vmul.f32 v11, v6;
	v11 =	vld [tilespmem:s21+$0x40]  }
0x149: {  	v14 =	vld [tilespmem:s20+$0x430]  }
0x14a: {  	v9 =	vadd.f32 v9, v13;
	v13 =	vld [tilespmem:s21+$0x440]  }
0x14b: {  	v10 =	vadd.f32 v10, v15  }
0x14c: {  	v12 =	vmul.f32 v12, v5;
	[tilespmem:s23+$0x40] =	vst v9  }
0x14d: {  	[tilespmem:s23+$0xFFFFFF30] =	vst v10;
	v10 =	vld [tilespmem:s26+$0x50];
	v11 =	vmul.f32 v11, v8  }
0x14e: {  	v9 =	vadd.f32 v12, v14  }
0x14f: {  	s15 =	simm.s32 $0x4;
	v11 =	vadd.f32 v11, v13  }
0x150: {  	s13 =	simm.s32 $0x7;
	v15 =	vmov s15;
	v12 =	vld [tilespmem:s19+$0x40];
	[tilespmem:s23+$0xB0] =	vst v9  }
0x151: {  	v18 =	vmov s13;
	s24 =	simm.s32 $0x5;
	v9 =	vld [tilespmem:s26+$0x450];
	[tilespmem:s23+$0xFFFFFFC0] =	vst v11;
	v11 =	vand.u32 $0xFFFFFFFC, v15  }
0x152: {  	v16 =	vmov s24;
	v19 =	vld [tilespmem:s20+$0x40];
	v20 =	vmul.f32 v10, v7;
	v10 =	vbroadcast v11, $0x0  }
0x153: {  	v13 =	vld [tilespmem:s19+$0x440];
	v15 =	vand.u32 $0xFFFFFFFD, v16  }
0x154: {  	v14 =	vld [tilespmem:s20+$0x440];
	v11 =	vbroadcast v15, $0x0  }
0x155: {  	v16 =	vld [tilespmem:s21+$0x50]  }
0x156: {  	s31 =	simm.s32 $0x8;
	v15 =	vld [tilespmem:s21+$0x450];
	v17 =	vmul.f32 v12, v6;
	v12 =	vadd.f32 v20, v9  }
0x157: {  	s22 =	sor.u32 $0x2880, s22;
	s0 =	simm.s32 $0x6;
	s24 =	smov.u32 s23;
	v9 =	vld.idx.msk [tilespmem:v18+s12+$0x0], $0xffff;
	v18 =	vmul.f32 v19, v5  }
.LBB2_8:
0x158: {  	p1 =	slt.u32 s31, $0x24;
	v10 =	vld.idx.msk [tilespmem:v10+s12+$0x0], $0xffff;
	v19 =	vmov s0;
	v13 =	vadd.f32 v17, v13;
	[tilespmem:s23+$0x50] =	vst v12  }
0x159: {  	v12 =	vand.u32 $0xFFFFFFFE, v19;
	v17 =	vld [tilespmem:s26+$0x60];
	v14 =	vadd.f32 v18, v14  }
0x15a: {  	v11 =	vld.idx.msk [tilespmem:v11+s12+$0x0], $0xffff;
	v12 =	vbroadcast v12, $0x0;
	[tilespmem:s23+$0xFFFFFF40] =	vst v13;
	v13 =	vmul.f32 v16, v8  }
0x15b: {  	v16 =	vld [tilespmem:s26+$0x460];
	[tilespmem:s23+$0xC0] =	vst v14  }
0x15c: {  	v14 =	vld [tilespmem:s19+$0x50];
	v13 =	vadd.f32 v13, v15  }
0x15d: {  	s30 =	sadd.s32 $0x200, s30;
	s28 =	sadd.s32 $0x400, s28;
	v15 =	vld [tilespmem:s20+$0x50]  }
0x15e: {  	s0 =	sand.u32 $0x3800, s28;
	s2 =	sadd.s32 $0xFFFFFE80, s30;
	s8 =	sadd.s32 $0xFFFFFF80, s30;
	v18 =	vld [tilespmem:s19+$0x450];
	[tilespmem:s23+$0xFFFFFFD0] =	vst v13;
	v13 =	vmul.f32 v17, v7  }
0x15f: {  	s15 =	sadd.s32 s0, s29;
	s0 =	sadd.s32 $0xFFFFFF00, s30;
	s8 =	sand.u32 $0x300, s8;
	v17 =	vld [tilespmem:s20+$0x450]  }
0x160: {  	s2 =	sand.u32 $0x200, s2;
	s13 =	sand.u32 $0x280, s0;
	s10 =	sadd.s32 s8, s15;
	v12 =	vld.idx.msk [tilespmem:v12+s12+$0x0], $0xffff;
	v13 =	vadd.f32 v13, v16  }
0x161: {  	s0 =	sadd.s32 s2, s15;
	s2 =	sand.u32 $0x380, s30;
	s8 =	sadd.s32 s13, s15;
	v16 =	vld [tilespmem:s10+$0x0];
	v14 =	vmul.f32 v14, v6  }
0x162: {  	s2 =	sadd.s32 s2, s15;
	v19 =	vld [tilespmem:s10+$0x400];
	[tilespmem:s23+$0x60] =	vst v13;
	v13 =	vmul.f32 v15, v5  }
0x163: {  	v14 =	vadd.f32 v14, v18;
	v15 =	vld [tilespmem:s26+$0x70]  }
0x164: {  	v18 =	vld [tilespmem:s0+$0x0];
	v13 =	vadd.f32 v13, v17  }
0x165: {  	[tilespmem:s23+$0xFFFFFF50] =	vst v14;
	v14 =	vld [tilespmem:s26+$0x470];
	s26 =	smov.u32 s10  }
0x166: {  	v17 =	vld [tilespmem:s8+$0x0];
	v16 =	vmul.f32 v16, v12;
	[tilespmem:s23+$0xD0] =	vst v13  }
0x167: {  	v13 =	vld [tilespmem:s2+$0x0]  }
0x168: {  	v20 =	vld [tilespmem:s0+$0x400];
	v16 =	vadd.f32 v16, v19;
	v15 =	vmul.f32 v15, v7;
	v7 =	vmov v12  }
0x169: {  	s23 =	sadd.s32 $0x200, s23;
	v12 =	vmul.f32 v18, v10;
	v18 =	vld [tilespmem:s8+$0x400]  }
0x16a: {  	[tilespmem:s23+$0x0] =	vst v16;
	v16 =	vld [tilespmem:s2+$0x400];
	v14 =	vadd.f32 v15, v14  }
0x16b: {  	v15 =	vmul.f32 v17, v11;
	v17 =	vld [tilespmem:s26+$0x10]  }
0x16c: {  	v13 =	vmul.f32 v13, v9;
	v19 =	vld [tilespmem:s21+$0x60];
	[tilespmem:s24+$0x70] =	vst v14  }
0x16d: {  	v12 =	vadd.f32 v12, v20;
	v14 =	vld [tilespmem:s26+$0x410]  }
0x16e: {  	v15 =	vadd.f32 v15, v18;
	v18 =	vld [tilespmem:s19+$0x60]  }
0x16f: {  	[tilespmem:s23+$0xFFFFFF00] =	vst v12;
	v12 =	vadd.f32 v13, v16;
	v13 =	vld [tilespmem:s20+$0x60]  }
0x170: {  	v16 =	vld [tilespmem:s0+$0x10];
	[tilespmem:s23+$0xFFFFFF80] =	vst v15;
	v15 =	vmul.f32 v17, v7  }
0x171: {  	v17 =	vld [tilespmem:s8+$0x10];
	[tilespmem:s23+$0x80] =	vst v12;
	v12 =	vmul.f32 v19, v8  }
0x172: {  	v14 =	vadd.f32 v15, v14;
	v15 =	vld [tilespmem:s2+$0x10]  }
0x173: {  	v19 =	vld [tilespmem:s8+$0x410];
	v18 =	vmul.f32 v18, v6  }
0x174: {  	v20 =	vld [tilespmem:s0+$0x410];
	[tilespmem:s23+$0x10] =	vst v14;
	v13 =	vmul.f32 v13, v5  }
0x175: {  	v14 =	vmul.f32 v16, v10;
	v16 =	vld [tilespmem:s26+$0x20]  }
0x176: {  	v17 =	vmul.f32 v17, v11;
	v21 =	vld [tilespmem:s2+$0x410]  }
0x177: {  	v22 =	vld [tilespmem:s26+$0x420];
	v15 =	vmul.f32 v15, v9  }
0x178: {  	v17 =	vadd.f32 v17, v19;
	v19 =	vld [tilespmem:s21+$0x460]  }
0x179: {  	v14 =	vadd.f32 v14, v20;
	v20 =	vld [tilespmem:s19+$0x460]  }
0x17a: {  	[tilespmem:s23+$0xFFFFFF90] =	vst v17;
	v16 =	vmul.f32 v16, v7;
	v17 =	vld [tilespmem:s20+$0x460]  }
0x17b: {  	[tilespmem:s23+$0xFFFFFF10] =	vst v14;
	v14 =	vld [tilespmem:s8+$0x20];
	v15 =	vadd.f32 v15, v21  }
0x17c: {  	v21 =	vld [tilespmem:s0+$0x20];
	v16 =	vadd.f32 v16, v22  }
0x17d: {  	v22 =	vld [tilespmem:s8+$0x420];
	[tilespmem:s23+$0x90] =	vst v15;
	v12 =	vadd.f32 v12, v19  }
0x17e: {  	[tilespmem:s23+$0x20] =	vst v16;
	v15 =	vld [tilespmem:s2+$0x20];
	v16 =	vadd.f32 v18, v20  }
0x17f: {  	v18 =	vld [tilespmem:s26+$0x30];
	[tilespmem:s24+$0xFFFFFFE0] =	vst v12;
	v12 =	vadd.f32 v13, v17  }
0x180: {  	v13 =	vld [tilespmem:s0+$0x420];
	v14 =	vmul.f32 v14, v11;
	[tilespmem:s24+$0xFFFFFF60] =	vst v16  }
0x181: {  	v16 =	vmul.f32 v21, v10;
	v17 =	vld [tilespmem:s26+$0x430];
	[tilespmem:s24+$0xE0] =	vst v12  }
0x182: {  	v12 =	vadd.f32 v14, v22;
	v14 =	vld [tilespmem:s2+$0x420]  }
0x183: {  	v15 =	vmul.f32 v15, v9;
	v19 =	vld [tilespmem:s21+$0x70]  }
0x184: {  	[tilespmem:s23+$0xFFFFFFA0] =	vst v12;
	v12 =	vmul.f32 v18, v7;
	v18 =	vld [tilespmem:s19+$0x70]  }
0x185: {  	v13 =	vadd.f32 v16, v13;
	v16 =	vld [tilespmem:s8+$0x30]  }
0x186: {  	v20 =	vld [tilespmem:s8+$0x430];
	v12 =	vadd.f32 v12, v17  }
0x187: {  	[tilespmem:s23+$0xFFFFFF20] =	vst v13;
	v13 =	vadd.f32 v15, v14;
	v14 =	vld [tilespmem:s20+$0x70]  }
0x188: {  	v15 =	vld [tilespmem:s0+$0x30];
	[tilespmem:s23+$0x30] =	vst v12;
	v12 =	vmul.f32 v19, v8;
	v8 =	vmov v11  }
0x189: {  	v11 =	vld [tilespmem:s26+$0x40];
	[tilespmem:s23+$0xA0] =	vst v13;
	v13 =	vmul.f32 v18, v6;
	v6 =	vmov v10  }
0x18a: {  	v10 =	vmul.f32 v16, v8;
	v16 =	vld [tilespmem:s2+$0x30]  }
0x18b: {  	v17 =	vld [tilespmem:s26+$0x440]  }
0x18c: {  	v18 =	vld [tilespmem:s0+$0x430];
	v10 =	vadd.f32 v10, v20;
	v14 =	vmul.f32 v14, v5;
	v5 =	vmov v9  }
0x18d: {  	v9 =	vmul.f32 v15, v6;
	v15 =	vld [tilespmem:s2+$0x430]  }
0x18e: {  	[tilespmem:s23+$0xFFFFFFB0] =	vst v10;
	v10 =	vmul.f32 v11, v7;
	v11 =	vld [tilespmem:s21+$0x470];
	s21 =	smov.u32 s8  }
0x18f: {  	v19 =	vld [tilespmem:s21+$0x40];
	v16 =	vmul.f32 v16, v5  }
0x190: {  	v20 =	vld [tilespmem:s21+$0x440];
	v10 =	vadd.f32 v10, v17  }
0x191: {  	v9 =	vadd.f32 v9, v18;
	v17 =	vld [tilespmem:s19+$0x470];
	s19 =	smov.u32 s0  }
0x192: {  	[tilespmem:s23+$0x40] =	vst v10;
	v10 =	vadd.f32 v16, v15;
	v15 =	vld [tilespmem:s20+$0x470];
	s20 =	smov.u32 s2  }
0x193: {  	[tilespmem:s23+$0xFFFFFF30] =	vst v9;
	v9 =	vld [tilespmem:s26+$0x50];
	v11 =	vadd.f32 v12, v11  }
0x194: {  	s0 =	sadd.s32 $0x1, s31;
	s2 =	sadd.s32 $0x3, s31;
	v12 =	vmov s31;
	v16 =	vld [tilespmem:s19+$0x40];
	v18 =	vmul.f32 v19, v8;
	[tilespmem:s23+$0xB0] =	vst v10  }
0x195: {  	v10 =	vand.u32 $0xFFFFFFFC, v12;
	v12 =	vmov s0;
	v19 =	vmov s2;
	v21 =	vld [tilespmem:s26+$0x450];
	[tilespmem:s24+$0xFFFFFFF0] =	vst v11  }
0x196: {  	v10 =	vbroadcast v10, $0x0;
	v18 =	vadd.f32 v18, v20;
	v20 =	vld [tilespmem:s20+$0x40];
	v22 =	vadd.f32 v13, v17  }
.Ltmp3:
0x197: {  	v11 =	vand.u32 $0xFFFFFFFD, v12;
	v13 =	vld [tilespmem:s19+$0x440];
	v23 =	vadd.f32 v14, v15;
	(pc) =	sbr.rel @p1 .LBB2_8-.Ltmp3, $4  }
0x198: {  	v11 =	vbroadcast v11, $0x0;
	[tilespmem:s23+$0xFFFFFFC0] =	vst v18;
	v9 =	vmul.f32 v9, v7;
	v14 =	vld [tilespmem:s20+$0x440]  }
0x199: {  	v17 =	vmul.f32 v16, v6;
	v16 =	vld [tilespmem:s21+$0x50];
	[tilespmem:s24+$0xFFFFFF70] =	vst v22  }
0x19a: {  	v15 =	vld [tilespmem:s21+$0x450];
	v12 =	vadd.f32 v9, v21;
	[tilespmem:s24+$0xF0] =	vst v23;
	s24 =	smov.u32 s23  }
0x19b: {  	s0 =	sadd.s32 $0x2, s31;
	s31 =	sadd.s32 $0x4, s31;
	v9 =	vld.idx.msk [tilespmem:v19+s12+$0x0], $0xffff;
	v18 =	vmul.f32 v20, v5  }
0x19c: {  	_ =	sdelay $0x3  }
0x19d: {  	v10 =	vld.idx.msk [tilespmem:v10+s12+$0x0], $0xffff;
	s2 =	sadd.s32 $0x200, s30;
	s28 =	sadd.s32 $0x400, s28  }
0x19e: {  	v19 =	vmov s0;
	[tilespmem:s23+$0x50] =	vst v12;
	v11 =	vld.idx.msk [tilespmem:v11+s12+$0x0], $0xffff;
	s0 =	sand.u32 $0x3800, s28;
	s8 =	sadd.s32 $0xFFFFFF80, s2  }
0x19f: {  	v20 =	vld [tilespmem:s26+$0x60];
	s31 =	sadd.s32 $0xFFFFFE80, s2;
	s10 =	sadd.s32 s0, s29;
	s30 =	sand.u32 $0x300, s8  }
0x1a0: {  	v21 =	vld [tilespmem:s26+$0x460];
	s13 =	sadd.s32 $0xFFFFFF00, s2;
	s8 =	sand.u32 $0x200, s31;
	s0 =	sadd.s32 s30, s10  }
0x1a1: {  	v19 =	vand.u32 $0xFFFFFFFE, v19;
	s13 =	sand.u32 $0x280, s13;
	s29 =	sadd.s32 s8, s10;
	v43 =	vld [tilespmem:s0+$0x0]  }
0x1a2: {  	s2 =	sand.u32 $0x380, s2;
	v19 =	vbroadcast v19, $0x0;
	s31 =	sadd.s32 s13, s10;
	v23 =	vld [tilespmem:s29+$0x0]  }
0x1a3: {  	s13 =	sadd.s32 s2, s10;
	v24 =	vld [tilespmem:s31+$0x0]  }
0x1a4: {  	v25 =	vld [tilespmem:s13+$0x0]  }
0x1a5: {  	v44 =	vld [tilespmem:s29+$0x400]  }
0x1a6: {  	v13 =	vadd.f32 v17, v13;
	v46 =	vld [tilespmem:s31+$0x400]  }
0x1a7: {  	v47 =	vld [tilespmem:s13+$0x400]  }
0x1a8: {  	[tilespmem:s23+$0xFFFFFF40] =	vst v13;
	v12 =	vld.idx.msk [tilespmem:v19+s12+$0x0], $0xffff;
	v49 =	vmul.f32 v23, v10  }
0x1a9: {  	v14 =	vadd.f32 v18, v14;
	v26 =	vld [tilespmem:s19+$0x50];
	v51 =	vmul.f32 v24, v11  }
0x1aa: {  	v22 =	vld [tilespmem:s0+$0x400];
	v53 =	vmul.f32 v25, v9;
	v17 =	vadd.f32 v49, v44  }
0x1ab: {  	s15 =	sadd.s32 $0x200, s23;
	[tilespmem:s23+$0xC0] =	vst v14;
	v52 =	vld [tilespmem:s19+$0x450];
	v19 =	vadd.f32 v51, v46  }
0x1ac: {  	v50 =	vld [tilespmem:s20+$0x50];
	v13 =	vadd.f32 v53, v47;
	[tilespmem:s15+$0xFFFFFF00] =	vst v17  }
0x1ad: {  	v45 =	vmul.f32 v43, v12;
	[tilespmem:s15+$0xFFFFFF80] =	vst v19;
	v17 =	vld [tilespmem:s29+$0x10]  }
0x1ae: {  	[tilespmem:s15+$0x80] =	vst v13;
	v56 =	vld [tilespmem:s31+$0x10]  }
0x1af: {  	v58 =	vld [tilespmem:s13+$0x10];
	v48 =	vadd.f32 v45, v22  }
0x1b0: {  	v59 =	vld [tilespmem:s31+$0x410]  }
0x1b1: {  	v16 =	vmul.f32 v16, v8;
	v60 =	vld [tilespmem:s29+$0x410];
	[tilespmem:s15+$0x0] =	vst v48  }
0x1b2: {  	v33 =	vmul.f32 v26, v6;
	v54 =	vld [tilespmem:s0+$0x10]  }
0x1b3: {  	v15 =	vadd.f32 v16, v15;
	v57 =	vmul.f32 v20, v7;
	v27 =	vld [tilespmem:s13+$0x410]  }
0x1b4: {  	v36 =	vadd.f32 v33, v52;
	v55 =	vld [tilespmem:s0+$0x410];
	v17 =	vmul.f32 v17, v10  }
0x1b5: {  	v61 =	vld [tilespmem:s20+$0x450];
	[tilespmem:s23+$0xFFFFFFD0] =	vst v15;
	v13 =	vadd.f32 v57, v21  }
0x1b6: {  	v41 =	vld [tilespmem:s21+$0x60];
	[tilespmem:s23+$0xFFFFFF50] =	vst v36;
	v19 =	vmul.f32 v58, v9;
	v17 =	vadd.f32 v17, v60  }
0x1b7: {  	v42 =	vld [tilespmem:s19+$0x60];
	[tilespmem:s23+$0x60] =	vst v13;
	v63 =	vmul.f32 v56, v11;
	v18 =	vmul.f32 v54, v12  }
0x1b8: {  	v14 =	vld [tilespmem:s26+$0x70];
	v31 =	vadd.f32 v19, v27;
	[tilespmem:s15+$0xFFFFFF10] =	vst v17  }
0x1b9: {  	v32 =	vld [tilespmem:s29+$0x20];
	v62 =	vadd.f32 v18, v55;
	v18 =	vadd.f32 v63, v59  }
0x1ba: {  	[tilespmem:s15+$0x90] =	vst v31;
	v37 =	vld [tilespmem:s29+$0x420]  }
0x1bb: {  	[tilespmem:s15+$0xFFFFFF90] =	vst v18;
	v18 =	vld [tilespmem:s13+$0x20]  }
0x1bc: {  	v40 =	vld [tilespmem:s13+$0x420];
	[tilespmem:s15+$0x10] =	vst v62  }
0x1bd: {  	v46 =	vmul.f32 v50, v5;
	v28 =	vld [tilespmem:s0+$0x20]  }
0x1be: {  	v30 =	vld [tilespmem:s31+$0x20];
	v43 =	vmul.f32 v32, v10  }
0x1bf: {  	v48 =	vadd.f32 v46, v61;
	v29 =	vld [tilespmem:s0+$0x420]  }
0x1c0: {  	v34 =	vld [tilespmem:s31+$0x420];
	v15 =	vadd.f32 v43, v37;
	v18 =	vmul.f32 v18, v9  }
0x1c1: {  	v13 =	vld [tilespmem:s26+$0x470];
	[tilespmem:s23+$0xD0] =	vst v48  }
0x1c2: {  	v61 =	vld [tilespmem:s20+$0x460];
	v35 =	vmul.f32 v28, v12;
	[tilespmem:s15+$0xFFFFFF20] =	vst v15;
	v17 =	vadd.f32 v18, v40  }
0x1c3: {  	v39 =	vmul.f32 v30, v11;
	v15 =	vld [tilespmem:s29+$0x30]  }
0x1c4: {  	v51 =	vld [tilespmem:s29+$0x430];
	v38 =	vadd.f32 v35, v29;
	[tilespmem:s15+$0xA0] =	vst v17  }
0x1c5: {  	v16 =	vadd.f32 v39, v34;
	v50 =	vld [tilespmem:s13+$0x30]  }
0x1c6: {  	[tilespmem:s15+$0x20] =	vst v38;
	v53 =	vld [tilespmem:s13+$0x430]  }
0x1c7: {  	[tilespmem:s15+$0xFFFFFFA0] =	vst v16;
	v44 =	vld [tilespmem:s0+$0x30]  }
0x1c8: {  	v16 =	vld [tilespmem:s31+$0x30];
	v15 =	vmul.f32 v15, v10  }
0x1c9: {  	v45 =	vld [tilespmem:s0+$0x430]  }
0x1ca: {  	v47 =	vld [tilespmem:s31+$0x430];
	v15 =	vadd.f32 v15, v51;
	v19 =	vmul.f32 v50, v9  }
0x1cb: {  	v60 =	vld [tilespmem:s19+$0x460]  }
0x1cc: {  	v55 =	vld [tilespmem:s21+$0x460];
	v49 =	vmul.f32 v44, v12;
	[tilespmem:s15+$0xFFFFFF30] =	vst v15;
	v18 =	vadd.f32 v19, v53  }
0x1cd: {  	v16 =	vmul.f32 v16, v11;
	v15 =	vld [tilespmem:s29+$0x40]  }
0x1ce: {  	v58 =	vld [tilespmem:s29+$0x440];
	v52 =	vadd.f32 v49, v45;
	[tilespmem:s15+$0xB0] =	vst v18  }
0x1cf: {  	v16 =	vadd.f32 v16, v47;
	v18 =	vld [tilespmem:s13+$0x40]  }
0x1d0: {  	[tilespmem:s15+$0x30] =	vst v52;
	v59 =	vld [tilespmem:s13+$0x440]  }
0x1d1: {  	v20 =	vmul.f32 v41, v8;
	[tilespmem:s15+$0xFFFFFFB0] =	vst v16;
	v17 =	vld [tilespmem:s0+$0x40]  }
0x1d2: {  	v16 =	vld [tilespmem:s31+$0x40];
	v15 =	vmul.f32 v15, v10  }
0x1d3: {  	v20 =	vadd.f32 v20, v55;
	v56 =	vld [tilespmem:s0+$0x440]  }
0x1d4: {  	v57 =	vld [tilespmem:s31+$0x440];
	v15 =	vadd.f32 v15, v58;
	v18 =	vmul.f32 v18, v9  }
0x1d5: {  	v54 =	vld [tilespmem:s20+$0x60];
	[tilespmem:s24+$0xFFFFFFE0] =	vst v20  }
0x1d6: {  	v36 =	vld [tilespmem:s21+$0x70];
	v17 =	vmul.f32 v17, v12;
	[tilespmem:s15+$0xFFFFFF40] =	vst v15;
	v18 =	vadd.f32 v18, v59  }
0x1d7: {  	v16 =	vmul.f32 v16, v11;
	v31 =	vld [tilespmem:s29+$0x50]  }
0x1d8: {  	v34 =	vld [tilespmem:s29+$0x450];
	v17 =	vadd.f32 v17, v56;
	[tilespmem:s15+$0xC0] =	vst v18  }
0x1d9: {  	v16 =	vadd.f32 v16, v57;
	v33 =	vld [tilespmem:s13+$0x50]  }
0x1da: {  	[tilespmem:s15+$0x40] =	vst v17;
	v35 =	vld [tilespmem:s13+$0x450]  }
0x1db: {  	v30 =	vmul.f32 v42, v6;
	[tilespmem:s15+$0xFFFFFFC0] =	vst v16;
	v62 =	vld [tilespmem:s0+$0x50]  }
0x1dc: {  	v28 =	vld [tilespmem:s31+$0x50];
	v18 =	vmul.f32 v31, v10  }
0x1dd: {  	v15 =	vadd.f32 v30, v60;
	v63 =	vld [tilespmem:s0+$0x450]  }
0x1de: {  	v29 =	vld [tilespmem:s31+$0x450];
	v18 =	vadd.f32 v18, v34;
	v41 =	vmul.f32 v33, v9  }
0x1df: {  	v51 =	vld [tilespmem:s21+$0x470];
	[tilespmem:s24+$0xFFFFFF60] =	vst v15  }
0x1e0: {  	v38 =	vld [tilespmem:s19+$0x70];
	v19 =	vmul.f32 v62, v12;
	[tilespmem:s15+$0xFFFFFF50] =	vst v18;
	v44 =	vadd.f32 v41, v35  }
0x1e1: {  	v37 =	vmul.f32 v28, v11;
	v46 =	vld [tilespmem:s29+$0x60]  }
0x1e2: {  	v49 =	vld [tilespmem:s29+$0x460];
	v16 =	vadd.f32 v19, v63;
	[tilespmem:s15+$0xD0] =	vst v44  }
0x1e3: {  	v40 =	vadd.f32 v37, v29;
	v47 =	vld [tilespmem:s13+$0x60]  }
0x1e4: {  	[tilespmem:s15+$0x50] =	vst v16;
	v50 =	vld [tilespmem:s13+$0x460]  }
0x1e5: {  	v32 =	vmul.f32 v54, v5;
	[tilespmem:s15+$0xFFFFFFD0] =	vst v40;
	v42 =	vld [tilespmem:s0+$0x60]  }
0x1e6: {  	v45 =	vld [tilespmem:s31+$0x60]  }
0x1e7: {  	v17 =	vadd.f32 v32, v61;
	v43 =	vld [tilespmem:s0+$0x460];
	v16 =	vmul.f32 v46, v10  }
0x1e8: {  	v48 =	vld [tilespmem:s31+$0x460];
	v19 =	vmul.f32 v47, v9  }
0x1e9: {  	v52 =	vld [tilespmem:s19+$0x470];
	[tilespmem:s24+$0xE0] =	vst v17;
	v16 =	vadd.f32 v16, v49  }
0x1ea: {  	v39 =	vld [tilespmem:s20+$0x70];
	v22 =	vmul.f32 v42, v12;
	v54 =	vadd.f32 v19, v50  }
0x1eb: {  	v53 =	vld [tilespmem:s20+$0x470];
	v18 =	vmul.f32 v45, v11;
	[tilespmem:s15+$0xFFFFFF60] =	vst v16  }
0x1ec: {  	v57 =	vld [tilespmem:s29+$0x70];
	v22 =	vadd.f32 v22, v43;
	[tilespmem:s15+$0xE0] =	vst v54  }
0x1ed: {  	v18 =	vadd.f32 v18, v48;
	v59 =	vld [tilespmem:s13+$0x70]  }
0x1ee: {  	[tilespmem:s15+$0x60] =	vst v22;
	v62 =	vld [tilespmem:s13+$0x470]  }
0x1ef: {  	v5 =	vmul.f32 v39, v5;
	[tilespmem:s15+$0xFFFFFFE0] =	vst v18;
	v22 =	vld [tilespmem:s0+$0x70]  }
0x1f0: {  	v7 =	vmul.f32 v14, v7;
	v56 =	vld [tilespmem:s31+$0x70]  }
0x1f1: {  	v58 =	vmul.f32 v36, v8;
	v5 =	vadd.f32 v5, v53;
	v55 =	vld [tilespmem:s0+$0x470]  }
0x1f2: {  	v7 =	vadd.f32 v7, v13;
	v6 =	vmul.f32 v38, v6;
	v60 =	vld [tilespmem:s31+$0x470]  }
0x1f3: {  	v8 =	vadd.f32 v58, v51;
	[tilespmem:s24+$0xF0] =	vst v5;
	v61 =	vld [tilespmem:s29+$0x470];
	v5 =	vmul.f32 v59, v9  }
0x1f4: {  	[tilespmem:s24+$0x70] =	vst v7;
	v6 =	vadd.f32 v6, v52;
	v7 =	vmul.f32 v22, v12  }
0x1f5: {  	[tilespmem:s24+$0xFFFFFFF0] =	vst v8;
	v63 =	vmul.f32 v56, v11;
	v5 =	vadd.f32 v5, v62  }
0x1f6: {  	[tilespmem:s24+$0xFFFFFF70] =	vst v6;
	v6 =	vadd.f32 v7, v55;
	v7 =	vmul.f32 v57, v10  }
0x1f7: {  	p1 =	sne.s32 s17, $0xFA;
	s31 =	smul.u32 $0x5000, s18;
	v8 =	vadd.f32 v63, v60;
	[tilespmem:s15+$0xF0] =	vst v5  }
.Ltmp4:
0x1f8: {  	[tilespmem:s15+$0x70] =	vst v6;
	v6 =	vadd.f32 v7, v61;
	(pc) =	sbr.rel @p1 .LBB2_4-.Ltmp4, $4  }
0x1f9: {  	s0 =	sshrl.u32 s31, $0x2;
	[tilespmem:s15+$0xFFFFFFF0] =	vst v8  }
0x1fa: {  	s0 =	sadd.s32 $0x7C00, s0;
	[tilespmem:s15+$0xFFFFFF70] =	vst v6  }
0x1fb: {  	[spmem:s1] =	stream.indirect.scatter.add.f32 [tilespmem:s0], [sflag:$0x2], $0x80, s22, s14, $0xb8;
	[tilespmem:$0x1F480] =	vst v63  }
0x1fc: {  	p0 =	por !p0, !p0;
	s0 =	smov.u32 s17  }
0x1fd: {  	s0 =	simm.s32 $0x2  }
0x1fe: {  	_ =	swait.ge [sflag:s0], $0x1400  }
0x1ff: {  	[sflag:s0] =	ssyncset.done $0x0  }
0x200: {  	[sflag:s0] =	ssyncadd.s32 $0xFFFFEC00  }
0x201: {  	s31 =	stileid.u32;
	[bflag:$0x0] =	sbarrier.arrive $0xFFFF  }
0x202: {  	s0 =	sshll.u32 s31, $0x6;
	s15 =	rddreg [dreg:$0x6]  }
0x203: {  	s2 =	sadd.s32 $0x0, s25;
	s0 =	sor.u32 $0x1C05, s0;
	s8 =	sshrl.u32 s15, $0x3  }
0x204: {  	[hbm:s2], [sflag:s0] =	dma.local [spmem:s8], $0x200  }
0x205: {  	_ =	swait.ge [sflag:s5], $0x200  }
0x206: {  	s17 =	rddreg [dreg:$0x9]  }
0x207: {  	s2 =	simm.s32 $0x200;
	s8 =	smov.u32 s17  }
.LBB2_11:
0x208: {  	s10 =	sadd.s32 s2, s25;
	[sflag:s5] =	ssyncset.done $0x0;
	p0 =	sne.s32 s2, $0x2600  }
.Ltmp5:
0x209: {  	s13 =	sshrl.u32 s8, $0x3;
	[sflag:s5] =	ssyncadd.s32 $0xFFFFFE00;
	(pc) =	sbr.rel @p0 .LBB2_11-.Ltmp5, $3  }
0x20a: {  	[hbm:s10], [sflag:s0] =	dma.local [spmem:s13], $0x200  }
0x20b: {  	s2 =	sadd.s32 $0x200, s2;
	_ =	sdelay $0x1  }
0x20c: {  	s8 =	sadd.s32 $0x1000, s8;
	_ =	swait.ge [sflag:s5], $0x200  }
0x20d: {  	s16 =	sadd.s32 $0x1, s16;
	s0 =	rddreg [dreg:$0x8]  }
0x20e: {  	p0 =	sne.s32 s16, s0  }
.Ltmp6:
0x20f: {  	_ = 	snop;
	(pc) =	sbr.rel @p0 .LBB2_1-.Ltmp6, $3  }
0x210: {  	_ =	sdelay $0x1  }
0x211: {  	[sflag:s5] =	ssyncset.done $0x0  }
0x212: {  	[sflag:s5] =	ssyncadd.s32 $0xFFFFFE00  }
0x213: {  	_ =	sfence.sel $0x180000  }
0x214: {  	[bflag:$0x0] =	sbarrier.arrive $0xFFFF  }
0x215: {  	_ =	strace $0x9000004A  }
0x216: {  	s0 =	stileid.u32;
	[bflag:$0x2] =	sbarrier.arrive $0xFFFF  }
0x217: {  	p0 =	sne.s32 s0, $0x0;
	s0 =	rddreg [dreg:$0x2]  }
0x218: {  	s0 =	sadd.s32 @!p0 $0x100000, s0  }
0x219: {  	[sflag:s0] =	ssyncadd.tile.s32 @!p0 $0x1;
	_ =	shalt  }
.Lfunc_end2:
_tile_overlayer_lowered:
.L_overlay_start_2:
0x21a: {  	(tag) =	ssettag $0x2  }
0x21b: {  	s0 =	rddreg [dreg:$0x0];
	s2 =	stileid.u32  }
0x21c: {  	s1 =	rddreg [dreg:$0x1];
	p0 =	sne.s32 s2, $0x0  }
0x21d: {  	s3 =	rddreg [dreg:$0x2];
	[bflag:$0x3] =	sbarrier.arrive $0xFFFF;
	s2 =	simm.s32 @!p0 $0x1C05  }
0x21e: {  	[timem:s3], [sflag:s2] =	dma.local @!p0 [hbm:s0], s1  }
0x21f: {  	s0 =	simm.s32 @!p0 $0x5  }
0x220: {  	_ =	swait.ge @!p0 [sflag:s0], s1  }
0x221: {  	s1 =	ssub.s32 @!p0 $0x0, s1;
	[sflag:s0] =	ssyncset.done @!p0 $0x0  }
0x222: {  	[sflag:s0] =	ssyncadd.s32 @!p0 s1  }
0x223: {  	[bflag:$0x3] =	sbarrier.arrive $0xFFFF  }
0x224: {  	_ =	shalt  }

// kernel: kernel.14.cloned.1.call-start
scs
__scs_entry_jumppad:
0x0: {  	(pc) =	sbr.rel $0x88, $3  }
0x1: {  	(tag) =	ssettag $0x0;
	lr =	simm.s32 $0x1  }
0x2: {  	[smem:$0x3F97] =	sst lr;
	_ =	strace $0xD0000000  }
0x3: {  	_ = 	snop  }
0x4: {  	_ = 	snop  }
0x5: {  	_ = 	snop  }
0x6: {  	_ = 	snop  }
0x7: {  	_ = 	snop  }
__scs_overlays_trampoline_lowered:
0x8: {  	[smem:$0x3FA6] =	sst s0  }
0x9: {  	[smem:$0x3FA7] =	sst s1  }
0xa: {  	[smem:$0x3FA8] =	sst s2  }
0xb: {  	[smem:$0x3FA9] =	sst s3  }
0xc: {  	[smem:$0x3FAA] =	sst s4  }
0xd: {  	[smem:$0x3FAB] =	sst s5  }
0xe: {  	[smem:$0x3FAC] =	sst s6  }
0xf: {  	[smem:$0x3FAD] =	sst s7  }
0x10: {  	[smem:$0x3FAE] =	sst s8  }
0x11: {  	[smem:$0x3FAF] =	sst s9;
	s0 =	simm.s32 @!p0 $0x0  }
0x12: {  	s1 =	sld [smem:$0x3F95];
	s0 =	simm.s32 @p0 $0x1  }
0x13: {  	[smem:$0x3FB0] =	sst s0;
	s0 =	simm.s32 @!p1 $0x0  }
0x14: {  	s2 =	sld [smem:$0x3F94];
	s0 =	simm.s32 @p1 $0x1  }
0x15: {  	[smem:$0x3FB1] =	sst s0;
	s0 =	simm.s32 @!p2 $0x0  }
0x16: {  	s3 =	sld [smem:$0x3FDB];
	s0 =	simm.s32 @p2 $0x1  }
0x17: {  	s4 =	simm.s32 $0x1BF5;
	[smem:$0x3FB3] =	sst s0  }
0x18: {  	s0 =	sld [smem:$0x3F96];
	_ =	swait.ge [sflag:s4], $0x0  }
0x19: {  	s7 =	sld [smem:$0x3F97]  }
0x1a: {  	s8 =	sadd.s32 $0xFFFFE003, lr  }
0x1b: {  	s9 =	sadd.s32 $0xFFFFFEF7, lr;
	s5 =	simm.s32 $0xFFFFFFFF;
	p2 =	slt.u32 s8, $0xFFFFF086  }
0x1c: {  	p1 =	slt.u32 s9, $0xF7A;
	s5 =	simm.s32 @!p2 $0x0  }
0x1d: {  	s5 =	simm.s32 @p1 $0x1;
	p0 =	seq.s32 s7, s2  }
0x1e: {  	s7 =	smul.u32 @!p0 $0xF7A, s2;
	p2 =	seq.s32 @!p0 s5, $0x0  }
0x1f: {  	s9 =	smul.u32 $0xF7A, s1;
	s8 =	simm.s32 @!p0 $0x1BF5;
	p2 =	por !p2, p0  }
0x20: {  	[sflag:s8] =	ssyncset.s32 @!p0 $0xFFFFF086;
	s6 =	sadd.s32 @!p0 s3, s7;
	s7 =	simm.s32 @!p0 $0x108  }
0x21: {  	s3 =	sadd.s32 s3, s9;
	s6 =	sadd.s32 @!p0 $0x88, s6;
	s7 =	simm.s32 @p2 $0x1082  }
0x22: {  	[simem:s7], [sflag:s8] =	dma.local @!p0 [hbm:s6], $0xF7A  }
0x23: {  	s9 =	sor.u32 $0xD0000000, s2;
	s6 =	simm.s32 $0x108;
	_ =	swait.ge @!p0 [sflag:s8], $0x0  }
0x24: {  	s3 =	sadd.s32 $0x88, s3;
	s6 =	simm.s32 @!p1 $0x1082;
	[sflag:s4] =	ssyncset.s32 $0xFFFFF086  }
0x25: {  	[simem:s6], [sflag:s4] =	dma.local [hbm:s3], $0xF7A  }
0x26: {  	[smem:$0x3F97] =	sst s1;
	(tag) =	ssettag s2;
	_ =	strace s9  }
0x27: {  	s1 =	sld [smem:$0x3FA7]  }
0x28: {  	s2 =	sld [smem:$0x3FA8]  }
0x29: {  	s4 =	sld [smem:$0x3FAA]  }
0x2a: {  	p0 =	seq.s32 s5, $0x0;
	s5 =	sld [smem:$0x3FAB]  }
0x2b: {  	s6 =	sld [smem:$0x3FAC]  }
0x2c: {  	s7 =	sld [smem:$0x3FAD]  }
0x2d: {  	s3 =	simm.s32 $0x108;
	s8 =	sld [smem:$0x3FAE]  }
0x2e: {  	s3 =	simm.s32 @!p0 $0x1082;
	s9 =	sld [smem:$0x3FAF]  }
0x2f: {  	lr =	sadd.s32 s0, s3;
	s0 =	sld [smem:$0x3FA6]  }
0x30: {  	s3 =	sld [smem:$0x3FA9]  }
0x31: {  	[smem:$0x3FB2] =	sst s10  }
0x32: {  	s10 =	sld [smem:$0x3FB0];
	_ =	sdelay $0x3  }
0x33: {  	p0 =	seq.s32 s10, $0x1;
	s10 =	sld [smem:$0x3FB2];
	_ =	sdelay $0x3  }
0x34: {  	[smem:$0x3FB2] =	sst s10  }
0x35: {  	s10 =	sld [smem:$0x3FB1];
	_ =	sdelay $0x3  }
0x36: {  	p1 =	seq.s32 s10, $0x1;
	s10 =	sld [smem:$0x3FB2];
	_ =	sdelay $0x3  }
0x37: {  	[smem:$0x3FB2] =	sst s10  }
0x38: {  	s10 =	sld [smem:$0x3FB3]  }
0x39: {  	_ = 	snop;
	(pc) =	sbr.ind lr, $3  }
0x3a: {  	_ = 	snop  }
0x3b: {  	_ = 	snop  }
0x3c: {  	p2 =	seq.s32 s10, $0x1;
	s10 =	sld [smem:$0x3FB2]  }
0x3d: {  	_ =	shalt  }
0x3e: {  	_ =	shalt  }
0x3f: {  	_ =	shalt  }
0x40: {  	_ =	shalt  }
0x41: {  	_ =	shalt  }
0x42: {  	_ =	shalt  }
0x43: {  	_ =	shalt  }
0x44: {  	_ =	shalt  }
0x45: {  	_ =	shalt  }
0x46: {  	_ =	shalt  }
0x47: {  	_ =	shalt  }
0x48: {  	_ =	shalt  }
0x49: {  	_ =	shalt  }
0x4a: {  	_ =	shalt  }
0x4b: {  	_ =	shalt  }
0x4c: {  	_ =	shalt  }
0x4d: {  	_ =	shalt  }
0x4e: {  	_ =	shalt  }
0x4f: {  	_ =	shalt  }
0x50: {  	_ =	shalt  }
0x51: {  	_ =	shalt  }
0x52: {  	_ =	shalt  }
0x53: {  	_ =	shalt  }
0x54: {  	_ =	shalt  }
0x55: {  	_ =	shalt  }
0x56: {  	_ =	shalt  }
0x57: {  	_ =	shalt  }
0x58: {  	_ =	shalt  }
0x59: {  	_ =	shalt  }
0x5a: {  	_ =	shalt  }
0x5b: {  	_ =	shalt  }
0x5c: {  	_ =	shalt  }
0x5d: {  	_ =	shalt  }
0x5e: {  	_ =	shalt  }
0x5f: {  	_ =	shalt  }
0x60: {  	_ =	shalt  }
0x61: {  	_ =	shalt  }
0x62: {  	_ =	shalt  }
0x63: {  	_ =	shalt  }
0x64: {  	_ =	shalt  }
0x65: {  	_ =	shalt  }
0x66: {  	_ =	shalt  }
0x67: {  	_ =	shalt  }
0x68: {  	_ =	shalt  }
0x69: {  	_ =	shalt  }
0x6a: {  	_ =	shalt  }
0x6b: {  	_ =	shalt  }
0x6c: {  	_ =	shalt  }
0x6d: {  	_ =	shalt  }
0x6e: {  	_ =	shalt  }
0x6f: {  	_ =	shalt  }
0x70: {  	_ =	shalt  }
0x71: {  	_ =	shalt  }
0x72: {  	_ =	shalt  }
0x73: {  	_ =	shalt  }
0x74: {  	_ =	shalt  }
0x75: {  	_ =	shalt  }
0x76: {  	_ =	shalt  }
0x77: {  	_ =	shalt  }
0x78: {  	_ =	shalt  }
0x79: {  	_ =	shalt  }
0x7a: {  	_ =	shalt  }
0x7b: {  	_ =	shalt  }
0x7c: {  	_ =	shalt  }
0x7d: {  	_ =	shalt  }
0x7e: {  	_ =	shalt  }
0x7f: {  	_ =	shalt  }
0x80: {  	_ =	shalt  }
0x81: {  	_ =	shalt  }
0x82: {  	_ =	shalt  }
0x83: {  	_ =	shalt  }
0x84: {  	_ =	shalt  }
0x85: {  	_ =	shalt  }
0x86: {  	_ =	shalt  }
0x87: {  	_ =	shalt  }
.Lfunc_end0:
.L_simem_size_0:
called_computation.2_lowered:
.L_overlay_start_0:
0x88: {  	s2 =	sld [smem:$0x3FD9]  }
0x89: {  	s3 =	sld [smem:$0x3FFE];
	_ =	sdelay $0x1  }
0x8a: {  	s1 =	srdreg.scid  }
0x8b: {  	s0 =	sand.u32 $0x1, s1  }
0x8c: {  	s14 =	sshll.u32 s0, $0xA;
	s2 =	sadd.s32 s3, s2  }
0x8d: {  	s2 =	sadd.s32 s2, s14  }
0x8e: {  	[smem:$0x3FBE] =	sst s2  }
0x8f: {  	_ = 	snop  }
0x90: {  	s2 =	sld [smem:$0x3FD0];
	_ =	sdelay $0x2  }
0x91: {  	s15 =	simm.s32 $0xB;
	s4 =	simm.s32 $0x10  }
0x92: {  	[smem:s4], [sflag:s15] =	dma.local [hbm:s2], $0x1  }
0x93: {  	_ =	swait.eq [sflag:s15], $0x1  }
0x94: {  	[sflag:s15] =	ssyncset.done $0x0  }
0x95: {  	s16 =	sld [smem:$0x10];
	[sflag:s15] =	ssyncadd.s32 $0xFFFFFFFF  }
0x96: {  	s17 =	sld [smem:$0x11];
	(tm) =	ssettm $0x1  }
0x97: {  	s18 =	sld [smem:$0x3FFB];
	_ =	sdelay $0x3  }
0x98: {  	_ =	strace s18  }
0x99: {  	s4 =	sld [smem:$0x3FFC];
	_ =	sdelay $0x3  }
0x9a: {  	_ =	strace s4  }
0x9b: {  	s4 =	sld [smem:$0x3FFD];
	_ =	sdelay $0x3  }
0x9c: {  	_ =	strace s4  }
0x9d: {  	_ =	strace $0x8FFFFFFF  }
0x9e: {  	s19 =	sld [smem:$0x3FDB];
	_ =	sdelay $0x1  }
0x9f: {  	s5 =	simm.s32 $_scs_section_size  }
0xa0: {  	s6 =	simm.s32 $_size__tile_overlayer_lowered;
	s7 =	simm.s32 $_tile_overlayer_lowered  }
0xa1: {  	s22 =	simm.s32 $0x1BFF;
	s21 =	sshll.u32 s7, $0x1;
	s4 =	sadd.s32 s5, s19  }
0xa2: {  	s8 =	simm.s32 $0x0;
	s20 =	sshll.u32 s6, $0x1;
	s6 =	sadd.s32 s21, s4  }
0xa3: {  	[timem:s8], [sflag:s22] =	dma.local [hbm:s6], s20  }
0xa4: {  	_ =	swait.ge [sflag:s22], s20  }
0xa5: {  	s5 =	ssub.s32 $0x0, s20;
	[sflag:s22] =	ssyncset.done $0x0  }
0xa6: {  	[sflag:s22] =	ssyncadd.s32 s5;
	_ =	sdelay $0x1  }
0xa7: {  	s23 =	simm.s32 $0x1B8B  }
0xa8: {  	_ =	swait.ge [sflag:s23], $0x1  }
0xa9: {  	[sflag:s23] =	ssyncset.done $0x0  }
0xaa: {  	s25 =	simm.s32 $0x1B8E;
	s24 =	sld [smem:$0x3FFE];
	[sflag:s23] =	ssyncadd.s32 $0xFFFFFFFF  }
0xab: {  	s26 =	simm.s32 $execute0_lowered;
	[smem:$0x3FD2] =	sst s25  }
0xac: {  	s6 =	sshll.u32 s26, $0x1;
	_ =	strace $0x8000004C;
	[dreg:$0x1] =	wrdreg $0xFFFFFFFF  }
0xad: {  	s28 =	simm.s32 $_size_execute0_lowered;
	s4 =	sadd.s32 s4, s6;
	[dreg:$0x0] =	wrdreg $0x0  }
0xae: {  	s6 =	sshll.u32 s28, $0x1;
	[dreg:$0x2] =	wrdreg s4  }
0xaf: {  	[dreg:$0x3] =	wrdreg s6  }
0xb0: {  	[dreg:$0x4] =	wrdreg $0xC0  }
0xb1: {  	_ =	task [dreg:s8], $0x5FFFF  }
0xb2: {  	[dreg:$0x1] =	wrdreg $0xFFFFFFFF  }
0xb3: {  	[dreg:$0x0] =	wrdreg $0x60  }
0xb4: {  	[dreg:$0x2] =	wrdreg s24  }
0xb5: {  	[dreg:$0x3] =	wrdreg s17  }
0xb6: {  	[dreg:$0x4] =	wrdreg s16  }
0xb7: {  	[dreg:$0x5] =	wrdreg $0xB4800  }
0xb8: {  	[dreg:$0x6] =	wrdreg $0x9  }
0xb9: {  	_ =	task.clear_ibuf [dreg:s8], $0x7FFFF;
	_ =	strace $0x9000004C  }
0xba: {  	s29 =	simm.s32 $0x9;
	_ =	strace $0x8000004E  }
0xbb: {  	_ =	swait.ge [sflag:s29], $0x1  }
0xbc: {  	[sflag:s29] =	ssyncadd.s32 $0xFFFFFFFF  }
0xbd: {  	_ =	strace $0x9000004E  }
0xbe: {  	_ =	sfence  }
0xbf: {  	s30 =	sld [smem:$0x0];
	_ =	sdelay $0x2  }
0xc0: {  	s31 =	sshll.u32 s1, $0xD;
	s1 =	sshrl.u32 s1, $0x2  }
0xc1: {  	s3 =	sand.u32 $0x4000, s31;
	s1 =	sadd.s32 s1, s30  }
0xc2: {  	s0 =	sor.u32 s3, s0;
	s1 =	sshll.u32 s1, $0x11  }
0xc3: {  	s0 =	sor.u32 s1, s0  }
0xc4: {  	s0 =	sadd.s32 $0x8F2B, s0  }
0xc5: {  	[sflag:s0] =	ssyncadd.remote.s32 $0x1  }
0xc6: {  	_ =	sfence.sel $0xFFFF  }
0xc7: {  	[dreg:$0x0] =	wrdreg $0xFFFFFFFF;
	(pc) =	sbr.abs _section_cstart, $3  }
0xc8: {  	[dreg:$0x1] =	wrdreg $0xFFFFFFFF  }
0xc9: {  	_ =	task.clear_ibuf [dreg:s8], $0x2FFFF;
	_ =	strace $0x9FFFFFFF  }
0xca: {  	(tm) =	ssettm $0x7FFFFFFF  }
0xcb: {  	_ =	shalt  }
tec
execute0_lowered:
.L_overlay_start_1:
0x0: {  	(tag) =	ssettag $0x1  }
0x1: {  	s0 =	rddreg [dreg:$0x0]  }
0x2: {  	s3 =	rddreg [dreg:$0x3]  }
0x3: {  	s1 =	srdreg.scid;
	s8 =	stileid.u32  }
0x4: {  	s5 =	simm.s32 $0x0;
	s1 =	sand.u32 $0x1, s1;
	s4 =	smul.u32 $0x14000, s8  }
0x5: {  	s2 =	smul.u32 $0x140000, s1;
	s7 =	sshll.u32 s1, $0x4;
	s1 =	ssub.s32 $0x2, s1  }
0x6: {  	s28 =	sor.u32 s8, s7;
	s8 =	smul.u32 $0x50000, s8;
	s29 =	sshrl.u32 s1, $0x1  }
0x7: {  	[smem:$0x7FF] =	sst s5;
	s9 =	smul.u32 $0x1F40, s28;
	s1 =	ssub.s32 s1, s29  }
0x8: {  	_ =	strace $0x8000004D;
	s7 =	sadd.s32 $0x50400, s0;
	s1 =	smax.u32 s1, $0x1  }
0x9: {  	s30 =	sshrl.u32 s8, $0x2;
	s31 =	sadd.s32 s7, s9;
	[dreg:$0x8] =	wrdreg s1  }
0xa: {  	s15 =	sadd.s32 s30, s3;
	[dreg:$0x5] =	wrdreg s31  }
0xb: {  	s8 =	sadd.s32 $0x20, s31;
	[dreg:$0x6] =	wrdreg s15  }
0xc: {  	s10 =	sadd.s32 $0x2000, s15;
	[dreg:$0x7] =	wrdreg s8  }
0xd: {  	s11 =	sadd.s32 $0x3000, s15;
	[dreg:$0xa] =	wrdreg s10  }
0xe: {  	s12 =	sadd.s32 $0x4000, s15;
	[dreg:$0xb] =	wrdreg s11  }
0xf: {  	s13 =	sadd.s32 $0x5000, s15;
	[dreg:$0xc] =	wrdreg s12  }
0x10: {  	s14 =	sadd.s32 $0x6000, s15;
	[dreg:$0xd] =	wrdreg s13  }
0x11: {  	s16 =	sadd.s32 $0x7000, s15;
	[dreg:$0xe] =	wrdreg s14  }
0x12: {  	s18 =	sadd.s32 $0x8000, s15;
	[dreg:$0xf] =	wrdreg s16  }
0x13: {  	s19 =	sadd.s32 $0x9000, s15;
	[dreg:$0x10] =	wrdreg s18  }
0x14: {  	s20 =	sadd.s32 $0xA000, s15;
	[dreg:$0x11] =	wrdreg s19  }
0x15: {  	s6 =	sadd.s32 $0x2200, s0;
	s21 =	sadd.s32 $0xB000, s15;
	[dreg:$0x12] =	wrdreg s20  }
0x16: {  	s2 =	sadd.s32 s4, s2;
	s22 =	sadd.s32 $0xC000, s15;
	[dreg:$0x13] =	wrdreg s21  }
0x17: {  	s4 =	simm.s32 $0xA400;
	s23 =	sadd.s32 $0xD000, s15;
	[dreg:$0x14] =	wrdreg s22  }
0x18: {  	s2 =	sshrl.u32 s2, $0x3;
	s24 =	sadd.s32 $0xE000, s15;
	[dreg:$0x15] =	wrdreg s23  }
0x19: {  	s0 =	sadd.s32 s2, s0;
	s26 =	sadd.s32 $0xF000, s15;
	[dreg:$0x16] =	wrdreg s24  }
0x1a: {  	s9 =	smul.u32 $0xFA, s28;
	s28 =	sadd.s32 $0x10000, s15;
	[dreg:$0x17] =	wrdreg s26  }
0x1b: {  	s2 =	simm.s32 $0x5;
	s29 =	sadd.s32 $0x11000, s15;
	[dreg:$0x18] =	wrdreg s28  }
0x1c: {  	s17 =	sadd.s32 $0x1000, s15;
	s30 =	sadd.s32 $0x12000, s15;
	[dreg:$0x19] =	wrdreg s29  }
0x1d: {  	v3 =	vlaneseq.u32;
	s25 =	sadd.s32 $0x8EC00, s0;
	s31 =	sadd.s32 $0x13000, s15;
	[dreg:$0x1a] =	wrdreg s30  }
0x1e: {  	v0 =	vimm.f32 $0.0e+00;
	vm0 =	vmmov $0xffff;
	v2 =	vshrl.u32 v3, $0x3;
	[dreg:$0x1b] =	wrdreg s31;
	s11 =	simm.s32 $0x1;
	s12 =	simm.s32 $0xB400  }
0x1f: {  	v1 =	vand.u32 $0x7, v3;
	v3 =	vor.u32 $0x8, v3;
	v2 =	vmul.u32 $0x8, v2;
	s14 =	simm.s32 $0x28;
	s16 =	simm.s32 $0x0;
	[dreg:$0x9] =	wrdreg s17  }
.LBB2_1:
0x20: {  	s0 =	rddreg [dreg:$0x1]  }
0x21: {  	[tilespmem:s5], [sflag:$0x5] =	stream.linear.gather [hbm4b:s0+s5], $0x2780, $0x38;
	[tilespmem:$0x1F480] =	vst v63  }
0x22: {  	_ =	swait.ge [sflag:s2], $0x2780  }
0x23: {  	[sflag:s2] =	ssyncset.done $0x0  }
0x24: {  	[sflag:s2] =	ssyncadd.s32 $0xFFFFD880  }
0x25: {  	s1 =	simm.s32 $0x2780;
	s31 =	rddreg [dreg:$0x2]  }
0x26: {  	[tilespmem:s1], [sflag:$0x5] =	stream.linear.gather [hbm4b:s31+s5], $0x80, $0x38;
	[tilespmem:$0x1F480] =	vst v63  }
0x27: {  	_ =	swait.ge [sflag:s2], $0x80  }
0x28: {  	[sflag:s2] =	ssyncset.done $0x0  }
0x29: {  	s0 =	simm.s32 $0x0;
	s1 =	simm.s32 $0x200;
	[sflag:s2] =	ssyncadd.s32 $0xFFFFFF80  }
.LBB2_2:
0x2a: {  	p0 =	sne.s32 s1, $0x3E00;
	[tilespmem:s0+$0xA470] =	vst v0  }
0x2b: {  	[tilespmem:s0+$0xA400] =	vst v0  }
0x2c: {  	[tilespmem:s0+$0xA410] =	vst v0  }
.Ltmp0:
0x2d: {  	[tilespmem:s0+$0xA420] =	vst v0;
	(pc) =	sbr.rel @p0 .LBB2_2-.Ltmp0, $4  }
0x2e: {  	[tilespmem:s0+$0xA430] =	vst v0  }
0x2f: {  	[tilespmem:s0+$0xA440] =	vst v0  }
0x30: {  	[tilespmem:s0+$0xA450] =	vst v0  }
0x31: {  	[tilespmem:s0+$0xA460] =	vst v0;
	s0 =	sshra.s32 s1, $0x2;
	s1 =	sadd.s32 $0x200, s1  }
0x32: {  	[tilespmem:s0+$0xA470] =	vst v0  }
0x33: {  	[tilespmem:s0+$0xA400] =	vst v0  }
0x34: {  	[tilespmem:s0+$0xA410] =	vst v0  }
0x35: {  	[tilespmem:s0+$0xA420] =	vst v0  }
0x36: {  	[tilespmem:s0+$0xA430] =	vst v0  }
0x37: {  	[tilespmem:s0+$0xA440] =	vst v0  }
0x38: {  	[tilespmem:s0+$0xA450] =	vst v0  }
0x39: {  	[tilespmem:s0+$0xA460] =	vst v0  }
0x3a: {  	[spmem:s15] =	stream.linear.scatter [tilespmem:s4], [sflag:$0x5], $0x1000, $0x38;
	[tilespmem:$0x1F480] =	vst v63  }
0x3b: {  	_ =	swait.ge [sflag:s2], $0x1000  }
0x3c: {  	[sflag:s2] =	ssyncset.done $0x0  }
0x3d: {  	[sflag:s2] =	ssyncadd.s32 $0xFFFFF000  }
0x3e: {  	[spmem:s17] =	stream.linear.scatter [tilespmem:s4], [sflag:$0x5], $0x1000, $0x38;
	[tilespmem:$0x1F480] =	vst v63  }
0x3f: {  	_ =	swait.ge [sflag:s2], $0x1000  }
0x40: {  	[sflag:s2] =	ssyncset.done $0x0  }
0x41: {  	s23 =	rddreg [dreg:$0xa];
	[sflag:s2] =	ssyncadd.s32 $0xFFFFF000  }
0x42: {  	[spmem:s23] =	stream.linear.scatter [tilespmem:s4], [sflag:$0x5], $0x1000, $0x38;
	[tilespmem:$0x1F480] =	vst v63  }
0x43: {  	_ =	swait.ge [sflag:s2], $0x1000  }
0x44: {  	[sflag:s2] =	ssyncset.done $0x0  }
0x45: {  	s24 =	rddreg [dreg:$0xb];
	[sflag:s2] =	ssyncadd.s32 $0xFFFFF000  }
0x46: {  	[spmem:s24] =	stream.linear.scatter [tilespmem:s4], [sflag:$0x5], $0x1000, $0x38;
	[tilespmem:$0x1F480] =	vst v63  }
0x47: {  	_ =	swait.ge [sflag:s2], $0x1000  }
0x48: {  	[sflag:s2] =	ssyncset.done $0x0  }
0x49: {  	s26 =	rddreg [dreg:$0xc];
	[sflag:s2] =	ssyncadd.s32 $0xFFFFF000  }
0x4a: {  	[spmem:s26] =	stream.linear.scatter [tilespmem:s4], [sflag:$0x5], $0x1000, $0x38;
	[tilespmem:$0x1F480] =	vst v63  }
0x4b: {  	_ =	swait.ge [sflag:s2], $0x1000  }
0x4c: {  	[sflag:s2] =	ssyncset.done $0x0  }
0x4d: {  	s28 =	rddreg [dreg:$0xd];
	[sflag:s2] =	ssyncadd.s32 $0xFFFFF000  }
0x4e: {  	[spmem:s28] =	stream.linear.scatter [tilespmem:s4], [sflag:$0x5], $0x1000, $0x38;
	[tilespmem:$0x1F480] =	vst v63  }
0x4f: {  	_ =	swait.ge [sflag:s2], $0x1000  }
0x50: {  	[sflag:s2] =	ssyncset.done $0x0  }
0x51: {  	s29 =	rddreg [dreg:$0xe];
	[sflag:s2] =	ssyncadd.s32 $0xFFFFF000  }
0x52: {  	[spmem:s29] =	stream.linear.scatter [tilespmem:s4], [sflag:$0x5], $0x1000, $0x38;
	[tilespmem:$0x1F480] =	vst v63  }
0x53: {  	_ =	swait.ge [sflag:s2], $0x1000  }
0x54: {  	[sflag:s2] =	ssyncset.done $0x0  }
0x55: {  	s30 =	rddreg [dreg:$0xf];
	[sflag:s2] =	ssyncadd.s32 $0xFFFFF000  }
0x56: {  	[spmem:s30] =	stream.linear.scatter [tilespmem:s4], [sflag:$0x5], $0x1000, $0x38;
	[tilespmem:$0x1F480] =	vst v63  }
0x57: {  	_ =	swait.ge [sflag:s2], $0x1000  }
0x58: {  	[sflag:s2] =	ssyncset.done $0x0  }
0x59: {  	s31 =	rddreg [dreg:$0x10];
	[sflag:s2] =	ssyncadd.s32 $0xFFFFF000  }
0x5a: {  	[spmem:s31] =	stream.linear.scatter [tilespmem:s4], [sflag:$0x5], $0x1000, $0x38;
	[tilespmem:$0x1F480] =	vst v63  }
0x5b: {  	_ =	swait.ge [sflag:s2], $0x1000  }
0x5c: {  	[sflag:s2] =	ssyncset.done $0x0  }
0x5d: {  	s1 =	rddreg [dreg:$0x11];
	[sflag:s2] =	ssyncadd.s32 $0xFFFFF000  }
0x5e: {  	[spmem:s1] =	stream.linear.scatter [tilespmem:s4], [sflag:$0x5], $0x1000, $0x38;
	[tilespmem:$0x1F480] =	vst v63  }
0x5f: {  	_ =	swait.ge [sflag:s2], $0x1000  }
0x60: {  	[sflag:s2] =	ssyncset.done $0x0  }
0x61: {  	s8 =	rddreg [dreg:$0x12];
	[sflag:s2] =	ssyncadd.s32 $0xFFFFF000  }
0x62: {  	[spmem:s8] =	stream.linear.scatter [tilespmem:s4], [sflag:$0x5], $0x1000, $0x38;
	[tilespmem:$0x1F480] =	vst v63  }
0x63: {  	_ =	swait.ge [sflag:s2], $0x1000  }
0x64: {  	[sflag:s2] =	ssyncset.done $0x0  }
0x65: {  	s10 =	rddreg [dreg:$0x13];
	[sflag:s2] =	ssyncadd.s32 $0xFFFFF000  }
0x66: {  	[spmem:s10] =	stream.linear.scatter [tilespmem:s4], [sflag:$0x5], $0x1000, $0x38;
	[tilespmem:$0x1F480] =	vst v63  }
0x67: {  	_ =	swait.ge [sflag:s2], $0x1000  }
0x68: {  	[sflag:s2] =	ssyncset.done $0x0  }
0x69: {  	s13 =	rddreg [dreg:$0x14];
	[sflag:s2] =	ssyncadd.s32 $0xFFFFF000  }
0x6a: {  	[spmem:s13] =	stream.linear.scatter [tilespmem:s4], [sflag:$0x5], $0x1000, $0x38;
	[tilespmem:$0x1F480] =	vst v63  }
0x6b: {  	_ =	swait.ge [sflag:s2], $0x1000  }
0x6c: {  	[sflag:s2] =	ssyncset.done $0x0  }
0x6d: {  	s15 =	rddreg [dreg:$0x15];
	[sflag:s2] =	ssyncadd.s32 $0xFFFFF000  }
0x6e: {  	[spmem:s15] =	stream.linear.scatter [tilespmem:s4], [sflag:$0x5], $0x1000, $0x38;
	[tilespmem:$0x1F480] =	vst v63  }
0x6f: {  	_ =	swait.ge [sflag:s2], $0x1000  }
0x70: {  	[sflag:s2] =	ssyncset.done $0x0  }
0x71: {  	s17 =	rddreg [dreg:$0x16];
	[sflag:s2] =	ssyncadd.s32 $0xFFFFF000  }
0x72: {  	[spmem:s17] =	stream.linear.scatter [tilespmem:s4], [sflag:$0x5], $0x1000, $0x38;
	[tilespmem:$0x1F480] =	vst v63  }
0x73: {  	_ =	swait.ge [sflag:s2], $0x1000  }
0x74: {  	[sflag:s2] =	ssyncset.done $0x0  }
0x75: {  	s18 =	rddreg [dreg:$0x17];
	[sflag:s2] =	ssyncadd.s32 $0xFFFFF000  }
0x76: {  	[spmem:s18] =	stream.linear.scatter [tilespmem:s4], [sflag:$0x5], $0x1000, $0x38;
	[tilespmem:$0x1F480] =	vst v63  }
0x77: {  	_ =	swait.ge [sflag:s2], $0x1000  }
0x78: {  	[sflag:s2] =	ssyncset.done $0x0  }
0x79: {  	s19 =	rddreg [dreg:$0x18];
	[sflag:s2] =	ssyncadd.s32 $0xFFFFF000  }
0x7a: {  	[spmem:s19] =	stream.linear.scatter [tilespmem:s4], [sflag:$0x5], $0x1000, $0x38;
	[tilespmem:$0x1F480] =	vst v63  }
0x7b: {  	_ =	swait.ge [sflag:s2], $0x1000  }
0x7c: {  	[sflag:s2] =	ssyncset.done $0x0  }
0x7d: {  	s20 =	rddreg [dreg:$0x19];
	[sflag:s2] =	ssyncadd.s32 $0xFFFFF000  }
0x7e: {  	[spmem:s20] =	stream.linear.scatter [tilespmem:s4], [sflag:$0x5], $0x1000, $0x38;
	[tilespmem:$0x1F480] =	vst v63  }
0x7f: {  	_ =	swait.ge [sflag:s2], $0x1000  }
0x80: {  	[sflag:s2] =	ssyncset.done $0x0  }
0x81: {  	s21 =	rddreg [dreg:$0x1a];
	[sflag:s2] =	ssyncadd.s32 $0xFFFFF000  }
0x82: {  	[spmem:s21] =	stream.linear.scatter [tilespmem:s4], [sflag:$0x5], $0x1000, $0x38;
	[tilespmem:$0x1F480] =	vst v63  }
0x83: {  	_ =	swait.ge [sflag:s2], $0x1000  }
0x84: {  	[sflag:s2] =	ssyncset.done $0x0  }
0x85: {  	s22 =	rddreg [dreg:$0x1b];
	[sflag:s2] =	ssyncadd.s32 $0xFFFFF000  }
0x86: {  	[spmem:s22] =	stream.linear.scatter [tilespmem:s4], [sflag:$0x5], $0x1000, $0x38;
	[tilespmem:$0x1F480] =	vst v63  }
0x87: {  	_ =	swait.ge [sflag:s2], $0x1000  }
0x88: {  	[sflag:s2] =	ssyncset.done $0x0  }
0x89: {  	[sflag:s2] =	ssyncadd.s32 $0xFFFFF000  }
0x8a: {  	[bflag:$0x0] =	sbarrier.arrive $0xFFFF  }
0x8b: {  	s0 =	simm.s32 $0x0;
	s8 =	simm.s32 $0x2800;
	s1 =	rddreg [dreg:$0x5]  }
0x8c: {  	v4 =	vld [tilespmem:$0x2780];
	[tilespmem:s8], [sflag:$0x5] =	stream.linear.gather [hbm4b:s1+s0], $0x100, $0x38  }
0x8d: {  	_ =	swait.ge [sflag:s2], $0x100  }
0x8e: {  	[sflag:s2] =	ssyncset.done $0x0  }
0x8f: {  	[sflag:s2] =	ssyncadd.s32 $0xFFFFFF00  }
0x90: {  	v5 =	vld [tilespmem:$0x2800];
	_ =	sdelay $0x4  }
0x91: {  	v6 =	vshll.u32 v5, $0x1  }
0x92: {  	v5 =	vand.u32 $0x7, v5;
	v6 =	vand.u32 $0xFFFFFFF0, v6  }
0x93: {  	v5 =	vor.u32 v5, v6  }
0x94: {  	v6 =	vperm.xlane v5, v1;
	_ =	sdelay $0x1  }
0x95: {  	v5 =	vperm.xlane v5, v3;
	v6 =	vadd.s32 v2, v6;
	_ =	sdelay $0x1  }
0x96: {  	v5 =	vadd.s32 v2, v5;
	_ =	sdelay $0x1  }
0x97: {  	s23 =	simm.s32 $0x2C00  }
0x98: {  	[tilespmem:s23], [sflag:$0x1] =	stream.indirect_vreg.gather [hbm4b:s6+s0], $0x80, v6, vm0, $0xb8;
	[tilespmem:$0x1F480] =	vst v63  }
0x99: {  	s24 =	simm.s32 $0x3400  }
0x9a: {  	[tilespmem:s24], [sflag:$0x1] =	stream.indirect_vreg.gather [hbm4b:s6+s0], $0x80, v5, vm0, $0xb8;
	[tilespmem:$0x1F480] =	vst v63  }
0x9b: {  	v5 =	vld [tilespmem:$0x2810];
	_ =	sdelay $0x4  }
0x9c: {  	v6 =	vshll.u32 v5, $0x1  }
0x9d: {  	v5 =	vand.u32 $0x7, v5;
	v6 =	vand.u32 $0xFFFFFFF0, v6  }
0x9e: {  	v5 =	vor.u32 v5, v6  }
0x9f: {  	v6 =	vperm.xlane v5, v1;
	_ =	sdelay $0x1  }
0xa0: {  	v5 =	vperm.xlane v5, v3;
	v6 =	vadd.s32 v2, v6;
	_ =	sdelay $0x1  }
0xa1: {  	v5 =	vadd.s32 v2, v5;
	_ =	sdelay $0x1  }
0xa2: {  	s26 =	simm.s32 $0x3C00  }
0xa3: {  	[tilespmem:s26], [sflag:$0x1] =	stream.indirect_vreg.gather [hbm4b:s6+s0], $0x80, v6, vm0, $0xb8;
	[tilespmem:$0x1F480] =	vst v63  }
0xa4: {  	s28 =	simm.s32 $0x4400  }
0xa5: {  	[tilespmem:s28], [sflag:$0x1] =	stream.indirect_vreg.gather [hbm4b:s6+s0], $0x80, v5, vm0, $0xb8;
	[tilespmem:$0x1F480] =	vst v63  }
0xa6: {  	v5 =	vld.msk [tilespmem:$0x2820], $0xff;
	_ =	sdelay $0x4  }
0xa7: {  	v6 =	vshll.u32 v5, $0x1  }
0xa8: {  	v5 =	vand.u32 $0x7, v5;
	v6 =	vand.u32 $0xFFFFFFF0, v6  }
0xa9: {  	v5 =	vor.u32 v5, v6  }
0xaa: {  	v5 =	vperm.xlane v5, v1;
	_ =	sdelay $0x1  }
0xab: {  	v5 =	vadd.s32 v2, v5;
	_ =	sdelay $0x3  }
0xac: {  	s29 =	simm.s32 $0x4C00  }
0xad: {  	[tilespmem:s29], [sflag:$0x1] =	stream.indirect_vreg.gather [hbm4b:s6+s0], $0x80, v5, vm0, $0xb8;
	[tilespmem:$0x1F480] =	vst v63  }
0xae: {  	p0 =	por $0x0, $0x0;
	s31 =	simm.s32 $0x2900;
	s30 =	rddreg [dreg:$0x7]  }
0xaf: {  	[tilespmem:s31], [sflag:$0x4] =	stream.linear.gather [hbm4b:s30+s0], $0x100, $0x38;
	[tilespmem:$0x1F480] =	vst v63  }
.LBB2_4:
0xb0: {  	p1 =	seq.s32 s0, $0xF9  }
.Ltmp1:
0xb1: {  	_ = 	snop;
	(pc) =	sbr.rel @!p1 .LBB2_5-.Ltmp1, $2  }
0xb2: {  	_ =	sdelay $0x2  }
0xb3: {  	s18 =	sand.u32 $0x1, s0;
	s17 =	sadd.s32 $0x1, s0  }
.Ltmp2:
0xb4: {  	(pc) =	sbr.rel .LBB2_7-.Ltmp2, $4  }
0xb5: {  	_ = 	snop  }
0xb6: {  	_ =	swait.ge [sflag:s11], $0x2800  }
0xb7: {  	[sflag:s11] =	ssyncset.done $0x0  }
0xb8: {  	[sflag:s11] =	ssyncadd.s32 $0xFFFFD800  }
.LBB2_5:
0xb9: {  	s1 =	sand.u32 $0x1, s17  }
0xba: {  	p1 =	seq.s32 s1, $0x1;
	s1 =	simm.s32 $0x4  }
0xbb: {  	s1 =	simm.s32 @!p1 $0x3  }
0xbc: {  	_ =	swait.ge [sflag:s1], $0x100  }
0xbd: {  	[sflag:s1] =	ssyncset.done $0x0  }
0xbe: {  	[sflag:s1] =	ssyncadd.s32 $0xFFFFFF00  }
0xbf: {  	_ =	swait.ge [sflag:s11], $0x2800  }
0xc0: {  	s26 =	sshll.u32 s17, $0x8;
	[sflag:s11] =	ssyncset.done $0x0  }
0xc1: {  	s1 =	sand.u32 $0x300, s26;
	[sflag:s11] =	ssyncadd.s32 $0xFFFFD800  }
0xc2: {  	v5 =	vld [tilespmem:s1+$0x2800];
	_ =	sdelay $0x4  }
0xc3: {  	v6 =	vshll.u32 v5, $0x1  }
0xc4: {  	v5 =	vand.u32 $0x7, v5;
	v6 =	vand.u32 $0xFFFFFFF0, v6  }
0xc5: {  	v5 =	vor.u32 v5, v6  }
0xc6: {  	v6 =	vperm.xlane v5, v1;
	_ =	sdelay $0x1  }
0xc7: {  	s8 =	sxor.u32 $0x1, s18;
	v5 =	vperm.xlane v5, v3;
	v6 =	vadd.s32 v2, v6  }
0xc8: {  	s8 =	smul.u32 $0xA000, s8  }
0xc9: {  	v5 =	vadd.s32 v2, v5  }
0xca: {  	s8 =	sshrl.u32 s8, $0x2  }
0xcb: {  	s19 =	sadd.s32 $0x2C00, s8  }
0xcc: {  	[tilespmem:s19], [sflag:$0x1] =	stream.indirect_vreg.gather [hbm4b:s6+s5], $0x80, v6, vm0, $0xb8;
	[tilespmem:$0x1F480] =	vst v63  }
0xcd: {  	s28 =	sadd.s32 $0x3400, s8  }
0xce: {  	[tilespmem:s28], [sflag:$0x1] =	stream.indirect_vreg.gather [hbm4b:s6+s5], $0x80, v5, vm0, $0xb8;
	[tilespmem:$0x1F480] =	vst v63  }
0xcf: {  	v5 =	vld [tilespmem:s1+$0x2810];
	_ =	sdelay $0x4  }
0xd0: {  	v6 =	vshll.u32 v5, $0x1  }
0xd1: {  	v5 =	vand.u32 $0x7, v5;
	v6 =	vand.u32 $0xFFFFFFF0, v6  }
0xd2: {  	v5 =	vor.u32 v5, v6  }
0xd3: {  	v6 =	vperm.xlane v5, v1;
	_ =	sdelay $0x1  }
0xd4: {  	v5 =	vperm.xlane v5, v3;
	v6 =	vadd.s32 v2, v6;
	_ =	sdelay $0x1  }
0xd5: {  	v5 =	vadd.s32 v2, v5;
	_ =	sdelay $0x1  }
0xd6: {  	s29 =	sadd.s32 $0x3C00, s8  }
0xd7: {  	[tilespmem:s29], [sflag:$0x1] =	stream.indirect_vreg.gather [hbm4b:s6+s5], $0x80, v6, vm0, $0xb8;
	[tilespmem:$0x1F480] =	vst v63  }
0xd8: {  	s30 =	sor.u32 $0x4400, s8;
	s1 =	sor.u32 $0x2820, s1  }
0xd9: {  	[tilespmem:s30], [sflag:$0x1] =	stream.indirect_vreg.gather [hbm4b:s6+s5], $0x80, v5, vm0, $0xb8;
	[tilespmem:$0x1F480] =	vst v63  }
0xda: {  	v5 =	vld.msk [tilespmem:s1+$0x0], $0xff;
	_ =	sdelay $0x4  }
0xdb: {  	v6 =	vshll.u32 v5, $0x1  }
0xdc: {  	v5 =	vand.u32 $0x7, v5;
	v6 =	vand.u32 $0xFFFFFFF0, v6  }
0xdd: {  	v5 =	vor.u32 v5, v6  }
0xde: {  	v5 =	vperm.xlane v5, v1  }
0xdf: {  	p1 =	slt.u32 s0, $0xF8  }
0xe0: {  	s31 =	sadd.s32 $0x4C00, s8;
	s8 =	sadd.s32 @p1 $0x2, s0;
	s1 =	sand.u32 @p1 $0x1, s0;
	v5 =	vadd.s32 v2, v5  }
0xe1: {  	p2 =	seq.s32 @p1 s1, $0x1;
	s1 =	sshll.u32 @p1 s8, $0xA;
	s8 =	sadd.s32 @p1 s9, s8  }
0xe2: {  	p3 =	por !p2, !p1;
	s8 =	sshll.u32 @p1 s8, $0x5;
	p1 =	por p2, !p1  }
0xe3: {  	s19 =	sand.u32 @!p3 $0xC00, s1;
	s20 =	sand.u32 @!p3 $0x1FFFFFE0, s8;
	s21 =	simm.s32 @!p3 $0x0  }
0xe4: {  	s1 =	sand.u32 @!p1 $0x800, s1;
	s8 =	sand.u32 @!p1 $0x1FFFFFC0, s8;
	s19 =	sshrl.u32 @!p3 s19, $0x2  }
0xe5: {  	[tilespmem:s31], [sflag:$0x1] =	stream.indirect_vreg.gather [hbm4b:s6+s5], $0x80, v5, vm0, $0xb8;
	[tilespmem:$0x1F480] =	vst v63  }
0xe6: {  	s20 =	sadd.s32 @!p3 s7, s20;
	s1 =	sshrl.u32 @!p1 s1, $0x2;
	s19 =	sor.u32 @!p3 $0x2800, s19  }
0xe7: {  	[tilespmem:s19], [sflag:$0x4] =	stream.linear.gather @!p3 [hbm4b:s20+s21], $0x100, $0x38;
	[tilespmem:$0x1F480] =	vst v63  }
0xe8: {  	s8 =	sadd.s32 @!p1 s7, s8;
	s1 =	sor.u32 @!p1 $0x2800, s1;
	s19 =	simm.s32 @!p1 $0x0  }
0xe9: {  	[tilespmem:s1], [sflag:$0x3] =	stream.linear.gather @!p1 [hbm4b:s8+s19], $0x100, $0x38;
	[tilespmem:$0x1F480] =	vst v63  }
.LBB2_7:
0xea: {  	s1 =	sshll.u32 s0, $0x8  }
0xeb: {  	s22 =	sand.u32 $0x300, s1  }
0xec: {  	v5 =	vld [tilespmem:s22+$0x2800]  }
0xed: {  	v6 =	vld [tilespmem:s22+$0x2880];
	_ =	sdelay $0x6  }
0xee: {  	v5 =	vld.idx.msk [tilespmem:v5+s5+$0x0], $0xffff  }
0xef: {  	v6 =	vld.idx.msk [tilespmem:v6+s5+$0x0], $0xffff;
	_ =	sdelay $0x4  }
0xf0: {  	v5 =	vsub.f32 v5, v6;
	_ =	sdelay $0x1  }
0xf1: {  	v5 =	vadd.f32 v5, v4;
	_ =	sdelay $0x1  }
0xf2: {  	v5 =	vsub.f32 $0.0e+00, v5;
	_ =	sdelay $0x1  }
0xf3: {  	v5 =	vmul.f32 $1.442695020e+00, v5;
	_ =	sdelay $0x1  }
0xf4: {  	(erf) = vpow2.f32 v5;
	_ =	sdelay $0x8  }
0xf5: {  	v5 =	vpop (erf)  }
0xf6: {  	v5 =	vadd.f32 $1.000000000e+00, v5;
	_ =	sdelay $0x1  }
0xf7: {  	(erf) = vrcp.f32 v5;
	_ =	sdelay $0x8  }
0xf8: {  	v5 =	vpop (erf)  }
0xf9: {  	[tilespmem:$0xB400] =	vst v5  }
0xfa: {  	v5 =	vld [tilespmem:s22+$0x2810]  }
0xfb: {  	v6 =	vld [tilespmem:s22+$0x2890];
	_ =	sdelay $0x6  }
0xfc: {  	v5 =	vld.idx.msk [tilespmem:v5+s5+$0x0], $0xffff  }
0xfd: {  	v6 =	vld.idx.msk [tilespmem:v6+s5+$0x0], $0xffff;
	_ =	sdelay $0x4  }
0xfe: {  	v5 =	vsub.f32 v5, v6;
	_ =	sdelay $0x1  }
0xff: {  	v5 =	vadd.f32 v5, v4;
	_ =	sdelay $0x1  }
0x100: {  	v5 =	vsub.f32 $0.0e+00, v5;
	_ =	sdelay $0x1  }
0x101: {  	v5 =	vmul.f32 $1.442695020e+00, v5;
	_ =	sdelay $0x1  }
0x102: {  	(erf) = vpow2.f32 v5;
	_ =	sdelay $0x8  }
0x103: {  	v5 =	vpop (erf)  }
0x104: {  	v5 =	vadd.f32 $1.000000000e+00, v5;
	_ =	sdelay $0x1  }
0x105: {  	(erf) = vrcp.f32 v5;
	_ =	sdelay $0x8  }
0x106: {  	v5 =	vpop (erf)  }
0x107: {  	[tilespmem:$0xB410] =	vst v5  }
0x108: {  	v5 =	vld [tilespmem:s22+$0x2818]  }
0x109: {  	v6 =	vld [tilespmem:s22+$0x2898];
	_ =	sdelay $0x6  }
0x10a: {  	v5 =	vld.idx.msk [tilespmem:v5+s5+$0x0], $0xffff  }
0x10b: {  	v6 =	vld.idx.msk [tilespmem:v6+s5+$0x0], $0xffff;
	_ =	sdelay $0x4  }
0x10c: {  	v5 =	vsub.f32 v5, v6;
	_ =	sdelay $0x1  }
0x10d: {  	v5 =	vadd.f32 v5, v4;
	_ =	sdelay $0x1  }
0x10e: {  	v5 =	vsub.f32 $0.0e+00, v5;
	_ =	sdelay $0x1  }
0x10f: {  	v5 =	vmul.f32 $1.442695020e+00, v5;
	_ =	sdelay $0x1  }
0x110: {  	(erf) = vpow2.f32 v5;
	_ =	sdelay $0x8  }
0x111: {  	v5 =	vpop (erf)  }
0x112: {  	v5 =	vadd.f32 $1.000000000e+00, v5;
	_ =	sdelay $0x1  }
0x113: {  	(erf) = vrcp.f32 v5;
	_ =	sdelay $0x6  }
0x114: {  	s13 =	simm.s32 $0x2  }
0x115: {  	v5 =	vmov s13  }
0x116: {  	s28 =	simm.s32 $0x0;
	s15 =	simm.s32 $0x3;
	v5 =	vand.u32 $0xFFFFFFFE, v5;
	v6 =	vpop (erf)  }
0x117: {  	p1 =	seq.s32 s0, $0x0;
	v7 =	vmov s15;
	v8 =	vbroadcast v5, $0x0;
	[tilespmem:$0xB418] =	vst v6;
	v6 =	vmov s28  }
0x118: {  	s19 =	smul.u32 $0xA000, s18;
	s1 =	simm.s32 @!p1 $0x2;
	v5 =	vand.u32 $0xFFFFFFFC, v6  }
0x119: {  	s8 =	simm.s32 $0x1;
	_ =	swait.ge @!p1 [sflag:s1], $0x1400;
	v9 =	vbroadcast v5, $0x0  }
0x11a: {  	s21 =	simm.s32 $0x100;
	s0 =	sshrl.u32 s19, $0x2;
	v6 =	vmov s8;
	[sflag:s1] =	ssyncset.done @!p1 $0x0  }
0x11b: {  	s20 =	sand.u32 $0x3800, s28;
	s29 =	sadd.s32 $0x2C00, s0;
	v5 =	vand.u32 $0xFFFFFFFD, v6;
	[sflag:s1] =	ssyncadd.s32 @!p1 $0xFFFFEC00  }
0x11c: {  	s0 =	sadd.s32 s20, s29;
	v10 =	vbroadcast v5, $0x0;
	s1 =	sand.u32 $0x300, s21;
	v5 =	vld.idx.msk [tilespmem:v7+s12+$0x0], $0xffff  }
0x11d: {  	v7 =	vld.idx.msk [tilespmem:v8+s12+$0x0], $0xffff;
	s26 =	sadd.s32 s1, s0  }
0x11e: {  	s19 =	simm.s32 $0x80;
	v11 =	vld [tilespmem:s26+$0x0]  }
0x11f: {  	s20 =	sand.u32 $0x280, s19;
	v6 =	vld.idx.msk [tilespmem:v9+s12+$0x0], $0xffff  }
0x120: {  	s23 =	simm.s32 $0x0;
	s21 =	sadd.s32 s20, s0;
	v9 =	vld [tilespmem:s26+$0x400]  }
0x121: {  	s8 =	simm.s32 $0x1;
	s1 =	sand.u32 $0x200, s23;
	v12 =	vld [tilespmem:s21+$0x0]  }
0x122: {  	s8 =	simm.s32 @!p0 $0x0;
	s19 =	sadd.s32 s1, s0;
	v8 =	vld.idx.msk [tilespmem:v10+s12+$0x0], $0xffff  }
0x123: {  	s30 =	simm.s32 $0x180;
	s8 =	smul.u32 $0x5000, s8;
	v10 =	vld [tilespmem:s19+$0x0];
	v11 =	vmul.f32 v11, v7  }
0x124: {  	s24 =	sand.u32 $0x380, s30;
	v14 =	vld [tilespmem:s19+$0x400]  }
0x125: {  	s20 =	sadd.s32 s24, s0;
	s10 =	sshrl.u32 s8, $0x2;
	v9 =	vadd.f32 v11, v9;
	v11 =	vld [tilespmem:s21+$0x400]  }
0x126: {  	v13 =	vld [tilespmem:s20+$0x0];
	s23 =	sadd.s32 $0x7D00, s10  }
0x127: {  	[tilespmem:s23+$0x0] =	vst v9;
	v9 =	vld [tilespmem:s20+$0x400]  }
0x128: {  	v10 =	vmul.f32 v10, v6;
	v12 =	vmul.f32 v12, v8;
	v15 =	vld [tilespmem:s26+$0x10];
	_ =	sdelay $0x1  }
0x129: {  	v10 =	vadd.f32 v10, v14;
	v14 =	vld [tilespmem:s26+$0x410];
	v11 =	vadd.f32 v12, v11  }
0x12a: {  	v13 =	vmul.f32 v13, v5  }
0x12b: {  	[tilespmem:s23+$0xFFFFFF80] =	vst v11  }
0x12c: {  	[tilespmem:s23+$0xFFFFFF00] =	vst v10;
	v9 =	vadd.f32 v13, v9;
	v11 =	vmul.f32 v15, v7;
	v12 =	vld [tilespmem:s21+$0x10]  }
0x12d: {  	v10 =	vld [tilespmem:s19+$0x10]  }
0x12e: {  	v13 =	vld [tilespmem:s21+$0x410];
	[tilespmem:s23+$0x80] =	vst v9;
	v9 =	vadd.f32 v11, v14  }
0x12f: {  	v14 =	vld [tilespmem:s19+$0x410]  }
0x130: {  	[tilespmem:s23+$0x10] =	vst v9  }
0x131: {  	v9 =	vld [tilespmem:s26+$0x20];
	v12 =	vmul.f32 v12, v8  }
0x132: {  	v11 =	vld [tilespmem:s20+$0x10];
	v10 =	vmul.f32 v10, v6  }
0x133: {  	v16 =	vld [tilespmem:s26+$0x420];
	v12 =	vadd.f32 v12, v13  }
0x134: {  	v15 =	vld [tilespmem:s20+$0x410];
	v10 =	vadd.f32 v10, v14  }
0x135: {  	[tilespmem:s23+$0xFFFFFF90] =	vst v12  }
0x136: {  	[tilespmem:s23+$0xFFFFFF10] =	vst v10;
	v9 =	vmul.f32 v9, v7;
	v10 =	vld [tilespmem:s21+$0x20]  }
0x137: {  	v11 =	vmul.f32 v11, v5  }
0x138: {  	v13 =	vld [tilespmem:s21+$0x420];
	v9 =	vadd.f32 v9, v16  }
0x139: {  	v11 =	vadd.f32 v11, v15;
	v12 =	vld [tilespmem:s19+$0x20]  }
0x13a: {  	v14 =	vld [tilespmem:s19+$0x420];
	[tilespmem:s23+$0x20] =	vst v9  }
0x13b: {  	[tilespmem:s23+$0x90] =	vst v11;
	v11 =	vld [tilespmem:s26+$0x30];
	v10 =	vmul.f32 v10, v8  }
0x13c: {  	v9 =	vld [tilespmem:s20+$0x20]  }
0x13d: {  	v15 =	vld [tilespmem:s26+$0x430];
	v10 =	vadd.f32 v10, v13  }
0x13e: {  	v12 =	vmul.f32 v12, v6;
	v13 =	vld [tilespmem:s20+$0x420]  }
0x13f: {  	[tilespmem:s23+$0xFFFFFFA0] =	vst v10  }
0x140: {  	v10 =	vmul.f32 v11, v7;
	v11 =	vadd.f32 v12, v14;
	v12 =	vld [tilespmem:s21+$0x30]  }
0x141: {  	v9 =	vmul.f32 v9, v5  }
0x142: {  	v14 =	vld [tilespmem:s21+$0x430];
	v10 =	vadd.f32 v10, v15  }
0x143: {  	[tilespmem:s23+$0xFFFFFF20] =	vst v11;
	v9 =	vadd.f32 v9, v13  }
0x144: {  	v11 =	vld [tilespmem:s19+$0x30];
	[tilespmem:s23+$0x30] =	vst v10  }
0x145: {  	[tilespmem:s23+$0xA0] =	vst v9;
	v10 =	vld [tilespmem:s26+$0x40];
	v9 =	vmul.f32 v12, v8;
	_ =	sdelay $0x1  }
0x146: {  	v13 =	vld [tilespmem:s26+$0x440];
	v9 =	vadd.f32 v9, v14  }
0x147: {  	v15 =	vld [tilespmem:s19+$0x430]  }
0x148: {  	v12 =	vld [tilespmem:s20+$0x30];
	[tilespmem:s23+$0xFFFFFFB0] =	vst v9  }
0x149: {  	v9 =	vmul.f32 v10, v7;
	v10 =	vmul.f32 v11, v6;
	v11 =	vld [tilespmem:s21+$0x40]  }
0x14a: {  	v14 =	vld [tilespmem:s20+$0x430]  }
0x14b: {  	v9 =	vadd.f32 v9, v13;
	v13 =	vld [tilespmem:s21+$0x440]  }
0x14c: {  	v10 =	vadd.f32 v10, v15  }
0x14d: {  	v12 =	vmul.f32 v12, v5;
	[tilespmem:s23+$0x40] =	vst v9  }
0x14e: {  	[tilespmem:s23+$0xFFFFFF30] =	vst v10;
	v10 =	vld [tilespmem:s26+$0x50];
	v11 =	vmul.f32 v11, v8  }
0x14f: {  	v9 =	vadd.f32 v12, v14  }
0x150: {  	s15 =	simm.s32 $0x4;
	v11 =	vadd.f32 v11, v13  }
0x151: {  	s13 =	simm.s32 $0x7;
	v15 =	vmov s15;
	v12 =	vld [tilespmem:s19+$0x40];
	[tilespmem:s23+$0xB0] =	vst v9  }
0x152: {  	v18 =	vmov s13;
	s24 =	simm.s32 $0x5;
	v9 =	vld [tilespmem:s26+$0x450];
	[tilespmem:s23+$0xFFFFFFC0] =	vst v11;
	v11 =	vand.u32 $0xFFFFFFFC, v15  }
0x153: {  	v16 =	vmov s24;
	v19 =	vld [tilespmem:s20+$0x40];
	v20 =	vmul.f32 v10, v7;
	v10 =	vbroadcast v11, $0x0  }
0x154: {  	v13 =	vld [tilespmem:s19+$0x440];
	v15 =	vand.u32 $0xFFFFFFFD, v16  }
0x155: {  	v14 =	vld [tilespmem:s20+$0x440];
	v11 =	vbroadcast v15, $0x0  }
0x156: {  	v16 =	vld [tilespmem:s21+$0x50]  }
0x157: {  	s31 =	simm.s32 $0x8;
	v15 =	vld [tilespmem:s21+$0x450];
	v17 =	vmul.f32 v12, v6;
	v12 =	vadd.f32 v20, v9  }
0x158: {  	s22 =	sor.u32 $0x2880, s22;
	s0 =	simm.s32 $0x6;
	s24 =	smov.u32 s23;
	v9 =	vld.idx.msk [tilespmem:v18+s12+$0x0], $0xffff;
	v18 =	vmul.f32 v19, v5  }
.LBB2_8:
0x159: {  	p1 =	slt.u32 s31, $0x24;
	v10 =	vld.idx.msk [tilespmem:v10+s12+$0x0], $0xffff;
	v19 =	vmov s0;
	v13 =	vadd.f32 v17, v13;
	[tilespmem:s23+$0x50] =	vst v12  }
0x15a: {  	v12 =	vand.u32 $0xFFFFFFFE, v19;
	v17 =	vld [tilespmem:s26+$0x60];
	v14 =	vadd.f32 v18, v14  }
0x15b: {  	v11 =	vld.idx.msk [tilespmem:v11+s12+$0x0], $0xffff;
	v12 =	vbroadcast v12, $0x0;
	[tilespmem:s23+$0xFFFFFF40] =	vst v13;
	v13 =	vmul.f32 v16, v8  }
0x15c: {  	v16 =	vld [tilespmem:s26+$0x460];
	[tilespmem:s23+$0xC0] =	vst v14  }
0x15d: {  	v14 =	vld [tilespmem:s19+$0x50];
	v13 =	vadd.f32 v13, v15  }
0x15e: {  	s30 =	sadd.s32 $0x200, s30;
	s28 =	sadd.s32 $0x400, s28;
	v15 =	vld [tilespmem:s20+$0x50]  }
0x15f: {  	s0 =	sand.u32 $0x3800, s28;
	s1 =	sadd.s32 $0xFFFFFE80, s30;
	s8 =	sadd.s32 $0xFFFFFF80, s30;
	v18 =	vld [tilespmem:s19+$0x450];
	[tilespmem:s23+$0xFFFFFFD0] =	vst v13;
	v13 =	vmul.f32 v17, v7  }
0x160: {  	s15 =	sadd.s32 s0, s29;
	s0 =	sadd.s32 $0xFFFFFF00, s30;
	s8 =	sand.u32 $0x300, s8;
	v17 =	vld [tilespmem:s20+$0x450]  }
0x161: {  	s1 =	sand.u32 $0x200, s1;
	s13 =	sand.u32 $0x280, s0;
	s10 =	sadd.s32 s8, s15;
	v12 =	vld.idx.msk [tilespmem:v12+s12+$0x0], $0xffff;
	v13 =	vadd.f32 v13, v16  }
0x162: {  	s0 =	sadd.s32 s1, s15;
	s1 =	sand.u32 $0x380, s30;
	s8 =	sadd.s32 s13, s15;
	v16 =	vld [tilespmem:s10+$0x0];
	v14 =	vmul.f32 v14, v6  }
0x163: {  	s1 =	sadd.s32 s1, s15;
	v19 =	vld [tilespmem:s10+$0x400];
	[tilespmem:s23+$0x60] =	vst v13;
	v13 =	vmul.f32 v15, v5  }
0x164: {  	v14 =	vadd.f32 v14, v18;
	v15 =	vld [tilespmem:s26+$0x70]  }
0x165: {  	v18 =	vld [tilespmem:s0+$0x0];
	v13 =	vadd.f32 v13, v17  }
0x166: {  	[tilespmem:s23+$0xFFFFFF50] =	vst v14;
	v14 =	vld [tilespmem:s26+$0x470];
	s26 =	smov.u32 s10  }
0x167: {  	v17 =	vld [tilespmem:s8+$0x0];
	v16 =	vmul.f32 v16, v12;
	[tilespmem:s23+$0xD0] =	vst v13  }
0x168: {  	v13 =	vld [tilespmem:s1+$0x0]  }
0x169: {  	v20 =	vld [tilespmem:s0+$0x400];
	v16 =	vadd.f32 v16, v19;
	v15 =	vmul.f32 v15, v7;
	v7 =	vmov v12  }
0x16a: {  	s23 =	sadd.s32 $0x200, s23;
	v12 =	vmul.f32 v18, v10;
	v18 =	vld [tilespmem:s8+$0x400]  }
0x16b: {  	[tilespmem:s23+$0x0] =	vst v16;
	v16 =	vld [tilespmem:s1+$0x400];
	v14 =	vadd.f32 v15, v14  }
0x16c: {  	v15 =	vmul.f32 v17, v11;
	v17 =	vld [tilespmem:s26+$0x10]  }
0x16d: {  	v13 =	vmul.f32 v13, v9;
	v19 =	vld [tilespmem:s21+$0x60];
	[tilespmem:s24+$0x70] =	vst v14  }
0x16e: {  	v12 =	vadd.f32 v12, v20;
	v14 =	vld [tilespmem:s26+$0x410]  }
0x16f: {  	v15 =	vadd.f32 v15, v18;
	v18 =	vld [tilespmem:s19+$0x60]  }
0x170: {  	[tilespmem:s23+$0xFFFFFF00] =	vst v12;
	v12 =	vadd.f32 v13, v16;
	v13 =	vld [tilespmem:s20+$0x60]  }
0x171: {  	v16 =	vld [tilespmem:s0+$0x10];
	[tilespmem:s23+$0xFFFFFF80] =	vst v15;
	v15 =	vmul.f32 v17, v7  }
0x172: {  	v17 =	vld [tilespmem:s8+$0x10];
	[tilespmem:s23+$0x80] =	vst v12;
	v12 =	vmul.f32 v19, v8  }
0x173: {  	v14 =	vadd.f32 v15, v14;
	v15 =	vld [tilespmem:s1+$0x10]  }
0x174: {  	v19 =	vld [tilespmem:s8+$0x410];
	v18 =	vmul.f32 v18, v6  }
0x175: {  	v20 =	vld [tilespmem:s0+$0x410];
	[tilespmem:s23+$0x10] =	vst v14;
	v13 =	vmul.f32 v13, v5  }
0x176: {  	v14 =	vmul.f32 v16, v10;
	v16 =	vld [tilespmem:s26+$0x20]  }
0x177: {  	v17 =	vmul.f32 v17, v11;
	v21 =	vld [tilespmem:s1+$0x410]  }
0x178: {  	v22 =	vld [tilespmem:s26+$0x420];
	v15 =	vmul.f32 v15, v9  }
0x179: {  	v17 =	vadd.f32 v17, v19;
	v19 =	vld [tilespmem:s21+$0x460]  }
0x17a: {  	v14 =	vadd.f32 v14, v20;
	v20 =	vld [tilespmem:s19+$0x460]  }
0x17b: {  	[tilespmem:s23+$0xFFFFFF90] =	vst v17;
	v16 =	vmul.f32 v16, v7;
	v17 =	vld [tilespmem:s20+$0x460]  }
0x17c: {  	[tilespmem:s23+$0xFFFFFF10] =	vst v14;
	v14 =	vld [tilespmem:s8+$0x20];
	v15 =	vadd.f32 v15, v21  }
0x17d: {  	v21 =	vld [tilespmem:s0+$0x20];
	v16 =	vadd.f32 v16, v22  }
0x17e: {  	v22 =	vld [tilespmem:s8+$0x420];
	[tilespmem:s23+$0x90] =	vst v15;
	v12 =	vadd.f32 v12, v19  }
0x17f: {  	[tilespmem:s23+$0x20] =	vst v16;
	v15 =	vld [tilespmem:s1+$0x20];
	v16 =	vadd.f32 v18, v20  }
0x180: {  	v18 =	vld [tilespmem:s26+$0x30];
	[tilespmem:s24+$0xFFFFFFE0] =	vst v12;
	v12 =	vadd.f32 v13, v17  }
0x181: {  	v13 =	vld [tilespmem:s0+$0x420];
	v14 =	vmul.f32 v14, v11;
	[tilespmem:s24+$0xFFFFFF60] =	vst v16  }
0x182: {  	v16 =	vmul.f32 v21, v10;
	v17 =	vld [tilespmem:s26+$0x430];
	[tilespmem:s24+$0xE0] =	vst v12  }
0x183: {  	v12 =	vadd.f32 v14, v22;
	v14 =	vld [tilespmem:s1+$0x420]  }
0x184: {  	v15 =	vmul.f32 v15, v9;
	v19 =	vld [tilespmem:s21+$0x70]  }
0x185: {  	[tilespmem:s23+$0xFFFFFFA0] =	vst v12;
	v12 =	vmul.f32 v18, v7;
	v18 =	vld [tilespmem:s19+$0x70]  }
0x186: {  	v13 =	vadd.f32 v16, v13;
	v16 =	vld [tilespmem:s8+$0x30]  }
0x187: {  	v20 =	vld [tilespmem:s8+$0x430];
	v12 =	vadd.f32 v12, v17  }
0x188: {  	[tilespmem:s23+$0xFFFFFF20] =	vst v13;
	v13 =	vadd.f32 v15, v14;
	v14 =	vld [tilespmem:s20+$0x70]  }
0x189: {  	v15 =	vld [tilespmem:s0+$0x30];
	[tilespmem:s23+$0x30] =	vst v12;
	v12 =	vmul.f32 v19, v8;
	v8 =	vmov v11  }
0x18a: {  	v11 =	vld [tilespmem:s26+$0x40];
	[tilespmem:s23+$0xA0] =	vst v13;
	v13 =	vmul.f32 v18, v6;
	v6 =	vmov v10  }
0x18b: {  	v10 =	vmul.f32 v16, v8;
	v16 =	vld [tilespmem:s1+$0x30]  }
0x18c: {  	v17 =	vld [tilespmem:s26+$0x440]  }
0x18d: {  	v18 =	vld [tilespmem:s0+$0x430];
	v10 =	vadd.f32 v10, v20;
	v14 =	vmul.f32 v14, v5;
	v5 =	vmov v9  }
0x18e: {  	v9 =	vmul.f32 v15, v6;
	v15 =	vld [tilespmem:s1+$0x430]  }
0x18f: {  	[tilespmem:s23+$0xFFFFFFB0] =	vst v10;
	v10 =	vmul.f32 v11, v7;
	v11 =	vld [tilespmem:s21+$0x470];
	s21 =	smov.u32 s8  }
0x190: {  	v19 =	vld [tilespmem:s21+$0x40];
	v16 =	vmul.f32 v16, v5  }
0x191: {  	v20 =	vld [tilespmem:s21+$0x440];
	v10 =	vadd.f32 v10, v17  }
0x192: {  	v9 =	vadd.f32 v9, v18;
	v17 =	vld [tilespmem:s19+$0x470];
	s19 =	smov.u32 s0  }
0x193: {  	[tilespmem:s23+$0x40] =	vst v10;
	v10 =	vadd.f32 v16, v15;
	v15 =	vld [tilespmem:s20+$0x470];
	s20 =	smov.u32 s1  }
0x194: {  	[tilespmem:s23+$0xFFFFFF30] =	vst v9;
	v9 =	vld [tilespmem:s26+$0x50];
	v11 =	vadd.f32 v12, v11  }
0x195: {  	s0 =	sadd.s32 $0x1, s31;
	s1 =	sadd.s32 $0x3, s31;
	v12 =	vmov s31;
	v16 =	vld [tilespmem:s19+$0x40];
	v18 =	vmul.f32 v19, v8;
	[tilespmem:s23+$0xB0] =	vst v10  }
0x196: {  	v10 =	vand.u32 $0xFFFFFFFC, v12;
	v12 =	vmov s0;
	v19 =	vmov s1;
	v21 =	vld [tilespmem:s26+$0x450];
	[tilespmem:s24+$0xFFFFFFF0] =	vst v11  }
0x197: {  	v10 =	vbroadcast v10, $0x0;
	v18 =	vadd.f32 v18, v20;
	v20 =	vld [tilespmem:s20+$0x40];
	v22 =	vadd.f32 v13, v17  }
.Ltmp3:
0x198: {  	v11 =	vand.u32 $0xFFFFFFFD, v12;
	v13 =	vld [tilespmem:s19+$0x440];
	v23 =	vadd.f32 v14, v15;
	(pc) =	sbr.rel @p1 .LBB2_8-.Ltmp3, $4  }
0x199: {  	v11 =	vbroadcast v11, $0x0;
	[tilespmem:s23+$0xFFFFFFC0] =	vst v18;
	v9 =	vmul.f32 v9, v7;
	v14 =	vld [tilespmem:s20+$0x440]  }
0x19a: {  	v17 =	vmul.f32 v16, v6;
	v16 =	vld [tilespmem:s21+$0x50];
	[tilespmem:s24+$0xFFFFFF70] =	vst v22  }
0x19b: {  	v15 =	vld [tilespmem:s21+$0x450];
	v12 =	vadd.f32 v9, v21;
	[tilespmem:s24+$0xF0] =	vst v23;
	s24 =	smov.u32 s23  }
0x19c: {  	s0 =	sadd.s32 $0x2, s31;
	s31 =	sadd.s32 $0x4, s31;
	v9 =	vld.idx.msk [tilespmem:v19+s12+$0x0], $0xffff;
	v18 =	vmul.f32 v20, v5  }
0x19d: {  	_ =	sdelay $0x3  }
0x19e: {  	v10 =	vld.idx.msk [tilespmem:v10+s12+$0x0], $0xffff;
	s1 =	sadd.s32 $0x200, s30;
	s28 =	sadd.s32 $0x400, s28  }
0x19f: {  	v19 =	vmov s0;
	[tilespmem:s23+$0x50] =	vst v12;
	v11 =	vld.idx.msk [tilespmem:v11+s12+$0x0], $0xffff;
	s0 =	sand.u32 $0x3800, s28;
	s8 =	sadd.s32 $0xFFFFFF80, s1  }
0x1a0: {  	v20 =	vld [tilespmem:s26+$0x60];
	s31 =	sadd.s32 $0xFFFFFE80, s1;
	s10 =	sadd.s32 s0, s29;
	s30 =	sand.u32 $0x300, s8  }
0x1a1: {  	v21 =	vld [tilespmem:s26+$0x460];
	s13 =	sadd.s32 $0xFFFFFF00, s1;
	s8 =	sand.u32 $0x200, s31;
	s0 =	sadd.s32 s30, s10  }
0x1a2: {  	v19 =	vand.u32 $0xFFFFFFFE, v19;
	s13 =	sand.u32 $0x280, s13;
	s29 =	sadd.s32 s8, s10;
	v43 =	vld [tilespmem:s0+$0x0]  }
0x1a3: {  	s1 =	sand.u32 $0x380, s1;
	v19 =	vbroadcast v19, $0x0;
	s31 =	sadd.s32 s13, s10;
	v23 =	vld [tilespmem:s29+$0x0]  }
0x1a4: {  	s13 =	sadd.s32 s1, s10;
	v24 =	vld [tilespmem:s31+$0x0]  }
0x1a5: {  	v25 =	vld [tilespmem:s13+$0x0]  }
0x1a6: {  	v44 =	vld [tilespmem:s29+$0x400]  }
0x1a7: {  	v13 =	vadd.f32 v17, v13;
	v46 =	vld [tilespmem:s31+$0x400]  }
0x1a8: {  	v47 =	vld [tilespmem:s13+$0x400]  }
0x1a9: {  	[tilespmem:s23+$0xFFFFFF40] =	vst v13;
	v12 =	vld.idx.msk [tilespmem:v19+s12+$0x0], $0xffff;
	v49 =	vmul.f32 v23, v10  }
0x1aa: {  	v14 =	vadd.f32 v18, v14;
	v26 =	vld [tilespmem:s19+$0x50];
	v51 =	vmul.f32 v24, v11  }
0x1ab: {  	v22 =	vld [tilespmem:s0+$0x400];
	v53 =	vmul.f32 v25, v9;
	v17 =	vadd.f32 v49, v44  }
0x1ac: {  	s15 =	sadd.s32 $0x200, s23;
	[tilespmem:s23+$0xC0] =	vst v14;
	v52 =	vld [tilespmem:s19+$0x450];
	v19 =	vadd.f32 v51, v46  }
0x1ad: {  	v50 =	vld [tilespmem:s20+$0x50];
	v13 =	vadd.f32 v53, v47;
	[tilespmem:s15+$0xFFFFFF00] =	vst v17  }
0x1ae: {  	v45 =	vmul.f32 v43, v12;
	[tilespmem:s15+$0xFFFFFF80] =	vst v19;
	v17 =	vld [tilespmem:s29+$0x10]  }
0x1af: {  	[tilespmem:s15+$0x80] =	vst v13;
	v56 =	vld [tilespmem:s31+$0x10]  }
0x1b0: {  	v58 =	vld [tilespmem:s13+$0x10];
	v48 =	vadd.f32 v45, v22  }
0x1b1: {  	v59 =	vld [tilespmem:s31+$0x410]  }
0x1b2: {  	v16 =	vmul.f32 v16, v8;
	v60 =	vld [tilespmem:s29+$0x410];
	[tilespmem:s15+$0x0] =	vst v48  }
0x1b3: {  	v33 =	vmul.f32 v26, v6;
	v54 =	vld [tilespmem:s0+$0x10]  }
0x1b4: {  	v15 =	vadd.f32 v16, v15;
	v57 =	vmul.f32 v20, v7;
	v27 =	vld [tilespmem:s13+$0x410]  }
0x1b5: {  	v36 =	vadd.f32 v33, v52;
	v55 =	vld [tilespmem:s0+$0x410];
	v17 =	vmul.f32 v17, v10  }
0x1b6: {  	v61 =	vld [tilespmem:s20+$0x450];
	[tilespmem:s23+$0xFFFFFFD0] =	vst v15;
	v13 =	vadd.f32 v57, v21  }
0x1b7: {  	v41 =	vld [tilespmem:s21+$0x60];
	[tilespmem:s23+$0xFFFFFF50] =	vst v36;
	v19 =	vmul.f32 v58, v9;
	v17 =	vadd.f32 v17, v60  }
0x1b8: {  	v42 =	vld [tilespmem:s19+$0x60];
	[tilespmem:s23+$0x60] =	vst v13;
	v63 =	vmul.f32 v56, v11;
	v18 =	vmul.f32 v54, v12  }
0x1b9: {  	v14 =	vld [tilespmem:s26+$0x70];
	v31 =	vadd.f32 v19, v27;
	[tilespmem:s15+$0xFFFFFF10] =	vst v17  }
0x1ba: {  	v32 =	vld [tilespmem:s29+$0x20];
	v62 =	vadd.f32 v18, v55;
	v18 =	vadd.f32 v63, v59  }
0x1bb: {  	[tilespmem:s15+$0x90] =	vst v31;
	v37 =	vld [tilespmem:s29+$0x420]  }
0x1bc: {  	[tilespmem:s15+$0xFFFFFF90] =	vst v18;
	v18 =	vld [tilespmem:s13+$0x20]  }
0x1bd: {  	v40 =	vld [tilespmem:s13+$0x420];
	[tilespmem:s15+$0x10] =	vst v62  }
0x1be: {  	v46 =	vmul.f32 v50, v5;
	v28 =	vld [tilespmem:s0+$0x20]  }
0x1bf: {  	v30 =	vld [tilespmem:s31+$0x20];
	v43 =	vmul.f32 v32, v10  }
0x1c0: {  	v48 =	vadd.f32 v46, v61;
	v29 =	vld [tilespmem:s0+$0x420]  }
0x1c1: {  	v34 =	vld [tilespmem:s31+$0x420];
	v15 =	vadd.f32 v43, v37;
	v18 =	vmul.f32 v18, v9  }
0x1c2: {  	v13 =	vld [tilespmem:s26+$0x470];
	[tilespmem:s23+$0xD0] =	vst v48  }
0x1c3: {  	v61 =	vld [tilespmem:s20+$0x460];
	v35 =	vmul.f32 v28, v12;
	[tilespmem:s15+$0xFFFFFF20] =	vst v15;
	v17 =	vadd.f32 v18, v40  }
0x1c4: {  	v39 =	vmul.f32 v30, v11;
	v15 =	vld [tilespmem:s29+$0x30]  }
0x1c5: {  	v51 =	vld [tilespmem:s29+$0x430];
	v38 =	vadd.f32 v35, v29;
	[tilespmem:s15+$0xA0] =	vst v17  }
0x1c6: {  	v16 =	vadd.f32 v39, v34;
	v50 =	vld [tilespmem:s13+$0x30]  }
0x1c7: {  	[tilespmem:s15+$0x20] =	vst v38;
	v53 =	vld [tilespmem:s13+$0x430]  }
0x1c8: {  	[tilespmem:s15+$0xFFFFFFA0] =	vst v16;
	v44 =	vld [tilespmem:s0+$0x30]  }
0x1c9: {  	v16 =	vld [tilespmem:s31+$0x30];
	v15 =	vmul.f32 v15, v10  }
0x1ca: {  	v45 =	vld [tilespmem:s0+$0x430]  }
0x1cb: {  	v47 =	vld [tilespmem:s31+$0x430];
	v15 =	vadd.f32 v15, v51;
	v19 =	vmul.f32 v50, v9  }
0x1cc: {  	v60 =	vld [tilespmem:s19+$0x460]  }
0x1cd: {  	v55 =	vld [tilespmem:s21+$0x460];
	v49 =	vmul.f32 v44, v12;
	[tilespmem:s15+$0xFFFFFF30] =	vst v15;
	v18 =	vadd.f32 v19, v53  }
0x1ce: {  	v16 =	vmul.f32 v16, v11;
	v15 =	vld [tilespmem:s29+$0x40]  }
0x1cf: {  	v58 =	vld [tilespmem:s29+$0x440];
	v52 =	vadd.f32 v49, v45;
	[tilespmem:s15+$0xB0] =	vst v18  }
0x1d0: {  	v16 =	vadd.f32 v16, v47;
	v18 =	vld [tilespmem:s13+$0x40]  }
0x1d1: {  	[tilespmem:s15+$0x30] =	vst v52;
	v59 =	vld [tilespmem:s13+$0x440]  }
0x1d2: {  	v20 =	vmul.f32 v41, v8;
	[tilespmem:s15+$0xFFFFFFB0] =	vst v16;
	v17 =	vld [tilespmem:s0+$0x40]  }
0x1d3: {  	v16 =	vld [tilespmem:s31+$0x40];
	v15 =	vmul.f32 v15, v10  }
0x1d4: {  	v20 =	vadd.f32 v20, v55;
	v56 =	vld [tilespmem:s0+$0x440]  }
0x1d5: {  	v57 =	vld [tilespmem:s31+$0x440];
	v15 =	vadd.f32 v15, v58;
	v18 =	vmul.f32 v18, v9  }
0x1d6: {  	v54 =	vld [tilespmem:s20+$0x60];
	[tilespmem:s24+$0xFFFFFFE0] =	vst v20  }
0x1d7: {  	v36 =	vld [tilespmem:s21+$0x70];
	v17 =	vmul.f32 v17, v12;
	[tilespmem:s15+$0xFFFFFF40] =	vst v15;
	v18 =	vadd.f32 v18, v59  }
0x1d8: {  	v16 =	vmul.f32 v16, v11;
	v31 =	vld [tilespmem:s29+$0x50]  }
0x1d9: {  	v34 =	vld [tilespmem:s29+$0x450];
	v17 =	vadd.f32 v17, v56;
	[tilespmem:s15+$0xC0] =	vst v18  }
0x1da: {  	v16 =	vadd.f32 v16, v57;
	v33 =	vld [tilespmem:s13+$0x50]  }
0x1db: {  	[tilespmem:s15+$0x40] =	vst v17;
	v35 =	vld [tilespmem:s13+$0x450]  }
0x1dc: {  	v30 =	vmul.f32 v42, v6;
	[tilespmem:s15+$0xFFFFFFC0] =	vst v16;
	v62 =	vld [tilespmem:s0+$0x50]  }
0x1dd: {  	v28 =	vld [tilespmem:s31+$0x50];
	v18 =	vmul.f32 v31, v10  }
0x1de: {  	v15 =	vadd.f32 v30, v60;
	v63 =	vld [tilespmem:s0+$0x450]  }
0x1df: {  	v29 =	vld [tilespmem:s31+$0x450];
	v18 =	vadd.f32 v18, v34;
	v41 =	vmul.f32 v33, v9  }
0x1e0: {  	v51 =	vld [tilespmem:s21+$0x470];
	[tilespmem:s24+$0xFFFFFF60] =	vst v15  }
0x1e1: {  	v38 =	vld [tilespmem:s19+$0x70];
	v19 =	vmul.f32 v62, v12;
	[tilespmem:s15+$0xFFFFFF50] =	vst v18;
	v44 =	vadd.f32 v41, v35  }
0x1e2: {  	v37 =	vmul.f32 v28, v11;
	v46 =	vld [tilespmem:s29+$0x60]  }
0x1e3: {  	v49 =	vld [tilespmem:s29+$0x460];
	v16 =	vadd.f32 v19, v63;
	[tilespmem:s15+$0xD0] =	vst v44  }
0x1e4: {  	v40 =	vadd.f32 v37, v29;
	v47 =	vld [tilespmem:s13+$0x60]  }
0x1e5: {  	[tilespmem:s15+$0x50] =	vst v16;
	v50 =	vld [tilespmem:s13+$0x460]  }
0x1e6: {  	v32 =	vmul.f32 v54, v5;
	[tilespmem:s15+$0xFFFFFFD0] =	vst v40;
	v42 =	vld [tilespmem:s0+$0x60]  }
0x1e7: {  	v45 =	vld [tilespmem:s31+$0x60]  }
0x1e8: {  	v17 =	vadd.f32 v32, v61;
	v43 =	vld [tilespmem:s0+$0x460];
	v16 =	vmul.f32 v46, v10  }
0x1e9: {  	v48 =	vld [tilespmem:s31+$0x460];
	v19 =	vmul.f32 v47, v9  }
0x1ea: {  	v52 =	vld [tilespmem:s19+$0x470];
	[tilespmem:s24+$0xE0] =	vst v17;
	v16 =	vadd.f32 v16, v49  }
0x1eb: {  	v39 =	vld [tilespmem:s20+$0x70];
	v22 =	vmul.f32 v42, v12;
	v54 =	vadd.f32 v19, v50  }
0x1ec: {  	v53 =	vld [tilespmem:s20+$0x470];
	v18 =	vmul.f32 v45, v11;
	[tilespmem:s15+$0xFFFFFF60] =	vst v16  }
0x1ed: {  	v57 =	vld [tilespmem:s29+$0x70];
	v22 =	vadd.f32 v22, v43;
	[tilespmem:s15+$0xE0] =	vst v54  }
0x1ee: {  	v18 =	vadd.f32 v18, v48;
	v59 =	vld [tilespmem:s13+$0x70]  }
0x1ef: {  	[tilespmem:s15+$0x60] =	vst v22;
	v62 =	vld [tilespmem:s13+$0x470]  }
0x1f0: {  	v5 =	vmul.f32 v39, v5;
	[tilespmem:s15+$0xFFFFFFE0] =	vst v18;
	v22 =	vld [tilespmem:s0+$0x70]  }
0x1f1: {  	v7 =	vmul.f32 v14, v7;
	v56 =	vld [tilespmem:s31+$0x70]  }
0x1f2: {  	v58 =	vmul.f32 v36, v8;
	v5 =	vadd.f32 v5, v53;
	v55 =	vld [tilespmem:s0+$0x470]  }
0x1f3: {  	v7 =	vadd.f32 v7, v13;
	v6 =	vmul.f32 v38, v6;
	v60 =	vld [tilespmem:s31+$0x470]  }
0x1f4: {  	v8 =	vadd.f32 v58, v51;
	[tilespmem:s24+$0xF0] =	vst v5;
	v61 =	vld [tilespmem:s29+$0x470];
	v5 =	vmul.f32 v59, v9  }
0x1f5: {  	[tilespmem:s24+$0x70] =	vst v7;
	v6 =	vadd.f32 v6, v52;
	v7 =	vmul.f32 v22, v12  }
0x1f6: {  	[tilespmem:s24+$0xFFFFFFF0] =	vst v8;
	v63 =	vmul.f32 v56, v11;
	v5 =	vadd.f32 v5, v62  }
0x1f7: {  	[tilespmem:s24+$0xFFFFFF70] =	vst v6;
	v6 =	vadd.f32 v7, v55;
	v7 =	vmul.f32 v57, v10  }
0x1f8: {  	p1 =	sne.s32 s17, $0xFA;
	s31 =	smul.u32 $0x5000, s18;
	v8 =	vadd.f32 v63, v60;
	[tilespmem:s15+$0xF0] =	vst v5  }
.Ltmp4:
0x1f9: {  	[tilespmem:s15+$0x70] =	vst v6;
	v6 =	vadd.f32 v7, v61;
	(pc) =	sbr.rel @p1 .LBB2_4-.Ltmp4, $4  }
0x1fa: {  	s0 =	sshrl.u32 s31, $0x2;
	[tilespmem:s15+$0xFFFFFFF0] =	vst v8  }
0x1fb: {  	s0 =	sadd.s32 $0x7C00, s0;
	[tilespmem:s15+$0xFFFFFF70] =	vst v6  }
0x1fc: {  	[spmem:s3] =	stream.indirect.scatter.add.f32 [tilespmem:s0], [sflag:$0x2], $0x80, s22, s14, $0xb8;
	[tilespmem:$0x1F480] =	vst v63  }
0x1fd: {  	p0 =	por !p0, !p0;
	s0 =	smov.u32 s17  }
0x1fe: {  	s0 =	simm.s32 $0x2  }
0x1ff: {  	_ =	swait.ge [sflag:s0], $0x1400  }
0x200: {  	[sflag:s0] =	ssyncset.done $0x0  }
0x201: {  	[sflag:s0] =	ssyncadd.s32 $0xFFFFEC00  }
0x202: {  	s31 =	stileid.u32;
	[bflag:$0x0] =	sbarrier.arrive $0xFFFF  }
0x203: {  	s0 =	sshll.u32 s31, $0x6;
	s15 =	rddreg [dreg:$0x6]  }
0x204: {  	s1 =	sadd.s32 $0x0, s25;
	s0 =	sor.u32 $0x1C05, s0;
	s8 =	sshrl.u32 s15, $0x3  }
0x205: {  	[hbm:s1], [sflag:s0] =	dma.local [spmem:s8], $0x200  }
0x206: {  	_ =	swait.ge [sflag:s2], $0x200  }
0x207: {  	s17 =	rddreg [dreg:$0x9]  }
0x208: {  	s1 =	simm.s32 $0x200;
	s8 =	smov.u32 s17  }
.LBB2_11:
0x209: {  	s10 =	sadd.s32 s1, s25;
	[sflag:s2] =	ssyncset.done $0x0;
	p0 =	sne.s32 s1, $0x2600  }
.Ltmp5:
0x20a: {  	s13 =	sshrl.u32 s8, $0x3;
	[sflag:s2] =	ssyncadd.s32 $0xFFFFFE00;
	(pc) =	sbr.rel @p0 .LBB2_11-.Ltmp5, $3  }
0x20b: {  	[hbm:s10], [sflag:s0] =	dma.local [spmem:s13], $0x200  }
0x20c: {  	s1 =	sadd.s32 $0x200, s1;
	_ =	sdelay $0x1  }
0x20d: {  	s8 =	sadd.s32 $0x1000, s8;
	_ =	swait.ge [sflag:s2], $0x200  }
0x20e: {  	s16 =	sadd.s32 $0x1, s16;
	s0 =	rddreg [dreg:$0x8]  }
0x20f: {  	p0 =	sne.s32 s16, s0  }
.Ltmp6:
0x210: {  	_ = 	snop;
	(pc) =	sbr.rel @p0 .LBB2_1-.Ltmp6, $3  }
0x211: {  	_ =	sdelay $0x1  }
0x212: {  	[sflag:s2] =	ssyncset.done $0x0  }
0x213: {  	[sflag:s2] =	ssyncadd.s32 $0xFFFFFE00  }
0x214: {  	_ =	sfence.sel $0x180000  }
0x215: {  	[bflag:$0x0] =	sbarrier.arrive $0xFFFF  }
0x216: {  	_ =	strace $0x9000004D  }
0x217: {  	s0 =	stileid.u32;
	[bflag:$0x2] =	sbarrier.arrive $0xFFFF  }
0x218: {  	p0 =	sne.s32 s0, $0x0;
	s0 =	rddreg [dreg:$0x4]  }
0x219: {  	s0 =	sadd.s32 @!p0 $0x100000, s0  }
0x21a: {  	[sflag:s0] =	ssyncadd.tile.s32 @!p0 $0x1;
	_ =	shalt  }
.Lfunc_end2:
_tile_overlayer_lowered:
.L_overlay_start_2:
0x21b: {  	(tag) =	ssettag $0x2  }
0x21c: {  	s0 =	rddreg [dreg:$0x0];
	s2 =	stileid.u32  }
0x21d: {  	s1 =	rddreg [dreg:$0x1];
	p0 =	sne.s32 s2, $0x0  }
0x21e: {  	s3 =	rddreg [dreg:$0x2];
	[bflag:$0x3] =	sbarrier.arrive $0xFFFF;
	s2 =	simm.s32 @!p0 $0x1C05  }
0x21f: {  	[timem:s3], [sflag:s2] =	dma.local @!p0 [hbm:s0], s1  }
0x220: {  	s0 =	simm.s32 @!p0 $0x5  }
0x221: {  	_ =	swait.ge @!p0 [sflag:s0], s1  }
0x222: {  	s1 =	ssub.s32 @!p0 $0x0, s1;
	[sflag:s0] =	ssyncset.done @!p0 $0x0  }
0x223: {  	[sflag:s0] =	ssyncadd.s32 @!p0 s1  }
0x224: {  	[bflag:$0x3] =	sbarrier.arrive $0xFFFF  }
0x225: {  	_ =	shalt  }

// kernel: kernel.8.cloned.1.call-start
scs
__scs_entry_jumppad:
0x0: {  	(pc) =	sbr.rel $0x88, $3  }
0x1: {  	(tag) =	ssettag $0x0;
	lr =	simm.s32 $0x1  }
0x2: {  	[smem:$0x3F97] =	sst lr;
	_ =	strace $0xD0000000  }
0x3: {  	_ = 	snop  }
0x4: {  	_ = 	snop  }
0x5: {  	_ = 	snop  }
0x6: {  	_ = 	snop  }
0x7: {  	_ = 	snop  }
__scs_overlays_trampoline_lowered:
0x8: {  	[smem:$0x3FA6] =	sst s0  }
0x9: {  	[smem:$0x3FA7] =	sst s1  }
0xa: {  	[smem:$0x3FA8] =	sst s2  }
0xb: {  	[smem:$0x3FA9] =	sst s3  }
0xc: {  	[smem:$0x3FAA] =	sst s4  }
0xd: {  	[smem:$0x3FAB] =	sst s5  }
0xe: {  	[smem:$0x3FAC] =	sst s6  }
0xf: {  	[smem:$0x3FAD] =	sst s7  }
0x10: {  	[smem:$0x3FAE] =	sst s8  }
0x11: {  	[smem:$0x3FAF] =	sst s9;
	s0 =	simm.s32 @!p0 $0x0  }
0x12: {  	s1 =	sld [smem:$0x3F95];
	s0 =	simm.s32 @p0 $0x1  }
0x13: {  	[smem:$0x3FB0] =	sst s0;
	s0 =	simm.s32 @!p1 $0x0  }
0x14: {  	s2 =	sld [smem:$0x3F94];
	s0 =	simm.s32 @p1 $0x1  }
0x15: {  	[smem:$0x3FB1] =	sst s0;
	s0 =	simm.s32 @!p2 $0x0  }
0x16: {  	s3 =	sld [smem:$0x3FDB];
	s0 =	simm.s32 @p2 $0x1  }
0x17: {  	s4 =	simm.s32 $0x1BF5;
	[smem:$0x3FB3] =	sst s0  }
0x18: {  	s0 =	sld [smem:$0x3F96];
	_ =	swait.ge [sflag:s4], $0x0  }
0x19: {  	s7 =	sld [smem:$0x3F97]  }
0x1a: {  	s8 =	sadd.s32 $0xFFFFE003, lr  }
0x1b: {  	s9 =	sadd.s32 $0xFFFFFEF7, lr;
	s5 =	simm.s32 $0xFFFFFFFF;
	p2 =	slt.u32 s8, $0xFFFFF086  }
0x1c: {  	p1 =	slt.u32 s9, $0xF7A;
	s5 =	simm.s32 @!p2 $0x0  }
0x1d: {  	s5 =	simm.s32 @p1 $0x1;
	p0 =	seq.s32 s7, s2  }
0x1e: {  	s7 =	smul.u32 @!p0 $0xF7A, s2;
	p2 =	seq.s32 @!p0 s5, $0x0  }
0x1f: {  	s9 =	smul.u32 $0xF7A, s1;
	s8 =	simm.s32 @!p0 $0x1BF5;
	p2 =	por !p2, p0  }
0x20: {  	[sflag:s8] =	ssyncset.s32 @!p0 $0xFFFFF086;
	s6 =	sadd.s32 @!p0 s3, s7;
	s7 =	simm.s32 @!p0 $0x108  }
0x21: {  	s3 =	sadd.s32 s3, s9;
	s6 =	sadd.s32 @!p0 $0x88, s6;
	s7 =	simm.s32 @p2 $0x1082  }
0x22: {  	[simem:s7], [sflag:s8] =	dma.local @!p0 [hbm:s6], $0xF7A  }
0x23: {  	s9 =	sor.u32 $0xD0000000, s2;
	s6 =	simm.s32 $0x108;
	_ =	swait.ge @!p0 [sflag:s8], $0x0  }
0x24: {  	s3 =	sadd.s32 $0x88, s3;
	s6 =	simm.s32 @!p1 $0x1082;
	[sflag:s4] =	ssyncset.s32 $0xFFFFF086  }
0x25: {  	[simem:s6], [sflag:s4] =	dma.local [hbm:s3], $0xF7A  }
0x26: {  	[smem:$0x3F97] =	sst s1;
	(tag) =	ssettag s2;
	_ =	strace s9  }
0x27: {  	s1 =	sld [smem:$0x3FA7]  }
0x28: {  	s2 =	sld [smem:$0x3FA8]  }
0x29: {  	s4 =	sld [smem:$0x3FAA]  }
0x2a: {  	p0 =	seq.s32 s5, $0x0;
	s5 =	sld [smem:$0x3FAB]  }
0x2b: {  	s6 =	sld [smem:$0x3FAC]  }
0x2c: {  	s7 =	sld [smem:$0x3FAD]  }
0x2d: {  	s3 =	simm.s32 $0x108;
	s8 =	sld [smem:$0x3FAE]  }
0x2e: {  	s3 =	simm.s32 @!p0 $0x1082;
	s9 =	sld [smem:$0x3FAF]  }
0x2f: {  	lr =	sadd.s32 s0, s3;
	s0 =	sld [smem:$0x3FA6]  }
0x30: {  	s3 =	sld [smem:$0x3FA9]  }
0x31: {  	[smem:$0x3FB2] =	sst s10  }
0x32: {  	s10 =	sld [smem:$0x3FB0];
	_ =	sdelay $0x3  }
0x33: {  	p0 =	seq.s32 s10, $0x1;
	s10 =	sld [smem:$0x3FB2];
	_ =	sdelay $0x3  }
0x34: {  	[smem:$0x3FB2] =	sst s10  }
0x35: {  	s10 =	sld [smem:$0x3FB1];
	_ =	sdelay $0x3  }
0x36: {  	p1 =	seq.s32 s10, $0x1;
	s10 =	sld [smem:$0x3FB2];
	_ =	sdelay $0x3  }
0x37: {  	[smem:$0x3FB2] =	sst s10  }
0x38: {  	s10 =	sld [smem:$0x3FB3]  }
0x39: {  	_ = 	snop;
	(pc) =	sbr.ind lr, $3  }
0x3a: {  	_ = 	snop  }
0x3b: {  	_ = 	snop  }
0x3c: {  	p2 =	seq.s32 s10, $0x1;
	s10 =	sld [smem:$0x3FB2]  }
0x3d: {  	_ =	shalt  }
0x3e: {  	_ =	shalt  }
0x3f: {  	_ =	shalt  }
0x40: {  	_ =	shalt  }
0x41: {  	_ =	shalt  }
0x42: {  	_ =	shalt  }
0x43: {  	_ =	shalt  }
0x44: {  	_ =	shalt  }
0x45: {  	_ =	shalt  }
0x46: {  	_ =	shalt  }
0x47: {  	_ =	shalt  }
0x48: {  	_ =	shalt  }
0x49: {  	_ =	shalt  }
0x4a: {  	_ =	shalt  }
0x4b: {  	_ =	shalt  }
0x4c: {  	_ =	shalt  }
0x4d: {  	_ =	shalt  }
0x4e: {  	_ =	shalt  }
0x4f: {  	_ =	shalt  }
0x50: {  	_ =	shalt  }
0x51: {  	_ =	shalt  }
0x52: {  	_ =	shalt  }
0x53: {  	_ =	shalt  }
0x54: {  	_ =	shalt  }
0x55: {  	_ =	shalt  }
0x56: {  	_ =	shalt  }
0x57: {  	_ =	shalt  }
0x58: {  	_ =	shalt  }
0x59: {  	_ =	shalt  }
0x5a: {  	_ =	shalt  }
0x5b: {  	_ =	shalt  }
0x5c: {  	_ =	shalt  }
0x5d: {  	_ =	shalt  }
0x5e: {  	_ =	shalt  }
0x5f: {  	_ =	shalt  }
0x60: {  	_ =	shalt  }
0x61: {  	_ =	shalt  }
0x62: {  	_ =	shalt  }
0x63: {  	_ =	shalt  }
0x64: {  	_ =	shalt  }
0x65: {  	_ =	shalt  }
0x66: {  	_ =	shalt  }
0x67: {  	_ =	shalt  }
0x68: {  	_ =	shalt  }
0x69: {  	_ =	shalt  }
0x6a: {  	_ =	shalt  }
0x6b: {  	_ =	shalt  }
0x6c: {  	_ =	shalt  }
0x6d: {  	_ =	shalt  }
0x6e: {  	_ =	shalt  }
0x6f: {  	_ =	shalt  }
0x70: {  	_ =	shalt  }
0x71: {  	_ =	shalt  }
0x72: {  	_ =	shalt  }
0x73: {  	_ =	shalt  }
0x74: {  	_ =	shalt  }
0x75: {  	_ =	shalt  }
0x76: {  	_ =	shalt  }
0x77: {  	_ =	shalt  }
0x78: {  	_ =	shalt  }
0x79: {  	_ =	shalt  }
0x7a: {  	_ =	shalt  }
0x7b: {  	_ =	shalt  }
0x7c: {  	_ =	shalt  }
0x7d: {  	_ =	shalt  }
0x7e: {  	_ =	shalt  }
0x7f: {  	_ =	shalt  }
0x80: {  	_ =	shalt  }
0x81: {  	_ =	shalt  }
0x82: {  	_ =	shalt  }
0x83: {  	_ =	shalt  }
0x84: {  	_ =	shalt  }
0x85: {  	_ =	shalt  }
0x86: {  	_ =	shalt  }
0x87: {  	_ =	shalt  }
.Lfunc_end0:
.L_simem_size_0:
called_computation_lowered:
.L_overlay_start_0:
0x88: {  	s2 =	sld [smem:$0x3FD9]  }
0x89: {  	s3 =	sld [smem:$0x3FFE];
	_ =	sdelay $0x1  }
0x8a: {  	s1 =	srdreg.scid  }
0x8b: {  	s0 =	sand.u32 $0x1, s1  }
0x8c: {  	s15 =	sshll.u32 s0, $0xA;
	s2 =	sadd.s32 s3, s2  }
0x8d: {  	s2 =	sadd.s32 s2, s15  }
0x8e: {  	[smem:$0x3FBE] =	sst s2  }
0x8f: {  	_ = 	snop  }
0x90: {  	s2 =	sld [smem:$0x3FD0];
	_ =	sdelay $0x2  }
0x91: {  	s16 =	simm.s32 $0xB;
	s4 =	simm.s32 $0x10  }
0x92: {  	[smem:s4], [sflag:s16] =	dma.local [hbm:s2], $0x1  }
0x93: {  	_ =	swait.eq [sflag:s16], $0x1  }
0x94: {  	[sflag:s16] =	ssyncset.done $0x0  }
0x95: {  	s17 =	sld [smem:$0x10];
	[sflag:s16] =	ssyncadd.s32 $0xFFFFFFFF  }
0x96: {  	s18 =	sld [smem:$0x11];
	(tm) =	ssettm $0x1  }
0x97: {  	s19 =	sld [smem:$0x3FFB];
	_ =	sdelay $0x3  }
0x98: {  	_ =	strace s19  }
0x99: {  	s4 =	sld [smem:$0x3FFC];
	_ =	sdelay $0x3  }
0x9a: {  	_ =	strace s4  }
0x9b: {  	s4 =	sld [smem:$0x3FFD];
	_ =	sdelay $0x3  }
0x9c: {  	_ =	strace s4  }
0x9d: {  	_ =	strace $0x8FFFFFFF  }
0x9e: {  	s20 =	sld [smem:$0x3FDB];
	_ =	sdelay $0x1  }
0x9f: {  	s5 =	simm.s32 $_scs_section_size  }
0xa0: {  	s6 =	simm.s32 $_size__tile_overlayer_lowered;
	s7 =	simm.s32 $_tile_overlayer_lowered  }
0xa1: {  	s23 =	simm.s32 $0x1BFF;
	s22 =	sshll.u32 s7, $0x1;
	s4 =	sadd.s32 s5, s20  }
0xa2: {  	s8 =	simm.s32 $0x0;
	s21 =	sshll.u32 s6, $0x1;
	s6 =	sadd.s32 s22, s4  }
0xa3: {  	[timem:s8], [sflag:s23] =	dma.local [hbm:s6], s21  }
0xa4: {  	_ =	swait.ge [sflag:s23], s21  }
0xa5: {  	s5 =	ssub.s32 $0x0, s21;
	[sflag:s23] =	ssyncset.done $0x0  }
0xa6: {  	[sflag:s23] =	ssyncadd.s32 s5;
	_ =	sdelay $0x1  }
0xa7: {  	s24 =	simm.s32 $0x1B8B  }
0xa8: {  	_ =	swait.ge [sflag:s24], $0x1  }
0xa9: {  	[sflag:s24] =	ssyncset.done $0x0  }
0xaa: {  	s25 =	simm.s32 $0x1B8E;
	[sflag:s24] =	ssyncadd.s32 $0xFFFFFFFF  }
0xab: {  	s26 =	simm.s32 $execute0_lowered;
	[smem:$0x3FD2] =	sst s25  }
0xac: {  	s5 =	sshll.u32 s26, $0x1;
	_ =	strace $0x80000046;
	[dreg:$0x1] =	wrdreg $0xFFFFFFFF  }
0xad: {  	s28 =	simm.s32 $_size_execute0_lowered;
	s4 =	sadd.s32 s4, s5;
	[dreg:$0x0] =	wrdreg $0x0  }
0xae: {  	s5 =	sshll.u32 s28, $0x1;
	[dreg:$0x2] =	wrdreg s4  }
0xaf: {  	[dreg:$0x3] =	wrdreg s5  }
0xb0: {  	[dreg:$0x4] =	wrdreg $0xC0  }
0xb1: {  	_ =	task [dreg:s8], $0x5FFFF  }
0xb2: {  	[dreg:$0x1] =	wrdreg $0xFFFFFFFF  }
0xb3: {  	[dreg:$0x0] =	wrdreg $0x60  }
0xb4: {  	[dreg:$0x2] =	wrdreg s18  }
0xb5: {  	[dreg:$0x3] =	wrdreg s17  }
0xb6: {  	[dreg:$0x4] =	wrdreg $0x9  }
0xb7: {  	_ =	task.clear_ibuf [dreg:s8], $0x5FFFF;
	_ =	strace $0x90000046  }
0xb8: {  	s29 =	simm.s32 $0x9;
	_ =	strace $0x80000048  }
0xb9: {  	_ =	swait.ge [sflag:s29], $0x1  }
0xba: {  	[sflag:s29] =	ssyncadd.s32 $0xFFFFFFFF  }
0xbb: {  	_ =	strace $0x90000048  }
0xbc: {  	_ =	sfence  }
0xbd: {  	s30 =	sld [smem:$0x0];
	_ =	sdelay $0x2  }
0xbe: {  	s31 =	sshll.u32 s1, $0xD;
	s1 =	sshrl.u32 s1, $0x2  }
0xbf: {  	s3 =	sand.u32 $0x4000, s31;
	s1 =	sadd.s32 s1, s30  }
0xc0: {  	s0 =	sor.u32 s3, s0;
	s1 =	sshll.u32 s1, $0x11  }
0xc1: {  	s0 =	sor.u32 s1, s0  }
0xc2: {  	s0 =	sadd.s32 $0x8F2B, s0  }
0xc3: {  	[sflag:s0] =	ssyncadd.remote.s32 $0x1  }
0xc4: {  	_ =	sfence.sel $0xFFFF  }
0xc5: {  	[dreg:$0x0] =	wrdreg $0xFFFFFFFF;
	(pc) =	sbr.abs _section_cstart, $3  }
0xc6: {  	[dreg:$0x1] =	wrdreg $0xFFFFFFFF  }
0xc7: {  	_ =	task.clear_ibuf [dreg:s8], $0x2FFFF;
	_ =	strace $0x9FFFFFFF  }
0xc8: {  	(tm) =	ssettm $0x7FFFFFFF  }
0xc9: {  	_ =	shalt  }
tec
execute0_lowered:
.L_overlay_start_1:
0x0: {  	(tag) =	ssettag $0x1  }
0x1: {  	s7 =	rddreg [dreg:$0x0]  }
0x2: {  	s0 =	srdreg.scid;
	s5 =	rddreg [dreg:$0x1];
	s2 =	simm.s32 $0x0  }
0x3: {  	s12 =	simm.s32 $0x0;
	s3 =	sand.u32 $0x1, s0;
	s0 =	stileid.u32  }
0x4: {  	[smem:$0x7FF] =	sst s2;
	s1 =	sshll.u32 s3, $0x4;
	s25 =	smul.u32 $0x7D0, s3  }
0x5: {  	s8 =	ssub.s32 $0x2, s3;
	s29 =	smul.u32 $0x7D, s0;
	s4 =	sor.u32 s0, s1  }
0x6: {  	s28 =	sshll.u32 s0, $0x7;
	s1 =	rddreg [dreg:$0x2];
	s6 =	smul.u32 $0x3E80, s4  }
0x7: {  	_ =	strace $0x80000047;
	s10 =	sshrl.u32 s8, $0x1;
	s9 =	smul.u32 $0x280, s4  }
0x8: {  	s4 =	sshrl.u32 s4, $0x3;
	s8 =	ssub.s32 s8, s10;
	s10 =	sadd.s32 s29, s25  }
0x9: {  	s4 =	smul.u32 $0x14000, s4;
	s11 =	sand.u32 $0x7FC00, s6;
	s9 =	sand.u32 $0x380, s9  }
0xa: {  	s31 =	sshll.u32 s10, $0x4;
	s6 =	sshrl.u32 s6, $0x3;
	s9 =	sor.u32 s9, s11  }
0xb: {  	s10 =	simm.s32 $0x200;
	s6 =	sadd.s32 s7, s6;
	s26 =	sshrl.u32 s9, $0x3  }
0xc: {  	s11 =	simm.s32 $0x400;
	s9 =	sand.u32 $0x380, s28;
	s3 =	sadd.s32 s7, s26  }
0xd: {  	s9 =	sor.u32 s9, s4;
	s4 =	sadd.s32 $0x10, s6;
	s6 =	smax.u32 s8, $0x1  }
0xe: {  	s7 =	sadd.s32 s7, s31;
	s8 =	simm.s32 $0x3;
	s30 =	sshrl.u32 s9, $0x3  }
0xf: {  	v0 =	vimm.f32 $0.0e+00;
	v1 =	vimm.f32 $1.000000000e+00;
	s7 =	sadd.s32 $0x20, s7;
	s9 =	simm.s32 $0x80;
	s5 =	sadd.s32 s5, s30  }
.LBB2_1:
0x10: {  	s13 =	simm.s32 $0x40;
	s14 =	simm.s32 $0x0  }
.LBB2_2:
0x11: {  	p0 =	sne.s32 s13, $0x9FC0;
	[tilespmem:s14+$0x200] =	vst v0;
	s14 =	smov.u32 s13;
	s13 =	sadd.s32 $0x40, s13  }
.Ltmp0:
0x12: {  	(pc) =	sbr.rel @p0 .LBB2_2-.Ltmp0, $2  }
0x13: {  	_ =	sdelay $0x2  }
0x14: {  	s14 =	sshra.s32 s14, $0x2  }
0x15: {  	[tilespmem:s14+$0x200] =	vst v0;
	s13 =	simm.s32 $0x0  }
0x16: {  	[tilespmem:s13], [sflag:$0x3] =	stream.linear.gather [hbm4b:s3+s13], $0x80, $0x38;
	[tilespmem:$0x2A00] =	vst v63  }
0x17: {  	_ =	swait.ge [sflag:s8], $0x80  }
0x18: {  	s14 =	simm.s32 $0x400;
	[sflag:s8] =	ssyncset.done $0x0  }
0x19: {  	s15 =	simm.s32 $0x0;
	s16 =	smov.u32 s7;
	[sflag:s8] =	ssyncadd.s32 $0xFFFFFF80  }
0x1a: {  	[tilespmem:s9], [sflag:$0x2] =	stream.linear.gather [hbm4b:s4+s13], $0x80, $0x38;
	[tilespmem:$0x2A00] =	vst v63  }
.LBB2_4:
0x1b: {  	s18 =	sadd.s32 $0x1, s13  }
0x1c: {  	s17 =	sand.u32 $0x1, s18  }
0x1d: {  	s19 =	simm.s32 $0x2;
	s29 =	sand.u32 $0x1, s13;
	p0 =	seq.s32 s17, $0x1  }
0x1e: {  	s20 =	simm.s32 $0x600;
	s19 =	simm.s32 @!p0 $0x1;
	p0 =	seq.s32 s29, $0x1  }
0x1f: {  	s31 =	sand.u32 $0x180, s15;
	_ =	swait.ge [sflag:s19], $0x80;
	s20 =	simm.s32 @!p0 $0x400  }
0x20: {  	s17 =	simm.s32 $0x2;
	[sflag:s19] =	ssyncset.done $0x0;
	s20 =	sand.u32 s20, s14  }
0x21: {  	s17 =	simm.s32 @!p0 $0x1;
	[sflag:s19] =	ssyncadd.s32 $0xFFFFFF80;
	s30 =	sshrl.u32 s20, $0x2  }
0x22: {  	[tilespmem:s30], [sflag:s17] =	stream.linear.gather [hbm4b:s16+s2], $0x80, $0x38;
	[tilespmem:$0x2A00] =	vst v63  }
0x23: {  	v2 =	vld [tilespmem:s31+$0x0];
	_ =	sdelay $0x7  }
0x24: {  	[tilespmem:v2+s10+$0x0] =	vst.idx.add.f32.msk $0xffff, v1  }
0x25: {  	v2 =	vld [tilespmem:s31+$0x10];
	_ =	sdelay $0x7  }
0x26: {  	[tilespmem:v2+s10+$0x0] =	vst.idx.add.f32.msk $0xffff, v1  }
0x27: {  	v2 =	vld [tilespmem:s31+$0x20];
	_ =	sdelay $0x7  }
0x28: {  	[tilespmem:v2+s10+$0x0] =	vst.idx.add.f32.msk $0xffff, v1  }
0x29: {  	v2 =	vld [tilespmem:s31+$0x30];
	_ =	sdelay $0x7  }
0x2a: {  	[tilespmem:v2+s10+$0x0] =	vst.idx.add.f32.msk $0xffff, v1  }
0x2b: {  	v2 =	vld [tilespmem:s31+$0x40];
	_ =	sdelay $0x2  }
0x2c: {  	p0 =	sne.s32 s13, $0x7A  }
.Ltmp1:
0x2d: {  	_ = 	snop;
	(pc) =	sbr.rel @p0 .LBB2_4-.Ltmp1, $3  }
0x2e: {  	_ =	sdelay $0x1  }
0x2f: {  	s15 =	sadd.s32 $0x80, s15  }
0x30: {  	s13 =	smov.u32 s18;
	s14 =	sadd.s32 $0x200, s14;
	s16 =	sadd.s32 $0x10, s16;
	[tilespmem:v2+s10+$0x0] =	vst.idx.add.f32.msk $0xffff, v1  }
0x31: {  	_ =	swait.ge [sflag:s17], $0x80  }
0x32: {  	[sflag:s17] =	ssyncset.done $0x0  }
0x33: {  	[sflag:s17] =	ssyncadd.s32 $0xFFFFFF80  }
0x34: {  	v2 =	vld [tilespmem:$0x180];
	_ =	sdelay $0x7  }
0x35: {  	[tilespmem:v2+s10+$0x0] =	vst.idx.add.f32.msk $0xffff, v1  }
0x36: {  	v2 =	vld [tilespmem:$0x190];
	_ =	sdelay $0x7  }
0x37: {  	[tilespmem:v2+s10+$0x0] =	vst.idx.add.f32.msk $0xffff, v1  }
0x38: {  	v2 =	vld [tilespmem:$0x1A0];
	_ =	sdelay $0x7  }
0x39: {  	[tilespmem:v2+s10+$0x0] =	vst.idx.add.f32.msk $0xffff, v1  }
0x3a: {  	v2 =	vld [tilespmem:$0x1B0];
	_ =	sdelay $0x7  }
0x3b: {  	[tilespmem:v2+s10+$0x0] =	vst.idx.add.f32.msk $0xffff, v1  }
0x3c: {  	v2 =	vld [tilespmem:$0x1C0];
	_ =	sdelay $0x7  }
0x3d: {  	[tilespmem:v2+s10+$0x0] =	vst.idx.add.f32.msk $0xffff, v1  }
0x3e: {  	v2 =	vld [tilespmem:$0x0];
	_ =	sdelay $0x7  }
0x3f: {  	[tilespmem:v2+s10+$0x0] =	vst.idx.add.f32.msk $0xffff, v1  }
0x40: {  	v2 =	vld [tilespmem:$0x10];
	_ =	sdelay $0x7  }
0x41: {  	[tilespmem:v2+s10+$0x0] =	vst.idx.add.f32.msk $0xffff, v1  }
0x42: {  	v2 =	vld [tilespmem:$0x20];
	_ =	sdelay $0x7  }
0x43: {  	[tilespmem:v2+s10+$0x0] =	vst.idx.add.f32.msk $0xffff, v1  }
0x44: {  	v2 =	vld [tilespmem:$0x30];
	_ =	sdelay $0x7  }
0x45: {  	[tilespmem:v2+s10+$0x0] =	vst.idx.add.f32.msk $0xffff, v1  }
0x46: {  	v2 =	vld [tilespmem:$0x40];
	_ =	sdelay $0x5  }
0x47: {  	s12 =	sadd.s32 $0x1, s12  }
0x48: {  	p0 =	sne.s32 s12, s6  }
.Ltmp2:
0x49: {  	[tilespmem:v2+s10+$0x0] =	vst.idx.add.f32.msk $0xffff, v1;
	(pc) =	sbr.rel @p0 .LBB2_1-.Ltmp2, $4  }
0x4a: {  	[hbm4b:s5+s9] =	stream.strided.scatter [tilespmem:s10], [sflag:$0x3], $0x2800, s11, s9, $0x38;
	[tilespmem:$0x2A00] =	vst v63  }
0x4b: {  	_ =	swait.ge [sflag:s8], $0x2800  }
0x4c: {  	[sflag:s8] =	ssyncset.done $0x0  }
0x4d: {  	[sflag:s8] =	ssyncadd.s32 $0xFFFFD800  }
0x4e: {  	_ =	sfence.sel $0x180000  }
0x4f: {  	[bflag:$0x0] =	sbarrier.arrive $0xFFFF  }
0x50: {  	p0 =	sne.s32 s0, $0x0;
	_ =	strace $0x90000047  }
0x51: {  	s0 =	sadd.s32 @!p0 $0x100000, s1;
	[bflag:$0x2] =	sbarrier.arrive $0xFFFF  }
0x52: {  	[sflag:s0] =	ssyncadd.tile.s32 @!p0 $0x1;
	_ =	shalt  }
.Lfunc_end2:
_tile_overlayer_lowered:
.L_overlay_start_2:
0x53: {  	(tag) =	ssettag $0x2  }
0x54: {  	s0 =	rddreg [dreg:$0x0];
	s2 =	stileid.u32  }
0x55: {  	s1 =	rddreg [dreg:$0x1];
	p0 =	sne.s32 s2, $0x0  }
0x56: {  	s3 =	rddreg [dreg:$0x2];
	[bflag:$0x3] =	sbarrier.arrive $0xFFFF;
	s2 =	simm.s32 @!p0 $0x1C03  }
0x57: {  	[timem:s3], [sflag:s2] =	dma.local @!p0 [hbm:s0], s1  }
0x58: {  	s0 =	simm.s32 @!p0 $0x3  }
0x59: {  	_ =	swait.ge @!p0 [sflag:s0], s1  }
0x5a: {  	s1 =	ssub.s32 @!p0 $0x0, s1;
	[sflag:s0] =	ssyncset.done @!p0 $0x0  }
0x5b: {  	[sflag:s0] =	ssyncadd.s32 @!p0 s1  }
0x5c: {  	[bflag:$0x3] =	sbarrier.arrive $0xFFFF  }
0x5d: {  	_ =	shalt  }

</sc_bundles>
